<compile_context>
chip_gen: v7x
topology: tpu7x:2x2x1
jax: 0.10.2.dev20260603
libtpu: 0.0.44.dev20260713+nightly
codegen_flags: <defaults>
</compile_context>

<pallas_src>
import functools

import jax
import jax.numpy as jnp
from jax import lax
from jax.experimental import pallas as pl
from jax.experimental.pallas import tpu as pltpu
from jax.experimental.pallas import tpu_sc as plsc

NC = 2
NS = 16
L = 16
NW = NC * NS
CH = 128
NB = 2
NE = 4
P = 2


@functools.lru_cache(maxsize=None)
def _seg_sum_sc(n_nodes, dim, n_edges, with_deg=True):
    assert n_nodes % 8 == 0 and n_edges % CH == 0 and dim % L == 0
    full = (-(-n_nodes // NS) + 7) // 8 * 8
    tail = n_nodes - full * (NS - 1)
    assert 0 < tail <= full
    n_chunks = n_edges // CH
    base_chunks = n_chunks // NW
    rem = n_chunks % NW

    mesh = plsc.VectorSubcoreMesh(core_axis_name="c", subcore_axis_name="s",
                                  num_cores=NC, num_subcores=NS)
    agg_t = jax.ShapeDtypeStruct((NC, n_nodes, dim), jnp.float32)
    out_type = ([agg_t, jax.ShapeDtypeStruct((NW * n_nodes,), jnp.float32)]
                if with_deg else agg_t)
    scratch = [
        pltpu.VMEM((NE, 2, CH), jnp.int32),
        pltpu.VMEM((NB, CH, dim), jnp.float32),
        pltpu.VMEM_SHARED((n_nodes, dim), jnp.float32),
        pltpu.SemaphoreType.DMA((NE,)),
        pltpu.SemaphoreType.DMA((NB,)),
        pltpu.SemaphoreType.DMA((NB,)),
    ]
    if with_deg:
        scratch.append(pltpu.VMEM((n_nodes,), jnp.float32))

    def impl(x_hbm, ei_hbm, zeros_hbm, agg_out,
             eib, rows, agg_sh, sem_e, sem_g, sem_sc,
             deg_out, degv, zeros1_hbm):
        c = lax.axis_index("c")
        s = lax.axis_index("s")
        wid = s * NC + c

        my_n = base_chunks + jnp.where(wid < rem, 1, 0)
        my_first = wid * base_chunks + jnp.minimum(wid, rem)

        if with_deg:
            pltpu.sync_copy(zeros1_hbm, degv)

        r0 = s * full

        @pl.when(s < NS - 1)
        def _():
            pltpu.sync_copy(zeros_hbm.at[pl.ds(r0, full)],
                            agg_sh.at[pl.ds(r0, full)])

        @pl.when(s == NS - 1)
        def _():
            pltpu.sync_copy(zeros_hbm.at[pl.ds(r0, tail)],
                            agg_sh.at[pl.ds(r0, tail)])

        plsc.subcore_barrier()

        ones16 = jnp.ones((L,), jnp.float32)

        def fetch_idx(j):
            pltpu.async_copy(
                ei_hbm.at[pl.ds(0, 2), pl.ds((my_first + j) * CH, CH)],
                eib.at[lax.rem(j, NE)], sem_e.at[lax.rem(j, NE)])

        def wait_idx(j):
            pltpu.make_async_copy(
                ei_hbm.at[pl.ds(0, 2), pl.ds((my_first + j) * CH, CH)],
                eib.at[lax.rem(j, NE)], sem_e.at[lax.rem(j, NE)]).wait()

        def fire_gather(j):
            pltpu.async_copy(x_hbm.at[eib.at[lax.rem(j, NE), 0]],
                             rows.at[lax.rem(j, NB)],
                             sem_g.at[lax.rem(j, NB)])

        def wait_gather(j):
            pltpu.make_async_copy(x_hbm.at[eib.at[lax.rem(j, NE), 0]],
                                  rows.at[lax.rem(j, NB)],
                                  sem_g.at[lax.rem(j, NB)]).wait()

        def wait_scatter_slot(slot):
            pltpu.make_async_copy(rows.at[slot], agg_sh.at[eib.at[0, 1]],
                                  sem_sc.at[slot]).wait()

        for kk in range(P):
            @pl.when(kk < my_n)
            def _(kk=kk):
                fetch_idx(kk)

        for kk in range(P - 1):
            @pl.when(kk < my_n)
            def _(kk=kk):
                wait_idx(kk)
                fire_gather(kk)

        def body(i, _):
            @pl.when(i + P < my_n)
            def _():
                fetch_idx(i + P)

            wait_gather(i)
            e0 = lax.rem(i, NE)
            pltpu.async_copy(rows.at[lax.rem(i, NB)],
                             agg_sh.at[eib.at[e0, 1]],
                             sem_sc.at[lax.rem(i, NB)], add=True)
            if with_deg:
                for j in range(CH // L):
                    idx = eib[e0, 1, pl.ds(j * L, L)]
                    plsc.addupdate_scatter(degv, [idx], ones16)

            @pl.when(i + P - 1 < my_n)
            def _():
                wait_idx(i + P - 1)

                @pl.when(i + P - 1 >= NB)
                def _():
                    wait_scatter_slot(lax.rem(i + P - 1, NB))

                fire_gather(i + P - 1)
            return 0

        lax.fori_loop(0, my_n, body, 0)

        for kk in range(1, NB + 1):
            @pl.when(my_n >= kk)
            def _(kk=kk):
                wait_scatter_slot(lax.rem(my_n - kk + 2 * NB, NB))

        if with_deg:
            pltpu.sync_copy(degv, deg_out.at[pl.ds(wid * n_nodes, n_nodes)])
        plsc.subcore_barrier()

        @pl.when(s < NS - 1)
        def _():
            pltpu.sync_copy(agg_sh.at[pl.ds(r0, full)],
                            agg_out.at[c, pl.ds(r0, full)])

        @pl.when(s == NS - 1)
        def _():
            pltpu.sync_copy(agg_sh.at[pl.ds(r0, tail)],
                            agg_out.at[c, pl.ds(r0, tail)])

    kw = dict(mesh=mesh, out_type=out_type, scratch_types=scratch,
              compiler_params=pltpu.CompilerParams(needs_layout_passes=False))
    if with_deg:
        @functools.partial(pl.kernel, **kw)
        def k(x_hbm, ei_hbm, zeros_hbm, zeros1_hbm, agg_out, deg_out,
              eib, rows, agg_sh, sem_e, sem_g, sem_sc, degv):
            impl(x_hbm, ei_hbm, zeros_hbm, agg_out,
                 eib, rows, agg_sh, sem_e, sem_g, sem_sc,
                 deg_out, degv, zeros1_hbm)
    else:
        @functools.partial(pl.kernel, **kw)
        def k(x_hbm, ei_hbm, zeros_hbm, agg_out,
              eib, rows, agg_sh, sem_e, sem_g, sem_sc):
            impl(x_hbm, ei_hbm, zeros_hbm, agg_out,
                 eib, rows, agg_sh, sem_e, sem_g, sem_sc, None, None, None)

    return k


def _sage_dense(x, aggp, degp, ws, wn, b, residual):
    n, din = x.shape
    dout = ws.shape[1]
    r = 1024
    grid = (pl.cdiv(n, r),)

    def body(x_ref, a_ref, d_ref, ws_ref, wn_ref, b_ref, o_ref):
        agg = a_ref[0] + a_ref[1]
        deg = jnp.sum(d_ref[...], axis=0)[:, None]
        mean = agg / jnp.maximum(deg, 1.0)
        h = jnp.dot(x_ref[...], ws_ref[...], preferred_element_type=jnp.float32)
        h = h + jnp.dot(mean, wn_ref[...], preferred_element_type=jnp.float32)
        h = jnp.maximum(h + b_ref[...], 0.0)
        if residual:
            h = h + x_ref[...]
        o_ref[...] = h

    return pl.pallas_call(
        body,
        grid=grid,
        in_specs=[
            pl.BlockSpec((r, din), lambda i: (i, 0)),
            pl.BlockSpec((NC, r, din), lambda i: (0, i, 0)),
            pl.BlockSpec((NW, r), lambda i: (0, i)),
            pl.BlockSpec((din, dout), lambda i: (0, 0)),
            pl.BlockSpec((din, dout), lambda i: (0, 0)),
            pl.BlockSpec((1, dout), lambda i: (0, 0)),
        ],
        out_specs=pl.BlockSpec((r, dout), lambda i: (i, 0)),
        out_shape=jax.ShapeDtypeStruct((n, dout), jnp.float32),
    )(x, aggp, degp, ws, wn, b.reshape(1, dout))


def _attn_fuse(mob, ed, mask, p):
    n_mob, o_mob = mob.shape
    n_ed, o_ed = ed.shape
    r = 1024
    grid = (pl.cdiv(n_mob, r),)

    def body(mob_ref, ed_ref, mask_ref, wq_ref, wk_ref, alpha_ref,
             wf1_ref, bf1_ref, wf2_ref, bf2_ref, wg_ref, bg_ref,
             lng_ref, lnb_ref, o_ref):
        m = mob_ref[...]
        ed_f = ed_ref[...]
        q = jnp.dot(m, wq_ref[...], preferred_element_type=jnp.float32)
        kk = jnp.dot(ed_f, wk_ref[...], preferred_element_type=jnp.float32)
        scores = lax.dot_general(
            q, kk, (((1,), (1,)), ((), ())),
            preferred_element_type=jnp.float32)
        smax = jnp.max(scores, axis=1, keepdims=True)
        e = jnp.exp(scores - smax)
        learned = e / jnp.sum(e, axis=1, keepdims=True)
        msk = mask_ref[...]
        mask_norm = msk / jnp.maximum(jnp.sum(msk, axis=1, keepdims=True), 1e-8)
        g = 1.0 / (1.0 + jnp.exp(-alpha_ref[0, 0]))
        attn = g * mask_norm + (1.0 - g) * learned
        sig = jnp.dot(attn, ed_f, preferred_element_type=jnp.float32)

        wf1 = wf1_ref[...]
        h1 = (jnp.dot(m, wf1[:o_mob, :], preferred_element_type=jnp.float32)
              + jnp.dot(sig, wf1[o_mob:o_mob + o_ed, :],
                        preferred_element_type=jnp.float32) + bf1_ref[...])
        h1 = jnp.maximum(h1, 0.0)
        fused = jnp.dot(h1, wf2_ref[...],
                        preferred_element_type=jnp.float32) + bf2_ref[...]
        wg = wg_ref[...]
        gz = (jnp.dot(m, wg[:o_mob, :], preferred_element_type=jnp.float32)
              + jnp.dot(sig, wg[o_mob:o_mob + o_ed, :],
                        preferred_element_type=jnp.float32) + bg_ref[...])
        gate = 1.0 / (1.0 + jnp.exp(-gz))
        comb = gate * fused + (1.0 - gate) * m
        mu = jnp.mean(comb, axis=-1, keepdims=True)
        var = jnp.mean((comb - mu) ** 2, axis=-1, keepdims=True)
        comb = (comb - mu) / jnp.sqrt(var + 1e-5) * lng_ref[...] + lnb_ref[...]
        nrm = jnp.sqrt(jnp.sum(comb * comb, axis=-1, keepdims=True))
        o_ref[...] = comb / jnp.maximum(nrm, 1e-12)

    o_ed_dim = p['Wk'].shape[1]
    return pl.pallas_call(
        body,
        grid=grid,
        in_specs=[
            pl.BlockSpec((r, o_mob), lambda i: (i, 0)),
            pl.BlockSpec((n_ed, o_ed), lambda i: (0, 0)),
            pl.BlockSpec((r, n_ed), lambda i: (i, 0)),
            pl.BlockSpec(p['Wq'].shape, lambda i: (0, 0)),
            pl.BlockSpec(p['Wk'].shape, lambda i: (0, 0)),
            pl.BlockSpec((1, 1), lambda i: (0, 0)),
            pl.BlockSpec(p['Wf1'].shape, lambda i: (0, 0)),
            pl.BlockSpec((1, o_mob), lambda i: (0, 0)),
            pl.BlockSpec(p['Wf2'].shape, lambda i: (0, 0)),
            pl.BlockSpec((1, o_mob), lambda i: (0, 0)),
            pl.BlockSpec(p['Wg'].shape, lambda i: (0, 0)),
            pl.BlockSpec((1, o_mob), lambda i: (0, 0)),
            pl.BlockSpec((1, o_mob), lambda i: (0, 0)),
            pl.BlockSpec((1, o_mob), lambda i: (0, 0)),
        ],
        out_specs=pl.BlockSpec((r, o_mob), lambda i: (i, 0)),
        out_shape=jax.ShapeDtypeStruct((n_mob, o_mob), jnp.float32),
    )(mob, ed, mask,
      p['Wq'], p['Wk'], p['alpha'].reshape(1, 1),
      p['Wf1'], p['bf1'].reshape(1, o_mob), p['Wf2'], p['bf2'].reshape(1, o_mob),
      p['Wg'], p['bg'].reshape(1, o_mob),
      p['ln_g'].reshape(1, o_mob), p['ln_b'].reshape(1, o_mob))


def _sage2(x, ei, layers):
    n, din = x.shape
    e = ei.shape[1]
    h = x
    degp = None
    for ws, wn, b, residual in layers:
        d = h.shape[1]
        dpad = -(-d // 128) * 128
        hp = h if dpad == d else jnp.pad(h, ((0, 0), (0, dpad - d)))
        zer = jnp.zeros((n, dpad), jnp.float32)
        if degp is None:
            zer1 = jnp.zeros((n,), jnp.float32)
            aggp, degp = _seg_sum_sc(n, dpad, e, True)(hp, ei, zer, zer1)
            degp = degp.reshape(NW, n)
        else:
            aggp = _seg_sum_sc(n, dpad, e, False)(hp, ei, zer)
        if dpad != d:
            aggp = aggp[:, :, :d]
        h = _sage_dense(h, aggp, degp, ws, wn, b, residual)
    return h


def kernel(mobility_x, mobility_edge_index, edar_x, edar_edge_index,
           edar_muni_mask, params):
    p = params

    mob = _sage2(mobility_x, mobility_edge_index, [
        (p['mob_Ws1'], p['mob_Wn1'], p['mob_b1'], True),
        (p['mob_Ws2'], p['mob_Wn2'], p['mob_b2'], False),
    ])
    ed = _sage2(edar_x, edar_edge_index, [
        (p['ed_Ws1'], p['ed_Wn1'], p['ed_b1'], False),
        (p['ed_Ws2'], p['ed_Wn2'], p['ed_b2'], False),
    ])
    return _attn_fuse(mob, ed, edar_muni_mask, p)

# --- scband reference (transcript-rebuilt; emitter-appended) ---
"""Pipeline reference for scband-dual-graph-sage-39247411151472 (READ-ONLY COPY).

The authoritative reference and input builder live on the scoring server;
editing this copy changes nothing except your own understanding.
"""

import jax, jax.numpy as jnp
import numpy as np

N_MOB = 10000; E_MOB = 320000; D_IN = 128; H_MOB = 128; O_MOB = 64
N_ED = 2000; E_ED = 32000; H_ED = 64; O_ED = 32; TEMP = 1.0

_PARAM_SHAPES = {
    'mob_Ws1': (D_IN, H_MOB), 'mob_Wn1': (D_IN, H_MOB), 'mob_b1': (H_MOB,),
    'mob_Ws2': (H_MOB, O_MOB), 'mob_Wn2': (H_MOB, O_MOB), 'mob_b2': (O_MOB,),
    'ed_Ws1': (D_IN, H_ED), 'ed_Wn1': (D_IN, H_ED), 'ed_b1': (H_ED,),
    'ed_Ws2': (H_ED, O_ED), 'ed_Wn2': (H_ED, O_ED), 'ed_b2': (O_ED,),
    'Wq': (O_MOB, O_ED), 'Wk': (O_ED, O_ED), 'alpha': (),
    'Wf1': (2 * O_MOB, O_MOB), 'bf1': (O_MOB,), 'Wf2': (O_MOB, O_MOB), 'bf2': (O_MOB,),
    'Wg': (2 * O_MOB, O_MOB), 'bg': (O_MOB,),
    'ln_g': (O_MOB,), 'ln_b': (O_MOB,),
}

def _init_params(key):
    params = {}
    for i, name in enumerate(sorted(_PARAM_SHAPES)):
        shp = _PARAM_SHAPES[name]
        params[name] = jax.random.normal(jax.random.fold_in(key, i), shp, jnp.float32) * 0.05
    params['ln_g'] = jnp.ones((O_MOB,), jnp.float32)
    params['ln_b'] = jnp.zeros((O_MOB,), jnp.float32)
    return params

def setup_inputs(seed: int = 0):
    key = jax.random.key(seed)
    k = jax.random.split(key, 6)
    return {
        'mobility_x': jax.random.normal(k[0], (N_MOB, D_IN), jnp.float32),
        'mobility_edge_index': jax.random.randint(k[1], (2, E_MOB), 0, N_MOB, dtype=jnp.int32),
        'edar_x': jax.random.normal(k[2], (N_ED, D_IN), jnp.float32),
        'edar_edge_index': jax.random.randint(k[3], (2, E_ED), 0, N_ED, dtype=jnp.int32),
        'edar_muni_mask': jax.random.uniform(k[4], (N_MOB, N_ED), jnp.float32),
        'params': _init_params(k[5]),
    }

def _sage(x, ei, layers):
    n = x.shape[0]
    for Ws, Wn, b in layers:
        src, dst = ei[0], ei[1]
        agg = jax.ops.segment_sum(x[src], dst, num_segments=n)
        deg = jax.ops.segment_sum(jnp.ones((ei.shape[1], 1), x.dtype), dst, num_segments=n)
        mean = agg / jnp.clip(deg, 1.0)
        h = jax.nn.relu(x @ Ws + mean @ Wn + b)
        if h.shape[-1] == x.shape[-1]:
            h = h + x
        x = h
    return x

def _forward(mobility_x, edar_x, edar_muni_mask, params, mob_ei, ed_ei):
    p = params
    mob = _sage(mobility_x, mob_ei, [(p['mob_Ws1'], p['mob_Wn1'], p['mob_b1']), (p['mob_Ws2'], p['mob_Wn2'], p['mob_b2'])])
    ed = _sage(edar_x, ed_ei, [(p['ed_Ws1'], p['ed_Wn1'], p['ed_b1']), (p['ed_Ws2'], p['ed_Wn2'], p['ed_b2'])])
    # attention mask processor: learned attention fused with contribution mask ('weighted')
    q = mob @ p['Wq']
    kk = ed @ p['Wk']
    scores = (q @ kk.T) / TEMP
    learned = jax.nn.softmax(scores, axis=1)
    mask_norm = edar_muni_mask / jnp.clip(jnp.sum(edar_muni_mask, axis=1, keepdims=True), 1e-8)
    g = jax.nn.sigmoid(p['alpha'])
    attn = g * mask_norm + (1.0 - g) * learned
    signals = attn @ ed  # [N_MOB, O_ED]
    # fuse: pad edar signals to mobility dim, concat, MLP + gate + layernorm + l2-normalize
    padded = jnp.pad(signals, ((0, 0), (0, O_MOB - O_ED)))
    cat = jnp.concatenate([mob, padded], axis=1)
    fused = jax.nn.relu(cat @ p['Wf1'] + p['bf1']) @ p['Wf2'] + p['bf2']
    gate = jax.nn.sigmoid(cat @ p['Wg'] + p['bg'])
    comb = gate * fused + (1.0 - gate) * mob
    mu = jnp.mean(comb, axis=-1, keepdims=True)
    var = jnp.var(comb, axis=-1, keepdims=True)
    comb = (comb - mu) / jnp.sqrt(var + 1e-5) * p['ln_g'] + p['ln_b']
    norm = jnp.clip(jnp.linalg.norm(comb, axis=1, keepdims=True), 1e-12)
    return comb / norm

def reference(mobility_x, mobility_edge_index, edar_x, edar_edge_index, edar_muni_mask, params):
    return _forward(mobility_x, edar_x, edar_muni_mask, params, mobility_edge_index, edar_edge_index)

if __name__ == "__main__":
    import jax
    _d = setup_inputs()
    print(jax.jit(kernel)(*tuple(_d.values())))

</pallas_src>

<mosaic_0001>
#map = affine_map<(d0, d1) -> (0, 0)>
#map1 = affine_map<(d0, d1) -> (0, 0, 0)>
module attributes {stable_mosaic.version = 14 : i64} {
  func.func @k(%arg0: i32, %arg1: i32, %arg2: memref<2000x128xf32, #tpu.memory_space<hbm>>, %arg3: memref<2x32000xi32, #tpu.memory_space<hbm>>, %arg4: memref<2000x128xf32, #tpu.memory_space<hbm>>, %arg5: memref<2x2000x128xf32, #tpu.memory_space<hbm>>, %arg6: memref<4x2x128xi32, #tpu.memory_space<vmem>>, %arg7: memref<2x128x128xf32, #tpu.memory_space<vmem>>, %arg8: memref<2000x128xf32, #tpu.memory_space<vmem_shared>>, %arg9: memref<4x!tpu.dma_semaphore, #tpu.memory_space<semaphore_mem>>, %arg10: memref<2x!tpu.dma_semaphore, #tpu.memory_space<semaphore_mem>>, %arg11: memref<2x!tpu.dma_semaphore, #tpu.memory_space<semaphore_mem>>) attributes {dimension_semantics = [#tpu.dimension_semantics<core_parallel>, #tpu.dimension_semantics<subcore_parallel>], iteration_bounds = array<i64: 2, 16>, scalar_prefetch = 0 : i64, scratch_operands = 6 : i64, tpu.core_type = #tpu.core_type<sc_vector_subcore>, window_params = [{transform_indices = #map}, {transform_indices = #map}, {transform_indices = #map}, {transform_indices = #map1}]} {
    %mul3A = arith.constant 2 : i32
    %mul3A_0 = arith.muli %arg1, %mul3A : i32
    %add3A = arith.addi %mul3A_0, %arg0 : i32
    %lt3A = arith.constant 26 : i32
    %lt3A_1 = arith.cmpi slt, %add3A, %lt3A : i32
    %jit3A = arith.constant 1 : i32
    %jit3A_2 = arith.constant 0 : i32
    %select_n3A = arith.select %lt3A_1, %jit3A, %jit3A_2 : i32
    %add3A_3 = arith.constant 7 : i32
    %add3A_4 = arith.addi %add3A_3, %select_n3A : i32
    %mul3A_5 = arith.constant 7 : i32
    %mul3A_6 = arith.muli %add3A, %mul3A_5 : i32
    %min3A = arith.constant 26 : i32
    %min3A_7 = arith.minsi %add3A, %min3A : i32
    %add3A_8 = arith.addi %mul3A_6, %min3A_7 : i32
    %mul3A_9 = arith.constant 128 : i32
    %mul3A_10 = arith.muli %arg1, %mul3A_9 : i32
    %lt3A_11 = arith.constant 15 : i32
    %lt3A_12 = arith.cmpi slt, %arg1, %lt3A_11 : i32
    %convert_element_type3A = arith.extui %lt3A_12 : i1 to i32
    %cond3A = arith.constant 0 : i32
    %cond3A_13 = arith.cmpi ne, %convert_element_type3A, %cond3A : i32
    scf.if %cond3A_13 {
      "tpu.region"() ({
        %run_scoped3A = tpu.sem_alloc : memref<!tpu.dma_semaphore, #tpu.memory_space<semaphore_mem>>
        %dma_start3A = arith.constant 0 : i32
        %dma_start3A_64 = tpu.memref_slice %arg8[%mul3A_10, %dma_start3A] : memref<2000x128xf32, #tpu.memory_space<vmem_shared>> -> memref<128x128xf32, #tpu.memory_space<vmem_shared>>
        %dma_start3A_65 = arith.constant 0 : i32
        %dma_start3A_66 = tpu.memref_slice %arg4[%mul3A_10, %dma_start3A_65] : memref<2000x128xf32, #tpu.memory_space<hbm>> -> memref<128x128xf32, #tpu.memory_space<hbm>>
        tpu.enqueue_dma source(%dma_start3A_66 : memref<128x128xf32, #tpu.memory_space<hbm>>) target(%dma_start3A_64 : memref<128x128xf32, #tpu.memory_space<vmem_shared>>) target_semaphore(%run_scoped3A : memref<!tpu.dma_semaphore, #tpu.memory_space<semaphore_mem>>)
        %dma_wait3A = arith.constant 0 : i32
        %dma_wait3A_67 = tpu.memref_slice %arg8[%mul3A_10, %dma_wait3A] : memref<2000x128xf32, #tpu.memory_space<vmem_shared>> -> memref<128x128xf32, #tpu.memory_space<vmem_shared>>
        %dma_wait3A_68 = arith.constant 0 : i32
        %dma_wait3A_69 = tpu.memref_slice %arg4[%mul3A_10, %dma_wait3A_68] : memref<2000x128xf32, #tpu.memory_space<hbm>> -> memref<128x128xf32, #tpu.memory_space<hbm>>
        tpu.wait_dma2 semaphore(%run_scoped3A : memref<!tpu.dma_semaphore, #tpu.memory_space<semaphore_mem>>) src(%dma_wait3A_69 : memref<128x128xf32, #tpu.memory_space<hbm>>) dst(%dma_wait3A_67 : memref<128x128xf32, #tpu.memory_space<vmem_shared>>)
        tpu.yield
      }) : () -> ()
    } else {
    }
    %eq3A = arith.constant 15 : i32
    %eq3A_14 = arith.cmpi eq, %arg1, %eq3A : i32
    %convert_element_type3A_15 = arith.extui %eq3A_14 : i1 to i32
    %cond3A_16 = arith.constant 0 : i32
    %cond3A_17 = arith.cmpi ne, %convert_element_type3A_15, %cond3A_16 : i32
    scf.if %cond3A_17 {
      "tpu.region"() ({
        %run_scoped3A = tpu.sem_alloc : memref<!tpu.dma_semaphore, #tpu.memory_space<semaphore_mem>>
        %dma_start3A = arith.constant 0 : i32
        %dma_start3A_64 = tpu.memref_slice %arg8[%mul3A_10, %dma_start3A] : memref<2000x128xf32, #tpu.memory_space<vmem_shared>> -> memref<80x128xf32, #tpu.memory_space<vmem_shared>>
        %dma_start3A_65 = arith.constant 0 : i32
        %dma_start3A_66 = tpu.memref_slice %arg4[%mul3A_10, %dma_start3A_65] : memref<2000x128xf32, #tpu.memory_space<hbm>> -> memref<80x128xf32, #tpu.memory_space<hbm>>
        tpu.enqueue_dma source(%dma_start3A_66 : memref<80x128xf32, #tpu.memory_space<hbm>>) target(%dma_start3A_64 : memref<80x128xf32, #tpu.memory_space<vmem_shared>>) target_semaphore(%run_scoped3A : memref<!tpu.dma_semaphore, #tpu.memory_space<semaphore_mem>>)
        %dma_wait3A = arith.constant 0 : i32
        %dma_wait3A_67 = tpu.memref_slice %arg8[%mul3A_10, %dma_wait3A] : memref<2000x128xf32, #tpu.memory_space<vmem_shared>> -> memref<80x128xf32, #tpu.memory_space<vmem_shared>>
        %dma_wait3A_68 = arith.constant 0 : i32
        %dma_wait3A_69 = tpu.memref_slice %arg4[%mul3A_10, %dma_wait3A_68] : memref<2000x128xf32, #tpu.memory_space<hbm>> -> memref<80x128xf32, #tpu.memory_space<hbm>>
        tpu.wait_dma2 semaphore(%run_scoped3A : memref<!tpu.dma_semaphore, #tpu.memory_space<semaphore_mem>>) src(%dma_wait3A_69 : memref<80x128xf32, #tpu.memory_space<hbm>>) dst(%dma_wait3A_67 : memref<80x128xf32, #tpu.memory_space<vmem_shared>>)
        tpu.yield
      }) : () -> ()
    } else {
    }
    %barrier3A = arith.constant 0 : index
    tpu.barrier barrier_id(%barrier3A)
    %broadcast_in_dim3A = arith.constant 1.000000e+00 : f32
    %broadcast_in_dim3A_18 = vector.broadcast %broadcast_in_dim3A : f32 to vector<16xf32>
    %gt3A = arith.constant 0 : i32
    %gt3A_19 = arith.cmpi sgt, %add3A_4, %gt3A : i32
    %convert_element_type3A_20 = arith.extui %gt3A_19 : i1 to i32
    %cond3A_21 = arith.constant 0 : i32
    %cond3A_22 = arith.cmpi ne, %convert_element_type3A_20, %cond3A_21 : i32
    scf.if %cond3A_22 {
      %add3A_64 = arith.constant 0 : i32
      %add3A_65 = arith.addi %add3A_8, %add3A_64 : i32
      %mul3A_66 = arith.constant 128 : i32
      %mul3A_67 = arith.muli %add3A_65, %mul3A_66 : i32
      %rem3A = arith.constant 0 : i32
      %rem3A_68 = arith.constant 4 : i32
      %rem3A_69 = arith.remsi %rem3A, %rem3A_68 : i32
      %rem3A_70 = arith.constant 0 : i32
      %rem3A_71 = arith.constant 4 : i32
      %rem3A_72 = arith.remsi %rem3A_70, %rem3A_71 : i32
      %dma_start3A = arith.constant 0 : i32
      %dma_start3A_73 = arith.constant 0 : i32
      %dma_start3A_74 = tpu.memref_slice %arg6[%rem3A_69, %dma_start3A, %dma_start3A_73] : memref<4x2x128xi32, #tpu.memory_space<vmem>> -> memref<1x2x128xi32, #tpu.memory_space<vmem>>
      %dma_start3A_75 = tpu.memref_squeeze %dma_start3A_74 : memref<1x2x128xi32, #tpu.memory_space<vmem>> -> memref<2x128xi32, #tpu.memory_space<vmem>>
      %dma_start3A_76 = arith.constant 0 : i32
      %dma_start3A_77 = tpu.memref_slice %arg3[%dma_start3A_76, %mul3A_67] : memref<2x32000xi32, #tpu.memory_space<hbm>> -> memref<2x128xi32, #tpu.memory_space<hbm>>
      %dma_start3A_78 = tpu.memref_slice %arg9[%rem3A_72] : memref<4x!tpu.dma_semaphore, #tpu.memory_space<semaphore_mem>> -> memref<1x!tpu.dma_semaphore, #tpu.memory_space<semaphore_mem>>
      %dma_start3A_79 = tpu.memref_squeeze %dma_start3A_78 : memref<1x!tpu.dma_semaphore, #tpu.memory_space<semaphore_mem>> -> memref<!tpu.dma_semaphore, #tpu.memory_space<semaphore_mem>>
      %dma_start3A_80 = arith.constant 0 : i32
      %dma_start3A_81 = arith.constant 0 : i32
      %dma_start3A_82 = tpu.memref_slice %arg6[%rem3A_69, %dma_start3A_80, %dma_start3A_81] : memref<4x2x128xi32, #tpu.memory_space<vmem>> -> memref<1x2x128xi32, #tpu.memory_space<vmem>>
      %dma_start3A_83 = tpu.memref_squeeze %dma_start3A_82 : memref<1x2x128xi32, #tpu.memory_space<vmem>> -> memref<2x128xi32, #tpu.memory_space<vmem>>
      %dma_start3A_84 = arith.constant 0 : i32
      %dma_start3A_85 = tpu.memref_slice %arg3[%dma_start3A_84, %mul3A_67] : memref<2x32000xi32, #tpu.memory_space<hbm>> -> memref<2x128xi32, #tpu.memory_space<hbm>>
      tpu.enqueue_dma source(%dma_start3A_85 : memref<2x128xi32, #tpu.memory_space<hbm>>) target(%dma_start3A_83 : memref<2x128xi32, #tpu.memory_space<vmem>>) target_semaphore(%dma_start3A_79 : memref<!tpu.dma_semaphore, #tpu.memory_space<semaphore_mem>>)
    } else {
    }
    %gt3A_23 = arith.constant 1 : i32
    %gt3A_24 = arith.cmpi sgt, %add3A_4, %gt3A_23 : i32
    %convert_element_type3A_25 = arith.extui %gt3A_24 : i1 to i32
    %cond3A_26 = arith.constant 0 : i32
    %cond3A_27 = arith.cmpi ne, %convert_element_type3A_25, %cond3A_26 : i32
    scf.if %cond3A_27 {
      %add3A_64 = arith.constant 1 : i32
      %add3A_65 = arith.addi %add3A_8, %add3A_64 : i32
      %mul3A_66 = arith.constant 128 : i32
      %mul3A_67 = arith.muli %add3A_65, %mul3A_66 : i32
      %rem3A = arith.constant 1 : i32
      %rem3A_68 = arith.constant 4 : i32
      %rem3A_69 = arith.remsi %rem3A, %rem3A_68 : i32
      %rem3A_70 = arith.constant 1 : i32
      %rem3A_71 = arith.constant 4 : i32
      %rem3A_72 = arith.remsi %rem3A_70, %rem3A_71 : i32
      %dma_start3A = arith.constant 0 : i32
      %dma_start3A_73 = arith.constant 0 : i32
      %dma_start3A_74 = tpu.memref_slice %arg6[%rem3A_69, %dma_start3A, %dma_start3A_73] : memref<4x2x128xi32, #tpu.memory_space<vmem>> -> memref<1x2x128xi32, #tpu.memory_space<vmem>>
      %dma_start3A_75 = tpu.memref_squeeze %dma_start3A_74 : memref<1x2x128xi32, #tpu.memory_space<vmem>> -> memref<2x128xi32, #tpu.memory_space<vmem>>
      %dma_start3A_76 = arith.constant 0 : i32
      %dma_start3A_77 = tpu.memref_slice %arg3[%dma_start3A_76, %mul3A_67] : memref<2x32000xi32, #tpu.memory_space<hbm>> -> memref<2x128xi32, #tpu.memory_space<hbm>>
      %dma_start3A_78 = tpu.memref_slice %arg9[%rem3A_72] : memref<4x!tpu.dma_semaphore, #tpu.memory_space<semaphore_mem>> -> memref<1x!tpu.dma_semaphore, #tpu.memory_space<semaphore_mem>>
      %dma_start3A_79 = tpu.memref_squeeze %dma_start3A_78 : memref<1x!tpu.dma_semaphore, #tpu.memory_space<semaphore_mem>> -> memref<!tpu.dma_semaphore, #tpu.memory_space<semaphore_mem>>
      %dma_start3A_80 = arith.constant 0 : i32
      %dma_start3A_81 = arith.constant 0 : i32
      %dma_start3A_82 = tpu.memref_slice %arg6[%rem3A_69, %dma_start3A_80, %dma_start3A_81] : memref<4x2x128xi32, #tpu.memory_space<vmem>> -> memref<1x2x128xi32, #tpu.memory_space<vmem>>
      %dma_start3A_83 = tpu.memref_squeeze %dma_start3A_82 : memref<1x2x128xi32, #tpu.memory_space<vmem>> -> memref<2x128xi32, #tpu.memory_space<vmem>>
      %dma_start3A_84 = arith.constant 0 : i32
      %dma_start3A_85 = tpu.memref_slice %arg3[%dma_start3A_84, %mul3A_67] : memref<2x32000xi32, #tpu.memory_space<hbm>> -> memref<2x128xi32, #tpu.memory_space<hbm>>
      tpu.enqueue_dma source(%dma_start3A_85 : memref<2x128xi32, #tpu.memory_space<hbm>>) target(%dma_start3A_83 : memref<2x128xi32, #tpu.memory_space<vmem>>) target_semaphore(%dma_start3A_79 : memref<!tpu.dma_semaphore, #tpu.memory_space<semaphore_mem>>)
    } else {
    }
    %gt3A_28 = arith.constant 0 : i32
    %gt3A_29 = arith.cmpi sgt, %add3A_4, %gt3A_28 : i32
    %convert_element_type3A_30 = arith.extui %gt3A_29 : i1 to i32
    %cond3A_31 = arith.constant 0 : i32
    %cond3A_32 = arith.cmpi ne, %convert_element_type3A_30, %cond3A_31 : i32
    scf.if %cond3A_32 {
      %add3A_64 = arith.constant 0 : i32
      %add3A_65 = arith.addi %add3A_8, %add3A_64 : i32
      %mul3A_66 = arith.constant 128 : i32
      %mul3A_67 = arith.muli %add3A_65, %mul3A_66 : i32
      %rem3A = arith.constant 0 : i32
      %rem3A_68 = arith.constant 4 : i32
      %rem3A_69 = arith.remsi %rem3A, %rem3A_68 : i32
      %rem3A_70 = arith.constant 0 : i32
      %rem3A_71 = arith.constant 4 : i32
      %rem3A_72 = arith.remsi %rem3A_70, %rem3A_71 : i32
      %dma_wait3A = arith.constant 0 : i32
      %dma_wait3A_73 = arith.constant 0 : i32
      %dma_wait3A_74 = tpu.memref_slice %arg6[%rem3A_69, %dma_wait3A, %dma_wait3A_73] : memref<4x2x128xi32, #tpu.memory_space<vmem>> -> memref<1x2x128xi32, #tpu.memory_space<vmem>>
      %dma_wait3A_75 = tpu.memref_squeeze %dma_wait3A_74 : memref<1x2x128xi32, #tpu.memory_space<vmem>> -> memref<2x128xi32, #tpu.memory_space<vmem>>
      %dma_wait3A_76 = arith.constant 0 : i32
      %dma_wait3A_77 = tpu.memref_slice %arg3[%dma_wait3A_76, %mul3A_67] : memref<2x32000xi32, #tpu.memory_space<hbm>> -> memref<2x128xi32, #tpu.memory_space<hbm>>
      %dma_wait3A_78 = tpu.memref_slice %arg9[%rem3A_72] : memref<4x!tpu.dma_semaphore, #tpu.memory_space<semaphore_mem>> -> memref<1x!tpu.dma_semaphore, #tpu.memory_space<semaphore_mem>>
      %dma_wait3A_79 = tpu.memref_squeeze %dma_wait3A_78 : memref<1x!tpu.dma_semaphore, #tpu.memory_space<semaphore_mem>> -> memref<!tpu.dma_semaphore, #tpu.memory_space<semaphore_mem>>
      %dma_wait3A_80 = arith.constant 0 : i32
      %dma_wait3A_81 = arith.constant 0 : i32
      %dma_wait3A_82 = tpu.memref_slice %arg6[%rem3A_69, %dma_wait3A_80, %dma_wait3A_81] : memref<4x2x128xi32, #tpu.memory_space<vmem>> -> memref<1x2x128xi32, #tpu.memory_space<vmem>>
      %dma_wait3A_83 = tpu.memref_squeeze %dma_wait3A_82 : memref<1x2x128xi32, #tpu.memory_space<vmem>> -> memref<2x128xi32, #tpu.memory_space<vmem>>
      %dma_wait3A_84 = arith.constant 0 : i32
      %dma_wait3A_85 = tpu.memref_slice %arg3[%dma_wait3A_84, %mul3A_67] : memref<2x32000xi32, #tpu.memory_space<hbm>> -> memref<2x128xi32, #tpu.memory_space<hbm>>
      tpu.wait_dma2 semaphore(%dma_wait3A_79 : memref<!tpu.dma_semaphore, #tpu.memory_space<semaphore_mem>>) src(%dma_wait3A_85 : memref<2x128xi32, #tpu.memory_space<hbm>>) dst(%dma_wait3A_83 : memref<2x128xi32, #tpu.memory_space<vmem>>)
      %rem3A_86 = arith.constant 0 : i32
      %rem3A_87 = arith.constant 4 : i32
      %rem3A_88 = arith.remsi %rem3A_86, %rem3A_87 : i32
      %rem3A_89 = arith.constant 0 : i32
      %rem3A_90 = arith.constant 2 : i32
      %rem3A_91 = arith.remsi %rem3A_89, %rem3A_90 : i32
      %rem3A_92 = arith.constant 0 : i32
      %rem3A_93 = arith.constant 2 : i32
      %rem3A_94 = arith.remsi %rem3A_92, %rem3A_93 : i32
      %dma_start3A = arith.constant 0 : i32
      %dma_start3A_95 = arith.constant 0 : i32
      %dma_start3A_96 = arith.constant 0 : i32
      %dma_start3A_97 = tpu.memref_slice %arg7[%rem3A_91, %dma_start3A_95, %dma_start3A_96] : memref<2x128x128xf32, #tpu.memory_space<vmem>> -> memref<1x128x128xf32, #tpu.memory_space<vmem>>
      %dma_start3A_98 = tpu.memref_squeeze %dma_start3A_97 : memref<1x128x128xf32, #tpu.memory_space<vmem>> -> memref<128x128xf32, #tpu.memory_space<vmem>>
      %dma_start3A_99 = arith.constant 0 : i32
      %dma_start3A_100 = tpu.memref_slice %arg6[%rem3A_88, %dma_start3A, %dma_start3A_99] : memref<4x2x128xi32, #tpu.memory_space<vmem>> -> memref<1x1x128xi32, #tpu.memory_space<vmem>>
      %dma_start3A_101 = tpu.memref_squeeze %dma_start3A_100 : memref<1x1x128xi32, #tpu.memory_space<vmem>> -> memref<128xi32, #tpu.memory_space<vmem>>
      %dma_start3A_102 = arith.constant 0 : i32
      %dma_start3A_103 = arith.constant 0 : i32
      %dma_start3A_104 = tpu.memref_slice %arg2[%dma_start3A_102, %dma_start3A_103] : memref<2000x128xf32, #tpu.memory_space<hbm>> -> memref<2000x128xf32, #tpu.memory_space<hbm>>
      %dma_start3A_105 = tpu.memref_slice %arg10[%rem3A_94] : memref<2x!tpu.dma_semaphore, #tpu.memory_space<semaphore_mem>> -> memref<1x!tpu.dma_semaphore, #tpu.memory_space<semaphore_mem>>
      %dma_start3A_106 = tpu.memref_squeeze %dma_start3A_105 : memref<1x!tpu.dma_semaphore, #tpu.memory_space<semaphore_mem>> -> memref<!tpu.dma_semaphore, #tpu.memory_space<semaphore_mem>>
      tpu.enqueue_indirect_dma source(%dma_start3A_104 : memref<2000x128xf32, #tpu.memory_space<hbm>>) target(%dma_start3A_98 : memref<128x128xf32, #tpu.memory_space<vmem>>) offsets(%dma_start3A_101 : memref<128xi32, #tpu.memory_space<vmem>>) semaphore(%dma_start3A_106 : memref<!tpu.dma_semaphore, #tpu.memory_space<semaphore_mem>>)
    } else {
    }
    %while3A = arith.constant 0 : i32
    %while3A_33 = arith.constant 0 : i32
    %while3A_34 = arith.subi %add3A_4, %while3A : i32
    %while3A_35 = arith.addi %while3A, %while3A_34 : i32
    %while3A_36 = arith.constant 1 : i32
    %while3A_37 = arith.divsi %while3A_34, %while3A_36 : i32
    %while3A_38 = arith.muli %while3A_37, %while3A_36 : i32
    %while3A_39 = arith.addi %while3A, %while3A_38 : i32
    %while3A_40 = arith.constant 1 : i32
    %while3A_41 = scf.for %while3A_64 = %while3A to %while3A_39 step %while3A_40 iter_args(%while3A_65 = %while3A_33) -> (i32)  : i32 {
      %add3A_66 = arith.constant 2 : i32
      %add3A_67 = arith.addi %while3A_64, %add3A_66 : i32
      %lt3A_68 = arith.cmpi slt, %add3A_67, %add3A_4 : i32
      %convert_element_type3A_69 = arith.extui %lt3A_68 : i1 to i32
      %cond3A_70 = arith.constant 0 : i32
      %cond3A_71 = arith.cmpi ne, %convert_element_type3A_69, %cond3A_70 : i32
      scf.if %cond3A_71 {
        %add3A_115 = arith.constant 2 : i32
        %add3A_116 = arith.addi %while3A_64, %add3A_115 : i32
        %add3A_117 = arith.addi %add3A_8, %add3A_116 : i32
        %mul3A_118 = arith.constant 128 : i32
        %mul3A_119 = arith.muli %add3A_117, %mul3A_118 : i32
        %rem3A_120 = arith.constant 4 : i32
        %rem3A_121 = arith.remsi %add3A_116, %rem3A_120 : i32
        %rem3A_122 = arith.constant 4 : i32
        %rem3A_123 = arith.remsi %add3A_116, %rem3A_122 : i32
        %dma_start3A_124 = arith.constant 0 : i32
        %dma_start3A_125 = arith.constant 0 : i32
        %dma_start3A_126 = tpu.memref_slice %arg6[%rem3A_121, %dma_start3A_124, %dma_start3A_125] : memref<4x2x128xi32, #tpu.memory_space<vmem>> -> memref<1x2x128xi32, #tpu.memory_space<vmem>>
        %dma_start3A_127 = tpu.memref_squeeze %dma_start3A_126 : memref<1x2x128xi32, #tpu.memory_space<vmem>> -> memref<2x128xi32, #tpu.memory_space<vmem>>
        %dma_start3A_128 = arith.constant 0 : i32
        %dma_start3A_129 = tpu.memref_slice %arg3[%dma_start3A_128, %mul3A_119] : memref<2x32000xi32, #tpu.memory_space<hbm>> -> memref<2x128xi32, #tpu.memory_space<hbm>>
        %dma_start3A_130 = tpu.memref_slice %arg9[%rem3A_123] : memref<4x!tpu.dma_semaphore, #tpu.memory_space<semaphore_mem>> -> memref<1x!tpu.dma_semaphore, #tpu.memory_space<semaphore_mem>>
        %dma_start3A_131 = tpu.memref_squeeze %dma_start3A_130 : memref<1x!tpu.dma_semaphore, #tpu.memory_space<semaphore_mem>> -> memref<!tpu.dma_semaphore, #tpu.memory_space<semaphore_mem>>
        %dma_start3A_132 = arith.constant 0 : i32
        %dma_start3A_133 = arith.constant 0 : i32
        %dma_start3A_134 = tpu.memref_slice %arg6[%rem3A_121, %dma_start3A_132, %dma_start3A_133] : memref<4x2x128xi32, #tpu.memory_space<vmem>> -> memref<1x2x128xi32, #tpu.memory_space<vmem>>
        %dma_start3A_135 = tpu.memref_squeeze %dma_start3A_134 : memref<1x2x128xi32, #tpu.memory_space<vmem>> -> memref<2x128xi32, #tpu.memory_space<vmem>>
        %dma_start3A_136 = arith.constant 0 : i32
        %dma_start3A_137 = tpu.memref_slice %arg3[%dma_start3A_136, %mul3A_119] : memref<2x32000xi32, #tpu.memory_space<hbm>> -> memref<2x128xi32, #tpu.memory_space<hbm>>
        tpu.enqueue_dma source(%dma_start3A_137 : memref<2x128xi32, #tpu.memory_space<hbm>>) target(%dma_start3A_135 : memref<2x128xi32, #tpu.memory_space<vmem>>) target_semaphore(%dma_start3A_131 : memref<!tpu.dma_semaphore, #tpu.memory_space<semaphore_mem>>)
      } else {
      }
      %rem3A = arith.constant 4 : i32
      %rem3A_72 = arith.remsi %while3A_64, %rem3A : i32
      %rem3A_73 = arith.constant 2 : i32
      %rem3A_74 = arith.remsi %while3A_64, %rem3A_73 : i32
      %rem3A_75 = arith.constant 2 : i32
      %rem3A_76 = arith.remsi %while3A_64, %rem3A_75 : i32
      %dma_wait3A = arith.constant 0 : i32
      %dma_wait3A_77 = arith.constant 0 : i32
      %dma_wait3A_78 = arith.constant 0 : i32
      %dma_wait3A_79 = tpu.memref_slice %arg7[%rem3A_74, %dma_wait3A_77, %dma_wait3A_78] : memref<2x128x128xf32, #tpu.memory_space<vmem>> -> memref<1x128x128xf32, #tpu.memory_space<vmem>>
      %dma_wait3A_80 = tpu.memref_squeeze %dma_wait3A_79 : memref<1x128x128xf32, #tpu.memory_space<vmem>> -> memref<128x128xf32, #tpu.memory_space<vmem>>
      %dma_wait3A_81 = arith.constant 0 : i32
      %dma_wait3A_82 = tpu.memref_slice %arg6[%rem3A_72, %dma_wait3A, %dma_wait3A_81] : memref<4x2x128xi32, #tpu.memory_space<vmem>> -> memref<1x1x128xi32, #tpu.memory_space<vmem>>
      %dma_wait3A_83 = tpu.memref_squeeze %dma_wait3A_82 : memref<1x1x128xi32, #tpu.memory_space<vmem>> -> memref<128xi32, #tpu.memory_space<vmem>>
      %dma_wait3A_84 = arith.constant 0 : i32
      %dma_wait3A_85 = arith.constant 0 : i32
      %dma_wait3A_86 = tpu.memref_slice %arg2[%dma_wait3A_84, %dma_wait3A_85] : memref<2000x128xf32, #tpu.memory_space<hbm>> -> memref<2000x128xf32, #tpu.memory_space<hbm>>
      %dma_wait3A_87 = tpu.memref_slice %arg10[%rem3A_76] : memref<2x!tpu.dma_semaphore, #tpu.memory_space<semaphore_mem>> -> memref<1x!tpu.dma_semaphore, #tpu.memory_space<semaphore_mem>>
      %dma_wait3A_88 = tpu.memref_squeeze %dma_wait3A_87 : memref<1x!tpu.dma_semaphore, #tpu.memory_space<semaphore_mem>> -> memref<!tpu.dma_semaphore, #tpu.memory_space<semaphore_mem>>
      tpu.wait_indirect_dma semaphore(%dma_wait3A_88 : memref<!tpu.dma_semaphore, #tpu.memory_space<semaphore_mem>>) src(%dma_wait3A_86 : memref<2000x128xf32, #tpu.memory_space<hbm>>) dst(%dma_wait3A_80 : memref<128x128xf32, #tpu.memory_space<vmem>>)
      %rem3A_89 = arith.constant 4 : i32
      %rem3A_90 = arith.remsi %while3A_64, %rem3A_89 : i32
      %rem3A_91 = arith.constant 2 : i32
      %rem3A_92 = arith.remsi %while3A_64, %rem3A_91 : i32
      %rem3A_93 = arith.constant 2 : i32
      %rem3A_94 = arith.remsi %while3A_64, %rem3A_93 : i32
      %dma_start3A = arith.constant 1 : i32
      %dma_start3A_95 = arith.constant 0 : i32
      %dma_start3A_96 = arith.constant 0 : i32
      %dma_start3A_97 = tpu.memref_slice %arg7[%rem3A_92, %dma_start3A_95, %dma_start3A_96] : memref<2x128x128xf32, #tpu.memory_space<vmem>> -> memref<1x128x128xf32, #tpu.memory_space<vmem>>
      %dma_start3A_98 = tpu.memref_squeeze %dma_start3A_97 : memref<1x128x128xf32, #tpu.memory_space<vmem>> -> memref<128x128xf32, #tpu.memory_space<vmem>>
      %dma_start3A_99 = arith.constant 0 : i32
      %dma_start3A_100 = tpu.memref_slice %arg6[%rem3A_90, %dma_start3A, %dma_start3A_99] : memref<4x2x128xi32, #tpu.memory_space<vmem>> -> memref<1x1x128xi32, #tpu.memory_space<vmem>>
      %dma_start3A_101 = tpu.memref_squeeze %dma_start3A_100 : memref<1x1x128xi32, #tpu.memory_space<vmem>> -> memref<128xi32, #tpu.memory_space<vmem>>
      %dma_start3A_102 = arith.constant 0 : i32
      %dma_start3A_103 = arith.constant 0 : i32
      %dma_start3A_104 = tpu.memref_slice %arg8[%dma_start3A_102, %dma_start3A_103] : memref<2000x128xf32, #tpu.memory_space<vmem_shared>> -> memref<2000x128xf32, #tpu.memory_space<vmem_shared>>
      %dma_start3A_105 = tpu.memref_slice %arg11[%rem3A_94] : memref<2x!tpu.dma_semaphore, #tpu.memory_space<semaphore_mem>> -> memref<1x!tpu.dma_semaphore, #tpu.memory_space<semaphore_mem>>
      %dma_start3A_106 = tpu.memref_squeeze %dma_start3A_105 : memref<1x!tpu.dma_semaphore, #tpu.memory_space<semaphore_mem>> -> memref<!tpu.dma_semaphore, #tpu.memory_space<semaphore_mem>>
      tpu.enqueue_indirect_dma source(%dma_start3A_98 : memref<128x128xf32, #tpu.memory_space<vmem>>) target(%dma_start3A_104 : memref<2000x128xf32, #tpu.memory_space<vmem_shared>>) offsets(%dma_start3A_101 : memref<128xi32, #tpu.memory_space<vmem>>) semaphore(%dma_start3A_106 : memref<!tpu.dma_semaphore, #tpu.memory_space<semaphore_mem>>) {add = true}
      %add3A_107 = arith.constant 2 : i32
      %add3A_108 = arith.addi %while3A_64, %add3A_107 : i32
      %sub3A = arith.constant 1 : i32
      %sub3A_109 = arith.subi %add3A_108, %sub3A : i32
      %lt3A_110 = arith.cmpi slt, %sub3A_109, %add3A_4 : i32
      %convert_element_type3A_111 = arith.extui %lt3A_110 : i1 to i32
      %cond3A_112 = arith.constant 0 : i32
      %cond3A_113 = arith.cmpi ne, %convert_element_type3A_111, %cond3A_112 : i32
      scf.if %cond3A_113 {
        %add3A_115 = arith.constant 2 : i32
        %add3A_116 = arith.addi %while3A_64, %add3A_115 : i32
        %sub3A_117 = arith.constant 1 : i32
        %sub3A_118 = arith.subi %add3A_116, %sub3A_117 : i32
        %add3A_119 = arith.addi %add3A_8, %sub3A_118 : i32
        %mul3A_120 = arith.constant 128 : i32
        %mul3A_121 = arith.muli %add3A_119, %mul3A_120 : i32
        %rem3A_122 = arith.constant 4 : i32
        %rem3A_123 = arith.remsi %sub3A_118, %rem3A_122 : i32
        %rem3A_124 = arith.constant 4 : i32
        %rem3A_125 = arith.remsi %sub3A_118, %rem3A_124 : i32
        %dma_wait3A_126 = arith.constant 0 : i32
        %dma_wait3A_127 = arith.constant 0 : i32
        %dma_wait3A_128 = tpu.memref_slice %arg6[%rem3A_123, %dma_wait3A_126, %dma_wait3A_127] : memref<4x2x128xi32, #tpu.memory_space<vmem>> -> memref<1x2x128xi32, #tpu.memory_space<vmem>>
        %dma_wait3A_129 = tpu.memref_squeeze %dma_wait3A_128 : memref<1x2x128xi32, #tpu.memory_space<vmem>> -> memref<2x128xi32, #tpu.memory_space<vmem>>
        %dma_wait3A_130 = arith.constant 0 : i32
        %dma_wait3A_131 = tpu.memref_slice %arg3[%dma_wait3A_130, %mul3A_121] : memref<2x32000xi32, #tpu.memory_space<hbm>> -> memref<2x128xi32, #tpu.memory_space<hbm>>
        %dma_wait3A_132 = tpu.memref_slice %arg9[%rem3A_125] : memref<4x!tpu.dma_semaphore, #tpu.memory_space<semaphore_mem>> -> memref<1x!tpu.dma_semaphore, #tpu.memory_space<semaphore_mem>>
        %dma_wait3A_133 = tpu.memref_squeeze %dma_wait3A_132 : memref<1x!tpu.dma_semaphore, #tpu.memory_space<semaphore_mem>> -> memref<!tpu.dma_semaphore, #tpu.memory_space<semaphore_mem>>
        %dma_wait3A_134 = arith.constant 0 : i32
        %dma_wait3A_135 = arith.constant 0 : i32
        %dma_wait3A_136 = tpu.memref_slice %arg6[%rem3A_123, %dma_wait3A_134, %dma_wait3A_135] : memref<4x2x128xi32, #tpu.memory_space<vmem>> -> memref<1x2x128xi32, #tpu.memory_space<vmem>>
        %dma_wait3A_137 = tpu.memref_squeeze %dma_wait3A_136 : memref<1x2x128xi32, #tpu.memory_space<vmem>> -> memref<2x128xi32, #tpu.memory_space<vmem>>
        %dma_wait3A_138 = arith.constant 0 : i32
        %dma_wait3A_139 = tpu.memref_slice %arg3[%dma_wait3A_138, %mul3A_121] : memref<2x32000xi32, #tpu.memory_space<hbm>> -> memref<2x128xi32, #tpu.memory_space<hbm>>
        tpu.wait_dma2 semaphore(%dma_wait3A_133 : memref<!tpu.dma_semaphore, #tpu.memory_space<semaphore_mem>>) src(%dma_wait3A_139 : memref<2x128xi32, #tpu.memory_space<hbm>>) dst(%dma_wait3A_137 : memref<2x128xi32, #tpu.memory_space<vmem>>)
        %add3A_140 = arith.constant 2 : i32
        %add3A_141 = arith.addi %while3A_64, %add3A_140 : i32
        %sub3A_142 = arith.constant 1 : i32
        %sub3A_143 = arith.subi %add3A_141, %sub3A_142 : i32
        %ge3A_144 = arith.constant 2 : i32
        %ge3A_145 = arith.cmpi sge, %sub3A_143, %ge3A_144 : i32
        %convert_element_type3A_146 = arith.extui %ge3A_145 : i1 to i32
        %cond3A_147 = arith.constant 0 : i32
        %cond3A_148 = arith.cmpi ne, %convert_element_type3A_146, %cond3A_147 : i32
        scf.if %cond3A_148 {
          %add3A_172 = arith.constant 2 : i32
          %add3A_173 = arith.addi %while3A_64, %add3A_172 : i32
          %sub3A_174 = arith.constant 1 : i32
          %sub3A_175 = arith.subi %add3A_173, %sub3A_174 : i32
          %rem3A_176 = arith.constant 2 : i32
          %rem3A_177 = arith.remsi %sub3A_175, %rem3A_176 : i32
          %dma_wait3A_178 = arith.constant 0 : i32
          %dma_wait3A_179 = arith.constant 1 : i32
          %dma_wait3A_180 = arith.constant 0 : i32
          %dma_wait3A_181 = arith.constant 0 : i32
          %dma_wait3A_182 = tpu.memref_slice %arg7[%rem3A_177, %dma_wait3A_180, %dma_wait3A_181] : memref<2x128x128xf32, #tpu.memory_space<vmem>> -> memref<1x128x128xf32, #tpu.memory_space<vmem>>
          %dma_wait3A_183 = tpu.memref_squeeze %dma_wait3A_182 : memref<1x128x128xf32, #tpu.memory_space<vmem>> -> memref<128x128xf32, #tpu.memory_space<vmem>>
          %dma_wait3A_184 = arith.constant 0 : i32
          %dma_wait3A_185 = tpu.memref_slice %arg6[%dma_wait3A_178, %dma_wait3A_179, %dma_wait3A_184] : memref<4x2x128xi32, #tpu.memory_space<vmem>> -> memref<1x1x128xi32, #tpu.memory_space<vmem>>
          %dma_wait3A_186 = tpu.memref_squeeze %dma_wait3A_185 : memref<1x1x128xi32, #tpu.memory_space<vmem>> -> memref<128xi32, #tpu.memory_space<vmem>>
          %dma_wait3A_187 = arith.constant 0 : i32
          %dma_wait3A_188 = arith.constant 0 : i32
          %dma_wait3A_189 = tpu.memref_slice %arg8[%dma_wait3A_187, %dma_wait3A_188] : memref<2000x128xf32, #tpu.memory_space<vmem_shared>> -> memref<2000x128xf32, #tpu.memory_space<vmem_shared>>
          %dma_wait3A_190 = tpu.memref_slice %arg11[%rem3A_177] : memref<2x!tpu.dma_semaphore, #tpu.memory_space<semaphore_mem>> -> memref<1x!tpu.dma_semaphore, #tpu.memory_space<semaphore_mem>>
          %dma_wait3A_191 = tpu.memref_squeeze %dma_wait3A_190 : memref<1x!tpu.dma_semaphore, #tpu.memory_space<semaphore_mem>> -> memref<!tpu.dma_semaphore, #tpu.memory_space<semaphore_mem>>
          tpu.wait_indirect_dma semaphore(%dma_wait3A_191 : memref<!tpu.dma_semaphore, #tpu.memory_space<semaphore_mem>>) src(%dma_wait3A_183 : memref<128x128xf32, #tpu.memory_space<vmem>>) dst(%dma_wait3A_189 : memref<2000x128xf32, #tpu.memory_space<vmem_shared>>)
        } else {
        }
        %add3A_149 = arith.constant 2 : i32
        %add3A_150 = arith.addi %while3A_64, %add3A_149 : i32
        %sub3A_151 = arith.constant 1 : i32
        %sub3A_152 = arith.subi %add3A_150, %sub3A_151 : i32
        %rem3A_153 = arith.constant 4 : i32
        %rem3A_154 = arith.remsi %sub3A_152, %rem3A_153 : i32
        %rem3A_155 = arith.constant 2 : i32
        %rem3A_156 = arith.remsi %sub3A_152, %rem3A_155 : i32
        %rem3A_157 = arith.constant 2 : i32
        %rem3A_158 = arith.remsi %sub3A_152, %rem3A_157 : i32
        %dma_start3A_159 = arith.constant 0 : i32
        %dma_start3A_160 = arith.constant 0 : i32
        %dma_start3A_161 = arith.constant 0 : i32
        %dma_start3A_162 = tpu.memref_slice %arg7[%rem3A_156, %dma_start3A_160, %dma_start3A_161] : memref<2x128x128xf32, #tpu.memory_space<vmem>> -> memref<1x128x128xf32, #tpu.memory_space<vmem>>
        %dma_start3A_163 = tpu.memref_squeeze %dma_start3A_162 : memref<1x128x128xf32, #tpu.memory_space<vmem>> -> memref<128x128xf32, #tpu.memory_space<vmem>>
        %dma_start3A_164 = arith.constant 0 : i32
        %dma_start3A_165 = tpu.memref_slice %arg6[%rem3A_154, %dma_start3A_159, %dma_start3A_164] : memref<4x2x128xi32, #tpu.memory_space<vmem>> -> memref<1x1x128xi32, #tpu.memory_space<vmem>>
        %dma_start3A_166 = tpu.memref_squeeze %dma_start3A_165 : memref<1x1x128xi32, #tpu.memory_space<vmem>> -> memref<128xi32, #tpu.memory_space<vmem>>
        %dma_start3A_167 = arith.constant 0 : i32
        %dma_start3A_168 = arith.constant 0 : i32
        %dma_start3A_169 = tpu.memref_slice %arg2[%dma_start3A_167, %dma_start3A_168] : memref<2000x128xf32, #tpu.memory_space<hbm>> -> memref<2000x128xf32, #tpu.memory_space<hbm>>
        %dma_start3A_170 = tpu.memref_slice %arg10[%rem3A_158] : memref<2x!tpu.dma_semaphore, #tpu.memory_space<semaphore_mem>> -> memref<1x!tpu.dma_semaphore, #tpu.memory_space<semaphore_mem>>
        %dma_start3A_171 = tpu.memref_squeeze %dma_start3A_170 : memref<1x!tpu.dma_semaphore, #tpu.memory_space<semaphore_mem>> -> memref<!tpu.dma_semaphore, #tpu.memory_space<semaphore_mem>>
        tpu.enqueue_indirect_dma source(%dma_start3A_169 : memref<2000x128xf32, #tpu.memory_space<hbm>>) target(%dma_start3A_163 : memref<128x128xf32, #tpu.memory_space<vmem>>) offsets(%dma_start3A_166 : memref<128xi32, #tpu.memory_space<vmem>>) semaphore(%dma_start3A_171 : memref<!tpu.dma_semaphore, #tpu.memory_space<semaphore_mem>>)
      } else {
      }
      %while3A_114 = arith.constant 0 : i32
      scf.yield %while3A_114 : i32
    }
    %while3A_42 = arith.constant 1 : i32
    %while3A_43 = scf.for %while3A_64 = %while3A_39 to %while3A_35 step %while3A_42 iter_args(%while3A_65 = %while3A_41) -> (i32)  : i32 {
      %add3A_66 = arith.constant 2 : i32
      %add3A_67 = arith.addi %while3A_64, %add3A_66 : i32
      %lt3A_68 = arith.cmpi slt, %add3A_67, %add3A_4 : i32
      %convert_element_type3A_69 = arith.extui %lt3A_68 : i1 to i32
      %cond3A_70 = arith.constant 0 : i32
      %cond3A_71 = arith.cmpi ne, %convert_element_type3A_69, %cond3A_70 : i32
      scf.if %cond3A_71 {
        %add3A_115 = arith.constant 2 : i32
        %add3A_116 = arith.addi %while3A_64, %add3A_115 : i32
        %add3A_117 = arith.addi %add3A_8, %add3A_116 : i32
        %mul3A_118 = arith.constant 128 : i32
        %mul3A_119 = arith.muli %add3A_117, %mul3A_118 : i32
        %rem3A_120 = arith.constant 4 : i32
        %rem3A_121 = arith.remsi %add3A_116, %rem3A_120 : i32
        %rem3A_122 = arith.constant 4 : i32
        %rem3A_123 = arith.remsi %add3A_116, %rem3A_122 : i32
        %dma_start3A_124 = arith.constant 0 : i32
        %dma_start3A_125 = arith.constant 0 : i32
        %dma_start3A_126 = tpu.memref_slice %arg6[%rem3A_121, %dma_start3A_124, %dma_start3A_125] : memref<4x2x128xi32, #tpu.memory_space<vmem>> -> memref<1x2x128xi32, #tpu.memory_space<vmem>>
        %dma_start3A_127 = tpu.memref_squeeze %dma_start3A_126 : memref<1x2x128xi32, #tpu.memory_space<vmem>> -> memref<2x128xi32, #tpu.memory_space<vmem>>
        %dma_start3A_128 = arith.constant 0 : i32
        %dma_start3A_129 = tpu.memref_slice %arg3[%dma_start3A_128, %mul3A_119] : memref<2x32000xi32, #tpu.memory_space<hbm>> -> memref<2x128xi32, #tpu.memory_space<hbm>>
        %dma_start3A_130 = tpu.memref_slice %arg9[%rem3A_123] : memref<4x!tpu.dma_semaphore, #tpu.memory_space<semaphore_mem>> -> memref<1x!tpu.dma_semaphore, #tpu.memory_space<semaphore_mem>>
        %dma_start3A_131 = tpu.memref_squeeze %dma_start3A_130 : memref<1x!tpu.dma_semaphore, #tpu.memory_space<semaphore_mem>> -> memref<!tpu.dma_semaphore, #tpu.memory_space<semaphore_mem>>
        %dma_start3A_132 = arith.constant 0 : i32
        %dma_start3A_133 = arith.constant 0 : i32
        %dma_start3A_134 = tpu.memref_slice %arg6[%rem3A_121, %dma_start3A_132, %dma_start3A_133] : memref<4x2x128xi32, #tpu.memory_space<vmem>> -> memref<1x2x128xi32, #tpu.memory_space<vmem>>
        %dma_start3A_135 = tpu.memref_squeeze %dma_start3A_134 : memref<1x2x128xi32, #tpu.memory_space<vmem>> -> memref<2x128xi32, #tpu.memory_space<vmem>>
        %dma_start3A_136 = arith.constant 0 : i32
        %dma_start3A_137 = tpu.memref_slice %arg3[%dma_start3A_136, %mul3A_119] : memref<2x32000xi32, #tpu.memory_space<hbm>> -> memref<2x128xi32, #tpu.memory_space<hbm>>
        tpu.enqueue_dma source(%dma_start3A_137 : memref<2x128xi32, #tpu.memory_space<hbm>>) target(%dma_start3A_135 : memref<2x128xi32, #tpu.memory_space<vmem>>) target_semaphore(%dma_start3A_131 : memref<!tpu.dma_semaphore, #tpu.memory_space<semaphore_mem>>)
      } else {
      }
      %rem3A = arith.constant 4 : i32
      %rem3A_72 = arith.remsi %while3A_64, %rem3A : i32
      %rem3A_73 = arith.constant 2 : i32
      %rem3A_74 = arith.remsi %while3A_64, %rem3A_73 : i32
      %rem3A_75 = arith.constant 2 : i32
      %rem3A_76 = arith.remsi %while3A_64, %rem3A_75 : i32
      %dma_wait3A = arith.constant 0 : i32
      %dma_wait3A_77 = arith.constant 0 : i32
      %dma_wait3A_78 = arith.constant 0 : i32
      %dma_wait3A_79 = tpu.memref_slice %arg7[%rem3A_74, %dma_wait3A_77, %dma_wait3A_78] : memref<2x128x128xf32, #tpu.memory_space<vmem>> -> memref<1x128x128xf32, #tpu.memory_space<vmem>>
      %dma_wait3A_80 = tpu.memref_squeeze %dma_wait3A_79 : memref<1x128x128xf32, #tpu.memory_space<vmem>> -> memref<128x128xf32, #tpu.memory_space<vmem>>
      %dma_wait3A_81 = arith.constant 0 : i32
      %dma_wait3A_82 = tpu.memref_slice %arg6[%rem3A_72, %dma_wait3A, %dma_wait3A_81] : memref<4x2x128xi32, #tpu.memory_space<vmem>> -> memref<1x1x128xi32, #tpu.memory_space<vmem>>
      %dma_wait3A_83 = tpu.memref_squeeze %dma_wait3A_82 : memref<1x1x128xi32, #tpu.memory_space<vmem>> -> memref<128xi32, #tpu.memory_space<vmem>>
      %dma_wait3A_84 = arith.constant 0 : i32
      %dma_wait3A_85 = arith.constant 0 : i32
      %dma_wait3A_86 = tpu.memref_slice %arg2[%dma_wait3A_84, %dma_wait3A_85] : memref<2000x128xf32, #tpu.memory_space<hbm>> -> memref<2000x128xf32, #tpu.memory_space<hbm>>
      %dma_wait3A_87 = tpu.memref_slice %arg10[%rem3A_76] : memref<2x!tpu.dma_semaphore, #tpu.memory_space<semaphore_mem>> -> memref<1x!tpu.dma_semaphore, #tpu.memory_space<semaphore_mem>>
      %dma_wait3A_88 = tpu.memref_squeeze %dma_wait3A_87 : memref<1x!tpu.dma_semaphore, #tpu.memory_space<semaphore_mem>> -> memref<!tpu.dma_semaphore, #tpu.memory_space<semaphore_mem>>
      tpu.wait_indirect_dma semaphore(%dma_wait3A_88 : memref<!tpu.dma_semaphore, #tpu.memory_space<semaphore_mem>>) src(%dma_wait3A_86 : memref<2000x128xf32, #tpu.memory_space<hbm>>) dst(%dma_wait3A_80 : memref<128x128xf32, #tpu.memory_space<vmem>>)
      %rem3A_89 = arith.constant 4 : i32
      %rem3A_90 = arith.remsi %while3A_64, %rem3A_89 : i32
      %rem3A_91 = arith.constant 2 : i32
      %rem3A_92 = arith.remsi %while3A_64, %rem3A_91 : i32
      %rem3A_93 = arith.constant 2 : i32
      %rem3A_94 = arith.remsi %while3A_64, %rem3A_93 : i32
      %dma_start3A = arith.constant 1 : i32
      %dma_start3A_95 = arith.constant 0 : i32
      %dma_start3A_96 = arith.constant 0 : i32
      %dma_start3A_97 = tpu.memref_slice %arg7[%rem3A_92, %dma_start3A_95, %dma_start3A_96] : memref<2x128x128xf32, #tpu.memory_space<vmem>> -> memref<1x128x128xf32, #tpu.memory_space<vmem>>
      %dma_start3A_98 = tpu.memref_squeeze %dma_start3A_97 : memref<1x128x128xf32, #tpu.memory_space<vmem>> -> memref<128x128xf32, #tpu.memory_space<vmem>>
      %dma_start3A_99 = arith.constant 0 : i32
      %dma_start3A_100 = tpu.memref_slice %arg6[%rem3A_90, %dma_start3A, %dma_start3A_99] : memref<4x2x128xi32, #tpu.memory_space<vmem>> -> memref<1x1x128xi32, #tpu.memory_space<vmem>>
      %dma_start3A_101 = tpu.memref_squeeze %dma_start3A_100 : memref<1x1x128xi32, #tpu.memory_space<vmem>> -> memref<128xi32, #tpu.memory_space<vmem>>
      %dma_start3A_102 = arith.constant 0 : i32
      %dma_start3A_103 = arith.constant 0 : i32
      %dma_start3A_104 = tpu.memref_slice %arg8[%dma_start3A_102, %dma_start3A_103] : memref<2000x128xf32, #tpu.memory_space<vmem_shared>> -> memref<2000x128xf32, #tpu.memory_space<vmem_shared>>
      %dma_start3A_105 = tpu.memref_slice %arg11[%rem3A_94] : memref<2x!tpu.dma_semaphore, #tpu.memory_space<semaphore_mem>> -> memref<1x!tpu.dma_semaphore, #tpu.memory_space<semaphore_mem>>
      %dma_start3A_106 = tpu.memref_squeeze %dma_start3A_105 : memref<1x!tpu.dma_semaphore, #tpu.memory_space<semaphore_mem>> -> memref<!tpu.dma_semaphore, #tpu.memory_space<semaphore_mem>>
      tpu.enqueue_indirect_dma source(%dma_start3A_98 : memref<128x128xf32, #tpu.memory_space<vmem>>) target(%dma_start3A_104 : memref<2000x128xf32, #tpu.memory_space<vmem_shared>>) offsets(%dma_start3A_101 : memref<128xi32, #tpu.memory_space<vmem>>) semaphore(%dma_start3A_106 : memref<!tpu.dma_semaphore, #tpu.memory_space<semaphore_mem>>) {add = true}
      %add3A_107 = arith.constant 2 : i32
      %add3A_108 = arith.addi %while3A_64, %add3A_107 : i32
      %sub3A = arith.constant 1 : i32
      %sub3A_109 = arith.subi %add3A_108, %sub3A : i32
      %lt3A_110 = arith.cmpi slt, %sub3A_109, %add3A_4 : i32
      %convert_element_type3A_111 = arith.extui %lt3A_110 : i1 to i32
      %cond3A_112 = arith.constant 0 : i32
      %cond3A_113 = arith.cmpi ne, %convert_element_type3A_111, %cond3A_112 : i32
      scf.if %cond3A_113 {
        %add3A_115 = arith.constant 2 : i32
        %add3A_116 = arith.addi %while3A_64, %add3A_115 : i32
        %sub3A_117 = arith.constant 1 : i32
        %sub3A_118 = arith.subi %add3A_116, %sub3A_117 : i32
        %add3A_119 = arith.addi %add3A_8, %sub3A_118 : i32
        %mul3A_120 = arith.constant 128 : i32
        %mul3A_121 = arith.muli %add3A_119, %mul3A_120 : i32
        %rem3A_122 = arith.constant 4 : i32
        %rem3A_123 = arith.remsi %sub3A_118, %rem3A_122 : i32
        %rem3A_124 = arith.constant 4 : i32
        %rem3A_125 = arith.remsi %sub3A_118, %rem3A_124 : i32
        %dma_wait3A_126 = arith.constant 0 : i32
        %dma_wait3A_127 = arith.constant 0 : i32
        %dma_wait3A_128 = tpu.memref_slice %arg6[%rem3A_123, %dma_wait3A_126, %dma_wait3A_127] : memref<4x2x128xi32, #tpu.memory_space<vmem>> -> memref<1x2x128xi32, #tpu.memory_space<vmem>>
        %dma_wait3A_129 = tpu.memref_squeeze %dma_wait3A_128 : memref<1x2x128xi32, #tpu.memory_space<vmem>> -> memref<2x128xi32, #tpu.memory_space<vmem>>
        %dma_wait3A_130 = arith.constant 0 : i32
        %dma_wait3A_131 = tpu.memref_slice %arg3[%dma_wait3A_130, %mul3A_121] : memref<2x32000xi32, #tpu.memory_space<hbm>> -> memref<2x128xi32, #tpu.memory_space<hbm>>
        %dma_wait3A_132 = tpu.memref_slice %arg9[%rem3A_125] : memref<4x!tpu.dma_semaphore, #tpu.memory_space<semaphore_mem>> -> memref<1x!tpu.dma_semaphore, #tpu.memory_space<semaphore_mem>>
        %dma_wait3A_133 = tpu.memref_squeeze %dma_wait3A_132 : memref<1x!tpu.dma_semaphore, #tpu.memory_space<semaphore_mem>> -> memref<!tpu.dma_semaphore, #tpu.memory_space<semaphore_mem>>
        %dma_wait3A_134 = arith.constant 0 : i32
        %dma_wait3A_135 = arith.constant 0 : i32
        %dma_wait3A_136 = tpu.memref_slice %arg6[%rem3A_123, %dma_wait3A_134, %dma_wait3A_135] : memref<4x2x128xi32, #tpu.memory_space<vmem>> -> memref<1x2x128xi32, #tpu.memory_space<vmem>>
        %dma_wait3A_137 = tpu.memref_squeeze %dma_wait3A_136 : memref<1x2x128xi32, #tpu.memory_space<vmem>> -> memref<2x128xi32, #tpu.memory_space<vmem>>
        %dma_wait3A_138 = arith.constant 0 : i32
        %dma_wait3A_139 = tpu.memref_slice %arg3[%dma_wait3A_138, %mul3A_121] : memref<2x32000xi32, #tpu.memory_space<hbm>> -> memref<2x128xi32, #tpu.memory_space<hbm>>
        tpu.wait_dma2 semaphore(%dma_wait3A_133 : memref<!tpu.dma_semaphore, #tpu.memory_space<semaphore_mem>>) src(%dma_wait3A_139 : memref<2x128xi32, #tpu.memory_space<hbm>>) dst(%dma_wait3A_137 : memref<2x128xi32, #tpu.memory_space<vmem>>)
        %add3A_140 = arith.constant 2 : i32
        %add3A_141 = arith.addi %while3A_64, %add3A_140 : i32
        %sub3A_142 = arith.constant 1 : i32
        %sub3A_143 = arith.subi %add3A_141, %sub3A_142 : i32
        %ge3A_144 = arith.constant 2 : i32
        %ge3A_145 = arith.cmpi sge, %sub3A_143, %ge3A_144 : i32
        %convert_element_type3A_146 = arith.extui %ge3A_145 : i1 to i32
        %cond3A_147 = arith.constant 0 : i32
        %cond3A_148 = arith.cmpi ne, %convert_element_type3A_146, %cond3A_147 : i32
        scf.if %cond3A_148 {
          %add3A_172 = arith.constant 2 : i32
          %add3A_173 = arith.addi %while3A_64, %add3A_172 : i32
          %sub3A_174 = arith.constant 1 : i32
          %sub3A_175 = arith.subi %add3A_173, %sub3A_174 : i32
          %rem3A_176 = arith.constant 2 : i32
          %rem3A_177 = arith.remsi %sub3A_175, %rem3A_176 : i32
          %dma_wait3A_178 = arith.constant 0 : i32
          %dma_wait3A_179 = arith.constant 1 : i32
          %dma_wait3A_180 = arith.constant 0 : i32
          %dma_wait3A_181 = arith.constant 0 : i32
          %dma_wait3A_182 = tpu.memref_slice %arg7[%rem3A_177, %dma_wait3A_180, %dma_wait3A_181] : memref<2x128x128xf32, #tpu.memory_space<vmem>> -> memref<1x128x128xf32, #tpu.memory_space<vmem>>
          %dma_wait3A_183 = tpu.memref_squeeze %dma_wait3A_182 : memref<1x128x128xf32, #tpu.memory_space<vmem>> -> memref<128x128xf32, #tpu.memory_space<vmem>>
          %dma_wait3A_184 = arith.constant 0 : i32
          %dma_wait3A_185 = tpu.memref_slice %arg6[%dma_wait3A_178, %dma_wait3A_179, %dma_wait3A_184] : memref<4x2x128xi32, #tpu.memory_space<vmem>> -> memref<1x1x128xi32, #tpu.memory_space<vmem>>
          %dma_wait3A_186 = tpu.memref_squeeze %dma_wait3A_185 : memref<1x1x128xi32, #tpu.memory_space<vmem>> -> memref<128xi32, #tpu.memory_space<vmem>>
          %dma_wait3A_187 = arith.constant 0 : i32
          %dma_wait3A_188 = arith.constant 0 : i32
          %dma_wait3A_189 = tpu.memref_slice %arg8[%dma_wait3A_187, %dma_wait3A_188] : memref<2000x128xf32, #tpu.memory_space<vmem_shared>> -> memref<2000x128xf32, #tpu.memory_space<vmem_shared>>
          %dma_wait3A_190 = tpu.memref_slice %arg11[%rem3A_177] : memref<2x!tpu.dma_semaphore, #tpu.memory_space<semaphore_mem>> -> memref<1x!tpu.dma_semaphore, #tpu.memory_space<semaphore_mem>>
          %dma_wait3A_191 = tpu.memref_squeeze %dma_wait3A_190 : memref<1x!tpu.dma_semaphore, #tpu.memory_space<semaphore_mem>> -> memref<!tpu.dma_semaphore, #tpu.memory_space<semaphore_mem>>
          tpu.wait_indirect_dma semaphore(%dma_wait3A_191 : memref<!tpu.dma_semaphore, #tpu.memory_space<semaphore_mem>>) src(%dma_wait3A_183 : memref<128x128xf32, #tpu.memory_space<vmem>>) dst(%dma_wait3A_189 : memref<2000x128xf32, #tpu.memory_space<vmem_shared>>)
        } else {
        }
        %add3A_149 = arith.constant 2 : i32
        %add3A_150 = arith.addi %while3A_64, %add3A_149 : i32
        %sub3A_151 = arith.constant 1 : i32
        %sub3A_152 = arith.subi %add3A_150, %sub3A_151 : i32
        %rem3A_153 = arith.constant 4 : i32
        %rem3A_154 = arith.remsi %sub3A_152, %rem3A_153 : i32
        %rem3A_155 = arith.constant 2 : i32
        %rem3A_156 = arith.remsi %sub3A_152, %rem3A_155 : i32
        %rem3A_157 = arith.constant 2 : i32
        %rem3A_158 = arith.remsi %sub3A_152, %rem3A_157 : i32
        %dma_start3A_159 = arith.constant 0 : i32
        %dma_start3A_160 = arith.constant 0 : i32
        %dma_start3A_161 = arith.constant 0 : i32
        %dma_start3A_162 = tpu.memref_slice %arg7[%rem3A_156, %dma_start3A_160, %dma_start3A_161] : memref<2x128x128xf32, #tpu.memory_space<vmem>> -> memref<1x128x128xf32, #tpu.memory_space<vmem>>
        %dma_start3A_163 = tpu.memref_squeeze %dma_start3A_162 : memref<1x128x128xf32, #tpu.memory_space<vmem>> -> memref<128x128xf32, #tpu.memory_space<vmem>>
        %dma_start3A_164 = arith.constant 0 : i32
        %dma_start3A_165 = tpu.memref_slice %arg6[%rem3A_154, %dma_start3A_159, %dma_start3A_164] : memref<4x2x128xi32, #tpu.memory_space<vmem>> -> memref<1x1x128xi32, #tpu.memory_space<vmem>>
        %dma_start3A_166 = tpu.memref_squeeze %dma_start3A_165 : memref<1x1x128xi32, #tpu.memory_space<vmem>> -> memref<128xi32, #tpu.memory_space<vmem>>
        %dma_start3A_167 = arith.constant 0 : i32
        %dma_start3A_168 = arith.constant 0 : i32
        %dma_start3A_169 = tpu.memref_slice %arg2[%dma_start3A_167, %dma_start3A_168] : memref<2000x128xf32, #tpu.memory_space<hbm>> -> memref<2000x128xf32, #tpu.memory_space<hbm>>
        %dma_start3A_170 = tpu.memref_slice %arg10[%rem3A_158] : memref<2x!tpu.dma_semaphore, #tpu.memory_space<semaphore_mem>> -> memref<1x!tpu.dma_semaphore, #tpu.memory_space<semaphore_mem>>
        %dma_start3A_171 = tpu.memref_squeeze %dma_start3A_170 : memref<1x!tpu.dma_semaphore, #tpu.memory_space<semaphore_mem>> -> memref<!tpu.dma_semaphore, #tpu.memory_space<semaphore_mem>>
        tpu.enqueue_indirect_dma source(%dma_start3A_169 : memref<2000x128xf32, #tpu.memory_space<hbm>>) target(%dma_start3A_163 : memref<128x128xf32, #tpu.memory_space<vmem>>) offsets(%dma_start3A_166 : memref<128xi32, #tpu.memory_space<vmem>>) semaphore(%dma_start3A_171 : memref<!tpu.dma_semaphore, #tpu.memory_space<semaphore_mem>>)
      } else {
      }
      %while3A_114 = arith.constant 0 : i32
      scf.yield %while3A_114 : i32
    }
    %ge3A = arith.constant 1 : i32
    %ge3A_44 = arith.cmpi sge, %add3A_4, %ge3A : i32
    %convert_element_type3A_45 = arith.extui %ge3A_44 : i1 to i32
    %cond3A_46 = arith.constant 0 : i32
    %cond3A_47 = arith.cmpi ne, %convert_element_type3A_45, %cond3A_46 : i32
    scf.if %cond3A_47 {
      %sub3A = arith.constant 1 : i32
      %sub3A_64 = arith.subi %add3A_4, %sub3A : i32
      %add3A_65 = arith.constant 4 : i32
      %add3A_66 = arith.addi %sub3A_64, %add3A_65 : i32
      %rem3A = arith.constant 2 : i32
      %rem3A_67 = arith.remsi %add3A_66, %rem3A : i32
      %dma_wait3A = arith.constant 0 : i32
      %dma_wait3A_68 = arith.constant 1 : i32
      %dma_wait3A_69 = arith.constant 0 : i32
      %dma_wait3A_70 = arith.constant 0 : i32
      %dma_wait3A_71 = tpu.memref_slice %arg7[%rem3A_67, %dma_wait3A_69, %dma_wait3A_70] : memref<2x128x128xf32, #tpu.memory_space<vmem>> -> memref<1x128x128xf32, #tpu.memory_space<vmem>>
      %dma_wait3A_72 = tpu.memref_squeeze %dma_wait3A_71 : memref<1x128x128xf32, #tpu.memory_space<vmem>> -> memref<128x128xf32, #tpu.memory_space<vmem>>
      %dma_wait3A_73 = arith.constant 0 : i32
      %dma_wait3A_74 = tpu.memref_slice %arg6[%dma_wait3A, %dma_wait3A_68, %dma_wait3A_73] : memref<4x2x128xi32, #tpu.memory_space<vmem>> -> memref<1x1x128xi32, #tpu.memory_space<vmem>>
      %dma_wait3A_75 = tpu.memref_squeeze %dma_wait3A_74 : memref<1x1x128xi32, #tpu.memory_space<vmem>> -> memref<128xi32, #tpu.memory_space<vmem>>
      %dma_wait3A_76 = arith.constant 0 : i32
      %dma_wait3A_77 = arith.constant 0 : i32
      %dma_wait3A_78 = tpu.memref_slice %arg8[%dma_wait3A_76, %dma_wait3A_77] : memref<2000x128xf32, #tpu.memory_space<vmem_shared>> -> memref<2000x128xf32, #tpu.memory_space<vmem_shared>>
      %dma_wait3A_79 = tpu.memref_slice %arg11[%rem3A_67] : memref<2x!tpu.dma_semaphore, #tpu.memory_space<semaphore_mem>> -> memref<1x!tpu.dma_semaphore, #tpu.memory_space<semaphore_mem>>
      %dma_wait3A_80 = tpu.memref_squeeze %dma_wait3A_79 : memref<1x!tpu.dma_semaphore, #tpu.memory_space<semaphore_mem>> -> memref<!tpu.dma_semaphore, #tpu.memory_space<semaphore_mem>>
      tpu.wait_indirect_dma semaphore(%dma_wait3A_80 : memref<!tpu.dma_semaphore, #tpu.memory_space<semaphore_mem>>) src(%dma_wait3A_72 : memref<128x128xf32, #tpu.memory_space<vmem>>) dst(%dma_wait3A_78 : memref<2000x128xf32, #tpu.memory_space<vmem_shared>>)
    } else {
    }
    %ge3A_48 = arith.constant 2 : i32
    %ge3A_49 = arith.cmpi sge, %add3A_4, %ge3A_48 : i32
    %convert_element_type3A_50 = arith.extui %ge3A_49 : i1 to i32
    %cond3A_51 = arith.constant 0 : i32
    %cond3A_52 = arith.cmpi ne, %convert_element_type3A_50, %cond3A_51 : i32
    scf.if %cond3A_52 {
      %sub3A = arith.constant 2 : i32
      %sub3A_64 = arith.subi %add3A_4, %sub3A : i32
      %add3A_65 = arith.constant 4 : i32
      %add3A_66 = arith.addi %sub3A_64, %add3A_65 : i32
      %rem3A = arith.constant 2 : i32
      %rem3A_67 = arith.remsi %add3A_66, %rem3A : i32
      %dma_wait3A = arith.constant 0 : i32
      %dma_wait3A_68 = arith.constant 1 : i32
      %dma_wait3A_69 = arith.constant 0 : i32
      %dma_wait3A_70 = arith.constant 0 : i32
      %dma_wait3A_71 = tpu.memref_slice %arg7[%rem3A_67, %dma_wait3A_69, %dma_wait3A_70] : memref<2x128x128xf32, #tpu.memory_space<vmem>> -> memref<1x128x128xf32, #tpu.memory_space<vmem>>
      %dma_wait3A_72 = tpu.memref_squeeze %dma_wait3A_71 : memref<1x128x128xf32, #tpu.memory_space<vmem>> -> memref<128x128xf32, #tpu.memory_space<vmem>>
      %dma_wait3A_73 = arith.constant 0 : i32
      %dma_wait3A_74 = tpu.memref_slice %arg6[%dma_wait3A, %dma_wait3A_68, %dma_wait3A_73] : memref<4x2x128xi32, #tpu.memory_space<vmem>> -> memref<1x1x128xi32, #tpu.memory_space<vmem>>
      %dma_wait3A_75 = tpu.memref_squeeze %dma_wait3A_74 : memref<1x1x128xi32, #tpu.memory_space<vmem>> -> memref<128xi32, #tpu.memory_space<vmem>>
      %dma_wait3A_76 = arith.constant 0 : i32
      %dma_wait3A_77 = arith.constant 0 : i32
      %dma_wait3A_78 = tpu.memref_slice %arg8[%dma_wait3A_76, %dma_wait3A_77] : memref<2000x128xf32, #tpu.memory_space<vmem_shared>> -> memref<2000x128xf32, #tpu.memory_space<vmem_shared>>
      %dma_wait3A_79 = tpu.memref_slice %arg11[%rem3A_67] : memref<2x!tpu.dma_semaphore, #tpu.memory_space<semaphore_mem>> -> memref<1x!tpu.dma_semaphore, #tpu.memory_space<semaphore_mem>>
      %dma_wait3A_80 = tpu.memref_squeeze %dma_wait3A_79 : memref<1x!tpu.dma_semaphore, #tpu.memory_space<semaphore_mem>> -> memref<!tpu.dma_semaphore, #tpu.memory_space<semaphore_mem>>
      tpu.wait_indirect_dma semaphore(%dma_wait3A_80 : memref<!tpu.dma_semaphore, #tpu.memory_space<semaphore_mem>>) src(%dma_wait3A_72 : memref<128x128xf32, #tpu.memory_space<vmem>>) dst(%dma_wait3A_78 : memref<2000x128xf32, #tpu.memory_space<vmem_shared>>)
    } else {
    }
    %barrier3A_53 = arith.constant 0 : index
    tpu.barrier barrier_id(%barrier3A_53)
    %lt3A_54 = arith.constant 15 : i32
    %lt3A_55 = arith.cmpi slt, %arg1, %lt3A_54 : i32
    %convert_element_type3A_56 = arith.extui %lt3A_55 : i1 to i32
    %cond3A_57 = arith.constant 0 : i32
    %cond3A_58 = arith.cmpi ne, %convert_element_type3A_56, %cond3A_57 : i32
    scf.if %cond3A_58 {
      "tpu.region"() ({
        %run_scoped3A = tpu.sem_alloc : memref<!tpu.dma_semaphore, #tpu.memory_space<semaphore_mem>>
        %dma_start3A = arith.constant 0 : i32
        %dma_start3A_64 = tpu.memref_slice %arg5[%arg0, %mul3A_10, %dma_start3A] : memref<2x2000x128xf32, #tpu.memory_space<hbm>> -> memref<1x128x128xf32, #tpu.memory_space<hbm>>
        %dma_start3A_65 = tpu.memref_squeeze %dma_start3A_64 : memref<1x128x128xf32, #tpu.memory_space<hbm>> -> memref<128x128xf32, #tpu.memory_space<hbm>>
        %dma_start3A_66 = arith.constant 0 : i32
        %dma_start3A_67 = tpu.memref_slice %arg8[%mul3A_10, %dma_start3A_66] : memref<2000x128xf32, #tpu.memory_space<vmem_shared>> -> memref<128x128xf32, #tpu.memory_space<vmem_shared>>
        tpu.enqueue_dma source(%dma_start3A_67 : memref<128x128xf32, #tpu.memory_space<vmem_shared>>) target(%dma_start3A_65 : memref<128x128xf32, #tpu.memory_space<hbm>>) target_semaphore(%run_scoped3A : memref<!tpu.dma_semaphore, #tpu.memory_space<semaphore_mem>>)
        %dma_wait3A = arith.constant 0 : i32
        %dma_wait3A_68 = tpu.memref_slice %arg5[%arg0, %mul3A_10, %dma_wait3A] : memref<2x2000x128xf32, #tpu.memory_space<hbm>> -> memref<1x128x128xf32, #tpu.memory_space<hbm>>
        %dma_wait3A_69 = tpu.memref_squeeze %dma_wait3A_68 : memref<1x128x128xf32, #tpu.memory_space<hbm>> -> memref<128x128xf32, #tpu.memory_space<hbm>>
        %dma_wait3A_70 = arith.constant 0 : i32
        %dma_wait3A_71 = tpu.memref_slice %arg8[%mul3A_10, %dma_wait3A_70] : memref<2000x128xf32, #tpu.memory_space<vmem_shared>> -> memref<128x128xf32, #tpu.memory_space<vmem_shared>>
        tpu.wait_dma2 semaphore(%run_scoped3A : memref<!tpu.dma_semaphore, #tpu.memory_space<semaphore_mem>>) src(%dma_wait3A_71 : memref<128x128xf32, #tpu.memory_space<vmem_shared>>) dst(%dma_wait3A_69 : memref<128x128xf32, #tpu.memory_space<hbm>>)
        tpu.yield
      }) : () -> ()
    } else {
    }
    %eq3A_59 = arith.constant 15 : i32
    %eq3A_60 = arith.cmpi eq, %arg1, %eq3A_59 : i32
    %convert_element_type3A_61 = arith.extui %eq3A_60 : i1 to i32
    %cond3A_62 = arith.constant 0 : i32
    %cond3A_63 = arith.cmpi ne, %convert_element_type3A_61, %cond3A_62 : i32
    scf.if %cond3A_63 {
      "tpu.region"() ({
        %run_scoped3A = tpu.sem_alloc : memref<!tpu.dma_semaphore, #tpu.memory_space<semaphore_mem>>
        %dma_start3A = arith.constant 0 : i32
        %dma_start3A_64 = tpu.memref_slice %arg5[%arg0, %mul3A_10, %dma_start3A] : memref<2x2000x128xf32, #tpu.memory_space<hbm>> -> memref<1x80x128xf32, #tpu.memory_space<hbm>>
        %dma_start3A_65 = tpu.memref_squeeze %dma_start3A_64 : memref<1x80x128xf32, #tpu.memory_space<hbm>> -> memref<80x128xf32, #tpu.memory_space<hbm>>
        %dma_start3A_66 = arith.constant 0 : i32
        %dma_start3A_67 = tpu.memref_slice %arg8[%mul3A_10, %dma_start3A_66] : memref<2000x128xf32, #tpu.memory_space<vmem_shared>> -> memref<80x128xf32, #tpu.memory_space<vmem_shared>>
        tpu.enqueue_dma source(%dma_start3A_67 : memref<80x128xf32, #tpu.memory_space<vmem_shared>>) target(%dma_start3A_65 : memref<80x128xf32, #tpu.memory_space<hbm>>) target_semaphore(%run_scoped3A : memref<!tpu.dma_semaphore, #tpu.memory_space<semaphore_mem>>)
        %dma_wait3A = arith.constant 0 : i32
        %dma_wait3A_68 = tpu.memref_slice %arg5[%arg0, %mul3A_10, %dma_wait3A] : memref<2x2000x128xf32, #tpu.memory_space<hbm>> -> memref<1x80x128xf32, #tpu.memory_space<hbm>>
        %dma_wait3A_69 = tpu.memref_squeeze %dma_wait3A_68 : memref<1x80x128xf32, #tpu.memory_space<hbm>> -> memref<80x128xf32, #tpu.memory_space<hbm>>
        %dma_wait3A_70 = arith.constant 0 : i32
        %dma_wait3A_71 = tpu.memref_slice %arg8[%mul3A_10, %dma_wait3A_70] : memref<2000x128xf32, #tpu.memory_space<vmem_shared>> -> memref<80x128xf32, #tpu.memory_space<vmem_shared>>
        tpu.wait_dma2 semaphore(%run_scoped3A : memref<!tpu.dma_semaphore, #tpu.memory_space<semaphore_mem>>) src(%dma_wait3A_71 : memref<80x128xf32, #tpu.memory_space<vmem_shared>>) dst(%dma_wait3A_69 : memref<80x128xf32, #tpu.memory_space<hbm>>)
        tpu.yield
      }) : () -> ()
    } else {
    }
    return
  }
}

#map = affine_map<(d0, d1) -> (0, 0)>
#map1 = affine_map<(d0, d1) -> (0)>
#map2 = affine_map<(d0, d1) -> (0, 0, 0)>
module attributes {stable_mosaic.version = 14 : i64} {
  func.func @k(%arg0: i32, %arg1: i32, %arg2: memref<10000x128xf32, #tpu.memory_space<hbm>>, %arg3: memref<2x320000xi32, #tpu.memory_space<hbm>>, %arg4: memref<10000x128xf32, #tpu.memory_space<hbm>>, %arg5: memref<10000xf32, #tpu.memory_space<hbm>>, %arg6: memref<2x10000x128xf32, #tpu.memory_space<hbm>>, %arg7: memref<320000xf32, #tpu.memory_space<hbm>>, %arg8: memref<4x2x128xi32, #tpu.memory_space<vmem>>, %arg9: memref<2x128x128xf32, #tpu.memory_space<vmem>>, %arg10: memref<10000x128xf32, #tpu.memory_space<vmem_shared>>, %arg11: memref<4x!tpu.dma_semaphore, #tpu.memory_space<semaphore_mem>>, %arg12: memref<2x!tpu.dma_semaphore, #tpu.memory_space<semaphore_mem>>, %arg13: memref<2x!tpu.dma_semaphore, #tpu.memory_space<semaphore_mem>>, %arg14: memref<10000xf32, #tpu.memory_space<vmem>>) attributes {dimension_semantics = [#tpu.dimension_semantics<core_parallel>, #tpu.dimension_semantics<subcore_parallel>], iteration_bounds = array<i64: 2, 16>, scalar_prefetch = 0 : i64, scratch_operands = 7 : i64, tpu.core_type = #tpu.core_type<sc_vector_subcore>, window_params = [{transform_indices = #map}, {transform_indices = #map}, {transform_indices = #map}, {transform_indices = #map1}, {transform_indices = #map2}, {transform_indices = #map1}]} {
    %mul3A = arith.constant 2 : i32
    %mul3A_0 = arith.muli %arg1, %mul3A : i32
    %add3A = arith.addi %mul3A_0, %arg0 : i32
    %lt3A = arith.constant 4 : i32
    %lt3A_1 = arith.cmpi slt, %add3A, %lt3A : i32
    %jit3A = arith.constant 1 : i32
    %jit3A_2 = arith.constant 0 : i32
    %select_n3A = arith.select %lt3A_1, %jit3A, %jit3A_2 : i32
    %add3A_3 = arith.constant 78 : i32
    %add3A_4 = arith.addi %add3A_3, %select_n3A : i32
    %mul3A_5 = arith.constant 78 : i32
    %mul3A_6 = arith.muli %add3A, %mul3A_5 : i32
    %min3A = arith.constant 4 : i32
    %min3A_7 = arith.minsi %add3A, %min3A : i32
    %add3A_8 = arith.addi %mul3A_6, %min3A_7 : i32
    "tpu.region"() ({
      %run_scoped3A = tpu.sem_alloc : memref<!tpu.dma_semaphore, #tpu.memory_space<semaphore_mem>>
      tpu.enqueue_dma source(%arg5 : memref<10000xf32, #tpu.memory_space<hbm>>) target(%arg14 : memref<10000xf32, #tpu.memory_space<vmem>>) target_semaphore(%run_scoped3A : memref<!tpu.dma_semaphore, #tpu.memory_space<semaphore_mem>>)
      tpu.wait_dma2 semaphore(%run_scoped3A : memref<!tpu.dma_semaphore, #tpu.memory_space<semaphore_mem>>) src(%arg5 : memref<10000xf32, #tpu.memory_space<hbm>>) dst(%arg14 : memref<10000xf32, #tpu.memory_space<vmem>>)
      tpu.yield
    }) : () -> ()
    %mul3A_9 = arith.constant 632 : i32
    %mul3A_10 = arith.muli %arg1, %mul3A_9 : i32
    %lt3A_11 = arith.constant 15 : i32
    %lt3A_12 = arith.cmpi slt, %arg1, %lt3A_11 : i32
    %convert_element_type3A = arith.extui %lt3A_12 : i1 to i32
    %cond3A = arith.constant 0 : i32
    %cond3A_13 = arith.cmpi ne, %convert_element_type3A, %cond3A : i32
    scf.if %cond3A_13 {
      "tpu.region"() ({
        %run_scoped3A = tpu.sem_alloc : memref<!tpu.dma_semaphore, #tpu.memory_space<semaphore_mem>>
        %dma_start3A = arith.constant 0 : i32
        %dma_start3A_66 = tpu.memref_slice %arg10[%mul3A_10, %dma_start3A] : memref<10000x128xf32, #tpu.memory_space<vmem_shared>> -> memref<632x128xf32, #tpu.memory_space<vmem_shared>>
        %dma_start3A_67 = arith.constant 0 : i32
        %dma_start3A_68 = tpu.memref_slice %arg4[%mul3A_10, %dma_start3A_67] : memref<10000x128xf32, #tpu.memory_space<hbm>> -> memref<632x128xf32, #tpu.memory_space<hbm>>
        tpu.enqueue_dma source(%dma_start3A_68 : memref<632x128xf32, #tpu.memory_space<hbm>>) target(%dma_start3A_66 : memref<632x128xf32, #tpu.memory_space<vmem_shared>>) target_semaphore(%run_scoped3A : memref<!tpu.dma_semaphore, #tpu.memory_space<semaphore_mem>>)
        %dma_wait3A = arith.constant 0 : i32
        %dma_wait3A_69 = tpu.memref_slice %arg10[%mul3A_10, %dma_wait3A] : memref<10000x128xf32, #tpu.memory_space<vmem_shared>> -> memref<632x128xf32, #tpu.memory_space<vmem_shared>>
        %dma_wait3A_70 = arith.constant 0 : i32
        %dma_wait3A_71 = tpu.memref_slice %arg4[%mul3A_10, %dma_wait3A_70] : memref<10000x128xf32, #tpu.memory_space<hbm>> -> memref<632x128xf32, #tpu.memory_space<hbm>>
        tpu.wait_dma2 semaphore(%run_scoped3A : memref<!tpu.dma_semaphore, #tpu.memory_space<semaphore_mem>>) src(%dma_wait3A_71 : memref<632x128xf32, #tpu.memory_space<hbm>>) dst(%dma_wait3A_69 : memref<632x128xf32, #tpu.memory_space<vmem_shared>>)
        tpu.yield
      }) : () -> ()
    } else {
    }
    %eq3A = arith.constant 15 : i32
    %eq3A_14 = arith.cmpi eq, %arg1, %eq3A : i32
    %convert_element_type3A_15 = arith.extui %eq3A_14 : i1 to i32
    %cond3A_16 = arith.constant 0 : i32
    %cond3A_17 = arith.cmpi ne, %convert_element_type3A_15, %cond3A_16 : i32
    scf.if %cond3A_17 {
      "tpu.region"() ({
        %run_scoped3A = tpu.sem_alloc : memref<!tpu.dma_semaphore, #tpu.memory_space<semaphore_mem>>
        %dma_start3A = arith.constant 0 : i32
        %dma_start3A_66 = tpu.memref_slice %arg10[%mul3A_10, %dma_start3A] : memref<10000x128xf32, #tpu.memory_space<vmem_shared>> -> memref<520x128xf32, #tpu.memory_space<vmem_shared>>
        %dma_start3A_67 = arith.constant 0 : i32
        %dma_start3A_68 = tpu.memref_slice %arg4[%mul3A_10, %dma_start3A_67] : memref<10000x128xf32, #tpu.memory_space<hbm>> -> memref<520x128xf32, #tpu.memory_space<hbm>>
        tpu.enqueue_dma source(%dma_start3A_68 : memref<520x128xf32, #tpu.memory_space<hbm>>) target(%dma_start3A_66 : memref<520x128xf32, #tpu.memory_space<vmem_shared>>) target_semaphore(%run_scoped3A : memref<!tpu.dma_semaphore, #tpu.memory_space<semaphore_mem>>)
        %dma_wait3A = arith.constant 0 : i32
        %dma_wait3A_69 = tpu.memref_slice %arg10[%mul3A_10, %dma_wait3A] : memref<10000x128xf32, #tpu.memory_space<vmem_shared>> -> memref<520x128xf32, #tpu.memory_space<vmem_shared>>
        %dma_wait3A_70 = arith.constant 0 : i32
        %dma_wait3A_71 = tpu.memref_slice %arg4[%mul3A_10, %dma_wait3A_70] : memref<10000x128xf32, #tpu.memory_space<hbm>> -> memref<520x128xf32, #tpu.memory_space<hbm>>
        tpu.wait_dma2 semaphore(%run_scoped3A : memref<!tpu.dma_semaphore, #tpu.memory_space<semaphore_mem>>) src(%dma_wait3A_71 : memref<520x128xf32, #tpu.memory_space<hbm>>) dst(%dma_wait3A_69 : memref<520x128xf32, #tpu.memory_space<vmem_shared>>)
        tpu.yield
      }) : () -> ()
    } else {
    }
    %barrier3A = arith.constant 0 : index
    tpu.barrier barrier_id(%barrier3A)
    %broadcast_in_dim3A = arith.constant 1.000000e+00 : f32
    %broadcast_in_dim3A_18 = vector.broadcast %broadcast_in_dim3A : f32 to vector<16xf32>
    %gt3A = arith.constant 0 : i32
    %gt3A_19 = arith.cmpi sgt, %add3A_4, %gt3A : i32
    %convert_element_type3A_20 = arith.extui %gt3A_19 : i1 to i32
    %cond3A_21 = arith.constant 0 : i32
    %cond3A_22 = arith.cmpi ne, %convert_element_type3A_20, %cond3A_21 : i32
    scf.if %cond3A_22 {
      %add3A_66 = arith.constant 0 : i32
      %add3A_67 = arith.addi %add3A_8, %add3A_66 : i32
      %mul3A_68 = arith.constant 128 : i32
      %mul3A_69 = arith.muli %add3A_67, %mul3A_68 : i32
      %rem3A = arith.constant 0 : i32
      %rem3A_70 = arith.constant 4 : i32
      %rem3A_71 = arith.remsi %rem3A, %rem3A_70 : i32
      %rem3A_72 = arith.constant 0 : i32
      %rem3A_73 = arith.constant 4 : i32
      %rem3A_74 = arith.remsi %rem3A_72, %rem3A_73 : i32
      %dma_start3A = arith.constant 0 : i32
      %dma_start3A_75 = arith.constant 0 : i32
      %dma_start3A_76 = tpu.memref_slice %arg8[%rem3A_71, %dma_start3A, %dma_start3A_75] : memref<4x2x128xi32, #tpu.memory_space<vmem>> -> memref<1x2x128xi32, #tpu.memory_space<vmem>>
      %dma_start3A_77 = tpu.memref_squeeze %dma_start3A_76 : memref<1x2x128xi32, #tpu.memory_space<vmem>> -> memref<2x128xi32, #tpu.memory_space<vmem>>
      %dma_start3A_78 = arith.constant 0 : i32
      %dma_start3A_79 = tpu.memref_slice %arg3[%dma_start3A_78, %mul3A_69] : memref<2x320000xi32, #tpu.memory_space<hbm>> -> memref<2x128xi32, #tpu.memory_space<hbm>>
      %dma_start3A_80 = tpu.memref_slice %arg11[%rem3A_74] : memref<4x!tpu.dma_semaphore, #tpu.memory_space<semaphore_mem>> -> memref<1x!tpu.dma_semaphore, #tpu.memory_space<semaphore_mem>>
      %dma_start3A_81 = tpu.memref_squeeze %dma_start3A_80 : memref<1x!tpu.dma_semaphore, #tpu.memory_space<semaphore_mem>> -> memref<!tpu.dma_semaphore, #tpu.memory_space<semaphore_mem>>
      %dma_start3A_82 = arith.constant 0 : i32
      %dma_start3A_83 = arith.constant 0 : i32
      %dma_start3A_84 = tpu.memref_slice %arg8[%rem3A_71, %dma_start3A_82, %dma_start3A_83] : memref<4x2x128xi32, #tpu.memory_space<vmem>> -> memref<1x2x128xi32, #tpu.memory_space<vmem>>
      %dma_start3A_85 = tpu.memref_squeeze %dma_start3A_84 : memref<1x2x128xi32, #tpu.memory_space<vmem>> -> memref<2x128xi32, #tpu.memory_space<vmem>>
      %dma_start3A_86 = arith.constant 0 : i32
      %dma_start3A_87 = tpu.memref_slice %arg3[%dma_start3A_86, %mul3A_69] : memref<2x320000xi32, #tpu.memory_space<hbm>> -> memref<2x128xi32, #tpu.memory_space<hbm>>
      tpu.enqueue_dma source(%dma_start3A_87 : memref<2x128xi32, #tpu.memory_space<hbm>>) target(%dma_start3A_85 : memref<2x128xi32, #tpu.memory_space<vmem>>) target_semaphore(%dma_start3A_81 : memref<!tpu.dma_semaphore, #tpu.memory_space<semaphore_mem>>)
    } else {
    }
    %gt3A_23 = arith.constant 1 : i32
    %gt3A_24 = arith.cmpi sgt, %add3A_4, %gt3A_23 : i32
    %convert_element_type3A_25 = arith.extui %gt3A_24 : i1 to i32
    %cond3A_26 = arith.constant 0 : i32
    %cond3A_27 = arith.cmpi ne, %convert_element_type3A_25, %cond3A_26 : i32
    scf.if %cond3A_27 {
      %add3A_66 = arith.constant 1 : i32
      %add3A_67 = arith.addi %add3A_8, %add3A_66 : i32
      %mul3A_68 = arith.constant 128 : i32
      %mul3A_69 = arith.muli %add3A_67, %mul3A_68 : i32
      %rem3A = arith.constant 1 : i32
      %rem3A_70 = arith.constant 4 : i32
      %rem3A_71 = arith.remsi %rem3A, %rem3A_70 : i32
      %rem3A_72 = arith.constant 1 : i32
      %rem3A_73 = arith.constant 4 : i32
      %rem3A_74 = arith.remsi %rem3A_72, %rem3A_73 : i32
      %dma_start3A = arith.constant 0 : i32
      %dma_start3A_75 = arith.constant 0 : i32
      %dma_start3A_76 = tpu.memref_slice %arg8[%rem3A_71, %dma_start3A, %dma_start3A_75] : memref<4x2x128xi32, #tpu.memory_space<vmem>> -> memref<1x2x128xi32, #tpu.memory_space<vmem>>
      %dma_start3A_77 = tpu.memref_squeeze %dma_start3A_76 : memref<1x2x128xi32, #tpu.memory_space<vmem>> -> memref<2x128xi32, #tpu.memory_space<vmem>>
      %dma_start3A_78 = arith.constant 0 : i32
      %dma_start3A_79 = tpu.memref_slice %arg3[%dma_start3A_78, %mul3A_69] : memref<2x320000xi32, #tpu.memory_space<hbm>> -> memref<2x128xi32, #tpu.memory_space<hbm>>
      %dma_start3A_80 = tpu.memref_slice %arg11[%rem3A_74] : memref<4x!tpu.dma_semaphore, #tpu.memory_space<semaphore_mem>> -> memref<1x!tpu.dma_semaphore, #tpu.memory_space<semaphore_mem>>
      %dma_start3A_81 = tpu.memref_squeeze %dma_start3A_80 : memref<1x!tpu.dma_semaphore, #tpu.memory_space<semaphore_mem>> -> memref<!tpu.dma_semaphore, #tpu.memory_space<semaphore_mem>>
      %dma_start3A_82 = arith.constant 0 : i32
      %dma_start3A_83 = arith.constant 0 : i32
      %dma_start3A_84 = tpu.memref_slice %arg8[%rem3A_71, %dma_start3A_82, %dma_start3A_83] : memref<4x2x128xi32, #tpu.memory_space<vmem>> -> memref<1x2x128xi32, #tpu.memory_space<vmem>>
      %dma_start3A_85 = tpu.memref_squeeze %dma_start3A_84 : memref<1x2x128xi32, #tpu.memory_space<vmem>> -> memref<2x128xi32, #tpu.memory_space<vmem>>
      %dma_start3A_86 = arith.constant 0 : i32
      %dma_start3A_87 = tpu.memref_slice %arg3[%dma_start3A_86, %mul3A_69] : memref<2x320000xi32, #tpu.memory_space<hbm>> -> memref<2x128xi32, #tpu.memory_space<hbm>>
      tpu.enqueue_dma source(%dma_start3A_87 : memref<2x128xi32, #tpu.memory_space<hbm>>) target(%dma_start3A_85 : memref<2x128xi32, #tpu.memory_space<vmem>>) target_semaphore(%dma_start3A_81 : memref<!tpu.dma_semaphore, #tpu.memory_space<semaphore_mem>>)
    } else {
    }
    %gt3A_28 = arith.constant 0 : i32
    %gt3A_29 = arith.cmpi sgt, %add3A_4, %gt3A_28 : i32
    %convert_element_type3A_30 = arith.extui %gt3A_29 : i1 to i32
    %cond3A_31 = arith.constant 0 : i32
    %cond3A_32 = arith.cmpi ne, %convert_element_type3A_30, %cond3A_31 : i32
    scf.if %cond3A_32 {
      %add3A_66 = arith.constant 0 : i32
      %add3A_67 = arith.addi %add3A_8, %add3A_66 : i32
      %mul3A_68 = arith.constant 128 : i32
      %mul3A_69 = arith.muli %add3A_67, %mul3A_68 : i32
      %rem3A = arith.constant 0 : i32
      %rem3A_70 = arith.constant 4 : i32
      %rem3A_71 = arith.remsi %rem3A, %rem3A_70 : i32
      %rem3A_72 = arith.constant 0 : i32
      %rem3A_73 = arith.constant 4 : i32
      %rem3A_74 = arith.remsi %rem3A_72, %rem3A_73 : i32
      %dma_wait3A = arith.constant 0 : i32
      %dma_wait3A_75 = arith.constant 0 : i32
      %dma_wait3A_76 = tpu.memref_slice %arg8[%rem3A_71, %dma_wait3A, %dma_wait3A_75] : memref<4x2x128xi32, #tpu.memory_space<vmem>> -> memref<1x2x128xi32, #tpu.memory_space<vmem>>
      %dma_wait3A_77 = tpu.memref_squeeze %dma_wait3A_76 : memref<1x2x128xi32, #tpu.memory_space<vmem>> -> memref<2x128xi32, #tpu.memory_space<vmem>>
      %dma_wait3A_78 = arith.constant 0 : i32
      %dma_wait3A_79 = tpu.memref_slice %arg3[%dma_wait3A_78, %mul3A_69] : memref<2x320000xi32, #tpu.memory_space<hbm>> -> memref<2x128xi32, #tpu.memory_space<hbm>>
      %dma_wait3A_80 = tpu.memref_slice %arg11[%rem3A_74] : memref<4x!tpu.dma_semaphore, #tpu.memory_space<semaphore_mem>> -> memref<1x!tpu.dma_semaphore, #tpu.memory_space<semaphore_mem>>
      %dma_wait3A_81 = tpu.memref_squeeze %dma_wait3A_80 : memref<1x!tpu.dma_semaphore, #tpu.memory_space<semaphore_mem>> -> memref<!tpu.dma_semaphore, #tpu.memory_space<semaphore_mem>>
      %dma_wait3A_82 = arith.constant 0 : i32
      %dma_wait3A_83 = arith.constant 0 : i32
      %dma_wait3A_84 = tpu.memref_slice %arg8[%rem3A_71, %dma_wait3A_82, %dma_wait3A_83] : memref<4x2x128xi32, #tpu.memory_space<vmem>> -> memref<1x2x128xi32, #tpu.memory_space<vmem>>
      %dma_wait3A_85 = tpu.memref_squeeze %dma_wait3A_84 : memref<1x2x128xi32, #tpu.memory_space<vmem>> -> memref<2x128xi32, #tpu.memory_space<vmem>>
      %dma_wait3A_86 = arith.constant 0 : i32
      %dma_wait3A_87 = tpu.memref_slice %arg3[%dma_wait3A_86, %mul3A_69] : memref<2x320000xi32, #tpu.memory_space<hbm>> -> memref<2x128xi32, #tpu.memory_space<hbm>>
      tpu.wait_dma2 semaphore(%dma_wait3A_81 : memref<!tpu.dma_semaphore, #tpu.memory_space<semaphore_mem>>) src(%dma_wait3A_87 : memref<2x128xi32, #tpu.memory_space<hbm>>) dst(%dma_wait3A_85 : memref<2x128xi32, #tpu.memory_space<vmem>>)
      %rem3A_88 = arith.constant 0 : i32
      %rem3A_89 = arith.constant 4 : i32
      %rem3A_90 = arith.remsi %rem3A_88, %rem3A_89 : i32
      %rem3A_91 = arith.constant 0 : i32
      %rem3A_92 = arith.constant 2 : i32
      %rem3A_93 = arith.remsi %rem3A_91, %rem3A_92 : i32
      %rem3A_94 = arith.constant 0 : i32
      %rem3A_95 = arith.constant 2 : i32
      %rem3A_96 = arith.remsi %rem3A_94, %rem3A_95 : i32
      %dma_start3A = arith.constant 0 : i32
      %dma_start3A_97 = arith.constant 0 : i32
      %dma_start3A_98 = arith.constant 0 : i32
      %dma_start3A_99 = tpu.memref_slice %arg9[%rem3A_93, %dma_start3A_97, %dma_start3A_98] : memref<2x128x128xf32, #tpu.memory_space<vmem>> -> memref<1x128x128xf32, #tpu.memory_space<vmem>>
      %dma_start3A_100 = tpu.memref_squeeze %dma_start3A_99 : memref<1x128x128xf32, #tpu.memory_space<vmem>> -> memref<128x128xf32, #tpu.memory_space<vmem>>
      %dma_start3A_101 = arith.constant 0 : i32
      %dma_start3A_102 = tpu.memref_slice %arg8[%rem3A_90, %dma_start3A, %dma_start3A_101] : memref<4x2x128xi32, #tpu.memory_space<vmem>> -> memref<1x1x128xi32, #tpu.memory_space<vmem>>
      %dma_start3A_103 = tpu.memref_squeeze %dma_start3A_102 : memref<1x1x128xi32, #tpu.memory_space<vmem>> -> memref<128xi32, #tpu.memory_space<vmem>>
      %dma_start3A_104 = arith.constant 0 : i32
      %dma_start3A_105 = arith.constant 0 : i32
      %dma_start3A_106 = tpu.memref_slice %arg2[%dma_start3A_104, %dma_start3A_105] : memref<10000x128xf32, #tpu.memory_space<hbm>> -> memref<10000x128xf32, #tpu.memory_space<hbm>>
      %dma_start3A_107 = tpu.memref_slice %arg12[%rem3A_96] : memref<2x!tpu.dma_semaphore, #tpu.memory_space<semaphore_mem>> -> memref<1x!tpu.dma_semaphore, #tpu.memory_space<semaphore_mem>>
      %dma_start3A_108 = tpu.memref_squeeze %dma_start3A_107 : memref<1x!tpu.dma_semaphore, #tpu.memory_space<semaphore_mem>> -> memref<!tpu.dma_semaphore, #tpu.memory_space<semaphore_mem>>
      tpu.enqueue_indirect_dma source(%dma_start3A_106 : memref<10000x128xf32, #tpu.memory_space<hbm>>) target(%dma_start3A_100 : memref<128x128xf32, #tpu.memory_space<vmem>>) offsets(%dma_start3A_103 : memref<128xi32, #tpu.memory_space<vmem>>) semaphore(%dma_start3A_108 : memref<!tpu.dma_semaphore, #tpu.memory_space<semaphore_mem>>)
    } else {
    }
    %while3A = arith.constant 0 : i32
    %while3A_33 = arith.constant 0 : i32
    %while3A_34 = arith.subi %add3A_4, %while3A : i32
    %while3A_35 = arith.addi %while3A, %while3A_34 : i32
    %while3A_36 = arith.constant 1 : i32
    %while3A_37 = arith.divsi %while3A_34, %while3A_36 : i32
    %while3A_38 = arith.muli %while3A_37, %while3A_36 : i32
    %while3A_39 = arith.addi %while3A, %while3A_38 : i32
    %while3A_40 = arith.constant 1 : i32
    %while3A_41 = scf.for %while3A_66 = %while3A to %while3A_39 step %while3A_40 iter_args(%while3A_67 = %while3A_33) -> (i32)  : i32 {
      %add3A_68 = arith.constant 2 : i32
      %add3A_69 = arith.addi %while3A_66, %add3A_68 : i32
      %lt3A_70 = arith.cmpi slt, %add3A_69, %add3A_4 : i32
      %convert_element_type3A_71 = arith.extui %lt3A_70 : i1 to i32
      %cond3A_72 = arith.constant 0 : i32
      %cond3A_73 = arith.cmpi ne, %convert_element_type3A_71, %cond3A_72 : i32
      scf.if %cond3A_73 {
        %add3A_156 = arith.constant 2 : i32
        %add3A_157 = arith.addi %while3A_66, %add3A_156 : i32
        %add3A_158 = arith.addi %add3A_8, %add3A_157 : i32
        %mul3A_159 = arith.constant 128 : i32
        %mul3A_160 = arith.muli %add3A_158, %mul3A_159 : i32
        %rem3A_161 = arith.constant 4 : i32
        %rem3A_162 = arith.remsi %add3A_157, %rem3A_161 : i32
        %rem3A_163 = arith.constant 4 : i32
        %rem3A_164 = arith.remsi %add3A_157, %rem3A_163 : i32
        %dma_start3A_165 = arith.constant 0 : i32
        %dma_start3A_166 = arith.constant 0 : i32
        %dma_start3A_167 = tpu.memref_slice %arg8[%rem3A_162, %dma_start3A_165, %dma_start3A_166] : memref<4x2x128xi32, #tpu.memory_space<vmem>> -> memref<1x2x128xi32, #tpu.memory_space<vmem>>
        %dma_start3A_168 = tpu.memref_squeeze %dma_start3A_167 : memref<1x2x128xi32, #tpu.memory_space<vmem>> -> memref<2x128xi32, #tpu.memory_space<vmem>>
        %dma_start3A_169 = arith.constant 0 : i32
        %dma_start3A_170 = tpu.memref_slice %arg3[%dma_start3A_169, %mul3A_160] : memref<2x320000xi32, #tpu.memory_space<hbm>> -> memref<2x128xi32, #tpu.memory_space<hbm>>
        %dma_start3A_171 = tpu.memref_slice %arg11[%rem3A_164] : memref<4x!tpu.dma_semaphore, #tpu.memory_space<semaphore_mem>> -> memref<1x!tpu.dma_semaphore, #tpu.memory_space<semaphore_mem>>
        %dma_start3A_172 = tpu.memref_squeeze %dma_start3A_171 : memref<1x!tpu.dma_semaphore, #tpu.memory_space<semaphore_mem>> -> memref<!tpu.dma_semaphore, #tpu.memory_space<semaphore_mem>>
        %dma_start3A_173 = arith.constant 0 : i32
        %dma_start3A_174 = arith.constant 0 : i32
        %dma_start3A_175 = tpu.memref_slice %arg8[%rem3A_162, %dma_start3A_173, %dma_start3A_174] : memref<4x2x128xi32, #tpu.memory_space<vmem>> -> memref<1x2x128xi32, #tpu.memory_space<vmem>>
        %dma_start3A_176 = tpu.memref_squeeze %dma_start3A_175 : memref<1x2x128xi32, #tpu.memory_space<vmem>> -> memref<2x128xi32, #tpu.memory_space<vmem>>
        %dma_start3A_177 = arith.constant 0 : i32
        %dma_start3A_178 = tpu.memref_slice %arg3[%dma_start3A_177, %mul3A_160] : memref<2x320000xi32, #tpu.memory_space<hbm>> -> memref<2x128xi32, #tpu.memory_space<hbm>>
        tpu.enqueue_dma source(%dma_start3A_178 : memref<2x128xi32, #tpu.memory_space<hbm>>) target(%dma_start3A_176 : memref<2x128xi32, #tpu.memory_space<vmem>>) target_semaphore(%dma_start3A_172 : memref<!tpu.dma_semaphore, #tpu.memory_space<semaphore_mem>>)
      } else {
      }
      %rem3A = arith.constant 4 : i32
      %rem3A_74 = arith.remsi %while3A_66, %rem3A : i32
      %rem3A_75 = arith.constant 2 : i32
      %rem3A_76 = arith.remsi %while3A_66, %rem3A_75 : i32
      %rem3A_77 = arith.constant 2 : i32
      %rem3A_78 = arith.remsi %while3A_66, %rem3A_77 : i32
      %dma_wait3A = arith.constant 0 : i32
      %dma_wait3A_79 = arith.constant 0 : i32
      %dma_wait3A_80 = arith.constant 0 : i32
      %dma_wait3A_81 = tpu.memref_slice %arg9[%rem3A_76, %dma_wait3A_79, %dma_wait3A_80] : memref<2x128x128xf32, #tpu.memory_space<vmem>> -> memref<1x128x128xf32, #tpu.memory_space<vmem>>
      %dma_wait3A_82 = tpu.memref_squeeze %dma_wait3A_81 : memref<1x128x128xf32, #tpu.memory_space<vmem>> -> memref<128x128xf32, #tpu.memory_space<vmem>>
      %dma_wait3A_83 = arith.constant 0 : i32
      %dma_wait3A_84 = tpu.memref_slice %arg8[%rem3A_74, %dma_wait3A, %dma_wait3A_83] : memref<4x2x128xi32, #tpu.memory_space<vmem>> -> memref<1x1x128xi32, #tpu.memory_space<vmem>>
      %dma_wait3A_85 = tpu.memref_squeeze %dma_wait3A_84 : memref<1x1x128xi32, #tpu.memory_space<vmem>> -> memref<128xi32, #tpu.memory_space<vmem>>
      %dma_wait3A_86 = arith.constant 0 : i32
      %dma_wait3A_87 = arith.constant 0 : i32
      %dma_wait3A_88 = tpu.memref_slice %arg2[%dma_wait3A_86, %dma_wait3A_87] : memref<10000x128xf32, #tpu.memory_space<hbm>> -> memref<10000x128xf32, #tpu.memory_space<hbm>>
      %dma_wait3A_89 = tpu.memref_slice %arg12[%rem3A_78] : memref<2x!tpu.dma_semaphore, #tpu.memory_space<semaphore_mem>> -> memref<1x!tpu.dma_semaphore, #tpu.memory_space<semaphore_mem>>
      %dma_wait3A_90 = tpu.memref_squeeze %dma_wait3A_89 : memref<1x!tpu.dma_semaphore, #tpu.memory_space<semaphore_mem>> -> memref<!tpu.dma_semaphore, #tpu.memory_space<semaphore_mem>>
      tpu.wait_indirect_dma semaphore(%dma_wait3A_90 : memref<!tpu.dma_semaphore, #tpu.memory_space<semaphore_mem>>) src(%dma_wait3A_88 : memref<10000x128xf32, #tpu.memory_space<hbm>>) dst(%dma_wait3A_82 : memref<128x128xf32, #tpu.memory_space<vmem>>)
      %rem3A_91 = arith.constant 4 : i32
      %rem3A_92 = arith.remsi %while3A_66, %rem3A_91 : i32
      %rem3A_93 = arith.constant 2 : i32
      %rem3A_94 = arith.remsi %while3A_66, %rem3A_93 : i32
      %rem3A_95 = arith.constant 2 : i32
      %rem3A_96 = arith.remsi %while3A_66, %rem3A_95 : i32
      %dma_start3A = arith.constant 1 : i32
      %dma_start3A_97 = arith.constant 0 : i32
      %dma_start3A_98 = arith.constant 0 : i32
      %dma_start3A_99 = tpu.memref_slice %arg9[%rem3A_94, %dma_start3A_97, %dma_start3A_98] : memref<2x128x128xf32, #tpu.memory_space<vmem>> -> memref<1x128x128xf32, #tpu.memory_space<vmem>>
      %dma_start3A_100 = tpu.memref_squeeze %dma_start3A_99 : memref<1x128x128xf32, #tpu.memory_space<vmem>> -> memref<128x128xf32, #tpu.memory_space<vmem>>
      %dma_start3A_101 = arith.constant 0 : i32
      %dma_start3A_102 = tpu.memref_slice %arg8[%rem3A_92, %dma_start3A, %dma_start3A_101] : memref<4x2x128xi32, #tpu.memory_space<vmem>> -> memref<1x1x128xi32, #tpu.memory_space<vmem>>
      %dma_start3A_103 = tpu.memref_squeeze %dma_start3A_102 : memref<1x1x128xi32, #tpu.memory_space<vmem>> -> memref<128xi32, #tpu.memory_space<vmem>>
      %dma_start3A_104 = arith.constant 0 : i32
      %dma_start3A_105 = arith.constant 0 : i32
      %dma_start3A_106 = tpu.memref_slice %arg10[%dma_start3A_104, %dma_start3A_105] : memref<10000x128xf32, #tpu.memory_space<vmem_shared>> -> memref<10000x128xf32, #tpu.memory_space<vmem_shared>>
      %dma_start3A_107 = tpu.memref_slice %arg13[%rem3A_96] : memref<2x!tpu.dma_semaphore, #tpu.memory_space<semaphore_mem>> -> memref<1x!tpu.dma_semaphore, #tpu.memory_space<semaphore_mem>>
      %dma_start3A_108 = tpu.memref_squeeze %dma_start3A_107 : memref<1x!tpu.dma_semaphore, #tpu.memory_space<semaphore_mem>> -> memref<!tpu.dma_semaphore, #tpu.memory_space<semaphore_mem>>
      tpu.enqueue_indirect_dma source(%dma_start3A_100 : memref<128x128xf32, #tpu.memory_space<vmem>>) target(%dma_start3A_106 : memref<10000x128xf32, #tpu.memory_space<vmem_shared>>) offsets(%dma_start3A_103 : memref<128xi32, #tpu.memory_space<vmem>>) semaphore(%dma_start3A_108 : memref<!tpu.dma_semaphore, #tpu.memory_space<semaphore_mem>>) {add = true}
      %get3A = arith.constant 1 : i32
      %get3A_109 = arith.index_cast %rem3A_92 : i32 to index
      %get3A_110 = arith.index_cast %get3A : i32 to index
      %get3A_111 = arith.constant 0 : index
      %get3A_112 = tpu.vector_load %arg8[%get3A_109, %get3A_110, %get3A_111] {strides = array<i32>} : memref<4x2x128xi32, #tpu.memory_space<vmem>>, vector<16xi32>,
      tpu.vector_store_idx %arg14[%get3A_112], %broadcast_in_dim3A_18 {add = true} : memref<10000xf32, #tpu.memory_space<vmem>>[vector<16xi32>], vector<16xf32>,
      %get3A_113 = arith.constant 1 : i32
      %get3A_114 = arith.index_cast %rem3A_92 : i32 to index
      %get3A_115 = arith.index_cast %get3A_113 : i32 to index
      %get3A_116 = arith.constant 16 : index
      %get3A_117 = tpu.vector_load %arg8[%get3A_114, %get3A_115, %get3A_116] {strides = array<i32>} : memref<4x2x128xi32, #tpu.memory_space<vmem>>, vector<16xi32>,
      tpu.vector_store_idx %arg14[%get3A_117], %broadcast_in_dim3A_18 {add = true} : memref<10000xf32, #tpu.memory_space<vmem>>[vector<16xi32>], vector<16xf32>,
      %get3A_118 = arith.constant 1 : i32
      %get3A_119 = arith.index_cast %rem3A_92 : i32 to index
      %get3A_120 = arith.index_cast %get3A_118 : i32 to index
      %get3A_121 = arith.constant 32 : index
      %get3A_122 = tpu.vector_load %arg8[%get3A_119, %get3A_120, %get3A_121] {strides = array<i32>} : memref<4x2x128xi32, #tpu.memory_space<vmem>>, vector<16xi32>,
      tpu.vector_store_idx %arg14[%get3A_122], %broadcast_in_dim3A_18 {add = true} : memref<10000xf32, #tpu.memory_space<vmem>>[vector<16xi32>], vector<16xf32>,
      %get3A_123 = arith.constant 1 : i32
      %get3A_124 = arith.index_cast %rem3A_92 : i32 to index
      %get3A_125 = arith.index_cast %get3A_123 : i32 to index
      %get3A_126 = arith.constant 48 : index
      %get3A_127 = tpu.vector_load %arg8[%get3A_124, %get3A_125, %get3A_126] {strides = array<i32>} : memref<4x2x128xi32, #tpu.memory_space<vmem>>, vector<16xi32>,
      tpu.vector_store_idx %arg14[%get3A_127], %broadcast_in_dim3A_18 {add = true} : memref<10000xf32, #tpu.memory_space<vmem>>[vector<16xi32>], vector<16xf32>,
      %get3A_128 = arith.constant 1 : i32
      %get3A_129 = arith.index_cast %rem3A_92 : i32 to index
      %get3A_130 = arith.index_cast %get3A_128 : i32 to index
      %get3A_131 = arith.constant 64 : index
      %get3A_132 = tpu.vector_load %arg8[%get3A_129, %get3A_130, %get3A_131] {strides = array<i32>} : memref<4x2x128xi32, #tpu.memory_space<vmem>>, vector<16xi32>,
      tpu.vector_store_idx %arg14[%get3A_132], %broadcast_in_dim3A_18 {add = true} : memref<10000xf32, #tpu.memory_space<vmem>>[vector<16xi32>], vector<16xf32>,
      %get3A_133 = arith.constant 1 : i32
      %get3A_134 = arith.index_cast %rem3A_92 : i32 to index
      %get3A_135 = arith.index_cast %get3A_133 : i32 to index
      %get3A_136 = arith.constant 80 : index
      %get3A_137 = tpu.vector_load %arg8[%get3A_134, %get3A_135, %get3A_136] {strides = array<i32>} : memref<4x2x128xi32, #tpu.memory_space<vmem>>, vector<16xi32>,
      tpu.vector_store_idx %arg14[%get3A_137], %broadcast_in_dim3A_18 {add = true} : memref<10000xf32, #tpu.memory_space<vmem>>[vector<16xi32>], vector<16xf32>,
      %get3A_138 = arith.constant 1 : i32
      %get3A_139 = arith.index_cast %rem3A_92 : i32 to index
      %get3A_140 = arith.index_cast %get3A_138 : i32 to index
      %get3A_141 = arith.constant 96 : index
      %get3A_142 = tpu.vector_load %arg8[%get3A_139, %get3A_140, %get3A_141] {strides = array<i32>} : memref<4x2x128xi32, #tpu.memory_space<vmem>>, vector<16xi32>,
      tpu.vector_store_idx %arg14[%get3A_142], %broadcast_in_dim3A_18 {add = true} : memref<10000xf32, #tpu.memory_space<vmem>>[vector<16xi32>], vector<16xf32>,
      %get3A_143 = arith.constant 1 : i32
      %get3A_144 = arith.index_cast %rem3A_92 : i32 to index
      %get3A_145 = arith.index_cast %get3A_143 : i32 to index
      %get3A_146 = arith.constant 112 : index
      %get3A_147 = tpu.vector_load %arg8[%get3A_144, %get3A_145, %get3A_146] {strides = array<i32>} : memref<4x2x128xi32, #tpu.memory_space<vmem>>, vector<16xi32>,
      tpu.vector_store_idx %arg14[%get3A_147], %broadcast_in_dim3A_18 {add = true} : memref<10000xf32, #tpu.memory_space<vmem>>[vector<16xi32>], vector<16xf32>,
      %add3A_148 = arith.constant 2 : i32
      %add3A_149 = arith.addi %while3A_66, %add3A_148 : i32
      %sub3A = arith.constant 1 : i32
      %sub3A_150 = arith.subi %add3A_149, %sub3A : i32
      %lt3A_151 = arith.cmpi slt, %sub3A_150, %add3A_4 : i32
      %convert_element_type3A_152 = arith.extui %lt3A_151 : i1 to i32
      %cond3A_153 = arith.constant 0 : i32
      %cond3A_154 = arith.cmpi ne, %convert_element_type3A_152, %cond3A_153 : i32
      scf.if %cond3A_154 {
        %add3A_156 = arith.constant 2 : i32
        %add3A_157 = arith.addi %while3A_66, %add3A_156 : i32
        %sub3A_158 = arith.constant 1 : i32
        %sub3A_159 = arith.subi %add3A_157, %sub3A_158 : i32
        %add3A_160 = arith.addi %add3A_8, %sub3A_159 : i32
        %mul3A_161 = arith.constant 128 : i32
        %mul3A_162 = arith.muli %add3A_160, %mul3A_161 : i32
        %rem3A_163 = arith.constant 4 : i32
        %rem3A_164 = arith.remsi %sub3A_159, %rem3A_163 : i32
        %rem3A_165 = arith.constant 4 : i32
        %rem3A_166 = arith.remsi %sub3A_159, %rem3A_165 : i32
        %dma_wait3A_167 = arith.constant 0 : i32
        %dma_wait3A_168 = arith.constant 0 : i32
        %dma_wait3A_169 = tpu.memref_slice %arg8[%rem3A_164, %dma_wait3A_167, %dma_wait3A_168] : memref<4x2x128xi32, #tpu.memory_space<vmem>> -> memref<1x2x128xi32, #tpu.memory_space<vmem>>
        %dma_wait3A_170 = tpu.memref_squeeze %dma_wait3A_169 : memref<1x2x128xi32, #tpu.memory_space<vmem>> -> memref<2x128xi32, #tpu.memory_space<vmem>>
        %dma_wait3A_171 = arith.constant 0 : i32
        %dma_wait3A_172 = tpu.memref_slice %arg3[%dma_wait3A_171, %mul3A_162] : memref<2x320000xi32, #tpu.memory_space<hbm>> -> memref<2x128xi32, #tpu.memory_space<hbm>>
        %dma_wait3A_173 = tpu.memref_slice %arg11[%rem3A_166] : memref<4x!tpu.dma_semaphore, #tpu.memory_space<semaphore_mem>> -> memref<1x!tpu.dma_semaphore, #tpu.memory_space<semaphore_mem>>
        %dma_wait3A_174 = tpu.memref_squeeze %dma_wait3A_173 : memref<1x!tpu.dma_semaphore, #tpu.memory_space<semaphore_mem>> -> memref<!tpu.dma_semaphore, #tpu.memory_space<semaphore_mem>>
        %dma_wait3A_175 = arith.constant 0 : i32
        %dma_wait3A_176 = arith.constant 0 : i32
        %dma_wait3A_177 = tpu.memref_slice %arg8[%rem3A_164, %dma_wait3A_175, %dma_wait3A_176] : memref<4x2x128xi32, #tpu.memory_space<vmem>> -> memref<1x2x128xi32, #tpu.memory_space<vmem>>
        %dma_wait3A_178 = tpu.memref_squeeze %dma_wait3A_177 : memref<1x2x128xi32, #tpu.memory_space<vmem>> -> memref<2x128xi32, #tpu.memory_space<vmem>>
        %dma_wait3A_179 = arith.constant 0 : i32
        %dma_wait3A_180 = tpu.memref_slice %arg3[%dma_wait3A_179, %mul3A_162] : memref<2x320000xi32, #tpu.memory_space<hbm>> -> memref<2x128xi32, #tpu.memory_space<hbm>>
        tpu.wait_dma2 semaphore(%dma_wait3A_174 : memref<!tpu.dma_semaphore, #tpu.memory_space<semaphore_mem>>) src(%dma_wait3A_180 : memref<2x128xi32, #tpu.memory_space<hbm>>) dst(%dma_wait3A_178 : memref<2x128xi32, #tpu.memory_space<vmem>>)
        %add3A_181 = arith.constant 2 : i32
        %add3A_182 = arith.addi %while3A_66, %add3A_181 : i32
        %sub3A_183 = arith.constant 1 : i32
        %sub3A_184 = arith.subi %add3A_182, %sub3A_183 : i32
        %ge3A_185 = arith.constant 2 : i32
        %ge3A_186 = arith.cmpi sge, %sub3A_184, %ge3A_185 : i32
        %convert_element_type3A_187 = arith.extui %ge3A_186 : i1 to i32
        %cond3A_188 = arith.constant 0 : i32
        %cond3A_189 = arith.cmpi ne, %convert_element_type3A_187, %cond3A_188 : i32
        scf.if %cond3A_189 {
          %add3A_213 = arith.constant 2 : i32
          %add3A_214 = arith.addi %while3A_66, %add3A_213 : i32
          %sub3A_215 = arith.constant 1 : i32
          %sub3A_216 = arith.subi %add3A_214, %sub3A_215 : i32
          %rem3A_217 = arith.constant 2 : i32
          %rem3A_218 = arith.remsi %sub3A_216, %rem3A_217 : i32
          %dma_wait3A_219 = arith.constant 0 : i32
          %dma_wait3A_220 = arith.constant 1 : i32
          %dma_wait3A_221 = arith.constant 0 : i32
          %dma_wait3A_222 = arith.constant 0 : i32
          %dma_wait3A_223 = tpu.memref_slice %arg9[%rem3A_218, %dma_wait3A_221, %dma_wait3A_222] : memref<2x128x128xf32, #tpu.memory_space<vmem>> -> memref<1x128x128xf32, #tpu.memory_space<vmem>>
          %dma_wait3A_224 = tpu.memref_squeeze %dma_wait3A_223 : memref<1x128x128xf32, #tpu.memory_space<vmem>> -> memref<128x128xf32, #tpu.memory_space<vmem>>
          %dma_wait3A_225 = arith.constant 0 : i32
          %dma_wait3A_226 = tpu.memref_slice %arg8[%dma_wait3A_219, %dma_wait3A_220, %dma_wait3A_225] : memref<4x2x128xi32, #tpu.memory_space<vmem>> -> memref<1x1x128xi32, #tpu.memory_space<vmem>>
          %dma_wait3A_227 = tpu.memref_squeeze %dma_wait3A_226 : memref<1x1x128xi32, #tpu.memory_space<vmem>> -> memref<128xi32, #tpu.memory_space<vmem>>
          %dma_wait3A_228 = arith.constant 0 : i32
          %dma_wait3A_229 = arith.constant 0 : i32
          %dma_wait3A_230 = tpu.memref_slice %arg10[%dma_wait3A_228, %dma_wait3A_229] : memref<10000x128xf32, #tpu.memory_space<vmem_shared>> -> memref<10000x128xf32, #tpu.memory_space<vmem_shared>>
          %dma_wait3A_231 = tpu.memref_slice %arg13[%rem3A_218] : memref<2x!tpu.dma_semaphore, #tpu.memory_space<semaphore_mem>> -> memref<1x!tpu.dma_semaphore, #tpu.memory_space<semaphore_mem>>
          %dma_wait3A_232 = tpu.memref_squeeze %dma_wait3A_231 : memref<1x!tpu.dma_semaphore, #tpu.memory_space<semaphore_mem>> -> memref<!tpu.dma_semaphore, #tpu.memory_space<semaphore_mem>>
          tpu.wait_indirect_dma semaphore(%dma_wait3A_232 : memref<!tpu.dma_semaphore, #tpu.memory_space<semaphore_mem>>) src(%dma_wait3A_224 : memref<128x128xf32, #tpu.memory_space<vmem>>) dst(%dma_wait3A_230 : memref<10000x128xf32, #tpu.memory_space<vmem_shared>>)
        } else {
        }
        %add3A_190 = arith.constant 2 : i32
        %add3A_191 = arith.addi %while3A_66, %add3A_190 : i32
        %sub3A_192 = arith.constant 1 : i32
        %sub3A_193 = arith.subi %add3A_191, %sub3A_192 : i32
        %rem3A_194 = arith.constant 4 : i32
        %rem3A_195 = arith.remsi %sub3A_193, %rem3A_194 : i32
        %rem3A_196 = arith.constant 2 : i32
        %rem3A_197 = arith.remsi %sub3A_193, %rem3A_196 : i32
        %rem3A_198 = arith.constant 2 : i32
        %rem3A_199 = arith.remsi %sub3A_193, %rem3A_198 : i32
        %dma_start3A_200 = arith.constant 0 : i32
        %dma_start3A_201 = arith.constant 0 : i32
        %dma_start3A_202 = arith.constant 0 : i32
        %dma_start3A_203 = tpu.memref_slice %arg9[%rem3A_197, %dma_start3A_201, %dma_start3A_202] : memref<2x128x128xf32, #tpu.memory_space<vmem>> -> memref<1x128x128xf32, #tpu.memory_space<vmem>>
        %dma_start3A_204 = tpu.memref_squeeze %dma_start3A_203 : memref<1x128x128xf32, #tpu.memory_space<vmem>> -> memref<128x128xf32, #tpu.memory_space<vmem>>
        %dma_start3A_205 = arith.constant 0 : i32
        %dma_start3A_206 = tpu.memref_slice %arg8[%rem3A_195, %dma_start3A_200, %dma_start3A_205] : memref<4x2x128xi32, #tpu.memory_space<vmem>> -> memref<1x1x128xi32, #tpu.memory_space<vmem>>
        %dma_start3A_207 = tpu.memref_squeeze %dma_start3A_206 : memref<1x1x128xi32, #tpu.memory_space<vmem>> -> memref<128xi32, #tpu.memory_space<vmem>>
        %dma_start3A_208 = arith.constant 0 : i32
        %dma_start3A_209 = arith.constant 0 : i32
        %dma_start3A_210 = tpu.memref_slice %arg2[%dma_start3A_208, %dma_start3A_209] : memref<10000x128xf32, #tpu.memory_space<hbm>> -> memref<10000x128xf32, #tpu.memory_space<hbm>>
        %dma_start3A_211 = tpu.memref_slice %arg12[%rem3A_199] : memref<2x!tpu.dma_semaphore, #tpu.memory_space<semaphore_mem>> -> memref<1x!tpu.dma_semaphore, #tpu.memory_space<semaphore_mem>>
        %dma_start3A_212 = tpu.memref_squeeze %dma_start3A_211 : memref<1x!tpu.dma_semaphore, #tpu.memory_space<semaphore_mem>> -> memref<!tpu.dma_semaphore, #tpu.memory_space<semaphore_mem>>
        tpu.enqueue_indirect_dma source(%dma_start3A_210 : memref<10000x128xf32, #tpu.memory_space<hbm>>) target(%dma_start3A_204 : memref<128x128xf32, #tpu.memory_space<vmem>>) offsets(%dma_start3A_207 : memref<128xi32, #tpu.memory_space<vmem>>) semaphore(%dma_start3A_212 : memref<!tpu.dma_semaphore, #tpu.memory_space<semaphore_mem>>)
      } else {
      }
      %while3A_155 = arith.constant 0 : i32
      scf.yield %while3A_155 : i32
    }
    %while3A_42 = arith.constant 1 : i32
    %while3A_43 = scf.for %while3A_66 = %while3A_39 to %while3A_35 step %while3A_42 iter_args(%while3A_67 = %while3A_41) -> (i32)  : i32 {
      %add3A_68 = arith.constant 2 : i32
      %add3A_69 = arith.addi %while3A_66, %add3A_68 : i32
      %lt3A_70 = arith.cmpi slt, %add3A_69, %add3A_4 : i32
      %convert_element_type3A_71 = arith.extui %lt3A_70 : i1 to i32
      %cond3A_72 = arith.constant 0 : i32
      %cond3A_73 = arith.cmpi ne, %convert_element_type3A_71, %cond3A_72 : i32
      scf.if %cond3A_73 {
        %add3A_156 = arith.constant 2 : i32
        %add3A_157 = arith.addi %while3A_66, %add3A_156 : i32
        %add3A_158 = arith.addi %add3A_8, %add3A_157 : i32
        %mul3A_159 = arith.constant 128 : i32
        %mul3A_160 = arith.muli %add3A_158, %mul3A_159 : i32
        %rem3A_161 = arith.constant 4 : i32
        %rem3A_162 = arith.remsi %add3A_157, %rem3A_161 : i32
        %rem3A_163 = arith.constant 4 : i32
        %rem3A_164 = arith.remsi %add3A_157, %rem3A_163 : i32
        %dma_start3A_165 = arith.constant 0 : i32
        %dma_start3A_166 = arith.constant 0 : i32
        %dma_start3A_167 = tpu.memref_slice %arg8[%rem3A_162, %dma_start3A_165, %dma_start3A_166] : memref<4x2x128xi32, #tpu.memory_space<vmem>> -> memref<1x2x128xi32, #tpu.memory_space<vmem>>
        %dma_start3A_168 = tpu.memref_squeeze %dma_start3A_167 : memref<1x2x128xi32, #tpu.memory_space<vmem>> -> memref<2x128xi32, #tpu.memory_space<vmem>>
        %dma_start3A_169 = arith.constant 0 : i32
        %dma_start3A_170 = tpu.memref_slice %arg3[%dma_start3A_169, %mul3A_160] : memref<2x320000xi32, #tpu.memory_space<hbm>> -> memref<2x128xi32, #tpu.memory_space<hbm>>
        %dma_start3A_171 = tpu.memref_slice %arg11[%rem3A_164] : memref<4x!tpu.dma_semaphore, #tpu.memory_space<semaphore_mem>> -> memref<1x!tpu.dma_semaphore, #tpu.memory_space<semaphore_mem>>
        %dma_start3A_172 = tpu.memref_squeeze %dma_start3A_171 : memref<1x!tpu.dma_semaphore, #tpu.memory_space<semaphore_mem>> -> memref<!tpu.dma_semaphore, #tpu.memory_space<semaphore_mem>>
        %dma_start3A_173 = arith.constant 0 : i32
        %dma_start3A_174 = arith.constant 0 : i32
        %dma_start3A_175 = tpu.memref_slice %arg8[%rem3A_162, %dma_start3A_173, %dma_start3A_174] : memref<4x2x128xi32, #tpu.memory_space<vmem>> -> memref<1x2x128xi32, #tpu.memory_space<vmem>>
        %dma_start3A_176 = tpu.memref_squeeze %dma_start3A_175 : memref<1x2x128xi32, #tpu.memory_space<vmem>> -> memref<2x128xi32, #tpu.memory_space<vmem>>
        %dma_start3A_177 = arith.constant 0 : i32
        %dma_start3A_178 = tpu.memref_slice %arg3[%dma_start3A_177, %mul3A_160] : memref<2x320000xi32, #tpu.memory_space<hbm>> -> memref<2x128xi32, #tpu.memory_space<hbm>>
        tpu.enqueue_dma source(%dma_start3A_178 : memref<2x128xi32, #tpu.memory_space<hbm>>) target(%dma_start3A_176 : memref<2x128xi32, #tpu.memory_space<vmem>>) target_semaphore(%dma_start3A_172 : memref<!tpu.dma_semaphore, #tpu.memory_space<semaphore_mem>>)
      } else {
      }
      %rem3A = arith.constant 4 : i32
      %rem3A_74 = arith.remsi %while3A_66, %rem3A : i32
      %rem3A_75 = arith.constant 2 : i32
      %rem3A_76 = arith.remsi %while3A_66, %rem3A_75 : i32
      %rem3A_77 = arith.constant 2 : i32
      %rem3A_78 = arith.remsi %while3A_66, %rem3A_77 : i32
      %dma_wait3A = arith.constant 0 : i32
      %dma_wait3A_79 = arith.constant 0 : i32
      %dma_wait3A_80 = arith.constant 0 : i32
      %dma_wait3A_81 = tpu.memref_slice %arg9[%rem3A_76, %dma_wait3A_79, %dma_wait3A_80] : memref<2x128x128xf32, #tpu.memory_space<vmem>> -> memref<1x128x128xf32, #tpu.memory_space<vmem>>
      %dma_wait3A_82 = tpu.memref_squeeze %dma_wait3A_81 : memref<1x128x128xf32, #tpu.memory_space<vmem>> -> memref<128x128xf32, #tpu.memory_space<vmem>>
      %dma_wait3A_83 = arith.constant 0 : i32
      %dma_wait3A_84 = tpu.memref_slice %arg8[%rem3A_74, %dma_wait3A, %dma_wait3A_83] : memref<4x2x128xi32, #tpu.memory_space<vmem>> -> memref<1x1x128xi32, #tpu.memory_space<vmem>>
      %dma_wait3A_85 = tpu.memref_squeeze %dma_wait3A_84 : memref<1x1x128xi32, #tpu.memory_space<vmem>> -> memref<128xi32, #tpu.memory_space<vmem>>
      %dma_wait3A_86 = arith.constant 0 : i32
      %dma_wait3A_87 = arith.constant 0 : i32
      %dma_wait3A_88 = tpu.memref_slice %arg2[%dma_wait3A_86, %dma_wait3A_87] : memref<10000x128xf32, #tpu.memory_space<hbm>> -> memref<10000x128xf32, #tpu.memory_space<hbm>>
      %dma_wait3A_89 = tpu.memref_slice %arg12[%rem3A_78] : memref<2x!tpu.dma_semaphore, #tpu.memory_space<semaphore_mem>> -> memref<1x!tpu.dma_semaphore, #tpu.memory_space<semaphore_mem>>
      %dma_wait3A_90 = tpu.memref_squeeze %dma_wait3A_89 : memref<1x!tpu.dma_semaphore, #tpu.memory_space<semaphore_mem>> -> memref<!tpu.dma_semaphore, #tpu.memory_space<semaphore_mem>>
      tpu.wait_indirect_dma semaphore(%dma_wait3A_90 : memref<!tpu.dma_semaphore, #tpu.memory_space<semaphore_mem>>) src(%dma_wait3A_88 : memref<10000x128xf32, #tpu.memory_space<hbm>>) dst(%dma_wait3A_82 : memref<128x128xf32, #tpu.memory_space<vmem>>)
      %rem3A_91 = arith.constant 4 : i32
      %rem3A_92 = arith.remsi %while3A_66, %rem3A_91 : i32
      %rem3A_93 = arith.constant 2 : i32
      %rem3A_94 = arith.remsi %while3A_66, %rem3A_93 : i32
      %rem3A_95 = arith.constant 2 : i32
      %rem3A_96 = arith.remsi %while3A_66, %rem3A_95 : i32
      %dma_start3A = arith.constant 1 : i32
      %dma_start3A_97 = arith.constant 0 : i32
      %dma_start3A_98 = arith.constant 0 : i32
      %dma_start3A_99 = tpu.memref_slice %arg9[%rem3A_94, %dma_start3A_97, %dma_start3A_98] : memref<2x128x128xf32, #tpu.memory_space<vmem>> -> memref<1x128x128xf32, #tpu.memory_space<vmem>>
      %dma_start3A_100 = tpu.memref_squeeze %dma_start3A_99 : memref<1x128x128xf32, #tpu.memory_space<vmem>> -> memref<128x128xf32, #tpu.memory_space<vmem>>
      %dma_start3A_101 = arith.constant 0 : i32
      %dma_start3A_102 = tpu.memref_slice %arg8[%rem3A_92, %dma_start3A, %dma_start3A_101] : memref<4x2x128xi32, #tpu.memory_space<vmem>> -> memref<1x1x128xi32, #tpu.memory_space<vmem>>
      %dma_start3A_103 = tpu.memref_squeeze %dma_start3A_102 : memref<1x1x128xi32, #tpu.memory_space<vmem>> -> memref<128xi32, #tpu.memory_space<vmem>>
      %dma_start3A_104 = arith.constant 0 : i32
      %dma_start3A_105 = arith.constant 0 : i32
      %dma_start3A_106 = tpu.memref_slice %arg10[%dma_start3A_104, %dma_start3A_105] : memref<10000x128xf32, #tpu.memory_space<vmem_shared>> -> memref<10000x128xf32, #tpu.memory_space<vmem_shared>>
      %dma_start3A_107 = tpu.memref_slice %arg13[%rem3A_96] : memref<2x!tpu.dma_semaphore, #tpu.memory_space<semaphore_mem>> -> memref<1x!tpu.dma_semaphore, #tpu.memory_space<semaphore_mem>>
      %dma_start3A_108 = tpu.memref_squeeze %dma_start3A_107 : memref<1x!tpu.dma_semaphore, #tpu.memory_space<semaphore_mem>> -> memref<!tpu.dma_semaphore, #tpu.memory_space<semaphore_mem>>
      tpu.enqueue_indirect_dma source(%dma_start3A_100 : memref<128x128xf32, #tpu.memory_space<vmem>>) target(%dma_start3A_106 : memref<10000x128xf32, #tpu.memory_space<vmem_shared>>) offsets(%dma_start3A_103 : memref<128xi32, #tpu.memory_space<vmem>>) semaphore(%dma_start3A_108 : memref<!tpu.dma_semaphore, #tpu.memory_space<semaphore_mem>>) {add = true}
      %get3A = arith.constant 1 : i32
      %get3A_109 = arith.index_cast %rem3A_92 : i32 to index
      %get3A_110 = arith.index_cast %get3A : i32 to index
      %get3A_111 = arith.constant 0 : index
      %get3A_112 = tpu.vector_load %arg8[%get3A_109, %get3A_110, %get3A_111] {strides = array<i32>} : memref<4x2x128xi32, #tpu.memory_space<vmem>>, vector<16xi32>,
      tpu.vector_store_idx %arg14[%get3A_112], %broadcast_in_dim3A_18 {add = true} : memref<10000xf32, #tpu.memory_space<vmem>>[vector<16xi32>], vector<16xf32>,
      %get3A_113 = arith.constant 1 : i32
      %get3A_114 = arith.index_cast %rem3A_92 : i32 to index
      %get3A_115 = arith.index_cast %get3A_113 : i32 to index
      %get3A_116 = arith.constant 16 : index
      %get3A_117 = tpu.vector_load %arg8[%get3A_114, %get3A_115, %get3A_116] {strides = array<i32>} : memref<4x2x128xi32, #tpu.memory_space<vmem>>, vector<16xi32>,
      tpu.vector_store_idx %arg14[%get3A_117], %broadcast_in_dim3A_18 {add = true} : memref<10000xf32, #tpu.memory_space<vmem>>[vector<16xi32>], vector<16xf32>,
      %get3A_118 = arith.constant 1 : i32
      %get3A_119 = arith.index_cast %rem3A_92 : i32 to index
      %get3A_120 = arith.index_cast %get3A_118 : i32 to index
      %get3A_121 = arith.constant 32 : index
      %get3A_122 = tpu.vector_load %arg8[%get3A_119, %get3A_120, %get3A_121] {strides = array<i32>} : memref<4x2x128xi32, #tpu.memory_space<vmem>>, vector<16xi32>,
      tpu.vector_store_idx %arg14[%get3A_122], %broadcast_in_dim3A_18 {add = true} : memref<10000xf32, #tpu.memory_space<vmem>>[vector<16xi32>], vector<16xf32>,
      %get3A_123 = arith.constant 1 : i32
      %get3A_124 = arith.index_cast %rem3A_92 : i32 to index
      %get3A_125 = arith.index_cast %get3A_123 : i32 to index
      %get3A_126 = arith.constant 48 : index
      %get3A_127 = tpu.vector_load %arg8[%get3A_124, %get3A_125, %get3A_126] {strides = array<i32>} : memref<4x2x128xi32, #tpu.memory_space<vmem>>, vector<16xi32>,
      tpu.vector_store_idx %arg14[%get3A_127], %broadcast_in_dim3A_18 {add = true} : memref<10000xf32, #tpu.memory_space<vmem>>[vector<16xi32>], vector<16xf32>,
      %get3A_128 = arith.constant 1 : i32
      %get3A_129 = arith.index_cast %rem3A_92 : i32 to index
      %get3A_130 = arith.index_cast %get3A_128 : i32 to index
      %get3A_131 = arith.constant 64 : index
      %get3A_132 = tpu.vector_load %arg8[%get3A_129, %get3A_130, %get3A_131] {strides = array<i32>} : memref<4x2x128xi32, #tpu.memory_space<vmem>>, vector<16xi32>,
      tpu.vector_store_idx %arg14[%get3A_132], %broadcast_in_dim3A_18 {add = true} : memref<10000xf32, #tpu.memory_space<vmem>>[vector<16xi32>], vector<16xf32>,
      %get3A_133 = arith.constant 1 : i32
      %get3A_134 = arith.index_cast %rem3A_92 : i32 to index
      %get3A_135 = arith.index_cast %get3A_133 : i32 to index
      %get3A_136 = arith.constant 80 : index
      %get3A_137 = tpu.vector_load %arg8[%get3A_134, %get3A_135, %get3A_136] {strides = array<i32>} : memref<4x2x128xi32, #tpu.memory_space<vmem>>, vector<16xi32>,
      tpu.vector_store_idx %arg14[%get3A_137], %broadcast_in_dim3A_18 {add = true} : memref<10000xf32, #tpu.memory_space<vmem>>[vector<16xi32>], vector<16xf32>,
      %get3A_138 = arith.constant 1 : i32
      %get3A_139 = arith.index_cast %rem3A_92 : i32 to index
      %get3A_140 = arith.index_cast %get3A_138 : i32 to index
      %get3A_141 = arith.constant 96 : index
      %get3A_142 = tpu.vector_load %arg8[%get3A_139, %get3A_140, %get3A_141] {strides = array<i32>} : memref<4x2x128xi32, #tpu.memory_space<vmem>>, vector<16xi32>,
      tpu.vector_store_idx %arg14[%get3A_142], %broadcast_in_dim3A_18 {add = true} : memref<10000xf32, #tpu.memory_space<vmem>>[vector<16xi32>], vector<16xf32>,
      %get3A_143 = arith.constant 1 : i32
      %get3A_144 = arith.index_cast %rem3A_92 : i32 to index
      %get3A_145 = arith.index_cast %get3A_143 : i32 to index
      %get3A_146 = arith.constant 112 : index
      %get3A_147 = tpu.vector_load %arg8[%get3A_144, %get3A_145, %get3A_146] {strides = array<i32>} : memref<4x2x128xi32, #tpu.memory_space<vmem>>, vector<16xi32>,
      tpu.vector_store_idx %arg14[%get3A_147], %broadcast_in_dim3A_18 {add = true} : memref<10000xf32, #tpu.memory_space<vmem>>[vector<16xi32>], vector<16xf32>,
      %add3A_148 = arith.constant 2 : i32
      %add3A_149 = arith.addi %while3A_66, %add3A_148 : i32
      %sub3A = arith.constant 1 : i32
      %sub3A_150 = arith.subi %add3A_149, %sub3A : i32
      %lt3A_151 = arith.cmpi slt, %sub3A_150, %add3A_4 : i32
      %convert_element_type3A_152 = arith.extui %lt3A_151 : i1 to i32
      %cond3A_153 = arith.constant 0 : i32
      %cond3A_154 = arith.cmpi ne, %convert_element_type3A_152, %cond3A_153 : i32
      scf.if %cond3A_154 {
        %add3A_156 = arith.constant 2 : i32
        %add3A_157 = arith.addi %while3A_66, %add3A_156 : i32
        %sub3A_158 = arith.constant 1 : i32
        %sub3A_159 = arith.subi %add3A_157, %sub3A_158 : i32
        %add3A_160 = arith.addi %add3A_8, %sub3A_159 : i32
        %mul3A_161 = arith.constant 128 : i32
        %mul3A_162 = arith.muli %add3A_160, %mul3A_161 : i32
        %rem3A_163 = arith.constant 4 : i32
        %rem3A_164 = arith.remsi %sub3A_159, %rem3A_163 : i32
        %rem3A_165 = arith.constant 4 : i32
        %rem3A_166 = arith.remsi %sub3A_159, %rem3A_165 : i32
        %dma_wait3A_167 = arith.constant 0 : i32
        %dma_wait3A_168 = arith.constant 0 : i32
        %dma_wait3A_169 = tpu.memref_slice %arg8[%rem3A_164, %dma_wait3A_167, %dma_wait3A_168] : memref<4x2x128xi32, #tpu.memory_space<vmem>> -> memref<1x2x128xi32, #tpu.memory_space<vmem>>
        %dma_wait3A_170 = tpu.memref_squeeze %dma_wait3A_169 : memref<1x2x128xi32, #tpu.memory_space<vmem>> -> memref<2x128xi32, #tpu.memory_space<vmem>>
        %dma_wait3A_171 = arith.constant 0 : i32
        %dma_wait3A_172 = tpu.memref_slice %arg3[%dma_wait3A_171, %mul3A_162] : memref<2x320000xi32, #tpu.memory_space<hbm>> -> memref<2x128xi32, #tpu.memory_space<hbm>>
        %dma_wait3A_173 = tpu.memref_slice %arg11[%rem3A_166] : memref<4x!tpu.dma_semaphore, #tpu.memory_space<semaphore_mem>> -> memref<1x!tpu.dma_semaphore, #tpu.memory_space<semaphore_mem>>
        %dma_wait3A_174 = tpu.memref_squeeze %dma_wait3A_173 : memref<1x!tpu.dma_semaphore, #tpu.memory_space<semaphore_mem>> -> memref<!tpu.dma_semaphore, #tpu.memory_space<semaphore_mem>>
        %dma_wait3A_175 = arith.constant 0 : i32
        %dma_wait3A_176 = arith.constant 0 : i32
        %dma_wait3A_177 = tpu.memref_slice %arg8[%rem3A_164, %dma_wait3A_175, %dma_wait3A_176] : memref<4x2x128xi32, #tpu.memory_space<vmem>> -> memref<1x2x128xi32, #tpu.memory_space<vmem>>
        %dma_wait3A_178 = tpu.memref_squeeze %dma_wait3A_177 : memref<1x2x128xi32, #tpu.memory_space<vmem>> -> memref<2x128xi32, #tpu.memory_space<vmem>>
        %dma_wait3A_179 = arith.constant 0 : i32
        %dma_wait3A_180 = tpu.memref_slice %arg3[%dma_wait3A_179, %mul3A_162] : memref<2x320000xi32, #tpu.memory_space<hbm>> -> memref<2x128xi32, #tpu.memory_space<hbm>>
        tpu.wait_dma2 semaphore(%dma_wait3A_174 : memref<!tpu.dma_semaphore, #tpu.memory_space<semaphore_mem>>) src(%dma_wait3A_180 : memref<2x128xi32, #tpu.memory_space<hbm>>) dst(%dma_wait3A_178 : memref<2x128xi32, #tpu.memory_space<vmem>>)
        %add3A_181 = arith.constant 2 : i32
        %add3A_182 = arith.addi %while3A_66, %add3A_181 : i32
        %sub3A_183 = arith.constant 1 : i32
        %sub3A_184 = arith.subi %add3A_182, %sub3A_183 : i32
        %ge3A_185 = arith.constant 2 : i32
        %ge3A_186 = arith.cmpi sge, %sub3A_184, %ge3A_185 : i32
        %convert_element_type3A_187 = arith.extui %ge3A_186 : i1 to i32
        %cond3A_188 = arith.constant 0 : i32
        %cond3A_189 = arith.cmpi ne, %convert_element_type3A_187, %cond3A_188 : i32
        scf.if %cond3A_189 {
          %add3A_213 = arith.constant 2 : i32
          %add3A_214 = arith.addi %while3A_66, %add3A_213 : i32
          %sub3A_215 = arith.constant 1 : i32
          %sub3A_216 = arith.subi %add3A_214, %sub3A_215 : i32
          %rem3A_217 = arith.constant 2 : i32
          %rem3A_218 = arith.remsi %sub3A_216, %rem3A_217 : i32
          %dma_wait3A_219 = arith.constant 0 : i32
          %dma_wait3A_220 = arith.constant 1 : i32
          %dma_wait3A_221 = arith.constant 0 : i32
          %dma_wait3A_222 = arith.constant 0 : i32
          %dma_wait3A_223 = tpu.memref_slice %arg9[%rem3A_218, %dma_wait3A_221, %dma_wait3A_222] : memref<2x128x128xf32, #tpu.memory_space<vmem>> -> memref<1x128x128xf32, #tpu.memory_space<vmem>>
          %dma_wait3A_224 = tpu.memref_squeeze %dma_wait3A_223 : memref<1x128x128xf32, #tpu.memory_space<vmem>> -> memref<128x128xf32, #tpu.memory_space<vmem>>
          %dma_wait3A_225 = arith.constant 0 : i32
          %dma_wait3A_226 = tpu.memref_slice %arg8[%dma_wait3A_219, %dma_wait3A_220, %dma_wait3A_225] : memref<4x2x128xi32, #tpu.memory_space<vmem>> -> memref<1x1x128xi32, #tpu.memory_space<vmem>>
          %dma_wait3A_227 = tpu.memref_squeeze %dma_wait3A_226 : memref<1x1x128xi32, #tpu.memory_space<vmem>> -> memref<128xi32, #tpu.memory_space<vmem>>
          %dma_wait3A_228 = arith.constant 0 : i32
          %dma_wait3A_229 = arith.constant 0 : i32
          %dma_wait3A_230 = tpu.memref_slice %arg10[%dma_wait3A_228, %dma_wait3A_229] : memref<10000x128xf32, #tpu.memory_space<vmem_shared>> -> memref<10000x128xf32, #tpu.memory_space<vmem_shared>>
          %dma_wait3A_231 = tpu.memref_slice %arg13[%rem3A_218] : memref<2x!tpu.dma_semaphore, #tpu.memory_space<semaphore_mem>> -> memref<1x!tpu.dma_semaphore, #tpu.memory_space<semaphore_mem>>
          %dma_wait3A_232 = tpu.memref_squeeze %dma_wait3A_231 : memref<1x!tpu.dma_semaphore, #tpu.memory_space<semaphore_mem>> -> memref<!tpu.dma_semaphore, #tpu.memory_space<semaphore_mem>>
          tpu.wait_indirect_dma semaphore(%dma_wait3A_232 : memref<!tpu.dma_semaphore, #tpu.memory_space<semaphore_mem>>) src(%dma_wait3A_224 : memref<128x128xf32, #tpu.memory_space<vmem>>) dst(%dma_wait3A_230 : memref<10000x128xf32, #tpu.memory_space<vmem_shared>>)
        } else {
        }
        %add3A_190 = arith.constant 2 : i32
        %add3A_191 = arith.addi %while3A_66, %add3A_190 : i32
        %sub3A_192 = arith.constant 1 : i32
        %sub3A_193 = arith.subi %add3A_191, %sub3A_192 : i32
        %rem3A_194 = arith.constant 4 : i32
        %rem3A_195 = arith.remsi %sub3A_193, %rem3A_194 : i32
        %rem3A_196 = arith.constant 2 : i32
        %rem3A_197 = arith.remsi %sub3A_193, %rem3A_196 : i32
        %rem3A_198 = arith.constant 2 : i32
        %rem3A_199 = arith.remsi %sub3A_193, %rem3A_198 : i32
        %dma_start3A_200 = arith.constant 0 : i32
        %dma_start3A_201 = arith.constant 0 : i32
        %dma_start3A_202 = arith.constant 0 : i32
        %dma_start3A_203 = tpu.memref_slice %arg9[%rem3A_197, %dma_start3A_201, %dma_start3A_202] : memref<2x128x128xf32, #tpu.memory_space<vmem>> -> memref<1x128x128xf32, #tpu.memory_space<vmem>>
        %dma_start3A_204 = tpu.memref_squeeze %dma_start3A_203 : memref<1x128x128xf32, #tpu.memory_space<vmem>> -> memref<128x128xf32, #tpu.memory_space<vmem>>
        %dma_start3A_205 = arith.constant 0 : i32
        %dma_start3A_206 = tpu.memref_slice %arg8[%rem3A_195, %dma_start3A_200, %dma_start3A_205] : memref<4x2x128xi32, #tpu.memory_space<vmem>> -> memref<1x1x128xi32, #tpu.memory_space<vmem>>
        %dma_start3A_207 = tpu.memref_squeeze %dma_start3A_206 : memref<1x1x128xi32, #tpu.memory_space<vmem>> -> memref<128xi32, #tpu.memory_space<vmem>>
        %dma_start3A_208 = arith.constant 0 : i32
        %dma_start3A_209 = arith.constant 0 : i32
        %dma_start3A_210 = tpu.memref_slice %arg2[%dma_start3A_208, %dma_start3A_209] : memref<10000x128xf32, #tpu.memory_space<hbm>> -> memref<10000x128xf32, #tpu.memory_space<hbm>>
        %dma_start3A_211 = tpu.memref_slice %arg12[%rem3A_199] : memref<2x!tpu.dma_semaphore, #tpu.memory_space<semaphore_mem>> -> memref<1x!tpu.dma_semaphore, #tpu.memory_space<semaphore_mem>>
        %dma_start3A_212 = tpu.memref_squeeze %dma_start3A_211 : memref<1x!tpu.dma_semaphore, #tpu.memory_space<semaphore_mem>> -> memref<!tpu.dma_semaphore, #tpu.memory_space<semaphore_mem>>
        tpu.enqueue_indirect_dma source(%dma_start3A_210 : memref<10000x128xf32, #tpu.memory_space<hbm>>) target(%dma_start3A_204 : memref<128x128xf32, #tpu.memory_space<vmem>>) offsets(%dma_start3A_207 : memref<128xi32, #tpu.memory_space<vmem>>) semaphore(%dma_start3A_212 : memref<!tpu.dma_semaphore, #tpu.memory_space<semaphore_mem>>)
      } else {
      }
      %while3A_155 = arith.constant 0 : i32
      scf.yield %while3A_155 : i32
    }
    %ge3A = arith.constant 1 : i32
    %ge3A_44 = arith.cmpi sge, %add3A_4, %ge3A : i32
    %convert_element_type3A_45 = arith.extui %ge3A_44 : i1 to i32
    %cond3A_46 = arith.constant 0 : i32
    %cond3A_47 = arith.cmpi ne, %convert_element_type3A_45, %cond3A_46 : i32
    scf.if %cond3A_47 {
      %sub3A = arith.constant 1 : i32
      %sub3A_66 = arith.subi %add3A_4, %sub3A : i32
      %add3A_67 = arith.constant 4 : i32
      %add3A_68 = arith.addi %sub3A_66, %add3A_67 : i32
      %rem3A = arith.constant 2 : i32
      %rem3A_69 = arith.remsi %add3A_68, %rem3A : i32
      %dma_wait3A = arith.constant 0 : i32
      %dma_wait3A_70 = arith.constant 1 : i32
      %dma_wait3A_71 = arith.constant 0 : i32
      %dma_wait3A_72 = arith.constant 0 : i32
      %dma_wait3A_73 = tpu.memref_slice %arg9[%rem3A_69, %dma_wait3A_71, %dma_wait3A_72] : memref<2x128x128xf32, #tpu.memory_space<vmem>> -> memref<1x128x128xf32, #tpu.memory_space<vmem>>
      %dma_wait3A_74 = tpu.memref_squeeze %dma_wait3A_73 : memref<1x128x128xf32, #tpu.memory_space<vmem>> -> memref<128x128xf32, #tpu.memory_space<vmem>>
      %dma_wait3A_75 = arith.constant 0 : i32
      %dma_wait3A_76 = tpu.memref_slice %arg8[%dma_wait3A, %dma_wait3A_70, %dma_wait3A_75] : memref<4x2x128xi32, #tpu.memory_space<vmem>> -> memref<1x1x128xi32, #tpu.memory_space<vmem>>
      %dma_wait3A_77 = tpu.memref_squeeze %dma_wait3A_76 : memref<1x1x128xi32, #tpu.memory_space<vmem>> -> memref<128xi32, #tpu.memory_space<vmem>>
      %dma_wait3A_78 = arith.constant 0 : i32
      %dma_wait3A_79 = arith.constant 0 : i32
      %dma_wait3A_80 = tpu.memref_slice %arg10[%dma_wait3A_78, %dma_wait3A_79] : memref<10000x128xf32, #tpu.memory_space<vmem_shared>> -> memref<10000x128xf32, #tpu.memory_space<vmem_shared>>
      %dma_wait3A_81 = tpu.memref_slice %arg13[%rem3A_69] : memref<2x!tpu.dma_semaphore, #tpu.memory_space<semaphore_mem>> -> memref<1x!tpu.dma_semaphore, #tpu.memory_space<semaphore_mem>>
      %dma_wait3A_82 = tpu.memref_squeeze %dma_wait3A_81 : memref<1x!tpu.dma_semaphore, #tpu.memory_space<semaphore_mem>> -> memref<!tpu.dma_semaphore, #tpu.memory_space<semaphore_mem>>
      tpu.wait_indirect_dma semaphore(%dma_wait3A_82 : memref<!tpu.dma_semaphore, #tpu.memory_space<semaphore_mem>>) src(%dma_wait3A_74 : memref<128x128xf32, #tpu.memory_space<vmem>>) dst(%dma_wait3A_80 : memref<10000x128xf32, #tpu.memory_space<vmem_shared>>)
    } else {
    }
    %ge3A_48 = arith.constant 2 : i32
    %ge3A_49 = arith.cmpi sge, %add3A_4, %ge3A_48 : i32
    %convert_element_type3A_50 = arith.extui %ge3A_49 : i1 to i32
    %cond3A_51 = arith.constant 0 : i32
    %cond3A_52 = arith.cmpi ne, %convert_element_type3A_50, %cond3A_51 : i32
    scf.if %cond3A_52 {
      %sub3A = arith.constant 2 : i32
      %sub3A_66 = arith.subi %add3A_4, %sub3A : i32
      %add3A_67 = arith.constant 4 : i32
      %add3A_68 = arith.addi %sub3A_66, %add3A_67 : i32
      %rem3A = arith.constant 2 : i32
      %rem3A_69 = arith.remsi %add3A_68, %rem3A : i32
      %dma_wait3A = arith.constant 0 : i32
      %dma_wait3A_70 = arith.constant 1 : i32
      %dma_wait3A_71 = arith.constant 0 : i32
      %dma_wait3A_72 = arith.constant 0 : i32
      %dma_wait3A_73 = tpu.memref_slice %arg9[%rem3A_69, %dma_wait3A_71, %dma_wait3A_72] : memref<2x128x128xf32, #tpu.memory_space<vmem>> -> memref<1x128x128xf32, #tpu.memory_space<vmem>>
      %dma_wait3A_74 = tpu.memref_squeeze %dma_wait3A_73 : memref<1x128x128xf32, #tpu.memory_space<vmem>> -> memref<128x128xf32, #tpu.memory_space<vmem>>
      %dma_wait3A_75 = arith.constant 0 : i32
      %dma_wait3A_76 = tpu.memref_slice %arg8[%dma_wait3A, %dma_wait3A_70, %dma_wait3A_75] : memref<4x2x128xi32, #tpu.memory_space<vmem>> -> memref<1x1x128xi32, #tpu.memory_space<vmem>>
      %dma_wait3A_77 = tpu.memref_squeeze %dma_wait3A_76 : memref<1x1x128xi32, #tpu.memory_space<vmem>> -> memref<128xi32, #tpu.memory_space<vmem>>
      %dma_wait3A_78 = arith.constant 0 : i32
      %dma_wait3A_79 = arith.constant 0 : i32
      %dma_wait3A_80 = tpu.memref_slice %arg10[%dma_wait3A_78, %dma_wait3A_79] : memref<10000x128xf32, #tpu.memory_space<vmem_shared>> -> memref<10000x128xf32, #tpu.memory_space<vmem_shared>>
      %dma_wait3A_81 = tpu.memref_slice %arg13[%rem3A_69] : memref<2x!tpu.dma_semaphore, #tpu.memory_space<semaphore_mem>> -> memref<1x!tpu.dma_semaphore, #tpu.memory_space<semaphore_mem>>
      %dma_wait3A_82 = tpu.memref_squeeze %dma_wait3A_81 : memref<1x!tpu.dma_semaphore, #tpu.memory_space<semaphore_mem>> -> memref<!tpu.dma_semaphore, #tpu.memory_space<semaphore_mem>>
      tpu.wait_indirect_dma semaphore(%dma_wait3A_82 : memref<!tpu.dma_semaphore, #tpu.memory_space<semaphore_mem>>) src(%dma_wait3A_74 : memref<128x128xf32, #tpu.memory_space<vmem>>) dst(%dma_wait3A_80 : memref<10000x128xf32, #tpu.memory_space<vmem_shared>>)
    } else {
    }
    %mul3A_53 = arith.constant 10000 : i32
    %mul3A_54 = arith.muli %add3A, %mul3A_53 : i32
    "tpu.region"() ({
      %run_scoped3A = tpu.sem_alloc : memref<!tpu.dma_semaphore, #tpu.memory_space<semaphore_mem>>
      %dma_start3A = tpu.memref_slice %arg7[%mul3A_54] : memref<320000xf32, #tpu.memory_space<hbm>> -> memref<10000xf32, #tpu.memory_space<hbm>>
      %dma_start3A_66 = tpu.memref_slice %arg7[%mul3A_54] : memref<320000xf32, #tpu.memory_space<hbm>> -> memref<10000xf32, #tpu.memory_space<hbm>>
      tpu.enqueue_dma source(%arg14 : memref<10000xf32, #tpu.memory_space<vmem>>) target(%dma_start3A_66 : memref<10000xf32, #tpu.memory_space<hbm>>) target_semaphore(%run_scoped3A : memref<!tpu.dma_semaphore, #tpu.memory_space<semaphore_mem>>)
      %dma_wait3A = tpu.memref_slice %arg7[%mul3A_54] : memref<320000xf32, #tpu.memory_space<hbm>> -> memref<10000xf32, #tpu.memory_space<hbm>>
      %dma_wait3A_67 = tpu.memref_slice %arg7[%mul3A_54] : memref<320000xf32, #tpu.memory_space<hbm>> -> memref<10000xf32, #tpu.memory_space<hbm>>
      tpu.wait_dma2 semaphore(%run_scoped3A : memref<!tpu.dma_semaphore, #tpu.memory_space<semaphore_mem>>) src(%arg14 : memref<10000xf32, #tpu.memory_space<vmem>>) dst(%dma_wait3A_67 : memref<10000xf32, #tpu.memory_space<hbm>>)
      tpu.yield
    }) : () -> ()
    %barrier3A_55 = arith.constant 0 : index
    tpu.barrier barrier_id(%barrier3A_55)
    %lt3A_56 = arith.constant 15 : i32
    %lt3A_57 = arith.cmpi slt, %arg1, %lt3A_56 : i32
    %convert_element_type3A_58 = arith.extui %lt3A_57 : i1 to i32
    %cond3A_59 = arith.constant 0 : i32
    %cond3A_60 = arith.cmpi ne, %convert_element_type3A_58, %cond3A_59 : i32
    scf.if %cond3A_60 {
      "tpu.region"() ({
        %run_scoped3A = tpu.sem_alloc : memref<!tpu.dma_semaphore, #tpu.memory_space<semaphore_mem>>
        %dma_start3A = arith.constant 0 : i32
        %dma_start3A_66 = tpu.memref_slice %arg6[%arg0, %mul3A_10, %dma_start3A] : memref<2x10000x128xf32, #tpu.memory_space<hbm>> -> memref<1x632x128xf32, #tpu.memory_space<hbm>>
        %dma_start3A_67 = tpu.memref_squeeze %dma_start3A_66 : memref<1x632x128xf32, #tpu.memory_space<hbm>> -> memref<632x128xf32, #tpu.memory_space<hbm>>
        %dma_start3A_68 = arith.constant 0 : i32
        %dma_start3A_69 = tpu.memref_slice %arg10[%mul3A_10, %dma_start3A_68] : memref<10000x128xf32, #tpu.memory_space<vmem_shared>> -> memref<632x128xf32, #tpu.memory_space<vmem_shared>>
        tpu.enqueue_dma source(%dma_start3A_69 : memref<632x128xf32, #tpu.memory_space<vmem_shared>>) target(%dma_start3A_67 : memref<632x128xf32, #tpu.memory_space<hbm>>) target_semaphore(%run_scoped3A : memref<!tpu.dma_semaphore, #tpu.memory_space<semaphore_mem>>)
        %dma_wait3A = arith.constant 0 : i32
        %dma_wait3A_70 = tpu.memref_slice %arg6[%arg0, %mul3A_10, %dma_wait3A] : memref<2x10000x128xf32, #tpu.memory_space<hbm>> -> memref<1x632x128xf32, #tpu.memory_space<hbm>>
        %dma_wait3A_71 = tpu.memref_squeeze %dma_wait3A_70 : memref<1x632x128xf32, #tpu.memory_space<hbm>> -> memref<632x128xf32, #tpu.memory_space<hbm>>
        %dma_wait3A_72 = arith.constant 0 : i32
        %dma_wait3A_73 = tpu.memref_slice %arg10[%mul3A_10, %dma_wait3A_72] : memref<10000x128xf32, #tpu.memory_space<vmem_shared>> -> memref<632x128xf32, #tpu.memory_space<vmem_shared>>
        tpu.wait_dma2 semaphore(%run_scoped3A : memref<!tpu.dma_semaphore, #tpu.memory_space<semaphore_mem>>) src(%dma_wait3A_73 : memref<632x128xf32, #tpu.memory_space<vmem_shared>>) dst(%dma_wait3A_71 : memref<632x128xf32, #tpu.memory_space<hbm>>)
        tpu.yield
      }) : () -> ()
    } else {
    }
    %eq3A_61 = arith.constant 15 : i32
    %eq3A_62 = arith.cmpi eq, %arg1, %eq3A_61 : i32
    %convert_element_type3A_63 = arith.extui %eq3A_62 : i1 to i32
    %cond3A_64 = arith.constant 0 : i32
    %cond3A_65 = arith.cmpi ne, %convert_element_type3A_63, %cond3A_64 : i32
    scf.if %cond3A_65 {
      "tpu.region"() ({
        %run_scoped3A = tpu.sem_alloc : memref<!tpu.dma_semaphore, #tpu.memory_space<semaphore_mem>>
        %dma_start3A = arith.constant 0 : i32
        %dma_start3A_66 = tpu.memref_slice %arg6[%arg0, %mul3A_10, %dma_start3A] : memref<2x10000x128xf32, #tpu.memory_space<hbm>> -> memref<1x520x128xf32, #tpu.memory_space<hbm>>
        %dma_start3A_67 = tpu.memref_squeeze %dma_start3A_66 : memref<1x520x128xf32, #tpu.memory_space<hbm>> -> memref<520x128xf32, #tpu.memory_space<hbm>>
        %dma_start3A_68 = arith.constant 0 : i32
        %dma_start3A_69 = tpu.memref_slice %arg10[%mul3A_10, %dma_start3A_68] : memref<10000x128xf32, #tpu.memory_space<vmem_shared>> -> memref<520x128xf32, #tpu.memory_space<vmem_shared>>
        tpu.enqueue_dma source(%dma_start3A_69 : memref<520x128xf32, #tpu.memory_space<vmem_shared>>) target(%dma_start3A_67 : memref<520x128xf32, #tpu.memory_space<hbm>>) target_semaphore(%run_scoped3A : memref<!tpu.dma_semaphore, #tpu.memory_space<semaphore_mem>>)
        %dma_wait3A = arith.constant 0 : i32
        %dma_wait3A_70 = tpu.memref_slice %arg6[%arg0, %mul3A_10, %dma_wait3A] : memref<2x10000x128xf32, #tpu.memory_space<hbm>> -> memref<1x520x128xf32, #tpu.memory_space<hbm>>
        %dma_wait3A_71 = tpu.memref_squeeze %dma_wait3A_70 : memref<1x520x128xf32, #tpu.memory_space<hbm>> -> memref<520x128xf32, #tpu.memory_space<hbm>>
        %dma_wait3A_72 = arith.constant 0 : i32
        %dma_wait3A_73 = tpu.memref_slice %arg10[%mul3A_10, %dma_wait3A_72] : memref<10000x128xf32, #tpu.memory_space<vmem_shared>> -> memref<520x128xf32, #tpu.memory_space<vmem_shared>>
        tpu.wait_dma2 semaphore(%run_scoped3A : memref<!tpu.dma_semaphore, #tpu.memory_space<semaphore_mem>>) src(%dma_wait3A_73 : memref<520x128xf32, #tpu.memory_space<vmem_shared>>) dst(%dma_wait3A_71 : memref<520x128xf32, #tpu.memory_space<hbm>>)
        tpu.yield
      }) : () -> ()
    } else {
    }
    return
  }
}

#map = affine_map<(d0, d1) -> (0, 0)>
#map1 = affine_map<(d0, d1) -> (0)>
#map2 = affine_map<(d0, d1) -> (0, 0, 0)>
module attributes {stable_mosaic.version = 14 : i64} {
  func.func @k(%arg0: i32, %arg1: i32, %arg2: memref<2000x128xf32, #tpu.memory_space<hbm>>, %arg3: memref<2x32000xi32, #tpu.memory_space<hbm>>, %arg4: memref<2000x128xf32, #tpu.memory_space<hbm>>, %arg5: memref<2000xf32, #tpu.memory_space<hbm>>, %arg6: memref<2x2000x128xf32, #tpu.memory_space<hbm>>, %arg7: memref<64000xf32, #tpu.memory_space<hbm>>, %arg8: memref<4x2x128xi32, #tpu.memory_space<vmem>>, %arg9: memref<2x128x128xf32, #tpu.memory_space<vmem>>, %arg10: memref<2000x128xf32, #tpu.memory_space<vmem_shared>>, %arg11: memref<4x!tpu.dma_semaphore, #tpu.memory_space<semaphore_mem>>, %arg12: memref<2x!tpu.dma_semaphore, #tpu.memory_space<semaphore_mem>>, %arg13: memref<2x!tpu.dma_semaphore, #tpu.memory_space<semaphore_mem>>, %arg14: memref<2000xf32, #tpu.memory_space<vmem>>) attributes {dimension_semantics = [#tpu.dimension_semantics<core_parallel>, #tpu.dimension_semantics<subcore_parallel>], iteration_bounds = array<i64: 2, 16>, scalar_prefetch = 0 : i64, scratch_operands = 7 : i64, tpu.core_type = #tpu.core_type<sc_vector_subcore>, window_params = [{transform_indices = #map}, {transform_indices = #map}, {transform_indices = #map}, {transform_indices = #map1}, {transform_indices = #map2}, {transform_indices = #map1}]} {
    %mul3A = arith.constant 2 : i32
    %mul3A_0 = arith.muli %arg1, %mul3A : i32
    %add3A = arith.addi %mul3A_0, %arg0 : i32
    %lt3A = arith.constant 26 : i32
    %lt3A_1 = arith.cmpi slt, %add3A, %lt3A : i32
    %jit3A = arith.constant 1 : i32
    %jit3A_2 = arith.constant 0 : i32
    %select_n3A = arith.select %lt3A_1, %jit3A, %jit3A_2 : i32
    %add3A_3 = arith.constant 7 : i32
    %add3A_4 = arith.addi %add3A_3, %select_n3A : i32
    %mul3A_5 = arith.constant 7 : i32
    %mul3A_6 = arith.muli %add3A, %mul3A_5 : i32
    %min3A = arith.constant 26 : i32
    %min3A_7 = arith.minsi %add3A, %min3A : i32
    %add3A_8 = arith.addi %mul3A_6, %min3A_7 : i32
    "tpu.region"() ({
      %run_scoped3A = tpu.sem_alloc : memref<!tpu.dma_semaphore, #tpu.memory_space<semaphore_mem>>
      tpu.enqueue_dma source(%arg5 : memref<2000xf32, #tpu.memory_space<hbm>>) target(%arg14 : memref<2000xf32, #tpu.memory_space<vmem>>) target_semaphore(%run_scoped3A : memref<!tpu.dma_semaphore, #tpu.memory_space<semaphore_mem>>)
      tpu.wait_dma2 semaphore(%run_scoped3A : memref<!tpu.dma_semaphore, #tpu.memory_space<semaphore_mem>>) src(%arg5 : memref<2000xf32, #tpu.memory_space<hbm>>) dst(%arg14 : memref<2000xf32, #tpu.memory_space<vmem>>)
      tpu.yield
    }) : () -> ()
    %mul3A_9 = arith.constant 128 : i32
    %mul3A_10 = arith.muli %arg1, %mul3A_9 : i32
    %lt3A_11 = arith.constant 15 : i32
    %lt3A_12 = arith.cmpi slt, %arg1, %lt3A_11 : i32
    %convert_element_type3A = arith.extui %lt3A_12 : i1 to i32
    %cond3A = arith.constant 0 : i32
    %cond3A_13 = arith.cmpi ne, %convert_element_type3A, %cond3A : i32
    scf.if %cond3A_13 {
      "tpu.region"() ({
        %run_scoped3A = tpu.sem_alloc : memref<!tpu.dma_semaphore, #tpu.memory_space<semaphore_mem>>
        %dma_start3A = arith.constant 0 : i32
        %dma_start3A_66 = tpu.memref_slice %arg10[%mul3A_10, %dma_start3A] : memref<2000x128xf32, #tpu.memory_space<vmem_shared>> -> memref<128x128xf32, #tpu.memory_space<vmem_shared>>
        %dma_start3A_67 = arith.constant 0 : i32
        %dma_start3A_68 = tpu.memref_slice %arg4[%mul3A_10, %dma_start3A_67] : memref<2000x128xf32, #tpu.memory_space<hbm>> -> memref<128x128xf32, #tpu.memory_space<hbm>>
        tpu.enqueue_dma source(%dma_start3A_68 : memref<128x128xf32, #tpu.memory_space<hbm>>) target(%dma_start3A_66 : memref<128x128xf32, #tpu.memory_space<vmem_shared>>) target_semaphore(%run_scoped3A : memref<!tpu.dma_semaphore, #tpu.memory_space<semaphore_mem>>)
        %dma_wait3A = arith.constant 0 : i32
        %dma_wait3A_69 = tpu.memref_slice %arg10[%mul3A_10, %dma_wait3A] : memref<2000x128xf32, #tpu.memory_space<vmem_shared>> -> memref<128x128xf32, #tpu.memory_space<vmem_shared>>
        %dma_wait3A_70 = arith.constant 0 : i32
        %dma_wait3A_71 = tpu.memref_slice %arg4[%mul3A_10, %dma_wait3A_70] : memref<2000x128xf32, #tpu.memory_space<hbm>> -> memref<128x128xf32, #tpu.memory_space<hbm>>
        tpu.wait_dma2 semaphore(%run_scoped3A : memref<!tpu.dma_semaphore, #tpu.memory_space<semaphore_mem>>) src(%dma_wait3A_71 : memref<128x128xf32, #tpu.memory_space<hbm>>) dst(%dma_wait3A_69 : memref<128x128xf32, #tpu.memory_space<vmem_shared>>)
        tpu.yield
      }) : () -> ()
    } else {
    }
    %eq3A = arith.constant 15 : i32
    %eq3A_14 = arith.cmpi eq, %arg1, %eq3A : i32
    %convert_element_type3A_15 = arith.extui %eq3A_14 : i1 to i32
    %cond3A_16 = arith.constant 0 : i32
    %cond3A_17 = arith.cmpi ne, %convert_element_type3A_15, %cond3A_16 : i32
    scf.if %cond3A_17 {
      "tpu.region"() ({
        %run_scoped3A = tpu.sem_alloc : memref<!tpu.dma_semaphore, #tpu.memory_space<semaphore_mem>>
        %dma_start3A = arith.constant 0 : i32
        %dma_start3A_66 = tpu.memref_slice %arg10[%mul3A_10, %dma_start3A] : memref<2000x128xf32, #tpu.memory_space<vmem_shared>> -> memref<80x128xf32, #tpu.memory_space<vmem_shared>>
        %dma_start3A_67 = arith.constant 0 : i32
        %dma_start3A_68 = tpu.memref_slice %arg4[%mul3A_10, %dma_start3A_67] : memref<2000x128xf32, #tpu.memory_space<hbm>> -> memref<80x128xf32, #tpu.memory_space<hbm>>
        tpu.enqueue_dma source(%dma_start3A_68 : memref<80x128xf32, #tpu.memory_space<hbm>>) target(%dma_start3A_66 : memref<80x128xf32, #tpu.memory_space<vmem_shared>>) target_semaphore(%run_scoped3A : memref<!tpu.dma_semaphore, #tpu.memory_space<semaphore_mem>>)
        %dma_wait3A = arith.constant 0 : i32
        %dma_wait3A_69 = tpu.memref_slice %arg10[%mul3A_10, %dma_wait3A] : memref<2000x128xf32, #tpu.memory_space<vmem_shared>> -> memref<80x128xf32, #tpu.memory_space<vmem_shared>>
        %dma_wait3A_70 = arith.constant 0 : i32
        %dma_wait3A_71 = tpu.memref_slice %arg4[%mul3A_10, %dma_wait3A_70] : memref<2000x128xf32, #tpu.memory_space<hbm>> -> memref<80x128xf32, #tpu.memory_space<hbm>>
        tpu.wait_dma2 semaphore(%run_scoped3A : memref<!tpu.dma_semaphore, #tpu.memory_space<semaphore_mem>>) src(%dma_wait3A_71 : memref<80x128xf32, #tpu.memory_space<hbm>>) dst(%dma_wait3A_69 : memref<80x128xf32, #tpu.memory_space<vmem_shared>>)
        tpu.yield
      }) : () -> ()
    } else {
    }
    %barrier3A = arith.constant 0 : index
    tpu.barrier barrier_id(%barrier3A)
    %broadcast_in_dim3A = arith.constant 1.000000e+00 : f32
    %broadcast_in_dim3A_18 = vector.broadcast %broadcast_in_dim3A : f32 to vector<16xf32>
    %gt3A = arith.constant 0 : i32
    %gt3A_19 = arith.cmpi sgt, %add3A_4, %gt3A : i32
    %convert_element_type3A_20 = arith.extui %gt3A_19 : i1 to i32
    %cond3A_21 = arith.constant 0 : i32
    %cond3A_22 = arith.cmpi ne, %convert_element_type3A_20, %cond3A_21 : i32
    scf.if %cond3A_22 {
      %add3A_66 = arith.constant 0 : i32
      %add3A_67 = arith.addi %add3A_8, %add3A_66 : i32
      %mul3A_68 = arith.constant 128 : i32
      %mul3A_69 = arith.muli %add3A_67, %mul3A_68 : i32
      %rem3A = arith.constant 0 : i32
      %rem3A_70 = arith.constant 4 : i32
      %rem3A_71 = arith.remsi %rem3A, %rem3A_70 : i32
      %rem3A_72 = arith.constant 0 : i32
      %rem3A_73 = arith.constant 4 : i32
      %rem3A_74 = arith.remsi %rem3A_72, %rem3A_73 : i32
      %dma_start3A = arith.constant 0 : i32
      %dma_start3A_75 = arith.constant 0 : i32
      %dma_start3A_76 = tpu.memref_slice %arg8[%rem3A_71, %dma_start3A, %dma_start3A_75] : memref<4x2x128xi32, #tpu.memory_space<vmem>> -> memref<1x2x128xi32, #tpu.memory_space<vmem>>
      %dma_start3A_77 = tpu.memref_squeeze %dma_start3A_76 : memref<1x2x128xi32, #tpu.memory_space<vmem>> -> memref<2x128xi32, #tpu.memory_space<vmem>>
      %dma_start3A_78 = arith.constant 0 : i32
      %dma_start3A_79 = tpu.memref_slice %arg3[%dma_start3A_78, %mul3A_69] : memref<2x32000xi32, #tpu.memory_space<hbm>> -> memref<2x128xi32, #tpu.memory_space<hbm>>
      %dma_start3A_80 = tpu.memref_slice %arg11[%rem3A_74] : memref<4x!tpu.dma_semaphore, #tpu.memory_space<semaphore_mem>> -> memref<1x!tpu.dma_semaphore, #tpu.memory_space<semaphore_mem>>
      %dma_start3A_81 = tpu.memref_squeeze %dma_start3A_80 : memref<1x!tpu.dma_semaphore, #tpu.memory_space<semaphore_mem>> -> memref<!tpu.dma_semaphore, #tpu.memory_space<semaphore_mem>>
      %dma_start3A_82 = arith.constant 0 : i32
      %dma_start3A_83 = arith.constant 0 : i32
      %dma_start3A_84 = tpu.memref_slice %arg8[%rem3A_71, %dma_start3A_82, %dma_start3A_83] : memref<4x2x128xi32, #tpu.memory_space<vmem>> -> memref<1x2x128xi32, #tpu.memory_space<vmem>>
      %dma_start3A_85 = tpu.memref_squeeze %dma_start3A_84 : memref<1x2x128xi32, #tpu.memory_space<vmem>> -> memref<2x128xi32, #tpu.memory_space<vmem>>
      %dma_start3A_86 = arith.constant 0 : i32
      %dma_start3A_87 = tpu.memref_slice %arg3[%dma_start3A_86, %mul3A_69] : memref<2x32000xi32, #tpu.memory_space<hbm>> -> memref<2x128xi32, #tpu.memory_space<hbm>>
      tpu.enqueue_dma source(%dma_start3A_87 : memref<2x128xi32, #tpu.memory_space<hbm>>) target(%dma_start3A_85 : memref<2x128xi32, #tpu.memory_space<vmem>>) target_semaphore(%dma_start3A_81 : memref<!tpu.dma_semaphore, #tpu.memory_space<semaphore_mem>>)
    } else {
    }
    %gt3A_23 = arith.constant 1 : i32
    %gt3A_24 = arith.cmpi sgt, %add3A_4, %gt3A_23 : i32
    %convert_element_type3A_25 = arith.extui %gt3A_24 : i1 to i32
    %cond3A_26 = arith.constant 0 : i32
    %cond3A_27 = arith.cmpi ne, %convert_element_type3A_25, %cond3A_26 : i32
    scf.if %cond3A_27 {
      %add3A_66 = arith.constant 1 : i32
      %add3A_67 = arith.addi %add3A_8, %add3A_66 : i32
      %mul3A_68 = arith.constant 128 : i32
      %mul3A_69 = arith.muli %add3A_67, %mul3A_68 : i32
      %rem3A = arith.constant 1 : i32
      %rem3A_70 = arith.constant 4 : i32
      %rem3A_71 = arith.remsi %rem3A, %rem3A_70 : i32
      %rem3A_72 = arith.constant 1 : i32
      %rem3A_73 = arith.constant 4 : i32
      %rem3A_74 = arith.remsi %rem3A_72, %rem3A_73 : i32
      %dma_start3A = arith.constant 0 : i32
      %dma_start3A_75 = arith.constant 0 : i32
      %dma_start3A_76 = tpu.memref_slice %arg8[%rem3A_71, %dma_start3A, %dma_start3A_75] : memref<4x2x128xi32, #tpu.memory_space<vmem>> -> memref<1x2x128xi32, #tpu.memory_space<vmem>>
      %dma_start3A_77 = tpu.memref_squeeze %dma_start3A_76 : memref<1x2x128xi32, #tpu.memory_space<vmem>> -> memref<2x128xi32, #tpu.memory_space<vmem>>
      %dma_start3A_78 = arith.constant 0 : i32
      %dma_start3A_79 = tpu.memref_slice %arg3[%dma_start3A_78, %mul3A_69] : memref<2x32000xi32, #tpu.memory_space<hbm>> -> memref<2x128xi32, #tpu.memory_space<hbm>>
      %dma_start3A_80 = tpu.memref_slice %arg11[%rem3A_74] : memref<4x!tpu.dma_semaphore, #tpu.memory_space<semaphore_mem>> -> memref<1x!tpu.dma_semaphore, #tpu.memory_space<semaphore_mem>>
      %dma_start3A_81 = tpu.memref_squeeze %dma_start3A_80 : memref<1x!tpu.dma_semaphore, #tpu.memory_space<semaphore_mem>> -> memref<!tpu.dma_semaphore, #tpu.memory_space<semaphore_mem>>
      %dma_start3A_82 = arith.constant 0 : i32
      %dma_start3A_83 = arith.constant 0 : i32
      %dma_start3A_84 = tpu.memref_slice %arg8[%rem3A_71, %dma_start3A_82, %dma_start3A_83] : memref<4x2x128xi32, #tpu.memory_space<vmem>> -> memref<1x2x128xi32, #tpu.memory_space<vmem>>
      %dma_start3A_85 = tpu.memref_squeeze %dma_start3A_84 : memref<1x2x128xi32, #tpu.memory_space<vmem>> -> memref<2x128xi32, #tpu.memory_space<vmem>>
      %dma_start3A_86 = arith.constant 0 : i32
      %dma_start3A_87 = tpu.memref_slice %arg3[%dma_start3A_86, %mul3A_69] : memref<2x32000xi32, #tpu.memory_space<hbm>> -> memref<2x128xi32, #tpu.memory_space<hbm>>
      tpu.enqueue_dma source(%dma_start3A_87 : memref<2x128xi32, #tpu.memory_space<hbm>>) target(%dma_start3A_85 : memref<2x128xi32, #tpu.memory_space<vmem>>) target_semaphore(%dma_start3A_81 : memref<!tpu.dma_semaphore, #tpu.memory_space<semaphore_mem>>)
    } else {
    }
    %gt3A_28 = arith.constant 0 : i32
    %gt3A_29 = arith.cmpi sgt, %add3A_4, %gt3A_28 : i32
    %convert_element_type3A_30 = arith.extui %gt3A_29 : i1 to i32
    %cond3A_31 = arith.constant 0 : i32
    %cond3A_32 = arith.cmpi ne, %convert_element_type3A_30, %cond3A_31 : i32
    scf.if %cond3A_32 {
      %add3A_66 = arith.constant 0 : i32
      %add3A_67 = arith.addi %add3A_8, %add3A_66 : i32
      %mul3A_68 = arith.constant 128 : i32
      %mul3A_69 = arith.muli %add3A_67, %mul3A_68 : i32
      %rem3A = arith.constant 0 : i32
      %rem3A_70 = arith.constant 4 : i32
      %rem3A_71 = arith.remsi %rem3A, %rem3A_70 : i32
      %rem3A_72 = arith.constant 0 : i32
      %rem3A_73 = arith.constant 4 : i32
      %rem3A_74 = arith.remsi %rem3A_72, %rem3A_73 : i32
      %dma_wait3A = arith.constant 0 : i32
      %dma_wait3A_75 = arith.constant 0 : i32
      %dma_wait3A_76 = tpu.memref_slice %arg8[%rem3A_71, %dma_wait3A, %dma_wait3A_75] : memref<4x2x128xi32, #tpu.memory_space<vmem>> -> memref<1x2x128xi32, #tpu.memory_space<vmem>>
      %dma_wait3A_77 = tpu.memref_squeeze %dma_wait3A_76 : memref<1x2x128xi32, #tpu.memory_space<vmem>> -> memref<2x128xi32, #tpu.memory_space<vmem>>
      %dma_wait3A_78 = arith.constant 0 : i32
      %dma_wait3A_79 = tpu.memref_slice %arg3[%dma_wait3A_78, %mul3A_69] : memref<2x32000xi32, #tpu.memory_space<hbm>> -> memref<2x128xi32, #tpu.memory_space<hbm>>
      %dma_wait3A_80 = tpu.memref_slice %arg11[%rem3A_74] : memref<4x!tpu.dma_semaphore, #tpu.memory_space<semaphore_mem>> -> memref<1x!tpu.dma_semaphore, #tpu.memory_space<semaphore_mem>>
      %dma_wait3A_81 = tpu.memref_squeeze %dma_wait3A_80 : memref<1x!tpu.dma_semaphore, #tpu.memory_space<semaphore_mem>> -> memref<!tpu.dma_semaphore, #tpu.memory_space<semaphore_mem>>
      %dma_wait3A_82 = arith.constant 0 : i32
      %dma_wait3A_83 = arith.constant 0 : i32
      %dma_wait3A_84 = tpu.memref_slice %arg8[%rem3A_71, %dma_wait3A_82, %dma_wait3A_83] : memref<4x2x128xi32, #tpu.memory_space<vmem>> -> memref<1x2x128xi32, #tpu.memory_space<vmem>>
      %dma_wait3A_85 = tpu.memref_squeeze %dma_wait3A_84 : memref<1x2x128xi32, #tpu.memory_space<vmem>> -> memref<2x128xi32, #tpu.memory_space<vmem>>
      %dma_wait3A_86 = arith.constant 0 : i32
      %dma_wait3A_87 = tpu.memref_slice %arg3[%dma_wait3A_86, %mul3A_69] : memref<2x32000xi32, #tpu.memory_space<hbm>> -> memref<2x128xi32, #tpu.memory_space<hbm>>
      tpu.wait_dma2 semaphore(%dma_wait3A_81 : memref<!tpu.dma_semaphore, #tpu.memory_space<semaphore_mem>>) src(%dma_wait3A_87 : memref<2x128xi32, #tpu.memory_space<hbm>>) dst(%dma_wait3A_85 : memref<2x128xi32, #tpu.memory_space<vmem>>)
      %rem3A_88 = arith.constant 0 : i32
      %rem3A_89 = arith.constant 4 : i32
      %rem3A_90 = arith.remsi %rem3A_88, %rem3A_89 : i32
      %rem3A_91 = arith.constant 0 : i32
      %rem3A_92 = arith.constant 2 : i32
      %rem3A_93 = arith.remsi %rem3A_91, %rem3A_92 : i32
      %rem3A_94 = arith.constant 0 : i32
      %rem3A_95 = arith.constant 2 : i32
      %rem3A_96 = arith.remsi %rem3A_94, %rem3A_95 : i32
      %dma_start3A = arith.constant 0 : i32
      %dma_start3A_97 = arith.constant 0 : i32
      %dma_start3A_98 = arith.constant 0 : i32
      %dma_start3A_99 = tpu.memref_slice %arg9[%rem3A_93, %dma_start3A_97, %dma_start3A_98] : memref<2x128x128xf32, #tpu.memory_space<vmem>> -> memref<1x128x128xf32, #tpu.memory_space<vmem>>
      %dma_start3A_100 = tpu.memref_squeeze %dma_start3A_99 : memref<1x128x128xf32, #tpu.memory_space<vmem>> -> memref<128x128xf32, #tpu.memory_space<vmem>>
      %dma_start3A_101 = arith.constant 0 : i32
      %dma_start3A_102 = tpu.memref_slice %arg8[%rem3A_90, %dma_start3A, %dma_start3A_101] : memref<4x2x128xi32, #tpu.memory_space<vmem>> -> memref<1x1x128xi32, #tpu.memory_space<vmem>>
      %dma_start3A_103 = tpu.memref_squeeze %dma_start3A_102 : memref<1x1x128xi32, #tpu.memory_space<vmem>> -> memref<128xi32, #tpu.memory_space<vmem>>
      %dma_start3A_104 = arith.constant 0 : i32
      %dma_start3A_105 = arith.constant 0 : i32
      %dma_start3A_106 = tpu.memref_slice %arg2[%dma_start3A_104, %dma_start3A_105] : memref<2000x128xf32, #tpu.memory_space<hbm>> -> memref<2000x128xf32, #tpu.memory_space<hbm>>
      %dma_start3A_107 = tpu.memref_slice %arg12[%rem3A_96] : memref<2x!tpu.dma_semaphore, #tpu.memory_space<semaphore_mem>> -> memref<1x!tpu.dma_semaphore, #tpu.memory_space<semaphore_mem>>
      %dma_start3A_108 = tpu.memref_squeeze %dma_start3A_107 : memref<1x!tpu.dma_semaphore, #tpu.memory_space<semaphore_mem>> -> memref<!tpu.dma_semaphore, #tpu.memory_space<semaphore_mem>>
      tpu.enqueue_indirect_dma source(%dma_start3A_106 : memref<2000x128xf32, #tpu.memory_space<hbm>>) target(%dma_start3A_100 : memref<128x128xf32, #tpu.memory_space<vmem>>) offsets(%dma_start3A_103 : memref<128xi32, #tpu.memory_space<vmem>>) semaphore(%dma_start3A_108 : memref<!tpu.dma_semaphore, #tpu.memory_space<semaphore_mem>>)
    } else {
    }
    %while3A = arith.constant 0 : i32
    %while3A_33 = arith.constant 0 : i32
    %while3A_34 = arith.subi %add3A_4, %while3A : i32
    %while3A_35 = arith.addi %while3A, %while3A_34 : i32
    %while3A_36 = arith.constant 1 : i32
    %while3A_37 = arith.divsi %while3A_34, %while3A_36 : i32
    %while3A_38 = arith.muli %while3A_37, %while3A_36 : i32
    %while3A_39 = arith.addi %while3A, %while3A_38 : i32
    %while3A_40 = arith.constant 1 : i32
    %while3A_41 = scf.for %while3A_66 = %while3A to %while3A_39 step %while3A_40 iter_args(%while3A_67 = %while3A_33) -> (i32)  : i32 {
      %add3A_68 = arith.constant 2 : i32
      %add3A_69 = arith.addi %while3A_66, %add3A_68 : i32
      %lt3A_70 = arith.cmpi slt, %add3A_69, %add3A_4 : i32
      %convert_element_type3A_71 = arith.extui %lt3A_70 : i1 to i32
      %cond3A_72 = arith.constant 0 : i32
      %cond3A_73 = arith.cmpi ne, %convert_element_type3A_71, %cond3A_72 : i32
      scf.if %cond3A_73 {
        %add3A_156 = arith.constant 2 : i32
        %add3A_157 = arith.addi %while3A_66, %add3A_156 : i32
        %add3A_158 = arith.addi %add3A_8, %add3A_157 : i32
        %mul3A_159 = arith.constant 128 : i32
        %mul3A_160 = arith.muli %add3A_158, %mul3A_159 : i32
        %rem3A_161 = arith.constant 4 : i32
        %rem3A_162 = arith.remsi %add3A_157, %rem3A_161 : i32
        %rem3A_163 = arith.constant 4 : i32
        %rem3A_164 = arith.remsi %add3A_157, %rem3A_163 : i32
        %dma_start3A_165 = arith.constant 0 : i32
        %dma_start3A_166 = arith.constant 0 : i32
        %dma_start3A_167 = tpu.memref_slice %arg8[%rem3A_162, %dma_start3A_165, %dma_start3A_166] : memref<4x2x128xi32, #tpu.memory_space<vmem>> -> memref<1x2x128xi32, #tpu.memory_space<vmem>>
        %dma_start3A_168 = tpu.memref_squeeze %dma_start3A_167 : memref<1x2x128xi32, #tpu.memory_space<vmem>> -> memref<2x128xi32, #tpu.memory_space<vmem>>
        %dma_start3A_169 = arith.constant 0 : i32
        %dma_start3A_170 = tpu.memref_slice %arg3[%dma_start3A_169, %mul3A_160] : memref<2x32000xi32, #tpu.memory_space<hbm>> -> memref<2x128xi32, #tpu.memory_space<hbm>>
        %dma_start3A_171 = tpu.memref_slice %arg11[%rem3A_164] : memref<4x!tpu.dma_semaphore, #tpu.memory_space<semaphore_mem>> -> memref<1x!tpu.dma_semaphore, #tpu.memory_space<semaphore_mem>>
        %dma_start3A_172 = tpu.memref_squeeze %dma_start3A_171 : memref<1x!tpu.dma_semaphore, #tpu.memory_space<semaphore_mem>> -> memref<!tpu.dma_semaphore, #tpu.memory_space<semaphore_mem>>
        %dma_start3A_173 = arith.constant 0 : i32
        %dma_start3A_174 = arith.constant 0 : i32
        %dma_start3A_175 = tpu.memref_slice %arg8[%rem3A_162, %dma_start3A_173, %dma_start3A_174] : memref<4x2x128xi32, #tpu.memory_space<vmem>> -> memref<1x2x128xi32, #tpu.memory_space<vmem>>
        %dma_start3A_176 = tpu.memref_squeeze %dma_start3A_175 : memref<1x2x128xi32, #tpu.memory_space<vmem>> -> memref<2x128xi32, #tpu.memory_space<vmem>>
        %dma_start3A_177 = arith.constant 0 : i32
        %dma_start3A_178 = tpu.memref_slice %arg3[%dma_start3A_177, %mul3A_160] : memref<2x32000xi32, #tpu.memory_space<hbm>> -> memref<2x128xi32, #tpu.memory_space<hbm>>
        tpu.enqueue_dma source(%dma_start3A_178 : memref<2x128xi32, #tpu.memory_space<hbm>>) target(%dma_start3A_176 : memref<2x128xi32, #tpu.memory_space<vmem>>) target_semaphore(%dma_start3A_172 : memref<!tpu.dma_semaphore, #tpu.memory_space<semaphore_mem>>)
      } else {
      }
      %rem3A = arith.constant 4 : i32
      %rem3A_74 = arith.remsi %while3A_66, %rem3A : i32
      %rem3A_75 = arith.constant 2 : i32
      %rem3A_76 = arith.remsi %while3A_66, %rem3A_75 : i32
      %rem3A_77 = arith.constant 2 : i32
      %rem3A_78 = arith.remsi %while3A_66, %rem3A_77 : i32
      %dma_wait3A = arith.constant 0 : i32
      %dma_wait3A_79 = arith.constant 0 : i32
      %dma_wait3A_80 = arith.constant 0 : i32
      %dma_wait3A_81 = tpu.memref_slice %arg9[%rem3A_76, %dma_wait3A_79, %dma_wait3A_80] : memref<2x128x128xf32, #tpu.memory_space<vmem>> -> memref<1x128x128xf32, #tpu.memory_space<vmem>>
      %dma_wait3A_82 = tpu.memref_squeeze %dma_wait3A_81 : memref<1x128x128xf32, #tpu.memory_space<vmem>> -> memref<128x128xf32, #tpu.memory_space<vmem>>
      %dma_wait3A_83 = arith.constant 0 : i32
      %dma_wait3A_84 = tpu.memref_slice %arg8[%rem3A_74, %dma_wait3A, %dma_wait3A_83] : memref<4x2x128xi32, #tpu.memory_space<vmem>> -> memref<1x1x128xi32, #tpu.memory_space<vmem>>
      %dma_wait3A_85 = tpu.memref_squeeze %dma_wait3A_84 : memref<1x1x128xi32, #tpu.memory_space<vmem>> -> memref<128xi32, #tpu.memory_space<vmem>>
      %dma_wait3A_86 = arith.constant 0 : i32
      %dma_wait3A_87 = arith.constant 0 : i32
      %dma_wait3A_88 = tpu.memref_slice %arg2[%dma_wait3A_86, %dma_wait3A_87] : memref<2000x128xf32, #tpu.memory_space<hbm>> -> memref<2000x128xf32, #tpu.memory_space<hbm>>
      %dma_wait3A_89 = tpu.memref_slice %arg12[%rem3A_78] : memref<2x!tpu.dma_semaphore, #tpu.memory_space<semaphore_mem>> -> memref<1x!tpu.dma_semaphore, #tpu.memory_space<semaphore_mem>>
      %dma_wait3A_90 = tpu.memref_squeeze %dma_wait3A_89 : memref<1x!tpu.dma_semaphore, #tpu.memory_space<semaphore_mem>> -> memref<!tpu.dma_semaphore, #tpu.memory_space<semaphore_mem>>
      tpu.wait_indirect_dma semaphore(%dma_wait3A_90 : memref<!tpu.dma_semaphore, #tpu.memory_space<semaphore_mem>>) src(%dma_wait3A_88 : memref<2000x128xf32, #tpu.memory_space<hbm>>) dst(%dma_wait3A_82 : memref<128x128xf32, #tpu.memory_space<vmem>>)
      %rem3A_91 = arith.constant 4 : i32
      %rem3A_92 = arith.remsi %while3A_66, %rem3A_91 : i32
      %rem3A_93 = arith.constant 2 : i32
      %rem3A_94 = arith.remsi %while3A_66, %rem3A_93 : i32
      %rem3A_95 = arith.constant 2 : i32
      %rem3A_96 = arith.remsi %while3A_66, %rem3A_95 : i32
      %dma_start3A = arith.constant 1 : i32
      %dma_start3A_97 = arith.constant 0 : i32
      %dma_start3A_98 = arith.constant 0 : i32
      %dma_start3A_99 = tpu.memref_slice %arg9[%rem3A_94, %dma_start3A_97, %dma_start3A_98] : memref<2x128x128xf32, #tpu.memory_space<vmem>> -> memref<1x128x128xf32, #tpu.memory_space<vmem>>
      %dma_start3A_100 = tpu.memref_squeeze %dma_start3A_99 : memref<1x128x128xf32, #tpu.memory_space<vmem>> -> memref<128x128xf32, #tpu.memory_space<vmem>>
      %dma_start3A_101 = arith.constant 0 : i32
      %dma_start3A_102 = tpu.memref_slice %arg8[%rem3A_92, %dma_start3A, %dma_start3A_101] : memref<4x2x128xi32, #tpu.memory_space<vmem>> -> memref<1x1x128xi32, #tpu.memory_space<vmem>>
      %dma_start3A_103 = tpu.memref_squeeze %dma_start3A_102 : memref<1x1x128xi32, #tpu.memory_space<vmem>> -> memref<128xi32, #tpu.memory_space<vmem>>
      %dma_start3A_104 = arith.constant 0 : i32
      %dma_start3A_105 = arith.constant 0 : i32
      %dma_start3A_106 = tpu.memref_slice %arg10[%dma_start3A_104, %dma_start3A_105] : memref<2000x128xf32, #tpu.memory_space<vmem_shared>> -> memref<2000x128xf32, #tpu.memory_space<vmem_shared>>
      %dma_start3A_107 = tpu.memref_slice %arg13[%rem3A_96] : memref<2x!tpu.dma_semaphore, #tpu.memory_space<semaphore_mem>> -> memref<1x!tpu.dma_semaphore, #tpu.memory_space<semaphore_mem>>
      %dma_start3A_108 = tpu.memref_squeeze %dma_start3A_107 : memref<1x!tpu.dma_semaphore, #tpu.memory_space<semaphore_mem>> -> memref<!tpu.dma_semaphore, #tpu.memory_space<semaphore_mem>>
      tpu.enqueue_indirect_dma source(%dma_start3A_100 : memref<128x128xf32, #tpu.memory_space<vmem>>) target(%dma_start3A_106 : memref<2000x128xf32, #tpu.memory_space<vmem_shared>>) offsets(%dma_start3A_103 : memref<128xi32, #tpu.memory_space<vmem>>) semaphore(%dma_start3A_108 : memref<!tpu.dma_semaphore, #tpu.memory_space<semaphore_mem>>) {add = true}
      %get3A = arith.constant 1 : i32
      %get3A_109 = arith.index_cast %rem3A_92 : i32 to index
      %get3A_110 = arith.index_cast %get3A : i32 to index
      %get3A_111 = arith.constant 0 : index
      %get3A_112 = tpu.vector_load %arg8[%get3A_109, %get3A_110, %get3A_111] {strides = array<i32>} : memref<4x2x128xi32, #tpu.memory_space<vmem>>, vector<16xi32>,
      tpu.vector_store_idx %arg14[%get3A_112], %broadcast_in_dim3A_18 {add = true} : memref<2000xf32, #tpu.memory_space<vmem>>[vector<16xi32>], vector<16xf32>,
      %get3A_113 = arith.constant 1 : i32
      %get3A_114 = arith.index_cast %rem3A_92 : i32 to index
      %get3A_115 = arith.index_cast %get3A_113 : i32 to index
      %get3A_116 = arith.constant 16 : index
      %get3A_117 = tpu.vector_load %arg8[%get3A_114, %get3A_115, %get3A_116] {strides = array<i32>} : memref<4x2x128xi32, #tpu.memory_space<vmem>>, vector<16xi32>,
      tpu.vector_store_idx %arg14[%get3A_117], %broadcast_in_dim3A_18 {add = true} : memref<2000xf32, #tpu.memory_space<vmem>>[vector<16xi32>], vector<16xf32>,
      %get3A_118 = arith.constant 1 : i32
      %get3A_119 = arith.index_cast %rem3A_92 : i32 to index
      %get3A_120 = arith.index_cast %get3A_118 : i32 to index
      %get3A_121 = arith.constant 32 : index
      %get3A_122 = tpu.vector_load %arg8[%get3A_119, %get3A_120, %get3A_121] {strides = array<i32>} : memref<4x2x128xi32, #tpu.memory_space<vmem>>, vector<16xi32>,
      tpu.vector_store_idx %arg14[%get3A_122], %broadcast_in_dim3A_18 {add = true} : memref<2000xf32, #tpu.memory_space<vmem>>[vector<16xi32>], vector<16xf32>,
      %get3A_123 = arith.constant 1 : i32
      %get3A_124 = arith.index_cast %rem3A_92 : i32 to index
      %get3A_125 = arith.index_cast %get3A_123 : i32 to index
      %get3A_126 = arith.constant 48 : index
      %get3A_127 = tpu.vector_load %arg8[%get3A_124, %get3A_125, %get3A_126] {strides = array<i32>} : memref<4x2x128xi32, #tpu.memory_space<vmem>>, vector<16xi32>,
      tpu.vector_store_idx %arg14[%get3A_127], %broadcast_in_dim3A_18 {add = true} : memref<2000xf32, #tpu.memory_space<vmem>>[vector<16xi32>], vector<16xf32>,
      %get3A_128 = arith.constant 1 : i32
      %get3A_129 = arith.index_cast %rem3A_92 : i32 to index
      %get3A_130 = arith.index_cast %get3A_128 : i32 to index
      %get3A_131 = arith.constant 64 : index
      %get3A_132 = tpu.vector_load %arg8[%get3A_129, %get3A_130, %get3A_131] {strides = array<i32>} : memref<4x2x128xi32, #tpu.memory_space<vmem>>, vector<16xi32>,
      tpu.vector_store_idx %arg14[%get3A_132], %broadcast_in_dim3A_18 {add = true} : memref<2000xf32, #tpu.memory_space<vmem>>[vector<16xi32>], vector<16xf32>,
      %get3A_133 = arith.constant 1 : i32
      %get3A_134 = arith.index_cast %rem3A_92 : i32 to index
      %get3A_135 = arith.index_cast %get3A_133 : i32 to index
      %get3A_136 = arith.constant 80 : index
      %get3A_137 = tpu.vector_load %arg8[%get3A_134, %get3A_135, %get3A_136] {strides = array<i32>} : memref<4x2x128xi32, #tpu.memory_space<vmem>>, vector<16xi32>,
      tpu.vector_store_idx %arg14[%get3A_137], %broadcast_in_dim3A_18 {add = true} : memref<2000xf32, #tpu.memory_space<vmem>>[vector<16xi32>], vector<16xf32>,
      %get3A_138 = arith.constant 1 : i32
      %get3A_139 = arith.index_cast %rem3A_92 : i32 to index
      %get3A_140 = arith.index_cast %get3A_138 : i32 to index
      %get3A_141 = arith.constant 96 : index
      %get3A_142 = tpu.vector_load %arg8[%get3A_139, %get3A_140, %get3A_141] {strides = array<i32>} : memref<4x2x128xi32, #tpu.memory_space<vmem>>, vector<16xi32>,
      tpu.vector_store_idx %arg14[%get3A_142], %broadcast_in_dim3A_18 {add = true} : memref<2000xf32, #tpu.memory_space<vmem>>[vector<16xi32>], vector<16xf32>,
      %get3A_143 = arith.constant 1 : i32
      %get3A_144 = arith.index_cast %rem3A_92 : i32 to index
      %get3A_145 = arith.index_cast %get3A_143 : i32 to index
      %get3A_146 = arith.constant 112 : index
      %get3A_147 = tpu.vector_load %arg8[%get3A_144, %get3A_145, %get3A_146] {strides = array<i32>} : memref<4x2x128xi32, #tpu.memory_space<vmem>>, vector<16xi32>,
      tpu.vector_store_idx %arg14[%get3A_147], %broadcast_in_dim3A_18 {add = true} : memref<2000xf32, #tpu.memory_space<vmem>>[vector<16xi32>], vector<16xf32>,
      %add3A_148 = arith.constant 2 : i32
      %add3A_149 = arith.addi %while3A_66, %add3A_148 : i32
      %sub3A = arith.constant 1 : i32
      %sub3A_150 = arith.subi %add3A_149, %sub3A : i32
      %lt3A_151 = arith.cmpi slt, %sub3A_150, %add3A_4 : i32
      %convert_element_type3A_152 = arith.extui %lt3A_151 : i1 to i32
      %cond3A_153 = arith.constant 0 : i32
      %cond3A_154 = arith.cmpi ne, %convert_element_type3A_152, %cond3A_153 : i32
      scf.if %cond3A_154 {
        %add3A_156 = arith.constant 2 : i32
        %add3A_157 = arith.addi %while3A_66, %add3A_156 : i32
        %sub3A_158 = arith.constant 1 : i32
        %sub3A_159 = arith.subi %add3A_157, %sub3A_158 : i32
        %add3A_160 = arith.addi %add3A_8, %sub3A_159 : i32
        %mul3A_161 = arith.constant 128 : i32
        %mul3A_162 = arith.muli %add3A_160, %mul3A_161 : i32
        %rem3A_163 = arith.constant 4 : i32
        %rem3A_164 = arith.remsi %sub3A_159, %rem3A_163 : i32
        %rem3A_165 = arith.constant 4 : i32
        %rem3A_166 = arith.remsi %sub3A_159, %rem3A_165 : i32
        %dma_wait3A_167 = arith.constant 0 : i32
        %dma_wait3A_168 = arith.constant 0 : i32
        %dma_wait3A_169 = tpu.memref_slice %arg8[%rem3A_164, %dma_wait3A_167, %dma_wait3A_168] : memref<4x2x128xi32, #tpu.memory_space<vmem>> -> memref<1x2x128xi32, #tpu.memory_space<vmem>>
        %dma_wait3A_170 = tpu.memref_squeeze %dma_wait3A_169 : memref<1x2x128xi32, #tpu.memory_space<vmem>> -> memref<2x128xi32, #tpu.memory_space<vmem>>
        %dma_wait3A_171 = arith.constant 0 : i32
        %dma_wait3A_172 = tpu.memref_slice %arg3[%dma_wait3A_171, %mul3A_162] : memref<2x32000xi32, #tpu.memory_space<hbm>> -> memref<2x128xi32, #tpu.memory_space<hbm>>
        %dma_wait3A_173 = tpu.memref_slice %arg11[%rem3A_166] : memref<4x!tpu.dma_semaphore, #tpu.memory_space<semaphore_mem>> -> memref<1x!tpu.dma_semaphore, #tpu.memory_space<semaphore_mem>>
        %dma_wait3A_174 = tpu.memref_squeeze %dma_wait3A_173 : memref<1x!tpu.dma_semaphore, #tpu.memory_space<semaphore_mem>> -> memref<!tpu.dma_semaphore, #tpu.memory_space<semaphore_mem>>
        %dma_wait3A_175 = arith.constant 0 : i32
        %dma_wait3A_176 = arith.constant 0 : i32
        %dma_wait3A_177 = tpu.memref_slice %arg8[%rem3A_164, %dma_wait3A_175, %dma_wait3A_176] : memref<4x2x128xi32, #tpu.memory_space<vmem>> -> memref<1x2x128xi32, #tpu.memory_space<vmem>>
        %dma_wait3A_178 = tpu.memref_squeeze %dma_wait3A_177 : memref<1x2x128xi32, #tpu.memory_space<vmem>> -> memref<2x128xi32, #tpu.memory_space<vmem>>
        %dma_wait3A_179 = arith.constant 0 : i32
        %dma_wait3A_180 = tpu.memref_slice %arg3[%dma_wait3A_179, %mul3A_162] : memref<2x32000xi32, #tpu.memory_space<hbm>> -> memref<2x128xi32, #tpu.memory_space<hbm>>
        tpu.wait_dma2 semaphore(%dma_wait3A_174 : memref<!tpu.dma_semaphore, #tpu.memory_space<semaphore_mem>>) src(%dma_wait3A_180 : memref<2x128xi32, #tpu.memory_space<hbm>>) dst(%dma_wait3A_178 : memref<2x128xi32, #tpu.memory_space<vmem>>)
        %add3A_181 = arith.constant 2 : i32
        %add3A_182 = arith.addi %while3A_66, %add3A_181 : i32
        %sub3A_183 = arith.constant 1 : i32
        %sub3A_184 = arith.subi %add3A_182, %sub3A_183 : i32
        %ge3A_185 = arith.constant 2 : i32
        %ge3A_186 = arith.cmpi sge, %sub3A_184, %ge3A_185 : i32
        %convert_element_type3A_187 = arith.extui %ge3A_186 : i1 to i32
        %cond3A_188 = arith.constant 0 : i32
        %cond3A_189 = arith.cmpi ne, %convert_element_type3A_187, %cond3A_188 : i32
        scf.if %cond3A_189 {
          %add3A_213 = arith.constant 2 : i32
          %add3A_214 = arith.addi %while3A_66, %add3A_213 : i32
          %sub3A_215 = arith.constant 1 : i32
          %sub3A_216 = arith.subi %add3A_214, %sub3A_215 : i32
          %rem3A_217 = arith.constant 2 : i32
          %rem3A_218 = arith.remsi %sub3A_216, %rem3A_217 : i32
          %dma_wait3A_219 = arith.constant 0 : i32
          %dma_wait3A_220 = arith.constant 1 : i32
          %dma_wait3A_221 = arith.constant 0 : i32
          %dma_wait3A_222 = arith.constant 0 : i32
          %dma_wait3A_223 = tpu.memref_slice %arg9[%rem3A_218, %dma_wait3A_221, %dma_wait3A_222] : memref<2x128x128xf32, #tpu.memory_space<vmem>> -> memref<1x128x128xf32, #tpu.memory_space<vmem>>
          %dma_wait3A_224 = tpu.memref_squeeze %dma_wait3A_223 : memref<1x128x128xf32, #tpu.memory_space<vmem>> -> memref<128x128xf32, #tpu.memory_space<vmem>>
          %dma_wait3A_225 = arith.constant 0 : i32
          %dma_wait3A_226 = tpu.memref_slice %arg8[%dma_wait3A_219, %dma_wait3A_220, %dma_wait3A_225] : memref<4x2x128xi32, #tpu.memory_space<vmem>> -> memref<1x1x128xi32, #tpu.memory_space<vmem>>
          %dma_wait3A_227 = tpu.memref_squeeze %dma_wait3A_226 : memref<1x1x128xi32, #tpu.memory_space<vmem>> -> memref<128xi32, #tpu.memory_space<vmem>>
          %dma_wait3A_228 = arith.constant 0 : i32
          %dma_wait3A_229 = arith.constant 0 : i32
          %dma_wait3A_230 = tpu.memref_slice %arg10[%dma_wait3A_228, %dma_wait3A_229] : memref<2000x128xf32, #tpu.memory_space<vmem_shared>> -> memref<2000x128xf32, #tpu.memory_space<vmem_shared>>
          %dma_wait3A_231 = tpu.memref_slice %arg13[%rem3A_218] : memref<2x!tpu.dma_semaphore, #tpu.memory_space<semaphore_mem>> -> memref<1x!tpu.dma_semaphore, #tpu.memory_space<semaphore_mem>>
          %dma_wait3A_232 = tpu.memref_squeeze %dma_wait3A_231 : memref<1x!tpu.dma_semaphore, #tpu.memory_space<semaphore_mem>> -> memref<!tpu.dma_semaphore, #tpu.memory_space<semaphore_mem>>
          tpu.wait_indirect_dma semaphore(%dma_wait3A_232 : memref<!tpu.dma_semaphore, #tpu.memory_space<semaphore_mem>>) src(%dma_wait3A_224 : memref<128x128xf32, #tpu.memory_space<vmem>>) dst(%dma_wait3A_230 : memref<2000x128xf32, #tpu.memory_space<vmem_shared>>)
        } else {
        }
        %add3A_190 = arith.constant 2 : i32
        %add3A_191 = arith.addi %while3A_66, %add3A_190 : i32
        %sub3A_192 = arith.constant 1 : i32
        %sub3A_193 = arith.subi %add3A_191, %sub3A_192 : i32
        %rem3A_194 = arith.constant 4 : i32
        %rem3A_195 = arith.remsi %sub3A_193, %rem3A_194 : i32
        %rem3A_196 = arith.constant 2 : i32
        %rem3A_197 = arith.remsi %sub3A_193, %rem3A_196 : i32
        %rem3A_198 = arith.constant 2 : i32
        %rem3A_199 = arith.remsi %sub3A_193, %rem3A_198 : i32
        %dma_start3A_200 = arith.constant 0 : i32
        %dma_start3A_201 = arith.constant 0 : i32
        %dma_start3A_202 = arith.constant 0 : i32
        %dma_start3A_203 = tpu.memref_slice %arg9[%rem3A_197, %dma_start3A_201, %dma_start3A_202] : memref<2x128x128xf32, #tpu.memory_space<vmem>> -> memref<1x128x128xf32, #tpu.memory_space<vmem>>
        %dma_start3A_204 = tpu.memref_squeeze %dma_start3A_203 : memref<1x128x128xf32, #tpu.memory_space<vmem>> -> memref<128x128xf32, #tpu.memory_space<vmem>>
        %dma_start3A_205 = arith.constant 0 : i32
        %dma_start3A_206 = tpu.memref_slice %arg8[%rem3A_195, %dma_start3A_200, %dma_start3A_205] : memref<4x2x128xi32, #tpu.memory_space<vmem>> -> memref<1x1x128xi32, #tpu.memory_space<vmem>>
        %dma_start3A_207 = tpu.memref_squeeze %dma_start3A_206 : memref<1x1x128xi32, #tpu.memory_space<vmem>> -> memref<128xi32, #tpu.memory_space<vmem>>
        %dma_start3A_208 = arith.constant 0 : i32
        %dma_start3A_209 = arith.constant 0 : i32
        %dma_start3A_210 = tpu.memref_slice %arg2[%dma_start3A_208, %dma_start3A_209] : memref<2000x128xf32, #tpu.memory_space<hbm>> -> memref<2000x128xf32, #tpu.memory_space<hbm>>
        %dma_start3A_211 = tpu.memref_slice %arg12[%rem3A_199] : memref<2x!tpu.dma_semaphore, #tpu.memory_space<semaphore_mem>> -> memref<1x!tpu.dma_semaphore, #tpu.memory_space<semaphore_mem>>
        %dma_start3A_212 = tpu.memref_squeeze %dma_start3A_211 : memref<1x!tpu.dma_semaphore, #tpu.memory_space<semaphore_mem>> -> memref<!tpu.dma_semaphore, #tpu.memory_space<semaphore_mem>>
        tpu.enqueue_indirect_dma source(%dma_start3A_210 : memref<2000x128xf32, #tpu.memory_space<hbm>>) target(%dma_start3A_204 : memref<128x128xf32, #tpu.memory_space<vmem>>) offsets(%dma_start3A_207 : memref<128xi32, #tpu.memory_space<vmem>>) semaphore(%dma_start3A_212 : memref<!tpu.dma_semaphore, #tpu.memory_space<semaphore_mem>>)
      } else {
      }
      %while3A_155 = arith.constant 0 : i32
      scf.yield %while3A_155 : i32
    }
    %while3A_42 = arith.constant 1 : i32
    %while3A_43 = scf.for %while3A_66 = %while3A_39 to %while3A_35 step %while3A_42 iter_args(%while3A_67 = %while3A_41) -> (i32)  : i32 {
      %add3A_68 = arith.constant 2 : i32
      %add3A_69 = arith.addi %while3A_66, %add3A_68 : i32
      %lt3A_70 = arith.cmpi slt, %add3A_69, %add3A_4 : i32
      %convert_element_type3A_71 = arith.extui %lt3A_70 : i1 to i32
      %cond3A_72 = arith.constant 0 : i32
      %cond3A_73 = arith.cmpi ne, %convert_element_type3A_71, %cond3A_72 : i32
      scf.if %cond3A_73 {
        %add3A_156 = arith.constant 2 : i32
        %add3A_157 = arith.addi %while3A_66, %add3A_156 : i32
        %add3A_158 = arith.addi %add3A_8, %add3A_157 : i32
        %mul3A_159 = arith.constant 128 : i32
        %mul3A_160 = arith.muli %add3A_158, %mul3A_159 : i32
        %rem3A_161 = arith.constant 4 : i32
        %rem3A_162 = arith.remsi %add3A_157, %rem3A_161 : i32
        %rem3A_163 = arith.constant 4 : i32
        %rem3A_164 = arith.remsi %add3A_157, %rem3A_163 : i32
        %dma_start3A_165 = arith.constant 0 : i32
        %dma_start3A_166 = arith.constant 0 : i32
        %dma_start3A_167 = tpu.memref_slice %arg8[%rem3A_162, %dma_start3A_165, %dma_start3A_166] : memref<4x2x128xi32, #tpu.memory_space<vmem>> -> memref<1x2x128xi32, #tpu.memory_space<vmem>>
        %dma_start3A_168 = tpu.memref_squeeze %dma_start3A_167 : memref<1x2x128xi32, #tpu.memory_space<vmem>> -> memref<2x128xi32, #tpu.memory_space<vmem>>
        %dma_start3A_169 = arith.constant 0 : i32
        %dma_start3A_170 = tpu.memref_slice %arg3[%dma_start3A_169, %mul3A_160] : memref<2x32000xi32, #tpu.memory_space<hbm>> -> memref<2x128xi32, #tpu.memory_space<hbm>>
        %dma_start3A_171 = tpu.memref_slice %arg11[%rem3A_164] : memref<4x!tpu.dma_semaphore, #tpu.memory_space<semaphore_mem>> -> memref<1x!tpu.dma_semaphore, #tpu.memory_space<semaphore_mem>>
        %dma_start3A_172 = tpu.memref_squeeze %dma_start3A_171 : memref<1x!tpu.dma_semaphore, #tpu.memory_space<semaphore_mem>> -> memref<!tpu.dma_semaphore, #tpu.memory_space<semaphore_mem>>
        %dma_start3A_173 = arith.constant 0 : i32
        %dma_start3A_174 = arith.constant 0 : i32
        %dma_start3A_175 = tpu.memref_slice %arg8[%rem3A_162, %dma_start3A_173, %dma_start3A_174] : memref<4x2x128xi32, #tpu.memory_space<vmem>> -> memref<1x2x128xi32, #tpu.memory_space<vmem>>
        %dma_start3A_176 = tpu.memref_squeeze %dma_start3A_175 : memref<1x2x128xi32, #tpu.memory_space<vmem>> -> memref<2x128xi32, #tpu.memory_space<vmem>>
        %dma_start3A_177 = arith.constant 0 : i32
        %dma_start3A_178 = tpu.memref_slice %arg3[%dma_start3A_177, %mul3A_160] : memref<2x32000xi32, #tpu.memory_space<hbm>> -> memref<2x128xi32, #tpu.memory_space<hbm>>
        tpu.enqueue_dma source(%dma_start3A_178 : memref<2x128xi32, #tpu.memory_space<hbm>>) target(%dma_start3A_176 : memref<2x128xi32, #tpu.memory_space<vmem>>) target_semaphore(%dma_start3A_172 : memref<!tpu.dma_semaphore, #tpu.memory_space<semaphore_mem>>)
      } else {
      }
      %rem3A = arith.constant 4 : i32
      %rem3A_74 = arith.remsi %while3A_66, %rem3A : i32
      %rem3A_75 = arith.constant 2 : i32
      %rem3A_76 = arith.remsi %while3A_66, %rem3A_75 : i32
      %rem3A_77 = arith.constant 2 : i32
      %rem3A_78 = arith.remsi %while3A_66, %rem3A_77 : i32
      %dma_wait3A = arith.constant 0 : i32
      %dma_wait3A_79 = arith.constant 0 : i32
      %dma_wait3A_80 = arith.constant 0 : i32
      %dma_wait3A_81 = tpu.memref_slice %arg9[%rem3A_76, %dma_wait3A_79, %dma_wait3A_80] : memref<2x128x128xf32, #tpu.memory_space<vmem>> -> memref<1x128x128xf32, #tpu.memory_space<vmem>>
      %dma_wait3A_82 = tpu.memref_squeeze %dma_wait3A_81 : memref<1x128x128xf32, #tpu.memory_space<vmem>> -> memref<128x128xf32, #tpu.memory_space<vmem>>
      %dma_wait3A_83 = arith.constant 0 : i32
      %dma_wait3A_84 = tpu.memref_slice %arg8[%rem3A_74, %dma_wait3A, %dma_wait3A_83] : memref<4x2x128xi32, #tpu.memory_space<vmem>> -> memref<1x1x128xi32, #tpu.memory_space<vmem>>
      %dma_wait3A_85 = tpu.memref_squeeze %dma_wait3A_84 : memref<1x1x128xi32, #tpu.memory_space<vmem>> -> memref<128xi32, #tpu.memory_space<vmem>>
      %dma_wait3A_86 = arith.constant 0 : i32
      %dma_wait3A_87 = arith.constant 0 : i32
      %dma_wait3A_88 = tpu.memref_slice %arg2[%dma_wait3A_86, %dma_wait3A_87] : memref<2000x128xf32, #tpu.memory_space<hbm>> -> memref<2000x128xf32, #tpu.memory_space<hbm>>
      %dma_wait3A_89 = tpu.memref_slice %arg12[%rem3A_78] : memref<2x!tpu.dma_semaphore, #tpu.memory_space<semaphore_mem>> -> memref<1x!tpu.dma_semaphore, #tpu.memory_space<semaphore_mem>>
      %dma_wait3A_90 = tpu.memref_squeeze %dma_wait3A_89 : memref<1x!tpu.dma_semaphore, #tpu.memory_space<semaphore_mem>> -> memref<!tpu.dma_semaphore, #tpu.memory_space<semaphore_mem>>
      tpu.wait_indirect_dma semaphore(%dma_wait3A_90 : memref<!tpu.dma_semaphore, #tpu.memory_space<semaphore_mem>>) src(%dma_wait3A_88 : memref<2000x128xf32, #tpu.memory_space<hbm>>) dst(%dma_wait3A_82 : memref<128x128xf32, #tpu.memory_space<vmem>>)
      %rem3A_91 = arith.constant 4 : i32
      %rem3A_92 = arith.remsi %while3A_66, %rem3A_91 : i32
      %rem3A_93 = arith.constant 2 : i32
      %rem3A_94 = arith.remsi %while3A_66, %rem3A_93 : i32
      %rem3A_95 = arith.constant 2 : i32
      %rem3A_96 = arith.remsi %while3A_66, %rem3A_95 : i32
      %dma_start3A = arith.constant 1 : i32
      %dma_start3A_97 = arith.constant 0 : i32
      %dma_start3A_98 = arith.constant 0 : i32
      %dma_start3A_99 = tpu.memref_slice %arg9[%rem3A_94, %dma_start3A_97, %dma_start3A_98] : memref<2x128x128xf32, #tpu.memory_space<vmem>> -> memref<1x128x128xf32, #tpu.memory_space<vmem>>
      %dma_start3A_100 = tpu.memref_squeeze %dma_start3A_99 : memref<1x128x128xf32, #tpu.memory_space<vmem>> -> memref<128x128xf32, #tpu.memory_space<vmem>>
      %dma_start3A_101 = arith.constant 0 : i32
      %dma_start3A_102 = tpu.memref_slice %arg8[%rem3A_92, %dma_start3A, %dma_start3A_101] : memref<4x2x128xi32, #tpu.memory_space<vmem>> -> memref<1x1x128xi32, #tpu.memory_space<vmem>>
      %dma_start3A_103 = tpu.memref_squeeze %dma_start3A_102 : memref<1x1x128xi32, #tpu.memory_space<vmem>> -> memref<128xi32, #tpu.memory_space<vmem>>
      %dma_start3A_104 = arith.constant 0 : i32
      %dma_start3A_105 = arith.constant 0 : i32
      %dma_start3A_106 = tpu.memref_slice %arg10[%dma_start3A_104, %dma_start3A_105] : memref<2000x128xf32, #tpu.memory_space<vmem_shared>> -> memref<2000x128xf32, #tpu.memory_space<vmem_shared>>
      %dma_start3A_107 = tpu.memref_slice %arg13[%rem3A_96] : memref<2x!tpu.dma_semaphore, #tpu.memory_space<semaphore_mem>> -> memref<1x!tpu.dma_semaphore, #tpu.memory_space<semaphore_mem>>
      %dma_start3A_108 = tpu.memref_squeeze %dma_start3A_107 : memref<1x!tpu.dma_semaphore, #tpu.memory_space<semaphore_mem>> -> memref<!tpu.dma_semaphore, #tpu.memory_space<semaphore_mem>>
      tpu.enqueue_indirect_dma source(%dma_start3A_100 : memref<128x128xf32, #tpu.memory_space<vmem>>) target(%dma_start3A_106 : memref<2000x128xf32, #tpu.memory_space<vmem_shared>>) offsets(%dma_start3A_103 : memref<128xi32, #tpu.memory_space<vmem>>) semaphore(%dma_start3A_108 : memref<!tpu.dma_semaphore, #tpu.memory_space<semaphore_mem>>) {add = true}
      %get3A = arith.constant 1 : i32
      %get3A_109 = arith.index_cast %rem3A_92 : i32 to index
      %get3A_110 = arith.index_cast %get3A : i32 to index
      %get3A_111 = arith.constant 0 : index
      %get3A_112 = tpu.vector_load %arg8[%get3A_109, %get3A_110, %get3A_111] {strides = array<i32>} : memref<4x2x128xi32, #tpu.memory_space<vmem>>, vector<16xi32>,
      tpu.vector_store_idx %arg14[%get3A_112], %broadcast_in_dim3A_18 {add = true} : memref<2000xf32, #tpu.memory_space<vmem>>[vector<16xi32>], vector<16xf32>,
      %get3A_113 = arith.constant 1 : i32
      %get3A_114 = arith.index_cast %rem3A_92 : i32 to index
      %get3A_115 = arith.index_cast %get3A_113 : i32 to index
      %get3A_116 = arith.constant 16 : index
      %get3A_117 = tpu.vector_load %arg8[%get3A_114, %get3A_115, %get3A_116] {strides = array<i32>} : memref<4x2x128xi32, #tpu.memory_space<vmem>>, vector<16xi32>,
      tpu.vector_store_idx %arg14[%get3A_117], %broadcast_in_dim3A_18 {add = true} : memref<2000xf32, #tpu.memory_space<vmem>>[vector<16xi32>], vector<16xf32>,
      %get3A_118 = arith.constant 1 : i32
      %get3A_119 = arith.index_cast %rem3A_92 : i32 to index
      %get3A_120 = arith.index_cast %get3A_118 : i32 to index
      %get3A_121 = arith.constant 32 : index
      %get3A_122 = tpu.vector_load %arg8[%get3A_119, %get3A_120, %get3A_121] {strides = array<i32>} : memref<4x2x128xi32, #tpu.memory_space<vmem>>, vector<16xi32>,
      tpu.vector_store_idx %arg14[%get3A_122], %broadcast_in_dim3A_18 {add = true} : memref<2000xf32, #tpu.memory_space<vmem>>[vector<16xi32>], vector<16xf32>,
      %get3A_123 = arith.constant 1 : i32
      %get3A_124 = arith.index_cast %rem3A_92 : i32 to index
      %get3A_125 = arith.index_cast %get3A_123 : i32 to index
      %get3A_126 = arith.constant 48 : index
      %get3A_127 = tpu.vector_load %arg8[%get3A_124, %get3A_125, %get3A_126] {strides = array<i32>} : memref<4x2x128xi32, #tpu.memory_space<vmem>>, vector<16xi32>,
      tpu.vector_store_idx %arg14[%get3A_127], %broadcast_in_dim3A_18 {add = true} : memref<2000xf32, #tpu.memory_space<vmem>>[vector<16xi32>], vector<16xf32>,
      %get3A_128 = arith.constant 1 : i32
      %get3A_129 = arith.index_cast %rem3A_92 : i32 to index
      %get3A_130 = arith.index_cast %get3A_128 : i32 to index
      %get3A_131 = arith.constant 64 : index
      %get3A_132 = tpu.vector_load %arg8[%get3A_129, %get3A_130, %get3A_131] {strides = array<i32>} : memref<4x2x128xi32, #tpu.memory_space<vmem>>, vector<16xi32>,
      tpu.vector_store_idx %arg14[%get3A_132], %broadcast_in_dim3A_18 {add = true} : memref<2000xf32, #tpu.memory_space<vmem>>[vector<16xi32>], vector<16xf32>,
      %get3A_133 = arith.constant 1 : i32
      %get3A_134 = arith.index_cast %rem3A_92 : i32 to index
      %get3A_135 = arith.index_cast %get3A_133 : i32 to index
      %get3A_136 = arith.constant 80 : index
      %get3A_137 = tpu.vector_load %arg8[%get3A_134, %get3A_135, %get3A_136] {strides = array<i32>} : memref<4x2x128xi32, #tpu.memory_space<vmem>>, vector<16xi32>,
      tpu.vector_store_idx %arg14[%get3A_137], %broadcast_in_dim3A_18 {add = true} : memref<2000xf32, #tpu.memory_space<vmem>>[vector<16xi32>], vector<16xf32>,
      %get3A_138 = arith.constant 1 : i32
      %get3A_139 = arith.index_cast %rem3A_92 : i32 to index
      %get3A_140 = arith.index_cast %get3A_138 : i32 to index
      %get3A_141 = arith.constant 96 : index
      %get3A_142 = tpu.vector_load %arg8[%get3A_139, %get3A_140, %get3A_141] {strides = array<i32>} : memref<4x2x128xi32, #tpu.memory_space<vmem>>, vector<16xi32>,
      tpu.vector_store_idx %arg14[%get3A_142], %broadcast_in_dim3A_18 {add = true} : memref<2000xf32, #tpu.memory_space<vmem>>[vector<16xi32>], vector<16xf32>,
      %get3A_143 = arith.constant 1 : i32
      %get3A_144 = arith.index_cast %rem3A_92 : i32 to index
      %get3A_145 = arith.index_cast %get3A_143 : i32 to index
      %get3A_146 = arith.constant 112 : index
      %get3A_147 = tpu.vector_load %arg8[%get3A_144, %get3A_145, %get3A_146] {strides = array<i32>} : memref<4x2x128xi32, #tpu.memory_space<vmem>>, vector<16xi32>,
      tpu.vector_store_idx %arg14[%get3A_147], %broadcast_in_dim3A_18 {add = true} : memref<2000xf32, #tpu.memory_space<vmem>>[vector<16xi32>], vector<16xf32>,
      %add3A_148 = arith.constant 2 : i32
      %add3A_149 = arith.addi %while3A_66, %add3A_148 : i32
      %sub3A = arith.constant 1 : i32
      %sub3A_150 = arith.subi %add3A_149, %sub3A : i32
      %lt3A_151 = arith.cmpi slt, %sub3A_150, %add3A_4 : i32
      %convert_element_type3A_152 = arith.extui %lt3A_151 : i1 to i32
      %cond3A_153 = arith.constant 0 : i32
      %cond3A_154 = arith.cmpi ne, %convert_element_type3A_152, %cond3A_153 : i32
      scf.if %cond3A_154 {
        %add3A_156 = arith.constant 2 : i32
        %add3A_157 = arith.addi %while3A_66, %add3A_156 : i32
        %sub3A_158 = arith.constant 1 : i32
        %sub3A_159 = arith.subi %add3A_157, %sub3A_158 : i32
        %add3A_160 = arith.addi %add3A_8, %sub3A_159 : i32
        %mul3A_161 = arith.constant 128 : i32
        %mul3A_162 = arith.muli %add3A_160, %mul3A_161 : i32
        %rem3A_163 = arith.constant 4 : i32
        %rem3A_164 = arith.remsi %sub3A_159, %rem3A_163 : i32
        %rem3A_165 = arith.constant 4 : i32
        %rem3A_166 = arith.remsi %sub3A_159, %rem3A_165 : i32
        %dma_wait3A_167 = arith.constant 0 : i32
        %dma_wait3A_168 = arith.constant 0 : i32
        %dma_wait3A_169 = tpu.memref_slice %arg8[%rem3A_164, %dma_wait3A_167, %dma_wait3A_168] : memref<4x2x128xi32, #tpu.memory_space<vmem>> -> memref<1x2x128xi32, #tpu.memory_space<vmem>>
        %dma_wait3A_170 = tpu.memref_squeeze %dma_wait3A_169 : memref<1x2x128xi32, #tpu.memory_space<vmem>> -> memref<2x128xi32, #tpu.memory_space<vmem>>
        %dma_wait3A_171 = arith.constant 0 : i32
        %dma_wait3A_172 = tpu.memref_slice %arg3[%dma_wait3A_171, %mul3A_162] : memref<2x32000xi32, #tpu.memory_space<hbm>> -> memref<2x128xi32, #tpu.memory_space<hbm>>
        %dma_wait3A_173 = tpu.memref_slice %arg11[%rem3A_166] : memref<4x!tpu.dma_semaphore, #tpu.memory_space<semaphore_mem>> -> memref<1x!tpu.dma_semaphore, #tpu.memory_space<semaphore_mem>>
        %dma_wait3A_174 = tpu.memref_squeeze %dma_wait3A_173 : memref<1x!tpu.dma_semaphore, #tpu.memory_space<semaphore_mem>> -> memref<!tpu.dma_semaphore, #tpu.memory_space<semaphore_mem>>
        %dma_wait3A_175 = arith.constant 0 : i32
        %dma_wait3A_176 = arith.constant 0 : i32
        %dma_wait3A_177 = tpu.memref_slice %arg8[%rem3A_164, %dma_wait3A_175, %dma_wait3A_176] : memref<4x2x128xi32, #tpu.memory_space<vmem>> -> memref<1x2x128xi32, #tpu.memory_space<vmem>>
        %dma_wait3A_178 = tpu.memref_squeeze %dma_wait3A_177 : memref<1x2x128xi32, #tpu.memory_space<vmem>> -> memref<2x128xi32, #tpu.memory_space<vmem>>
        %dma_wait3A_179 = arith.constant 0 : i32
        %dma_wait3A_180 = tpu.memref_slice %arg3[%dma_wait3A_179, %mul3A_162] : memref<2x32000xi32, #tpu.memory_space<hbm>> -> memref<2x128xi32, #tpu.memory_space<hbm>>
        tpu.wait_dma2 semaphore(%dma_wait3A_174 : memref<!tpu.dma_semaphore, #tpu.memory_space<semaphore_mem>>) src(%dma_wait3A_180 : memref<2x128xi32, #tpu.memory_space<hbm>>) dst(%dma_wait3A_178 : memref<2x128xi32, #tpu.memory_space<vmem>>)
        %add3A_181 = arith.constant 2 : i32
        %add3A_182 = arith.addi %while3A_66, %add3A_181 : i32
        %sub3A_183 = arith.constant 1 : i32
        %sub3A_184 = arith.subi %add3A_182, %sub3A_183 : i32
        %ge3A_185 = arith.constant 2 : i32
        %ge3A_186 = arith.cmpi sge, %sub3A_184, %ge3A_185 : i32
        %convert_element_type3A_187 = arith.extui %ge3A_186 : i1 to i32
        %cond3A_188 = arith.constant 0 : i32
        %cond3A_189 = arith.cmpi ne, %convert_element_type3A_187, %cond3A_188 : i32
        scf.if %cond3A_189 {
          %add3A_213 = arith.constant 2 : i32
          %add3A_214 = arith.addi %while3A_66, %add3A_213 : i32
          %sub3A_215 = arith.constant 1 : i32
          %sub3A_216 = arith.subi %add3A_214, %sub3A_215 : i32
          %rem3A_217 = arith.constant 2 : i32
          %rem3A_218 = arith.remsi %sub3A_216, %rem3A_217 : i32
          %dma_wait3A_219 = arith.constant 0 : i32
          %dma_wait3A_220 = arith.constant 1 : i32
          %dma_wait3A_221 = arith.constant 0 : i32
          %dma_wait3A_222 = arith.constant 0 : i32
          %dma_wait3A_223 = tpu.memref_slice %arg9[%rem3A_218, %dma_wait3A_221, %dma_wait3A_222] : memref<2x128x128xf32, #tpu.memory_space<vmem>> -> memref<1x128x128xf32, #tpu.memory_space<vmem>>
          %dma_wait3A_224 = tpu.memref_squeeze %dma_wait3A_223 : memref<1x128x128xf32, #tpu.memory_space<vmem>> -> memref<128x128xf32, #tpu.memory_space<vmem>>
          %dma_wait3A_225 = arith.constant 0 : i32
          %dma_wait3A_226 = tpu.memref_slice %arg8[%dma_wait3A_219, %dma_wait3A_220, %dma_wait3A_225] : memref<4x2x128xi32, #tpu.memory_space<vmem>> -> memref<1x1x128xi32, #tpu.memory_space<vmem>>
          %dma_wait3A_227 = tpu.memref_squeeze %dma_wait3A_226 : memref<1x1x128xi32, #tpu.memory_space<vmem>> -> memref<128xi32, #tpu.memory_space<vmem>>
          %dma_wait3A_228 = arith.constant 0 : i32
          %dma_wait3A_229 = arith.constant 0 : i32
          %dma_wait3A_230 = tpu.memref_slice %arg10[%dma_wait3A_228, %dma_wait3A_229] : memref<2000x128xf32, #tpu.memory_space<vmem_shared>> -> memref<2000x128xf32, #tpu.memory_space<vmem_shared>>
          %dma_wait3A_231 = tpu.memref_slice %arg13[%rem3A_218] : memref<2x!tpu.dma_semaphore, #tpu.memory_space<semaphore_mem>> -> memref<1x!tpu.dma_semaphore, #tpu.memory_space<semaphore_mem>>
          %dma_wait3A_232 = tpu.memref_squeeze %dma_wait3A_231 : memref<1x!tpu.dma_semaphore, #tpu.memory_space<semaphore_mem>> -> memref<!tpu.dma_semaphore, #tpu.memory_space<semaphore_mem>>
          tpu.wait_indirect_dma semaphore(%dma_wait3A_232 : memref<!tpu.dma_semaphore, #tpu.memory_space<semaphore_mem>>) src(%dma_wait3A_224 : memref<128x128xf32, #tpu.memory_space<vmem>>) dst(%dma_wait3A_230 : memref<2000x128xf32, #tpu.memory_space<vmem_shared>>)
        } else {
        }
        %add3A_190 = arith.constant 2 : i32
        %add3A_191 = arith.addi %while3A_66, %add3A_190 : i32
        %sub3A_192 = arith.constant 1 : i32
        %sub3A_193 = arith.subi %add3A_191, %sub3A_192 : i32
        %rem3A_194 = arith.constant 4 : i32
        %rem3A_195 = arith.remsi %sub3A_193, %rem3A_194 : i32
        %rem3A_196 = arith.constant 2 : i32
        %rem3A_197 = arith.remsi %sub3A_193, %rem3A_196 : i32
        %rem3A_198 = arith.constant 2 : i32
        %rem3A_199 = arith.remsi %sub3A_193, %rem3A_198 : i32
        %dma_start3A_200 = arith.constant 0 : i32
        %dma_start3A_201 = arith.constant 0 : i32
        %dma_start3A_202 = arith.constant 0 : i32
        %dma_start3A_203 = tpu.memref_slice %arg9[%rem3A_197, %dma_start3A_201, %dma_start3A_202] : memref<2x128x128xf32, #tpu.memory_space<vmem>> -> memref<1x128x128xf32, #tpu.memory_space<vmem>>
        %dma_start3A_204 = tpu.memref_squeeze %dma_start3A_203 : memref<1x128x128xf32, #tpu.memory_space<vmem>> -> memref<128x128xf32, #tpu.memory_space<vmem>>
        %dma_start3A_205 = arith.constant 0 : i32
        %dma_start3A_206 = tpu.memref_slice %arg8[%rem3A_195, %dma_start3A_200, %dma_start3A_205] : memref<4x2x128xi32, #tpu.memory_space<vmem>> -> memref<1x1x128xi32, #tpu.memory_space<vmem>>
        %dma_start3A_207 = tpu.memref_squeeze %dma_start3A_206 : memref<1x1x128xi32, #tpu.memory_space<vmem>> -> memref<128xi32, #tpu.memory_space<vmem>>
        %dma_start3A_208 = arith.constant 0 : i32
        %dma_start3A_209 = arith.constant 0 : i32
        %dma_start3A_210 = tpu.memref_slice %arg2[%dma_start3A_208, %dma_start3A_209] : memref<2000x128xf32, #tpu.memory_space<hbm>> -> memref<2000x128xf32, #tpu.memory_space<hbm>>
        %dma_start3A_211 = tpu.memref_slice %arg12[%rem3A_199] : memref<2x!tpu.dma_semaphore, #tpu.memory_space<semaphore_mem>> -> memref<1x!tpu.dma_semaphore, #tpu.memory_space<semaphore_mem>>
        %dma_start3A_212 = tpu.memref_squeeze %dma_start3A_211 : memref<1x!tpu.dma_semaphore, #tpu.memory_space<semaphore_mem>> -> memref<!tpu.dma_semaphore, #tpu.memory_space<semaphore_mem>>
        tpu.enqueue_indirect_dma source(%dma_start3A_210 : memref<2000x128xf32, #tpu.memory_space<hbm>>) target(%dma_start3A_204 : memref<128x128xf32, #tpu.memory_space<vmem>>) offsets(%dma_start3A_207 : memref<128xi32, #tpu.memory_space<vmem>>) semaphore(%dma_start3A_212 : memref<!tpu.dma_semaphore, #tpu.memory_space<semaphore_mem>>)
      } else {
      }
      %while3A_155 = arith.constant 0 : i32
      scf.yield %while3A_155 : i32
    }
    %ge3A = arith.constant 1 : i32
    %ge3A_44 = arith.cmpi sge, %add3A_4, %ge3A : i32
    %convert_element_type3A_45 = arith.extui %ge3A_44 : i1 to i32
    %cond3A_46 = arith.constant 0 : i32
    %cond3A_47 = arith.cmpi ne, %convert_element_type3A_45, %cond3A_46 : i32
    scf.if %cond3A_47 {
      %sub3A = arith.constant 1 : i32
      %sub3A_66 = arith.subi %add3A_4, %sub3A : i32
      %add3A_67 = arith.constant 4 : i32
      %add3A_68 = arith.addi %sub3A_66, %add3A_67 : i32
      %rem3A = arith.constant 2 : i32
      %rem3A_69 = arith.remsi %add3A_68, %rem3A : i32
      %dma_wait3A = arith.constant 0 : i32
      %dma_wait3A_70 = arith.constant 1 : i32
      %dma_wait3A_71 = arith.constant 0 : i32
      %dma_wait3A_72 = arith.constant 0 : i32
      %dma_wait3A_73 = tpu.memref_slice %arg9[%rem3A_69, %dma_wait3A_71, %dma_wait3A_72] : memref<2x128x128xf32, #tpu.memory_space<vmem>> -> memref<1x128x128xf32, #tpu.memory_space<vmem>>
      %dma_wait3A_74 = tpu.memref_squeeze %dma_wait3A_73 : memref<1x128x128xf32, #tpu.memory_space<vmem>> -> memref<128x128xf32, #tpu.memory_space<vmem>>
      %dma_wait3A_75 = arith.constant 0 : i32
      %dma_wait3A_76 = tpu.memref_slice %arg8[%dma_wait3A, %dma_wait3A_70, %dma_wait3A_75] : memref<4x2x128xi32, #tpu.memory_space<vmem>> -> memref<1x1x128xi32, #tpu.memory_space<vmem>>
      %dma_wait3A_77 = tpu.memref_squeeze %dma_wait3A_76 : memref<1x1x128xi32, #tpu.memory_space<vmem>> -> memref<128xi32, #tpu.memory_space<vmem>>
      %dma_wait3A_78 = arith.constant 0 : i32
      %dma_wait3A_79 = arith.constant 0 : i32
      %dma_wait3A_80 = tpu.memref_slice %arg10[%dma_wait3A_78, %dma_wait3A_79] : memref<2000x128xf32, #tpu.memory_space<vmem_shared>> -> memref<2000x128xf32, #tpu.memory_space<vmem_shared>>
      %dma_wait3A_81 = tpu.memref_slice %arg13[%rem3A_69] : memref<2x!tpu.dma_semaphore, #tpu.memory_space<semaphore_mem>> -> memref<1x!tpu.dma_semaphore, #tpu.memory_space<semaphore_mem>>
      %dma_wait3A_82 = tpu.memref_squeeze %dma_wait3A_81 : memref<1x!tpu.dma_semaphore, #tpu.memory_space<semaphore_mem>> -> memref<!tpu.dma_semaphore, #tpu.memory_space<semaphore_mem>>
      tpu.wait_indirect_dma semaphore(%dma_wait3A_82 : memref<!tpu.dma_semaphore, #tpu.memory_space<semaphore_mem>>) src(%dma_wait3A_74 : memref<128x128xf32, #tpu.memory_space<vmem>>) dst(%dma_wait3A_80 : memref<2000x128xf32, #tpu.memory_space<vmem_shared>>)
    } else {
    }
    %ge3A_48 = arith.constant 2 : i32
    %ge3A_49 = arith.cmpi sge, %add3A_4, %ge3A_48 : i32
    %convert_element_type3A_50 = arith.extui %ge3A_49 : i1 to i32
    %cond3A_51 = arith.constant 0 : i32
    %cond3A_52 = arith.cmpi ne, %convert_element_type3A_50, %cond3A_51 : i32
    scf.if %cond3A_52 {
      %sub3A = arith.constant 2 : i32
      %sub3A_66 = arith.subi %add3A_4, %sub3A : i32
      %add3A_67 = arith.constant 4 : i32
      %add3A_68 = arith.addi %sub3A_66, %add3A_67 : i32
      %rem3A = arith.constant 2 : i32
      %rem3A_69 = arith.remsi %add3A_68, %rem3A : i32
      %dma_wait3A = arith.constant 0 : i32
      %dma_wait3A_70 = arith.constant 1 : i32
      %dma_wait3A_71 = arith.constant 0 : i32
      %dma_wait3A_72 = arith.constant 0 : i32
      %dma_wait3A_73 = tpu.memref_slice %arg9[%rem3A_69, %dma_wait3A_71, %dma_wait3A_72] : memref<2x128x128xf32, #tpu.memory_space<vmem>> -> memref<1x128x128xf32, #tpu.memory_space<vmem>>
      %dma_wait3A_74 = tpu.memref_squeeze %dma_wait3A_73 : memref<1x128x128xf32, #tpu.memory_space<vmem>> -> memref<128x128xf32, #tpu.memory_space<vmem>>
      %dma_wait3A_75 = arith.constant 0 : i32
      %dma_wait3A_76 = tpu.memref_slice %arg8[%dma_wait3A, %dma_wait3A_70, %dma_wait3A_75] : memref<4x2x128xi32, #tpu.memory_space<vmem>> -> memref<1x1x128xi32, #tpu.memory_space<vmem>>
      %dma_wait3A_77 = tpu.memref_squeeze %dma_wait3A_76 : memref<1x1x128xi32, #tpu.memory_space<vmem>> -> memref<128xi32, #tpu.memory_space<vmem>>
      %dma_wait3A_78 = arith.constant 0 : i32
      %dma_wait3A_79 = arith.constant 0 : i32
      %dma_wait3A_80 = tpu.memref_slice %arg10[%dma_wait3A_78, %dma_wait3A_79] : memref<2000x128xf32, #tpu.memory_space<vmem_shared>> -> memref<2000x128xf32, #tpu.memory_space<vmem_shared>>
      %dma_wait3A_81 = tpu.memref_slice %arg13[%rem3A_69] : memref<2x!tpu.dma_semaphore, #tpu.memory_space<semaphore_mem>> -> memref<1x!tpu.dma_semaphore, #tpu.memory_space<semaphore_mem>>
      %dma_wait3A_82 = tpu.memref_squeeze %dma_wait3A_81 : memref<1x!tpu.dma_semaphore, #tpu.memory_space<semaphore_mem>> -> memref<!tpu.dma_semaphore, #tpu.memory_space<semaphore_mem>>
      tpu.wait_indirect_dma semaphore(%dma_wait3A_82 : memref<!tpu.dma_semaphore, #tpu.memory_space<semaphore_mem>>) src(%dma_wait3A_74 : memref<128x128xf32, #tpu.memory_space<vmem>>) dst(%dma_wait3A_80 : memref<2000x128xf32, #tpu.memory_space<vmem_shared>>)
    } else {
    }
    %mul3A_53 = arith.constant 2000 : i32
    %mul3A_54 = arith.muli %add3A, %mul3A_53 : i32
    "tpu.region"() ({
      %run_scoped3A = tpu.sem_alloc : memref<!tpu.dma_semaphore, #tpu.memory_space<semaphore_mem>>
      %dma_start3A = tpu.memref_slice %arg7[%mul3A_54] : memref<64000xf32, #tpu.memory_space<hbm>> -> memref<2000xf32, #tpu.memory_space<hbm>>
      %dma_start3A_66 = tpu.memref_slice %arg7[%mul3A_54] : memref<64000xf32, #tpu.memory_space<hbm>> -> memref<2000xf32, #tpu.memory_space<hbm>>
      tpu.enqueue_dma source(%arg14 : memref<2000xf32, #tpu.memory_space<vmem>>) target(%dma_start3A_66 : memref<2000xf32, #tpu.memory_space<hbm>>) target_semaphore(%run_scoped3A : memref<!tpu.dma_semaphore, #tpu.memory_space<semaphore_mem>>)
      %dma_wait3A = tpu.memref_slice %arg7[%mul3A_54] : memref<64000xf32, #tpu.memory_space<hbm>> -> memref<2000xf32, #tpu.memory_space<hbm>>
      %dma_wait3A_67 = tpu.memref_slice %arg7[%mul3A_54] : memref<64000xf32, #tpu.memory_space<hbm>> -> memref<2000xf32, #tpu.memory_space<hbm>>
      tpu.wait_dma2 semaphore(%run_scoped3A : memref<!tpu.dma_semaphore, #tpu.memory_space<semaphore_mem>>) src(%arg14 : memref<2000xf32, #tpu.memory_space<vmem>>) dst(%dma_wait3A_67 : memref<2000xf32, #tpu.memory_space<hbm>>)
      tpu.yield
    }) : () -> ()
    %barrier3A_55 = arith.constant 0 : index
    tpu.barrier barrier_id(%barrier3A_55)
    %lt3A_56 = arith.constant 15 : i32
    %lt3A_57 = arith.cmpi slt, %arg1, %lt3A_56 : i32
    %convert_element_type3A_58 = arith.extui %lt3A_57 : i1 to i32
    %cond3A_59 = arith.constant 0 : i32
    %cond3A_60 = arith.cmpi ne, %convert_element_type3A_58, %cond3A_59 : i32
    scf.if %cond3A_60 {
      "tpu.region"() ({
        %run_scoped3A = tpu.sem_alloc : memref<!tpu.dma_semaphore, #tpu.memory_space<semaphore_mem>>
        %dma_start3A = arith.constant 0 : i32
        %dma_start3A_66 = tpu.memref_slice %arg6[%arg0, %mul3A_10, %dma_start3A] : memref<2x2000x128xf32, #tpu.memory_space<hbm>> -> memref<1x128x128xf32, #tpu.memory_space<hbm>>
        %dma_start3A_67 = tpu.memref_squeeze %dma_start3A_66 : memref<1x128x128xf32, #tpu.memory_space<hbm>> -> memref<128x128xf32, #tpu.memory_space<hbm>>
        %dma_start3A_68 = arith.constant 0 : i32
        %dma_start3A_69 = tpu.memref_slice %arg10[%mul3A_10, %dma_start3A_68] : memref<2000x128xf32, #tpu.memory_space<vmem_shared>> -> memref<128x128xf32, #tpu.memory_space<vmem_shared>>
        tpu.enqueue_dma source(%dma_start3A_69 : memref<128x128xf32, #tpu.memory_space<vmem_shared>>) target(%dma_start3A_67 : memref<128x128xf32, #tpu.memory_space<hbm>>) target_semaphore(%run_scoped3A : memref<!tpu.dma_semaphore, #tpu.memory_space<semaphore_mem>>)
        %dma_wait3A = arith.constant 0 : i32
        %dma_wait3A_70 = tpu.memref_slice %arg6[%arg0, %mul3A_10, %dma_wait3A] : memref<2x2000x128xf32, #tpu.memory_space<hbm>> -> memref<1x128x128xf32, #tpu.memory_space<hbm>>
        %dma_wait3A_71 = tpu.memref_squeeze %dma_wait3A_70 : memref<1x128x128xf32, #tpu.memory_space<hbm>> -> memref<128x128xf32, #tpu.memory_space<hbm>>
        %dma_wait3A_72 = arith.constant 0 : i32
        %dma_wait3A_73 = tpu.memref_slice %arg10[%mul3A_10, %dma_wait3A_72] : memref<2000x128xf32, #tpu.memory_space<vmem_shared>> -> memref<128x128xf32, #tpu.memory_space<vmem_shared>>
        tpu.wait_dma2 semaphore(%run_scoped3A : memref<!tpu.dma_semaphore, #tpu.memory_space<semaphore_mem>>) src(%dma_wait3A_73 : memref<128x128xf32, #tpu.memory_space<vmem_shared>>) dst(%dma_wait3A_71 : memref<128x128xf32, #tpu.memory_space<hbm>>)
        tpu.yield
      }) : () -> ()
    } else {
    }
    %eq3A_61 = arith.constant 15 : i32
    %eq3A_62 = arith.cmpi eq, %arg1, %eq3A_61 : i32
    %convert_element_type3A_63 = arith.extui %eq3A_62 : i1 to i32
    %cond3A_64 = arith.constant 0 : i32
    %cond3A_65 = arith.cmpi ne, %convert_element_type3A_63, %cond3A_64 : i32
    scf.if %cond3A_65 {
      "tpu.region"() ({
        %run_scoped3A = tpu.sem_alloc : memref<!tpu.dma_semaphore, #tpu.memory_space<semaphore_mem>>
        %dma_start3A = arith.constant 0 : i32
        %dma_start3A_66 = tpu.memref_slice %arg6[%arg0, %mul3A_10, %dma_start3A] : memref<2x2000x128xf32, #tpu.memory_space<hbm>> -> memref<1x80x128xf32, #tpu.memory_space<hbm>>
        %dma_start3A_67 = tpu.memref_squeeze %dma_start3A_66 : memref<1x80x128xf32, #tpu.memory_space<hbm>> -> memref<80x128xf32, #tpu.memory_space<hbm>>
        %dma_start3A_68 = arith.constant 0 : i32
        %dma_start3A_69 = tpu.memref_slice %arg10[%mul3A_10, %dma_start3A_68] : memref<2000x128xf32, #tpu.memory_space<vmem_shared>> -> memref<80x128xf32, #tpu.memory_space<vmem_shared>>
        tpu.enqueue_dma source(%dma_start3A_69 : memref<80x128xf32, #tpu.memory_space<vmem_shared>>) target(%dma_start3A_67 : memref<80x128xf32, #tpu.memory_space<hbm>>) target_semaphore(%run_scoped3A : memref<!tpu.dma_semaphore, #tpu.memory_space<semaphore_mem>>)
        %dma_wait3A = arith.constant 0 : i32
        %dma_wait3A_70 = tpu.memref_slice %arg6[%arg0, %mul3A_10, %dma_wait3A] : memref<2x2000x128xf32, #tpu.memory_space<hbm>> -> memref<1x80x128xf32, #tpu.memory_space<hbm>>
        %dma_wait3A_71 = tpu.memref_squeeze %dma_wait3A_70 : memref<1x80x128xf32, #tpu.memory_space<hbm>> -> memref<80x128xf32, #tpu.memory_space<hbm>>
        %dma_wait3A_72 = arith.constant 0 : i32
        %dma_wait3A_73 = tpu.memref_slice %arg10[%mul3A_10, %dma_wait3A_72] : memref<2000x128xf32, #tpu.memory_space<vmem_shared>> -> memref<80x128xf32, #tpu.memory_space<vmem_shared>>
        tpu.wait_dma2 semaphore(%run_scoped3A : memref<!tpu.dma_semaphore, #tpu.memory_space<semaphore_mem>>) src(%dma_wait3A_73 : memref<80x128xf32, #tpu.memory_space<vmem_shared>>) dst(%dma_wait3A_71 : memref<80x128xf32, #tpu.memory_space<hbm>>)
        tpu.yield
      }) : () -> ()
    } else {
    }
    return
  }
}

#map = affine_map<(d0, d1) -> (0, 0)>
#map1 = affine_map<(d0, d1) -> (0, 0, 0)>
module attributes {stable_mosaic.version = 14 : i64} {
  func.func @k(%arg0: i32, %arg1: i32, %arg2: memref<10000x128xf32, #tpu.memory_space<hbm>>, %arg3: memref<2x320000xi32, #tpu.memory_space<hbm>>, %arg4: memref<10000x128xf32, #tpu.memory_space<hbm>>, %arg5: memref<2x10000x128xf32, #tpu.memory_space<hbm>>, %arg6: memref<4x2x128xi32, #tpu.memory_space<vmem>>, %arg7: memref<2x128x128xf32, #tpu.memory_space<vmem>>, %arg8: memref<10000x128xf32, #tpu.memory_space<vmem_shared>>, %arg9: memref<4x!tpu.dma_semaphore, #tpu.memory_space<semaphore_mem>>, %arg10: memref<2x!tpu.dma_semaphore, #tpu.memory_space<semaphore_mem>>, %arg11: memref<2x!tpu.dma_semaphore, #tpu.memory_space<semaphore_mem>>) attributes {dimension_semantics = [#tpu.dimension_semantics<core_parallel>, #tpu.dimension_semantics<subcore_parallel>], iteration_bounds = array<i64: 2, 16>, scalar_prefetch = 0 : i64, scratch_operands = 6 : i64, tpu.core_type = #tpu.core_type<sc_vector_subcore>, window_params = [{transform_indices = #map}, {transform_indices = #map}, {transform_indices = #map}, {transform_indices = #map1}]} {
    %mul3A = arith.constant 2 : i32
    %mul3A_0 = arith.muli %arg1, %mul3A : i32
    %add3A = arith.addi %mul3A_0, %arg0 : i32
    %lt3A = arith.constant 4 : i32
    %lt3A_1 = arith.cmpi slt, %add3A, %lt3A : i32
    %jit3A = arith.constant 1 : i32
    %jit3A_2 = arith.constant 0 : i32
    %select_n3A = arith.select %lt3A_1, %jit3A, %jit3A_2 : i32
    %add3A_3 = arith.constant 78 : i32
    %add3A_4 = arith.addi %add3A_3, %select_n3A : i32
    %mul3A_5 = arith.constant 78 : i32
    %mul3A_6 = arith.muli %add3A, %mul3A_5 : i32
    %min3A = arith.constant 4 : i32
    %min3A_7 = arith.minsi %add3A, %min3A : i32
    %add3A_8 = arith.addi %mul3A_6, %min3A_7 : i32
    %mul3A_9 = arith.constant 632 : i32
    %mul3A_10 = arith.muli %arg1, %mul3A_9 : i32
    %lt3A_11 = arith.constant 15 : i32
    %lt3A_12 = arith.cmpi slt, %arg1, %lt3A_11 : i32
    %convert_element_type3A = arith.extui %lt3A_12 : i1 to i32
    %cond3A = arith.constant 0 : i32
    %cond3A_13 = arith.cmpi ne, %convert_element_type3A, %cond3A : i32
    scf.if %cond3A_13 {
      "tpu.region"() ({
        %run_scoped3A = tpu.sem_alloc : memref<!tpu.dma_semaphore, #tpu.memory_space<semaphore_mem>>
        %dma_start3A = arith.constant 0 : i32
        %dma_start3A_64 = tpu.memref_slice %arg8[%mul3A_10, %dma_start3A] : memref<10000x128xf32, #tpu.memory_space<vmem_shared>> -> memref<632x128xf32, #tpu.memory_space<vmem_shared>>
        %dma_start3A_65 = arith.constant 0 : i32
        %dma_start3A_66 = tpu.memref_slice %arg4[%mul3A_10, %dma_start3A_65] : memref<10000x128xf32, #tpu.memory_space<hbm>> -> memref<632x128xf32, #tpu.memory_space<hbm>>
        tpu.enqueue_dma source(%dma_start3A_66 : memref<632x128xf32, #tpu.memory_space<hbm>>) target(%dma_start3A_64 : memref<632x128xf32, #tpu.memory_space<vmem_shared>>) target_semaphore(%run_scoped3A : memref<!tpu.dma_semaphore, #tpu.memory_space<semaphore_mem>>)
        %dma_wait3A = arith.constant 0 : i32
        %dma_wait3A_67 = tpu.memref_slice %arg8[%mul3A_10, %dma_wait3A] : memref<10000x128xf32, #tpu.memory_space<vmem_shared>> -> memref<632x128xf32, #tpu.memory_space<vmem_shared>>
        %dma_wait3A_68 = arith.constant 0 : i32
        %dma_wait3A_69 = tpu.memref_slice %arg4[%mul3A_10, %dma_wait3A_68] : memref<10000x128xf32, #tpu.memory_space<hbm>> -> memref<632x128xf32, #tpu.memory_space<hbm>>
        tpu.wait_dma2 semaphore(%run_scoped3A : memref<!tpu.dma_semaphore, #tpu.memory_space<semaphore_mem>>) src(%dma_wait3A_69 : memref<632x128xf32, #tpu.memory_space<hbm>>) dst(%dma_wait3A_67 : memref<632x128xf32, #tpu.memory_space<vmem_shared>>)
        tpu.yield
      }) : () -> ()
    } else {
    }
    %eq3A = arith.constant 15 : i32
    %eq3A_14 = arith.cmpi eq, %arg1, %eq3A : i32
    %convert_element_type3A_15 = arith.extui %eq3A_14 : i1 to i32
    %cond3A_16 = arith.constant 0 : i32
    %cond3A_17 = arith.cmpi ne, %convert_element_type3A_15, %cond3A_16 : i32
    scf.if %cond3A_17 {
      "tpu.region"() ({
        %run_scoped3A = tpu.sem_alloc : memref<!tpu.dma_semaphore, #tpu.memory_space<semaphore_mem>>
        %dma_start3A = arith.constant 0 : i32
        %dma_start3A_64 = tpu.memref_slice %arg8[%mul3A_10, %dma_start3A] : memref<10000x128xf32, #tpu.memory_space<vmem_shared>> -> memref<520x128xf32, #tpu.memory_space<vmem_shared>>
        %dma_start3A_65 = arith.constant 0 : i32
        %dma_start3A_66 = tpu.memref_slice %arg4[%mul3A_10, %dma_start3A_65] : memref<10000x128xf32, #tpu.memory_space<hbm>> -> memref<520x128xf32, #tpu.memory_space<hbm>>
        tpu.enqueue_dma source(%dma_start3A_66 : memref<520x128xf32, #tpu.memory_space<hbm>>) target(%dma_start3A_64 : memref<520x128xf32, #tpu.memory_space<vmem_shared>>) target_semaphore(%run_scoped3A : memref<!tpu.dma_semaphore, #tpu.memory_space<semaphore_mem>>)
        %dma_wait3A = arith.constant 0 : i32
        %dma_wait3A_67 = tpu.memref_slice %arg8[%mul3A_10, %dma_wait3A] : memref<10000x128xf32, #tpu.memory_space<vmem_shared>> -> memref<520x128xf32, #tpu.memory_space<vmem_shared>>
        %dma_wait3A_68 = arith.constant 0 : i32
        %dma_wait3A_69 = tpu.memref_slice %arg4[%mul3A_10, %dma_wait3A_68] : memref<10000x128xf32, #tpu.memory_space<hbm>> -> memref<520x128xf32, #tpu.memory_space<hbm>>
        tpu.wait_dma2 semaphore(%run_scoped3A : memref<!tpu.dma_semaphore, #tpu.memory_space<semaphore_mem>>) src(%dma_wait3A_69 : memref<520x128xf32, #tpu.memory_space<hbm>>) dst(%dma_wait3A_67 : memref<520x128xf32, #tpu.memory_space<vmem_shared>>)
        tpu.yield
      }) : () -> ()
    } else {
    }
    %barrier3A = arith.constant 0 : index
    tpu.barrier barrier_id(%barrier3A)
    %broadcast_in_dim3A = arith.constant 1.000000e+00 : f32
    %broadcast_in_dim3A_18 = vector.broadcast %broadcast_in_dim3A : f32 to vector<16xf32>
    %gt3A = arith.constant 0 : i32
    %gt3A_19 = arith.cmpi sgt, %add3A_4, %gt3A : i32
    %convert_element_type3A_20 = arith.extui %gt3A_19 : i1 to i32
    %cond3A_21 = arith.constant 0 : i32
    %cond3A_22 = arith.cmpi ne, %convert_element_type3A_20, %cond3A_21 : i32
    scf.if %cond3A_22 {
      %add3A_64 = arith.constant 0 : i32
      %add3A_65 = arith.addi %add3A_8, %add3A_64 : i32
      %mul3A_66 = arith.constant 128 : i32
      %mul3A_67 = arith.muli %add3A_65, %mul3A_66 : i32
      %rem3A = arith.constant 0 : i32
      %rem3A_68 = arith.constant 4 : i32
      %rem3A_69 = arith.remsi %rem3A, %rem3A_68 : i32
      %rem3A_70 = arith.constant 0 : i32
      %rem3A_71 = arith.constant 4 : i32
      %rem3A_72 = arith.remsi %rem3A_70, %rem3A_71 : i32
      %dma_start3A = arith.constant 0 : i32
      %dma_start3A_73 = arith.constant 0 : i32
      %dma_start3A_74 = tpu.memref_slice %arg6[%rem3A_69, %dma_start3A, %dma_start3A_73] : memref<4x2x128xi32, #tpu.memory_space<vmem>> -> memref<1x2x128xi32, #tpu.memory_space<vmem>>
      %dma_start3A_75 = tpu.memref_squeeze %dma_start3A_74 : memref<1x2x128xi32, #tpu.memory_space<vmem>> -> memref<2x128xi32, #tpu.memory_space<vmem>>
      %dma_start3A_76 = arith.constant 0 : i32
      %dma_start3A_77 = tpu.memref_slice %arg3[%dma_start3A_76, %mul3A_67] : memref<2x320000xi32, #tpu.memory_space<hbm>> -> memref<2x128xi32, #tpu.memory_space<hbm>>
      %dma_start3A_78 = tpu.memref_slice %arg9[%rem3A_72] : memref<4x!tpu.dma_semaphore, #tpu.memory_space<semaphore_mem>> -> memref<1x!tpu.dma_semaphore, #tpu.memory_space<semaphore_mem>>
      %dma_start3A_79 = tpu.memref_squeeze %dma_start3A_78 : memref<1x!tpu.dma_semaphore, #tpu.memory_space<semaphore_mem>> -> memref<!tpu.dma_semaphore, #tpu.memory_space<semaphore_mem>>
      %dma_start3A_80 = arith.constant 0 : i32
      %dma_start3A_81 = arith.constant 0 : i32
      %dma_start3A_82 = tpu.memref_slice %arg6[%rem3A_69, %dma_start3A_80, %dma_start3A_81] : memref<4x2x128xi32, #tpu.memory_space<vmem>> -> memref<1x2x128xi32, #tpu.memory_space<vmem>>
      %dma_start3A_83 = tpu.memref_squeeze %dma_start3A_82 : memref<1x2x128xi32, #tpu.memory_space<vmem>> -> memref<2x128xi32, #tpu.memory_space<vmem>>
      %dma_start3A_84 = arith.constant 0 : i32
      %dma_start3A_85 = tpu.memref_slice %arg3[%dma_start3A_84, %mul3A_67] : memref<2x320000xi32, #tpu.memory_space<hbm>> -> memref<2x128xi32, #tpu.memory_space<hbm>>
      tpu.enqueue_dma source(%dma_start3A_85 : memref<2x128xi32, #tpu.memory_space<hbm>>) target(%dma_start3A_83 : memref<2x128xi32, #tpu.memory_space<vmem>>) target_semaphore(%dma_start3A_79 : memref<!tpu.dma_semaphore, #tpu.memory_space<semaphore_mem>>)
    } else {
    }
    %gt3A_23 = arith.constant 1 : i32
    %gt3A_24 = arith.cmpi sgt, %add3A_4, %gt3A_23 : i32
    %convert_element_type3A_25 = arith.extui %gt3A_24 : i1 to i32
    %cond3A_26 = arith.constant 0 : i32
    %cond3A_27 = arith.cmpi ne, %convert_element_type3A_25, %cond3A_26 : i32
    scf.if %cond3A_27 {
      %add3A_64 = arith.constant 1 : i32
      %add3A_65 = arith.addi %add3A_8, %add3A_64 : i32
      %mul3A_66 = arith.constant 128 : i32
      %mul3A_67 = arith.muli %add3A_65, %mul3A_66 : i32
      %rem3A = arith.constant 1 : i32
      %rem3A_68 = arith.constant 4 : i32
      %rem3A_69 = arith.remsi %rem3A, %rem3A_68 : i32
      %rem3A_70 = arith.constant 1 : i32
      %rem3A_71 = arith.constant 4 : i32
      %rem3A_72 = arith.remsi %rem3A_70, %rem3A_71 : i32
      %dma_start3A = arith.constant 0 : i32
      %dma_start3A_73 = arith.constant 0 : i32
      %dma_start3A_74 = tpu.memref_slice %arg6[%rem3A_69, %dma_start3A, %dma_start3A_73] : memref<4x2x128xi32, #tpu.memory_space<vmem>> -> memref<1x2x128xi32, #tpu.memory_space<vmem>>
      %dma_start3A_75 = tpu.memref_squeeze %dma_start3A_74 : memref<1x2x128xi32, #tpu.memory_space<vmem>> -> memref<2x128xi32, #tpu.memory_space<vmem>>
      %dma_start3A_76 = arith.constant 0 : i32
      %dma_start3A_77 = tpu.memref_slice %arg3[%dma_start3A_76, %mul3A_67] : memref<2x320000xi32, #tpu.memory_space<hbm>> -> memref<2x128xi32, #tpu.memory_space<hbm>>
      %dma_start3A_78 = tpu.memref_slice %arg9[%rem3A_72] : memref<4x!tpu.dma_semaphore, #tpu.memory_space<semaphore_mem>> -> memref<1x!tpu.dma_semaphore, #tpu.memory_space<semaphore_mem>>
      %dma_start3A_79 = tpu.memref_squeeze %dma_start3A_78 : memref<1x!tpu.dma_semaphore, #tpu.memory_space<semaphore_mem>> -> memref<!tpu.dma_semaphore, #tpu.memory_space<semaphore_mem>>
      %dma_start3A_80 = arith.constant 0 : i32
      %dma_start3A_81 = arith.constant 0 : i32
      %dma_start3A_82 = tpu.memref_slice %arg6[%rem3A_69, %dma_start3A_80, %dma_start3A_81] : memref<4x2x128xi32, #tpu.memory_space<vmem>> -> memref<1x2x128xi32, #tpu.memory_space<vmem>>
      %dma_start3A_83 = tpu.memref_squeeze %dma_start3A_82 : memref<1x2x128xi32, #tpu.memory_space<vmem>> -> memref<2x128xi32, #tpu.memory_space<vmem>>
      %dma_start3A_84 = arith.constant 0 : i32
      %dma_start3A_85 = tpu.memref_slice %arg3[%dma_start3A_84, %mul3A_67] : memref<2x320000xi32, #tpu.memory_space<hbm>> -> memref<2x128xi32, #tpu.memory_space<hbm>>
      tpu.enqueue_dma source(%dma_start3A_85 : memref<2x128xi32, #tpu.memory_space<hbm>>) target(%dma_start3A_83 : memref<2x128xi32, #tpu.memory_space<vmem>>) target_semaphore(%dma_start3A_79 : memref<!tpu.dma_semaphore, #tpu.memory_space<semaphore_mem>>)
    } else {
    }
    %gt3A_28 = arith.constant 0 : i32
    %gt3A_29 = arith.cmpi sgt, %add3A_4, %gt3A_28 : i32
    %convert_element_type3A_30 = arith.extui %gt3A_29 : i1 to i32
    %cond3A_31 = arith.constant 0 : i32
    %cond3A_32 = arith.cmpi ne, %convert_element_type3A_30, %cond3A_31 : i32
    scf.if %cond3A_32 {
      %add3A_64 = arith.constant 0 : i32
      %add3A_65 = arith.addi %add3A_8, %add3A_64 : i32
      %mul3A_66 = arith.constant 128 : i32
      %mul3A_67 = arith.muli %add3A_65, %mul3A_66 : i32
      %rem3A = arith.constant 0 : i32
      %rem3A_68 = arith.constant 4 : i32
      %rem3A_69 = arith.remsi %rem3A, %rem3A_68 : i32
      %rem3A_70 = arith.constant 0 : i32
      %rem3A_71 = arith.constant 4 : i32
      %rem3A_72 = arith.remsi %rem3A_70, %rem3A_71 : i32
      %dma_wait3A = arith.constant 0 : i32
      %dma_wait3A_73 = arith.constant 0 : i32
      %dma_wait3A_74 = tpu.memref_slice %arg6[%rem3A_69, %dma_wait3A, %dma_wait3A_73] : memref<4x2x128xi32, #tpu.memory_space<vmem>> -> memref<1x2x128xi32, #tpu.memory_space<vmem>>
      %dma_wait3A_75 = tpu.memref_squeeze %dma_wait3A_74 : memref<1x2x128xi32, #tpu.memory_space<vmem>> -> memref<2x128xi32, #tpu.memory_space<vmem>>
      %dma_wait3A_76 = arith.constant 0 : i32
      %dma_wait3A_77 = tpu.memref_slice %arg3[%dma_wait3A_76, %mul3A_67] : memref<2x320000xi32, #tpu.memory_space<hbm>> -> memref<2x128xi32, #tpu.memory_space<hbm>>
      %dma_wait3A_78 = tpu.memref_slice %arg9[%rem3A_72] : memref<4x!tpu.dma_semaphore, #tpu.memory_space<semaphore_mem>> -> memref<1x!tpu.dma_semaphore, #tpu.memory_space<semaphore_mem>>
      %dma_wait3A_79 = tpu.memref_squeeze %dma_wait3A_78 : memref<1x!tpu.dma_semaphore, #tpu.memory_space<semaphore_mem>> -> memref<!tpu.dma_semaphore, #tpu.memory_space<semaphore_mem>>
      %dma_wait3A_80 = arith.constant 0 : i32
      %dma_wait3A_81 = arith.constant 0 : i32
      %dma_wait3A_82 = tpu.memref_slice %arg6[%rem3A_69, %dma_wait3A_80, %dma_wait3A_81] : memref<4x2x128xi32, #tpu.memory_space<vmem>> -> memref<1x2x128xi32, #tpu.memory_space<vmem>>
      %dma_wait3A_83 = tpu.memref_squeeze %dma_wait3A_82 : memref<1x2x128xi32, #tpu.memory_space<vmem>> -> memref<2x128xi32, #tpu.memory_space<vmem>>
      %dma_wait3A_84 = arith.constant 0 : i32
      %dma_wait3A_85 = tpu.memref_slice %arg3[%dma_wait3A_84, %mul3A_67] : memref<2x320000xi32, #tpu.memory_space<hbm>> -> memref<2x128xi32, #tpu.memory_space<hbm>>
      tpu.wait_dma2 semaphore(%dma_wait3A_79 : memref<!tpu.dma_semaphore, #tpu.memory_space<semaphore_mem>>) src(%dma_wait3A_85 : memref<2x128xi32, #tpu.memory_space<hbm>>) dst(%dma_wait3A_83 : memref<2x128xi32, #tpu.memory_space<vmem>>)
      %rem3A_86 = arith.constant 0 : i32
      %rem3A_87 = arith.constant 4 : i32
      %rem3A_88 = arith.remsi %rem3A_86, %rem3A_87 : i32
      %rem3A_89 = arith.constant 0 : i32
      %rem3A_90 = arith.constant 2 : i32
      %rem3A_91 = arith.remsi %rem3A_89, %rem3A_90 : i32
      %rem3A_92 = arith.constant 0 : i32
      %rem3A_93 = arith.constant 2 : i32
      %rem3A_94 = arith.remsi %rem3A_92, %rem3A_93 : i32
      %dma_start3A = arith.constant 0 : i32
      %dma_start3A_95 = arith.constant 0 : i32
      %dma_start3A_96 = arith.constant 0 : i32
      %dma_start3A_97 = tpu.memref_slice %arg7[%rem3A_91, %dma_start3A_95, %dma_start3A_96] : memref<2x128x128xf32, #tpu.memory_space<vmem>> -> memref<1x128x128xf32, #tpu.memory_space<vmem>>
      %dma_start3A_98 = tpu.memref_squeeze %dma_start3A_97 : memref<1x128x128xf32, #tpu.memory_space<vmem>> -> memref<128x128xf32, #tpu.memory_space<vmem>>
      %dma_start3A_99 = arith.constant 0 : i32
      %dma_start3A_100 = tpu.memref_slice %arg6[%rem3A_88, %dma_start3A, %dma_start3A_99] : memref<4x2x128xi32, #tpu.memory_space<vmem>> -> memref<1x1x128xi32, #tpu.memory_space<vmem>>
      %dma_start3A_101 = tpu.memref_squeeze %dma_start3A_100 : memref<1x1x128xi32, #tpu.memory_space<vmem>> -> memref<128xi32, #tpu.memory_space<vmem>>
      %dma_start3A_102 = arith.constant 0 : i32
      %dma_start3A_103 = arith.constant 0 : i32
      %dma_start3A_104 = tpu.memref_slice %arg2[%dma_start3A_102, %dma_start3A_103] : memref<10000x128xf32, #tpu.memory_space<hbm>> -> memref<10000x128xf32, #tpu.memory_space<hbm>>
      %dma_start3A_105 = tpu.memref_slice %arg10[%rem3A_94] : memref<2x!tpu.dma_semaphore, #tpu.memory_space<semaphore_mem>> -> memref<1x!tpu.dma_semaphore, #tpu.memory_space<semaphore_mem>>
      %dma_start3A_106 = tpu.memref_squeeze %dma_start3A_105 : memref<1x!tpu.dma_semaphore, #tpu.memory_space<semaphore_mem>> -> memref<!tpu.dma_semaphore, #tpu.memory_space<semaphore_mem>>
      tpu.enqueue_indirect_dma source(%dma_start3A_104 : memref<10000x128xf32, #tpu.memory_space<hbm>>) target(%dma_start3A_98 : memref<128x128xf32, #tpu.memory_space<vmem>>) offsets(%dma_start3A_101 : memref<128xi32, #tpu.memory_space<vmem>>) semaphore(%dma_start3A_106 : memref<!tpu.dma_semaphore, #tpu.memory_space<semaphore_mem>>)
    } else {
    }
    %while3A = arith.constant 0 : i32
    %while3A_33 = arith.constant 0 : i32
    %while3A_34 = arith.subi %add3A_4, %while3A : i32
    %while3A_35 = arith.addi %while3A, %while3A_34 : i32
    %while3A_36 = arith.constant 1 : i32
    %while3A_37 = arith.divsi %while3A_34, %while3A_36 : i32
    %while3A_38 = arith.muli %while3A_37, %while3A_36 : i32
    %while3A_39 = arith.addi %while3A, %while3A_38 : i32
    %while3A_40 = arith.constant 1 : i32
    %while3A_41 = scf.for %while3A_64 = %while3A to %while3A_39 step %while3A_40 iter_args(%while3A_65 = %while3A_33) -> (i32)  : i32 {
      %add3A_66 = arith.constant 2 : i32
      %add3A_67 = arith.addi %while3A_64, %add3A_66 : i32
      %lt3A_68 = arith.cmpi slt, %add3A_67, %add3A_4 : i32
      %convert_element_type3A_69 = arith.extui %lt3A_68 : i1 to i32
      %cond3A_70 = arith.constant 0 : i32
      %cond3A_71 = arith.cmpi ne, %convert_element_type3A_69, %cond3A_70 : i32
      scf.if %cond3A_71 {
        %add3A_115 = arith.constant 2 : i32
        %add3A_116 = arith.addi %while3A_64, %add3A_115 : i32
        %add3A_117 = arith.addi %add3A_8, %add3A_116 : i32
        %mul3A_118 = arith.constant 128 : i32
        %mul3A_119 = arith.muli %add3A_117, %mul3A_118 : i32
        %rem3A_120 = arith.constant 4 : i32
        %rem3A_121 = arith.remsi %add3A_116, %rem3A_120 : i32
        %rem3A_122 = arith.constant 4 : i32
        %rem3A_123 = arith.remsi %add3A_116, %rem3A_122 : i32
        %dma_start3A_124 = arith.constant 0 : i32
        %dma_start3A_125 = arith.constant 0 : i32
        %dma_start3A_126 = tpu.memref_slice %arg6[%rem3A_121, %dma_start3A_124, %dma_start3A_125] : memref<4x2x128xi32, #tpu.memory_space<vmem>> -> memref<1x2x128xi32, #tpu.memory_space<vmem>>
        %dma_start3A_127 = tpu.memref_squeeze %dma_start3A_126 : memref<1x2x128xi32, #tpu.memory_space<vmem>> -> memref<2x128xi32, #tpu.memory_space<vmem>>
        %dma_start3A_128 = arith.constant 0 : i32
        %dma_start3A_129 = tpu.memref_slice %arg3[%dma_start3A_128, %mul3A_119] : memref<2x320000xi32, #tpu.memory_space<hbm>> -> memref<2x128xi32, #tpu.memory_space<hbm>>
        %dma_start3A_130 = tpu.memref_slice %arg9[%rem3A_123] : memref<4x!tpu.dma_semaphore, #tpu.memory_space<semaphore_mem>> -> memref<1x!tpu.dma_semaphore, #tpu.memory_space<semaphore_mem>>
        %dma_start3A_131 = tpu.memref_squeeze %dma_start3A_130 : memref<1x!tpu.dma_semaphore, #tpu.memory_space<semaphore_mem>> -> memref<!tpu.dma_semaphore, #tpu.memory_space<semaphore_mem>>
        %dma_start3A_132 = arith.constant 0 : i32
        %dma_start3A_133 = arith.constant 0 : i32
        %dma_start3A_134 = tpu.memref_slice %arg6[%rem3A_121, %dma_start3A_132, %dma_start3A_133] : memref<4x2x128xi32, #tpu.memory_space<vmem>> -> memref<1x2x128xi32, #tpu.memory_space<vmem>>
        %dma_start3A_135 = tpu.memref_squeeze %dma_start3A_134 : memref<1x2x128xi32, #tpu.memory_space<vmem>> -> memref<2x128xi32, #tpu.memory_space<vmem>>
        %dma_start3A_136 = arith.constant 0 : i32
        %dma_start3A_137 = tpu.memref_slice %arg3[%dma_start3A_136, %mul3A_119] : memref<2x320000xi32, #tpu.memory_space<hbm>> -> memref<2x128xi32, #tpu.memory_space<hbm>>
        tpu.enqueue_dma source(%dma_start3A_137 : memref<2x128xi32, #tpu.memory_space<hbm>>) target(%dma_start3A_135 : memref<2x128xi32, #tpu.memory_space<vmem>>) target_semaphore(%dma_start3A_131 : memref<!tpu.dma_semaphore, #tpu.memory_space<semaphore_mem>>)
      } else {
      }
      %rem3A = arith.constant 4 : i32
      %rem3A_72 = arith.remsi %while3A_64, %rem3A : i32
      %rem3A_73 = arith.constant 2 : i32
      %rem3A_74 = arith.remsi %while3A_64, %rem3A_73 : i32
      %rem3A_75 = arith.constant 2 : i32
      %rem3A_76 = arith.remsi %while3A_64, %rem3A_75 : i32
      %dma_wait3A = arith.constant 0 : i32
      %dma_wait3A_77 = arith.constant 0 : i32
      %dma_wait3A_78 = arith.constant 0 : i32
      %dma_wait3A_79 = tpu.memref_slice %arg7[%rem3A_74, %dma_wait3A_77, %dma_wait3A_78] : memref<2x128x128xf32, #tpu.memory_space<vmem>> -> memref<1x128x128xf32, #tpu.memory_space<vmem>>
      %dma_wait3A_80 = tpu.memref_squeeze %dma_wait3A_79 : memref<1x128x128xf32, #tpu.memory_space<vmem>> -> memref<128x128xf32, #tpu.memory_space<vmem>>
      %dma_wait3A_81 = arith.constant 0 : i32
      %dma_wait3A_82 = tpu.memref_slice %arg6[%rem3A_72, %dma_wait3A, %dma_wait3A_81] : memref<4x2x128xi32, #tpu.memory_space<vmem>> -> memref<1x1x128xi32, #tpu.memory_space<vmem>>
      %dma_wait3A_83 = tpu.memref_squeeze %dma_wait3A_82 : memref<1x1x128xi32, #tpu.memory_space<vmem>> -> memref<128xi32, #tpu.memory_space<vmem>>
      %dma_wait3A_84 = arith.constant 0 : i32
      %dma_wait3A_85 = arith.constant 0 : i32
      %dma_wait3A_86 = tpu.memref_slice %arg2[%dma_wait3A_84, %dma_wait3A_85] : memref<10000x128xf32, #tpu.memory_space<hbm>> -> memref<10000x128xf32, #tpu.memory_space<hbm>>
      %dma_wait3A_87 = tpu.memref_slice %arg10[%rem3A_76] : memref<2x!tpu.dma_semaphore, #tpu.memory_space<semaphore_mem>> -> memref<1x!tpu.dma_semaphore, #tpu.memory_space<semaphore_mem>>
      %dma_wait3A_88 = tpu.memref_squeeze %dma_wait3A_87 : memref<1x!tpu.dma_semaphore, #tpu.memory_space<semaphore_mem>> -> memref<!tpu.dma_semaphore, #tpu.memory_space<semaphore_mem>>
      tpu.wait_indirect_dma semaphore(%dma_wait3A_88 : memref<!tpu.dma_semaphore, #tpu.memory_space<semaphore_mem>>) src(%dma_wait3A_86 : memref<10000x128xf32, #tpu.memory_space<hbm>>) dst(%dma_wait3A_80 : memref<128x128xf32, #tpu.memory_space<vmem>>)
      %rem3A_89 = arith.constant 4 : i32
      %rem3A_90 = arith.remsi %while3A_64, %rem3A_89 : i32
      %rem3A_91 = arith.constant 2 : i32
      %rem3A_92 = arith.remsi %while3A_64, %rem3A_91 : i32
      %rem3A_93 = arith.constant 2 : i32
      %rem3A_94 = arith.remsi %while3A_64, %rem3A_93 : i32
      %dma_start3A = arith.constant 1 : i32
      %dma_start3A_95 = arith.constant 0 : i32
      %dma_start3A_96 = arith.constant 0 : i32
      %dma_start3A_97 = tpu.memref_slice %arg7[%rem3A_92, %dma_start3A_95, %dma_start3A_96] : memref<2x128x128xf32, #tpu.memory_space<vmem>> -> memref<1x128x128xf32, #tpu.memory_space<vmem>>
      %dma_start3A_98 = tpu.memref_squeeze %dma_start3A_97 : memref<1x128x128xf32, #tpu.memory_space<vmem>> -> memref<128x128xf32, #tpu.memory_space<vmem>>
      %dma_start3A_99 = arith.constant 0 : i32
      %dma_start3A_100 = tpu.memref_slice %arg6[%rem3A_90, %dma_start3A, %dma_start3A_99] : memref<4x2x128xi32, #tpu.memory_space<vmem>> -> memref<1x1x128xi32, #tpu.memory_space<vmem>>
      %dma_start3A_101 = tpu.memref_squeeze %dma_start3A_100 : memref<1x1x128xi32, #tpu.memory_space<vmem>> -> memref<128xi32, #tpu.memory_space<vmem>>
      %dma_start3A_102 = arith.constant 0 : i32
      %dma_start3A_103 = arith.constant 0 : i32
      %dma_start3A_104 = tpu.memref_slice %arg8[%dma_start3A_102, %dma_start3A_103] : memref<10000x128xf32, #tpu.memory_space<vmem_shared>> -> memref<10000x128xf32, #tpu.memory_space<vmem_shared>>
      %dma_start3A_105 = tpu.memref_slice %arg11[%rem3A_94] : memref<2x!tpu.dma_semaphore, #tpu.memory_space<semaphore_mem>> -> memref<1x!tpu.dma_semaphore, #tpu.memory_space<semaphore_mem>>
      %dma_start3A_106 = tpu.memref_squeeze %dma_start3A_105 : memref<1x!tpu.dma_semaphore, #tpu.memory_space<semaphore_mem>> -> memref<!tpu.dma_semaphore, #tpu.memory_space<semaphore_mem>>
      tpu.enqueue_indirect_dma source(%dma_start3A_98 : memref<128x128xf32, #tpu.memory_space<vmem>>) target(%dma_start3A_104 : memref<10000x128xf32, #tpu.memory_space<vmem_shared>>) offsets(%dma_start3A_101 : memref<128xi32, #tpu.memory_space<vmem>>) semaphore(%dma_start3A_106 : memref<!tpu.dma_semaphore, #tpu.memory_space<semaphore_mem>>) {add = true}
      %add3A_107 = arith.constant 2 : i32
      %add3A_108 = arith.addi %while3A_64, %add3A_107 : i32
      %sub3A = arith.constant 1 : i32
      %sub3A_109 = arith.subi %add3A_108, %sub3A : i32
      %lt3A_110 = arith.cmpi slt, %sub3A_109, %add3A_4 : i32
      %convert_element_type3A_111 = arith.extui %lt3A_110 : i1 to i32
      %cond3A_112 = arith.constant 0 : i32
      %cond3A_113 = arith.cmpi ne, %convert_element_type3A_111, %cond3A_112 : i32
      scf.if %cond3A_113 {
        %add3A_115 = arith.constant 2 : i32
        %add3A_116 = arith.addi %while3A_64, %add3A_115 : i32
        %sub3A_117 = arith.constant 1 : i32
        %sub3A_118 = arith.subi %add3A_116, %sub3A_117 : i32
        %add3A_119 = arith.addi %add3A_8, %sub3A_118 : i32
        %mul3A_120 = arith.constant 128 : i32
        %mul3A_121 = arith.muli %add3A_119, %mul3A_120 : i32
        %rem3A_122 = arith.constant 4 : i32
        %rem3A_123 = arith.remsi %sub3A_118, %rem3A_122 : i32
        %rem3A_124 = arith.constant 4 : i32
        %rem3A_125 = arith.remsi %sub3A_118, %rem3A_124 : i32
        %dma_wait3A_126 = arith.constant 0 : i32
        %dma_wait3A_127 = arith.constant 0 : i32
        %dma_wait3A_128 = tpu.memref_slice %arg6[%rem3A_123, %dma_wait3A_126, %dma_wait3A_127] : memref<4x2x128xi32, #tpu.memory_space<vmem>> -> memref<1x2x128xi32, #tpu.memory_space<vmem>>
        %dma_wait3A_129 = tpu.memref_squeeze %dma_wait3A_128 : memref<1x2x128xi32, #tpu.memory_space<vmem>> -> memref<2x128xi32, #tpu.memory_space<vmem>>
        %dma_wait3A_130 = arith.constant 0 : i32
        %dma_wait3A_131 = tpu.memref_slice %arg3[%dma_wait3A_130, %mul3A_121] : memref<2x320000xi32, #tpu.memory_space<hbm>> -> memref<2x128xi32, #tpu.memory_space<hbm>>
        %dma_wait3A_132 = tpu.memref_slice %arg9[%rem3A_125] : memref<4x!tpu.dma_semaphore, #tpu.memory_space<semaphore_mem>> -> memref<1x!tpu.dma_semaphore, #tpu.memory_space<semaphore_mem>>
        %dma_wait3A_133 = tpu.memref_squeeze %dma_wait3A_132 : memref<1x!tpu.dma_semaphore, #tpu.memory_space<semaphore_mem>> -> memref<!tpu.dma_semaphore, #tpu.memory_space<semaphore_mem>>
        %dma_wait3A_134 = arith.constant 0 : i32
        %dma_wait3A_135 = arith.constant 0 : i32
        %dma_wait3A_136 = tpu.memref_slice %arg6[%rem3A_123, %dma_wait3A_134, %dma_wait3A_135] : memref<4x2x128xi32, #tpu.memory_space<vmem>> -> memref<1x2x128xi32, #tpu.memory_space<vmem>>
        %dma_wait3A_137 = tpu.memref_squeeze %dma_wait3A_136 : memref<1x2x128xi32, #tpu.memory_space<vmem>> -> memref<2x128xi32, #tpu.memory_space<vmem>>
        %dma_wait3A_138 = arith.constant 0 : i32
        %dma_wait3A_139 = tpu.memref_slice %arg3[%dma_wait3A_138, %mul3A_121] : memref<2x320000xi32, #tpu.memory_space<hbm>> -> memref<2x128xi32, #tpu.memory_space<hbm>>
        tpu.wait_dma2 semaphore(%dma_wait3A_133 : memref<!tpu.dma_semaphore, #tpu.memory_space<semaphore_mem>>) src(%dma_wait3A_139 : memref<2x128xi32, #tpu.memory_space<hbm>>) dst(%dma_wait3A_137 : memref<2x128xi32, #tpu.memory_space<vmem>>)
        %add3A_140 = arith.constant 2 : i32
        %add3A_141 = arith.addi %while3A_64, %add3A_140 : i32
        %sub3A_142 = arith.constant 1 : i32
        %sub3A_143 = arith.subi %add3A_141, %sub3A_142 : i32
        %ge3A_144 = arith.constant 2 : i32
        %ge3A_145 = arith.cmpi sge, %sub3A_143, %ge3A_144 : i32
        %convert_element_type3A_146 = arith.extui %ge3A_145 : i1 to i32
        %cond3A_147 = arith.constant 0 : i32
        %cond3A_148 = arith.cmpi ne, %convert_element_type3A_146, %cond3A_147 : i32
        scf.if %cond3A_148 {
          %add3A_172 = arith.constant 2 : i32
          %add3A_173 = arith.addi %while3A_64, %add3A_172 : i32
          %sub3A_174 = arith.constant 1 : i32
          %sub3A_175 = arith.subi %add3A_173, %sub3A_174 : i32
          %rem3A_176 = arith.constant 2 : i32
          %rem3A_177 = arith.remsi %sub3A_175, %rem3A_176 : i32
          %dma_wait3A_178 = arith.constant 0 : i32
          %dma_wait3A_179 = arith.constant 1 : i32
          %dma_wait3A_180 = arith.constant 0 : i32
          %dma_wait3A_181 = arith.constant 0 : i32
          %dma_wait3A_182 = tpu.memref_slice %arg7[%rem3A_177, %dma_wait3A_180, %dma_wait3A_181] : memref<2x128x128xf32, #tpu.memory_space<vmem>> -> memref<1x128x128xf32, #tpu.memory_space<vmem>>
          %dma_wait3A_183 = tpu.memref_squeeze %dma_wait3A_182 : memref<1x128x128xf32, #tpu.memory_space<vmem>> -> memref<128x128xf32, #tpu.memory_space<vmem>>
          %dma_wait3A_184 = arith.constant 0 : i32
          %dma_wait3A_185 = tpu.memref_slice %arg6[%dma_wait3A_178, %dma_wait3A_179, %dma_wait3A_184] : memref<4x2x128xi32, #tpu.memory_space<vmem>> -> memref<1x1x128xi32, #tpu.memory_space<vmem>>
          %dma_wait3A_186 = tpu.memref_squeeze %dma_wait3A_185 : memref<1x1x128xi32, #tpu.memory_space<vmem>> -> memref<128xi32, #tpu.memory_space<vmem>>
          %dma_wait3A_187 = arith.constant 0 : i32
          %dma_wait3A_188 = arith.constant 0 : i32
          %dma_wait3A_189 = tpu.memref_slice %arg8[%dma_wait3A_187, %dma_wait3A_188] : memref<10000x128xf32, #tpu.memory_space<vmem_shared>> -> memref<10000x128xf32, #tpu.memory_space<vmem_shared>>
          %dma_wait3A_190 = tpu.memref_slice %arg11[%rem3A_177] : memref<2x!tpu.dma_semaphore, #tpu.memory_space<semaphore_mem>> -> memref<1x!tpu.dma_semaphore, #tpu.memory_space<semaphore_mem>>
          %dma_wait3A_191 = tpu.memref_squeeze %dma_wait3A_190 : memref<1x!tpu.dma_semaphore, #tpu.memory_space<semaphore_mem>> -> memref<!tpu.dma_semaphore, #tpu.memory_space<semaphore_mem>>
          tpu.wait_indirect_dma semaphore(%dma_wait3A_191 : memref<!tpu.dma_semaphore, #tpu.memory_space<semaphore_mem>>) src(%dma_wait3A_183 : memref<128x128xf32, #tpu.memory_space<vmem>>) dst(%dma_wait3A_189 : memref<10000x128xf32, #tpu.memory_space<vmem_shared>>)
        } else {
        }
        %add3A_149 = arith.constant 2 : i32
        %add3A_150 = arith.addi %while3A_64, %add3A_149 : i32
        %sub3A_151 = arith.constant 1 : i32
        %sub3A_152 = arith.subi %add3A_150, %sub3A_151 : i32
        %rem3A_153 = arith.constant 4 : i32
        %rem3A_154 = arith.remsi %sub3A_152, %rem3A_153 : i32
        %rem3A_155 = arith.constant 2 : i32
        %rem3A_156 = arith.remsi %sub3A_152, %rem3A_155 : i32
        %rem3A_157 = arith.constant 2 : i32
        %rem3A_158 = arith.remsi %sub3A_152, %rem3A_157 : i32
        %dma_start3A_159 = arith.constant 0 : i32
        %dma_start3A_160 = arith.constant 0 : i32
        %dma_start3A_161 = arith.constant 0 : i32
        %dma_start3A_162 = tpu.memref_slice %arg7[%rem3A_156, %dma_start3A_160, %dma_start3A_161] : memref<2x128x128xf32, #tpu.memory_space<vmem>> -> memref<1x128x128xf32, #tpu.memory_space<vmem>>
        %dma_start3A_163 = tpu.memref_squeeze %dma_start3A_162 : memref<1x128x128xf32, #tpu.memory_space<vmem>> -> memref<128x128xf32, #tpu.memory_space<vmem>>
        %dma_start3A_164 = arith.constant 0 : i32
        %dma_start3A_165 = tpu.memref_slice %arg6[%rem3A_154, %dma_start3A_159, %dma_start3A_164] : memref<4x2x128xi32, #tpu.memory_space<vmem>> -> memref<1x1x128xi32, #tpu.memory_space<vmem>>
        %dma_start3A_166 = tpu.memref_squeeze %dma_start3A_165 : memref<1x1x128xi32, #tpu.memory_space<vmem>> -> memref<128xi32, #tpu.memory_space<vmem>>
        %dma_start3A_167 = arith.constant 0 : i32
        %dma_start3A_168 = arith.constant 0 : i32
        %dma_start3A_169 = tpu.memref_slice %arg2[%dma_start3A_167, %dma_start3A_168] : memref<10000x128xf32, #tpu.memory_space<hbm>> -> memref<10000x128xf32, #tpu.memory_space<hbm>>
        %dma_start3A_170 = tpu.memref_slice %arg10[%rem3A_158] : memref<2x!tpu.dma_semaphore, #tpu.memory_space<semaphore_mem>> -> memref<1x!tpu.dma_semaphore, #tpu.memory_space<semaphore_mem>>
        %dma_start3A_171 = tpu.memref_squeeze %dma_start3A_170 : memref<1x!tpu.dma_semaphore, #tpu.memory_space<semaphore_mem>> -> memref<!tpu.dma_semaphore, #tpu.memory_space<semaphore_mem>>
        tpu.enqueue_indirect_dma source(%dma_start3A_169 : memref<10000x128xf32, #tpu.memory_space<hbm>>) target(%dma_start3A_163 : memref<128x128xf32, #tpu.memory_space<vmem>>) offsets(%dma_start3A_166 : memref<128xi32, #tpu.memory_space<vmem>>) semaphore(%dma_start3A_171 : memref<!tpu.dma_semaphore, #tpu.memory_space<semaphore_mem>>)
      } else {
      }
      %while3A_114 = arith.constant 0 : i32
      scf.yield %while3A_114 : i32
    }
    %while3A_42 = arith.constant 1 : i32
    %while3A_43 = scf.for %while3A_64 = %while3A_39 to %while3A_35 step %while3A_42 iter_args(%while3A_65 = %while3A_41) -> (i32)  : i32 {
      %add3A_66 = arith.constant 2 : i32
      %add3A_67 = arith.addi %while3A_64, %add3A_66 : i32
      %lt3A_68 = arith.cmpi slt, %add3A_67, %add3A_4 : i32
      %convert_element_type3A_69 = arith.extui %lt3A_68 : i1 to i32
      %cond3A_70 = arith.constant 0 : i32
      %cond3A_71 = arith.cmpi ne, %convert_element_type3A_69, %cond3A_70 : i32
      scf.if %cond3A_71 {
        %add3A_115 = arith.constant 2 : i32
        %add3A_116 = arith.addi %while3A_64, %add3A_115 : i32
        %add3A_117 = arith.addi %add3A_8, %add3A_116 : i32
        %mul3A_118 = arith.constant 128 : i32
        %mul3A_119 = arith.muli %add3A_117, %mul3A_118 : i32
        %rem3A_120 = arith.constant 4 : i32
        %rem3A_121 = arith.remsi %add3A_116, %rem3A_120 : i32
        %rem3A_122 = arith.constant 4 : i32
        %rem3A_123 = arith.remsi %add3A_116, %rem3A_122 : i32
        %dma_start3A_124 = arith.constant 0 : i32
        %dma_start3A_125 = arith.constant 0 : i32
        %dma_start3A_126 = tpu.memref_slice %arg6[%rem3A_121, %dma_start3A_124, %dma_start3A_125] : memref<4x2x128xi32, #tpu.memory_space<vmem>> -> memref<1x2x128xi32, #tpu.memory_space<vmem>>
        %dma_start3A_127 = tpu.memref_squeeze %dma_start3A_126 : memref<1x2x128xi32, #tpu.memory_space<vmem>> -> memref<2x128xi32, #tpu.memory_space<vmem>>
        %dma_start3A_128 = arith.constant 0 : i32
        %dma_start3A_129 = tpu.memref_slice %arg3[%dma_start3A_128, %mul3A_119] : memref<2x320000xi32, #tpu.memory_space<hbm>> -> memref<2x128xi32, #tpu.memory_space<hbm>>
        %dma_start3A_130 = tpu.memref_slice %arg9[%rem3A_123] : memref<4x!tpu.dma_semaphore, #tpu.memory_space<semaphore_mem>> -> memref<1x!tpu.dma_semaphore, #tpu.memory_space<semaphore_mem>>
        %dma_start3A_131 = tpu.memref_squeeze %dma_start3A_130 : memref<1x!tpu.dma_semaphore, #tpu.memory_space<semaphore_mem>> -> memref<!tpu.dma_semaphore, #tpu.memory_space<semaphore_mem>>
        %dma_start3A_132 = arith.constant 0 : i32
        %dma_start3A_133 = arith.constant 0 : i32
        %dma_start3A_134 = tpu.memref_slice %arg6[%rem3A_121, %dma_start3A_132, %dma_start3A_133] : memref<4x2x128xi32, #tpu.memory_space<vmem>> -> memref<1x2x128xi32, #tpu.memory_space<vmem>>
        %dma_start3A_135 = tpu.memref_squeeze %dma_start3A_134 : memref<1x2x128xi32, #tpu.memory_space<vmem>> -> memref<2x128xi32, #tpu.memory_space<vmem>>
        %dma_start3A_136 = arith.constant 0 : i32
        %dma_start3A_137 = tpu.memref_slice %arg3[%dma_start3A_136, %mul3A_119] : memref<2x320000xi32, #tpu.memory_space<hbm>> -> memref<2x128xi32, #tpu.memory_space<hbm>>
        tpu.enqueue_dma source(%dma_start3A_137 : memref<2x128xi32, #tpu.memory_space<hbm>>) target(%dma_start3A_135 : memref<2x128xi32, #tpu.memory_space<vmem>>) target_semaphore(%dma_start3A_131 : memref<!tpu.dma_semaphore, #tpu.memory_space<semaphore_mem>>)
      } else {
      }
      %rem3A = arith.constant 4 : i32
      %rem3A_72 = arith.remsi %while3A_64, %rem3A : i32
      %rem3A_73 = arith.constant 2 : i32
      %rem3A_74 = arith.remsi %while3A_64, %rem3A_73 : i32
      %rem3A_75 = arith.constant 2 : i32
      %rem3A_76 = arith.remsi %while3A_64, %rem3A_75 : i32
      %dma_wait3A = arith.constant 0 : i32
      %dma_wait3A_77 = arith.constant 0 : i32
      %dma_wait3A_78 = arith.constant 0 : i32
      %dma_wait3A_79 = tpu.memref_slice %arg7[%rem3A_74, %dma_wait3A_77, %dma_wait3A_78] : memref<2x128x128xf32, #tpu.memory_space<vmem>> -> memref<1x128x128xf32, #tpu.memory_space<vmem>>
      %dma_wait3A_80 = tpu.memref_squeeze %dma_wait3A_79 : memref<1x128x128xf32, #tpu.memory_space<vmem>> -> memref<128x128xf32, #tpu.memory_space<vmem>>
      %dma_wait3A_81 = arith.constant 0 : i32
      %dma_wait3A_82 = tpu.memref_slice %arg6[%rem3A_72, %dma_wait3A, %dma_wait3A_81] : memref<4x2x128xi32, #tpu.memory_space<vmem>> -> memref<1x1x128xi32, #tpu.memory_space<vmem>>
      %dma_wait3A_83 = tpu.memref_squeeze %dma_wait3A_82 : memref<1x1x128xi32, #tpu.memory_space<vmem>> -> memref<128xi32, #tpu.memory_space<vmem>>
      %dma_wait3A_84 = arith.constant 0 : i32
      %dma_wait3A_85 = arith.constant 0 : i32
      %dma_wait3A_86 = tpu.memref_slice %arg2[%dma_wait3A_84, %dma_wait3A_85] : memref<10000x128xf32, #tpu.memory_space<hbm>> -> memref<10000x128xf32, #tpu.memory_space<hbm>>
      %dma_wait3A_87 = tpu.memref_slice %arg10[%rem3A_76] : memref<2x!tpu.dma_semaphore, #tpu.memory_space<semaphore_mem>> -> memref<1x!tpu.dma_semaphore, #tpu.memory_space<semaphore_mem>>
      %dma_wait3A_88 = tpu.memref_squeeze %dma_wait3A_87 : memref<1x!tpu.dma_semaphore, #tpu.memory_space<semaphore_mem>> -> memref<!tpu.dma_semaphore, #tpu.memory_space<semaphore_mem>>
      tpu.wait_indirect_dma semaphore(%dma_wait3A_88 : memref<!tpu.dma_semaphore, #tpu.memory_space<semaphore_mem>>) src(%dma_wait3A_86 : memref<10000x128xf32, #tpu.memory_space<hbm>>) dst(%dma_wait3A_80 : memref<128x128xf32, #tpu.memory_space<vmem>>)
      %rem3A_89 = arith.constant 4 : i32
      %rem3A_90 = arith.remsi %while3A_64, %rem3A_89 : i32
      %rem3A_91 = arith.constant 2 : i32
      %rem3A_92 = arith.remsi %while3A_64, %rem3A_91 : i32
      %rem3A_93 = arith.constant 2 : i32
      %rem3A_94 = arith.remsi %while3A_64, %rem3A_93 : i32
      %dma_start3A = arith.constant 1 : i32
      %dma_start3A_95 = arith.constant 0 : i32
      %dma_start3A_96 = arith.constant 0 : i32
      %dma_start3A_97 = tpu.memref_slice %arg7[%rem3A_92, %dma_start3A_95, %dma_start3A_96] : memref<2x128x128xf32, #tpu.memory_space<vmem>> -> memref<1x128x128xf32, #tpu.memory_space<vmem>>
      %dma_start3A_98 = tpu.memref_squeeze %dma_start3A_97 : memref<1x128x128xf32, #tpu.memory_space<vmem>> -> memref<128x128xf32, #tpu.memory_space<vmem>>
      %dma_start3A_99 = arith.constant 0 : i32
      %dma_start3A_100 = tpu.memref_slice %arg6[%rem3A_90, %dma_start3A, %dma_start3A_99] : memref<4x2x128xi32, #tpu.memory_space<vmem>> -> memref<1x1x128xi32, #tpu.memory_space<vmem>>
      %dma_start3A_101 = tpu.memref_squeeze %dma_start3A_100 : memref<1x1x128xi32, #tpu.memory_space<vmem>> -> memref<128xi32, #tpu.memory_space<vmem>>
      %dma_start3A_102 = arith.constant 0 : i32
      %dma_start3A_103 = arith.constant 0 : i32
      %dma_start3A_104 = tpu.memref_slice %arg8[%dma_start3A_102, %dma_start3A_103] : memref<10000x128xf32, #tpu.memory_space<vmem_shared>> -> memref<10000x128xf32, #tpu.memory_space<vmem_shared>>
      %dma_start3A_105 = tpu.memref_slice %arg11[%rem3A_94] : memref<2x!tpu.dma_semaphore, #tpu.memory_space<semaphore_mem>> -> memref<1x!tpu.dma_semaphore, #tpu.memory_space<semaphore_mem>>
      %dma_start3A_106 = tpu.memref_squeeze %dma_start3A_105 : memref<1x!tpu.dma_semaphore, #tpu.memory_space<semaphore_mem>> -> memref<!tpu.dma_semaphore, #tpu.memory_space<semaphore_mem>>
      tpu.enqueue_indirect_dma source(%dma_start3A_98 : memref<128x128xf32, #tpu.memory_space<vmem>>) target(%dma_start3A_104 : memref<10000x128xf32, #tpu.memory_space<vmem_shared>>) offsets(%dma_start3A_101 : memref<128xi32, #tpu.memory_space<vmem>>) semaphore(%dma_start3A_106 : memref<!tpu.dma_semaphore, #tpu.memory_space<semaphore_mem>>) {add = true}
      %add3A_107 = arith.constant 2 : i32
      %add3A_108 = arith.addi %while3A_64, %add3A_107 : i32
      %sub3A = arith.constant 1 : i32
      %sub3A_109 = arith.subi %add3A_108, %sub3A : i32
      %lt3A_110 = arith.cmpi slt, %sub3A_109, %add3A_4 : i32
      %convert_element_type3A_111 = arith.extui %lt3A_110 : i1 to i32
      %cond3A_112 = arith.constant 0 : i32
      %cond3A_113 = arith.cmpi ne, %convert_element_type3A_111, %cond3A_112 : i32
      scf.if %cond3A_113 {
        %add3A_115 = arith.constant 2 : i32
        %add3A_116 = arith.addi %while3A_64, %add3A_115 : i32
        %sub3A_117 = arith.constant 1 : i32
        %sub3A_118 = arith.subi %add3A_116, %sub3A_117 : i32
        %add3A_119 = arith.addi %add3A_8, %sub3A_118 : i32
        %mul3A_120 = arith.constant 128 : i32
        %mul3A_121 = arith.muli %add3A_119, %mul3A_120 : i32
        %rem3A_122 = arith.constant 4 : i32
        %rem3A_123 = arith.remsi %sub3A_118, %rem3A_122 : i32
        %rem3A_124 = arith.constant 4 : i32
        %rem3A_125 = arith.remsi %sub3A_118, %rem3A_124 : i32
        %dma_wait3A_126 = arith.constant 0 : i32
        %dma_wait3A_127 = arith.constant 0 : i32
        %dma_wait3A_128 = tpu.memref_slice %arg6[%rem3A_123, %dma_wait3A_126, %dma_wait3A_127] : memref<4x2x128xi32, #tpu.memory_space<vmem>> -> memref<1x2x128xi32, #tpu.memory_space<vmem>>
        %dma_wait3A_129 = tpu.memref_squeeze %dma_wait3A_128 : memref<1x2x128xi32, #tpu.memory_space<vmem>> -> memref<2x128xi32, #tpu.memory_space<vmem>>
        %dma_wait3A_130 = arith.constant 0 : i32
        %dma_wait3A_131 = tpu.memref_slice %arg3[%dma_wait3A_130, %mul3A_121] : memref<2x320000xi32, #tpu.memory_space<hbm>> -> memref<2x128xi32, #tpu.memory_space<hbm>>
        %dma_wait3A_132 = tpu.memref_slice %arg9[%rem3A_125] : memref<4x!tpu.dma_semaphore, #tpu.memory_space<semaphore_mem>> -> memref<1x!tpu.dma_semaphore, #tpu.memory_space<semaphore_mem>>
        %dma_wait3A_133 = tpu.memref_squeeze %dma_wait3A_132 : memref<1x!tpu.dma_semaphore, #tpu.memory_space<semaphore_mem>> -> memref<!tpu.dma_semaphore, #tpu.memory_space<semaphore_mem>>
        %dma_wait3A_134 = arith.constant 0 : i32
        %dma_wait3A_135 = arith.constant 0 : i32
        %dma_wait3A_136 = tpu.memref_slice %arg6[%rem3A_123, %dma_wait3A_134, %dma_wait3A_135] : memref<4x2x128xi32, #tpu.memory_space<vmem>> -> memref<1x2x128xi32, #tpu.memory_space<vmem>>
        %dma_wait3A_137 = tpu.memref_squeeze %dma_wait3A_136 : memref<1x2x128xi32, #tpu.memory_space<vmem>> -> memref<2x128xi32, #tpu.memory_space<vmem>>
        %dma_wait3A_138 = arith.constant 0 : i32
        %dma_wait3A_139 = tpu.memref_slice %arg3[%dma_wait3A_138, %mul3A_121] : memref<2x320000xi32, #tpu.memory_space<hbm>> -> memref<2x128xi32, #tpu.memory_space<hbm>>
        tpu.wait_dma2 semaphore(%dma_wait3A_133 : memref<!tpu.dma_semaphore, #tpu.memory_space<semaphore_mem>>) src(%dma_wait3A_139 : memref<2x128xi32, #tpu.memory_space<hbm>>) dst(%dma_wait3A_137 : memref<2x128xi32, #tpu.memory_space<vmem>>)
        %add3A_140 = arith.constant 2 : i32
        %add3A_141 = arith.addi %while3A_64, %add3A_140 : i32
        %sub3A_142 = arith.constant 1 : i32
        %sub3A_143 = arith.subi %add3A_141, %sub3A_142 : i32
        %ge3A_144 = arith.constant 2 : i32
        %ge3A_145 = arith.cmpi sge, %sub3A_143, %ge3A_144 : i32
        %convert_element_type3A_146 = arith.extui %ge3A_145 : i1 to i32
        %cond3A_147 = arith.constant 0 : i32
        %cond3A_148 = arith.cmpi ne, %convert_element_type3A_146, %cond3A_147 : i32
        scf.if %cond3A_148 {
          %add3A_172 = arith.constant 2 : i32
          %add3A_173 = arith.addi %while3A_64, %add3A_172 : i32
          %sub3A_174 = arith.constant 1 : i32
          %sub3A_175 = arith.subi %add3A_173, %sub3A_174 : i32
          %rem3A_176 = arith.constant 2 : i32
          %rem3A_177 = arith.remsi %sub3A_175, %rem3A_176 : i32
          %dma_wait3A_178 = arith.constant 0 : i32
          %dma_wait3A_179 = arith.constant 1 : i32
          %dma_wait3A_180 = arith.constant 0 : i32
          %dma_wait3A_181 = arith.constant 0 : i32
          %dma_wait3A_182 = tpu.memref_slice %arg7[%rem3A_177, %dma_wait3A_180, %dma_wait3A_181] : memref<2x128x128xf32, #tpu.memory_space<vmem>> -> memref<1x128x128xf32, #tpu.memory_space<vmem>>
          %dma_wait3A_183 = tpu.memref_squeeze %dma_wait3A_182 : memref<1x128x128xf32, #tpu.memory_space<vmem>> -> memref<128x128xf32, #tpu.memory_space<vmem>>
          %dma_wait3A_184 = arith.constant 0 : i32
          %dma_wait3A_185 = tpu.memref_slice %arg6[%dma_wait3A_178, %dma_wait3A_179, %dma_wait3A_184] : memref<4x2x128xi32, #tpu.memory_space<vmem>> -> memref<1x1x128xi32, #tpu.memory_space<vmem>>
          %dma_wait3A_186 = tpu.memref_squeeze %dma_wait3A_185 : memref<1x1x128xi32, #tpu.memory_space<vmem>> -> memref<128xi32, #tpu.memory_space<vmem>>
          %dma_wait3A_187 = arith.constant 0 : i32
          %dma_wait3A_188 = arith.constant 0 : i32
          %dma_wait3A_189 = tpu.memref_slice %arg8[%dma_wait3A_187, %dma_wait3A_188] : memref<10000x128xf32, #tpu.memory_space<vmem_shared>> -> memref<10000x128xf32, #tpu.memory_space<vmem_shared>>
          %dma_wait3A_190 = tpu.memref_slice %arg11[%rem3A_177] : memref<2x!tpu.dma_semaphore, #tpu.memory_space<semaphore_mem>> -> memref<1x!tpu.dma_semaphore, #tpu.memory_space<semaphore_mem>>
          %dma_wait3A_191 = tpu.memref_squeeze %dma_wait3A_190 : memref<1x!tpu.dma_semaphore, #tpu.memory_space<semaphore_mem>> -> memref<!tpu.dma_semaphore, #tpu.memory_space<semaphore_mem>>
          tpu.wait_indirect_dma semaphore(%dma_wait3A_191 : memref<!tpu.dma_semaphore, #tpu.memory_space<semaphore_mem>>) src(%dma_wait3A_183 : memref<128x128xf32, #tpu.memory_space<vmem>>) dst(%dma_wait3A_189 : memref<10000x128xf32, #tpu.memory_space<vmem_shared>>)
        } else {
        }
        %add3A_149 = arith.constant 2 : i32
        %add3A_150 = arith.addi %while3A_64, %add3A_149 : i32
        %sub3A_151 = arith.constant 1 : i32
        %sub3A_152 = arith.subi %add3A_150, %sub3A_151 : i32
        %rem3A_153 = arith.constant 4 : i32
        %rem3A_154 = arith.remsi %sub3A_152, %rem3A_153 : i32
        %rem3A_155 = arith.constant 2 : i32
        %rem3A_156 = arith.remsi %sub3A_152, %rem3A_155 : i32
        %rem3A_157 = arith.constant 2 : i32
        %rem3A_158 = arith.remsi %sub3A_152, %rem3A_157 : i32
        %dma_start3A_159 = arith.constant 0 : i32
        %dma_start3A_160 = arith.constant 0 : i32
        %dma_start3A_161 = arith.constant 0 : i32
        %dma_start3A_162 = tpu.memref_slice %arg7[%rem3A_156, %dma_start3A_160, %dma_start3A_161] : memref<2x128x128xf32, #tpu.memory_space<vmem>> -> memref<1x128x128xf32, #tpu.memory_space<vmem>>
        %dma_start3A_163 = tpu.memref_squeeze %dma_start3A_162 : memref<1x128x128xf32, #tpu.memory_space<vmem>> -> memref<128x128xf32, #tpu.memory_space<vmem>>
        %dma_start3A_164 = arith.constant 0 : i32
        %dma_start3A_165 = tpu.memref_slice %arg6[%rem3A_154, %dma_start3A_159, %dma_start3A_164] : memref<4x2x128xi32, #tpu.memory_space<vmem>> -> memref<1x1x128xi32, #tpu.memory_space<vmem>>
        %dma_start3A_166 = tpu.memref_squeeze %dma_start3A_165 : memref<1x1x128xi32, #tpu.memory_space<vmem>> -> memref<128xi32, #tpu.memory_space<vmem>>
        %dma_start3A_167 = arith.constant 0 : i32
        %dma_start3A_168 = arith.constant 0 : i32
        %dma_start3A_169 = tpu.memref_slice %arg2[%dma_start3A_167, %dma_start3A_168] : memref<10000x128xf32, #tpu.memory_space<hbm>> -> memref<10000x128xf32, #tpu.memory_space<hbm>>
        %dma_start3A_170 = tpu.memref_slice %arg10[%rem3A_158] : memref<2x!tpu.dma_semaphore, #tpu.memory_space<semaphore_mem>> -> memref<1x!tpu.dma_semaphore, #tpu.memory_space<semaphore_mem>>
        %dma_start3A_171 = tpu.memref_squeeze %dma_start3A_170 : memref<1x!tpu.dma_semaphore, #tpu.memory_space<semaphore_mem>> -> memref<!tpu.dma_semaphore, #tpu.memory_space<semaphore_mem>>
        tpu.enqueue_indirect_dma source(%dma_start3A_169 : memref<10000x128xf32, #tpu.memory_space<hbm>>) target(%dma_start3A_163 : memref<128x128xf32, #tpu.memory_space<vmem>>) offsets(%dma_start3A_166 : memref<128xi32, #tpu.memory_space<vmem>>) semaphore(%dma_start3A_171 : memref<!tpu.dma_semaphore, #tpu.memory_space<semaphore_mem>>)
      } else {
      }
      %while3A_114 = arith.constant 0 : i32
      scf.yield %while3A_114 : i32
    }
    %ge3A = arith.constant 1 : i32
    %ge3A_44 = arith.cmpi sge, %add3A_4, %ge3A : i32
    %convert_element_type3A_45 = arith.extui %ge3A_44 : i1 to i32
    %cond3A_46 = arith.constant 0 : i32
    %cond3A_47 = arith.cmpi ne, %convert_element_type3A_45, %cond3A_46 : i32
    scf.if %cond3A_47 {
      %sub3A = arith.constant 1 : i32
      %sub3A_64 = arith.subi %add3A_4, %sub3A : i32
      %add3A_65 = arith.constant 4 : i32
      %add3A_66 = arith.addi %sub3A_64, %add3A_65 : i32
      %rem3A = arith.constant 2 : i32
      %rem3A_67 = arith.remsi %add3A_66, %rem3A : i32
      %dma_wait3A = arith.constant 0 : i32
      %dma_wait3A_68 = arith.constant 1 : i32
      %dma_wait3A_69 = arith.constant 0 : i32
      %dma_wait3A_70 = arith.constant 0 : i32
      %dma_wait3A_71 = tpu.memref_slice %arg7[%rem3A_67, %dma_wait3A_69, %dma_wait3A_70] : memref<2x128x128xf32, #tpu.memory_space<vmem>> -> memref<1x128x128xf32, #tpu.memory_space<vmem>>
      %dma_wait3A_72 = tpu.memref_squeeze %dma_wait3A_71 : memref<1x128x128xf32, #tpu.memory_space<vmem>> -> memref<128x128xf32, #tpu.memory_space<vmem>>
      %dma_wait3A_73 = arith.constant 0 : i32
      %dma_wait3A_74 = tpu.memref_slice %arg6[%dma_wait3A, %dma_wait3A_68, %dma_wait3A_73] : memref<4x2x128xi32, #tpu.memory_space<vmem>> -> memref<1x1x128xi32, #tpu.memory_space<vmem>>
      %dma_wait3A_75 = tpu.memref_squeeze %dma_wait3A_74 : memref<1x1x128xi32, #tpu.memory_space<vmem>> -> memref<128xi32, #tpu.memory_space<vmem>>
      %dma_wait3A_76 = arith.constant 0 : i32
      %dma_wait3A_77 = arith.constant 0 : i32
      %dma_wait3A_78 = tpu.memref_slice %arg8[%dma_wait3A_76, %dma_wait3A_77] : memref<10000x128xf32, #tpu.memory_space<vmem_shared>> -> memref<10000x128xf32, #tpu.memory_space<vmem_shared>>
      %dma_wait3A_79 = tpu.memref_slice %arg11[%rem3A_67] : memref<2x!tpu.dma_semaphore, #tpu.memory_space<semaphore_mem>> -> memref<1x!tpu.dma_semaphore, #tpu.memory_space<semaphore_mem>>
      %dma_wait3A_80 = tpu.memref_squeeze %dma_wait3A_79 : memref<1x!tpu.dma_semaphore, #tpu.memory_space<semaphore_mem>> -> memref<!tpu.dma_semaphore, #tpu.memory_space<semaphore_mem>>
      tpu.wait_indirect_dma semaphore(%dma_wait3A_80 : memref<!tpu.dma_semaphore, #tpu.memory_space<semaphore_mem>>) src(%dma_wait3A_72 : memref<128x128xf32, #tpu.memory_space<vmem>>) dst(%dma_wait3A_78 : memref<10000x128xf32, #tpu.memory_space<vmem_shared>>)
    } else {
    }
    %ge3A_48 = arith.constant 2 : i32
    %ge3A_49 = arith.cmpi sge, %add3A_4, %ge3A_48 : i32
    %convert_element_type3A_50 = arith.extui %ge3A_49 : i1 to i32
    %cond3A_51 = arith.constant 0 : i32
    %cond3A_52 = arith.cmpi ne, %convert_element_type3A_50, %cond3A_51 : i32
    scf.if %cond3A_52 {
      %sub3A = arith.constant 2 : i32
      %sub3A_64 = arith.subi %add3A_4, %sub3A : i32
      %add3A_65 = arith.constant 4 : i32
      %add3A_66 = arith.addi %sub3A_64, %add3A_65 : i32
      %rem3A = arith.constant 2 : i32
      %rem3A_67 = arith.remsi %add3A_66, %rem3A : i32
      %dma_wait3A = arith.constant 0 : i32
      %dma_wait3A_68 = arith.constant 1 : i32
      %dma_wait3A_69 = arith.constant 0 : i32
      %dma_wait3A_70 = arith.constant 0 : i32
      %dma_wait3A_71 = tpu.memref_slice %arg7[%rem3A_67, %dma_wait3A_69, %dma_wait3A_70] : memref<2x128x128xf32, #tpu.memory_space<vmem>> -> memref<1x128x128xf32, #tpu.memory_space<vmem>>
      %dma_wait3A_72 = tpu.memref_squeeze %dma_wait3A_71 : memref<1x128x128xf32, #tpu.memory_space<vmem>> -> memref<128x128xf32, #tpu.memory_space<vmem>>
      %dma_wait3A_73 = arith.constant 0 : i32
      %dma_wait3A_74 = tpu.memref_slice %arg6[%dma_wait3A, %dma_wait3A_68, %dma_wait3A_73] : memref<4x2x128xi32, #tpu.memory_space<vmem>> -> memref<1x1x128xi32, #tpu.memory_space<vmem>>
      %dma_wait3A_75 = tpu.memref_squeeze %dma_wait3A_74 : memref<1x1x128xi32, #tpu.memory_space<vmem>> -> memref<128xi32, #tpu.memory_space<vmem>>
      %dma_wait3A_76 = arith.constant 0 : i32
      %dma_wait3A_77 = arith.constant 0 : i32
      %dma_wait3A_78 = tpu.memref_slice %arg8[%dma_wait3A_76, %dma_wait3A_77] : memref<10000x128xf32, #tpu.memory_space<vmem_shared>> -> memref<10000x128xf32, #tpu.memory_space<vmem_shared>>
      %dma_wait3A_79 = tpu.memref_slice %arg11[%rem3A_67] : memref<2x!tpu.dma_semaphore, #tpu.memory_space<semaphore_mem>> -> memref<1x!tpu.dma_semaphore, #tpu.memory_space<semaphore_mem>>
      %dma_wait3A_80 = tpu.memref_squeeze %dma_wait3A_79 : memref<1x!tpu.dma_semaphore, #tpu.memory_space<semaphore_mem>> -> memref<!tpu.dma_semaphore, #tpu.memory_space<semaphore_mem>>
      tpu.wait_indirect_dma semaphore(%dma_wait3A_80 : memref<!tpu.dma_semaphore, #tpu.memory_space<semaphore_mem>>) src(%dma_wait3A_72 : memref<128x128xf32, #tpu.memory_space<vmem>>) dst(%dma_wait3A_78 : memref<10000x128xf32, #tpu.memory_space<vmem_shared>>)
    } else {
    }
    %barrier3A_53 = arith.constant 0 : index
    tpu.barrier barrier_id(%barrier3A_53)
    %lt3A_54 = arith.constant 15 : i32
    %lt3A_55 = arith.cmpi slt, %arg1, %lt3A_54 : i32
    %convert_element_type3A_56 = arith.extui %lt3A_55 : i1 to i32
    %cond3A_57 = arith.constant 0 : i32
    %cond3A_58 = arith.cmpi ne, %convert_element_type3A_56, %cond3A_57 : i32
    scf.if %cond3A_58 {
      "tpu.region"() ({
        %run_scoped3A = tpu.sem_alloc : memref<!tpu.dma_semaphore, #tpu.memory_space<semaphore_mem>>
        %dma_start3A = arith.constant 0 : i32
        %dma_start3A_64 = tpu.memref_slice %arg5[%arg0, %mul3A_10, %dma_start3A] : memref<2x10000x128xf32, #tpu.memory_space<hbm>> -> memref<1x632x128xf32, #tpu.memory_space<hbm>>
        %dma_start3A_65 = tpu.memref_squeeze %dma_start3A_64 : memref<1x632x128xf32, #tpu.memory_space<hbm>> -> memref<632x128xf32, #tpu.memory_space<hbm>>
        %dma_start3A_66 = arith.constant 0 : i32
        %dma_start3A_67 = tpu.memref_slice %arg8[%mul3A_10, %dma_start3A_66] : memref<10000x128xf32, #tpu.memory_space<vmem_shared>> -> memref<632x128xf32, #tpu.memory_space<vmem_shared>>
        tpu.enqueue_dma source(%dma_start3A_67 : memref<632x128xf32, #tpu.memory_space<vmem_shared>>) target(%dma_start3A_65 : memref<632x128xf32, #tpu.memory_space<hbm>>) target_semaphore(%run_scoped3A : memref<!tpu.dma_semaphore, #tpu.memory_space<semaphore_mem>>)
        %dma_wait3A = arith.constant 0 : i32
        %dma_wait3A_68 = tpu.memref_slice %arg5[%arg0, %mul3A_10, %dma_wait3A] : memref<2x10000x128xf32, #tpu.memory_space<hbm>> -> memref<1x632x128xf32, #tpu.memory_space<hbm>>
        %dma_wait3A_69 = tpu.memref_squeeze %dma_wait3A_68 : memref<1x632x128xf32, #tpu.memory_space<hbm>> -> memref<632x128xf32, #tpu.memory_space<hbm>>
        %dma_wait3A_70 = arith.constant 0 : i32
        %dma_wait3A_71 = tpu.memref_slice %arg8[%mul3A_10, %dma_wait3A_70] : memref<10000x128xf32, #tpu.memory_space<vmem_shared>> -> memref<632x128xf32, #tpu.memory_space<vmem_shared>>
        tpu.wait_dma2 semaphore(%run_scoped3A : memref<!tpu.dma_semaphore, #tpu.memory_space<semaphore_mem>>) src(%dma_wait3A_71 : memref<632x128xf32, #tpu.memory_space<vmem_shared>>) dst(%dma_wait3A_69 : memref<632x128xf32, #tpu.memory_space<hbm>>)
        tpu.yield
      }) : () -> ()
    } else {
    }
    %eq3A_59 = arith.constant 15 : i32
    %eq3A_60 = arith.cmpi eq, %arg1, %eq3A_59 : i32
    %convert_element_type3A_61 = arith.extui %eq3A_60 : i1 to i32
    %cond3A_62 = arith.constant 0 : i32
    %cond3A_63 = arith.cmpi ne, %convert_element_type3A_61, %cond3A_62 : i32
    scf.if %cond3A_63 {
      "tpu.region"() ({
        %run_scoped3A = tpu.sem_alloc : memref<!tpu.dma_semaphore, #tpu.memory_space<semaphore_mem>>
        %dma_start3A = arith.constant 0 : i32
        %dma_start3A_64 = tpu.memref_slice %arg5[%arg0, %mul3A_10, %dma_start3A] : memref<2x10000x128xf32, #tpu.memory_space<hbm>> -> memref<1x520x128xf32, #tpu.memory_space<hbm>>
        %dma_start3A_65 = tpu.memref_squeeze %dma_start3A_64 : memref<1x520x128xf32, #tpu.memory_space<hbm>> -> memref<520x128xf32, #tpu.memory_space<hbm>>
        %dma_start3A_66 = arith.constant 0 : i32
        %dma_start3A_67 = tpu.memref_slice %arg8[%mul3A_10, %dma_start3A_66] : memref<10000x128xf32, #tpu.memory_space<vmem_shared>> -> memref<520x128xf32, #tpu.memory_space<vmem_shared>>
        tpu.enqueue_dma source(%dma_start3A_67 : memref<520x128xf32, #tpu.memory_space<vmem_shared>>) target(%dma_start3A_65 : memref<520x128xf32, #tpu.memory_space<hbm>>) target_semaphore(%run_scoped3A : memref<!tpu.dma_semaphore, #tpu.memory_space<semaphore_mem>>)
        %dma_wait3A = arith.constant 0 : i32
        %dma_wait3A_68 = tpu.memref_slice %arg5[%arg0, %mul3A_10, %dma_wait3A] : memref<2x10000x128xf32, #tpu.memory_space<hbm>> -> memref<1x520x128xf32, #tpu.memory_space<hbm>>
        %dma_wait3A_69 = tpu.memref_squeeze %dma_wait3A_68 : memref<1x520x128xf32, #tpu.memory_space<hbm>> -> memref<520x128xf32, #tpu.memory_space<hbm>>
        %dma_wait3A_70 = arith.constant 0 : i32
        %dma_wait3A_71 = tpu.memref_slice %arg8[%mul3A_10, %dma_wait3A_70] : memref<10000x128xf32, #tpu.memory_space<vmem_shared>> -> memref<520x128xf32, #tpu.memory_space<vmem_shared>>
        tpu.wait_dma2 semaphore(%run_scoped3A : memref<!tpu.dma_semaphore, #tpu.memory_space<semaphore_mem>>) src(%dma_wait3A_71 : memref<520x128xf32, #tpu.memory_space<vmem_shared>>) dst(%dma_wait3A_69 : memref<520x128xf32, #tpu.memory_space<hbm>>)
        tpu.yield
      }) : () -> ()
    } else {
    }
    return
  }
}

module attributes {stable_mosaic.version = 14 : i64} {
  func.func @body(%arg0: i32, %arg1: memref<1024x128xf32, #tpu.memory_space<vmem>>, %arg2: memref<2x1024x128xf32, #tpu.memory_space<vmem>>, %arg3: memref<32x1024xf32, #tpu.memory_space<vmem>>, %arg4: memref<128x64xf32, #tpu.memory_space<vmem>>, %arg5: memref<128x64xf32, #tpu.memory_space<vmem>>, %arg6: memref<1x64xf32, #tpu.memory_space<vmem>>, %arg7: memref<1024x64xf32, #tpu.memory_space<vmem>>) attributes {dimension_semantics = [#tpu.dimension_semantics<arbitrary>], iteration_bounds = array<i64: 2>, scalar_prefetch = 0 : i64, scratch_operands = 0 : i64, tpu.core_type = #tpu.core_type<tc>, window_params = [{transform_indices = @transform_0, window_bounds = array<i64: 1024, 128>}, {transform_indices = @transform_1, window_bounds = array<i64: 2, 1024, 128>}, {transform_indices = @transform_2, window_bounds = array<i64: 32, 1024>}, {pipeline_mode = #tpu.pipeline_mode<synchronous>, transform_indices = @transform_3, window_bounds = array<i64: 128, 64>}, {pipeline_mode = #tpu.pipeline_mode<synchronous>, transform_indices = @transform_4, window_bounds = array<i64: 128, 64>}, {pipeline_mode = #tpu.pipeline_mode<synchronous>, transform_indices = @transform_5, window_bounds = array<i64: 1, 64>}, {transform_indices = @transform_6, window_bounds = array<i64: 1024, 64>}]} {
    %get3A = arith.constant 0 : index
    %get3A_0 = arith.constant 0 : index
    %get3A_1 = arith.constant 0 : index
    %get3A_2 = vector.load %arg2[%get3A, %get3A_0, %get3A_1] : memref<2x1024x128xf32, #tpu.memory_space<vmem>>, vector<1x1024x128xf32>
    %get3A_3 = vector.shape_cast %get3A_2 : vector<1x1024x128xf32> to vector<1024x128xf32>
    %get3A_4 = arith.constant 1 : index
    %get3A_5 = arith.constant 0 : index
    %get3A_6 = arith.constant 0 : index
    %get3A_7 = vector.load %arg2[%get3A_4, %get3A_5, %get3A_6] : memref<2x1024x128xf32, #tpu.memory_space<vmem>>, vector<1x1024x128xf32>
    %get3A_8 = vector.shape_cast %get3A_7 : vector<1x1024x128xf32> to vector<1024x128xf32>
    %add3A = arith.addf %get3A_3, %get3A_8 : vector<1024x128xf32>
    %get3A_9 = arith.constant 0 : index
    %get3A_10 = arith.constant 0 : index
    %get3A_11 = vector.load %arg3[%get3A_9, %get3A_10] : memref<32x1024xf32, #tpu.memory_space<vmem>>, vector<32x1024xf32>
    %reduce_sum3A = arith.constant dense<0.000000e+00> : vector<1024xf32>
    %reduce_sum3A_12 = vector.multi_reduction <add>, %get3A_11, %reduce_sum3A [0] : vector<32x1024xf32> to vector<1024xf32>
    %broadcast_in_dim3A = vector.shape_cast %reduce_sum3A_12 : vector<1024xf32> to vector<1024x1xf32>
    %max3A = arith.constant 1.000000e+00 : f32
    %max3A_13 = vector.broadcast %max3A : f32 to vector<1024x1xf32>
    %max3A_14 = arith.maximumf %broadcast_in_dim3A, %max3A_13 : vector<1024x1xf32>
    %div3A = vector.broadcast %max3A_14 : vector<1024x1xf32> to vector<1024x128xf32>
    %div3A_15 = arith.divf %add3A, %div3A : vector<1024x128xf32>
    %get3A_16 = arith.constant 0 : index
    %get3A_17 = arith.constant 0 : index
    %get3A_18 = vector.load %arg1[%get3A_16, %get3A_17] : memref<1024x128xf32, #tpu.memory_space<vmem>>, vector<1024x128xf32>
    %get3A_19 = arith.constant 0 : index
    %get3A_20 = arith.constant 0 : index
    %get3A_21 = vector.load %arg4[%get3A_19, %get3A_20] : memref<128x64xf32, #tpu.memory_space<vmem>>, vector<128x64xf32>
    %dot_general3A = arith.constant dense<0.000000e+00> : vector<1024x64xf32>
    %dot_general3A_22 = tpu.matmul %get3A_18, %get3A_21, %dot_general3A {dimension_numbers = #tpu.dot_dimension_numbers<[1], [0], [0], [1], [0, 0, 1, 1], [], []>, transpose_lhs_hint = false} : vector<1024x128xf32>, vector<128x64xf32>, vector<1024x64xf32> -> vector<1024x64xf32>
    %get3A_23 = arith.constant 0 : index
    %get3A_24 = arith.constant 0 : index
    %get3A_25 = vector.load %arg5[%get3A_23, %get3A_24] : memref<128x64xf32, #tpu.memory_space<vmem>>, vector<128x64xf32>
    %dot_general3A_26 = arith.constant dense<0.000000e+00> : vector<1024x64xf32>
    %dot_general3A_27 = tpu.matmul %div3A_15, %get3A_25, %dot_general3A_26 {dimension_numbers = #tpu.dot_dimension_numbers<[1], [0], [0], [1], [0, 0, 1, 1], [], []>, transpose_lhs_hint = false} : vector<1024x128xf32>, vector<128x64xf32>, vector<1024x64xf32> -> vector<1024x64xf32>
    %add3A_28 = arith.addf %dot_general3A_22, %dot_general3A_27 : vector<1024x64xf32>
    %get3A_29 = arith.constant 0 : index
    %get3A_30 = arith.constant 0 : index
    %get3A_31 = vector.load %arg6[%get3A_29, %get3A_30] : memref<1x64xf32, #tpu.memory_space<vmem>>, vector<1x64xf32>
    %add3A_32 = vector.broadcast %get3A_31 : vector<1x64xf32> to vector<1024x64xf32>
    %add3A_33 = arith.addf %add3A_28, %add3A_32 : vector<1024x64xf32>
    %max3A_34 = arith.constant 0.000000e+00 : f32
    %max3A_35 = vector.broadcast %max3A_34 : f32 to vector<1024x64xf32>
    %max3A_36 = arith.maximumf %add3A_33, %max3A_35 : vector<1024x64xf32>
    %swap3A = arith.constant 0 : index
    %swap3A_37 = arith.constant 0 : index
    %swap3A_38 = vector.load %arg7[%swap3A, %swap3A_37] : memref<1024x64xf32, #tpu.memory_space<vmem>>, vector<1024x64xf32>
    tpu.vector_store %arg7[%swap3A, %swap3A_37], %max3A_36 {strides = array<i32>} : memref<1024x64xf32, #tpu.memory_space<vmem>>, vector<1024x64xf32>,
    return
  }
  func.func @transform_0(%arg0: i32) -> (i32, i32) {
    %c0_i32 = arith.constant 0 : i32
    %c0_i32_0 = arith.constant 0 : i32
    return %arg0, %c0_i32 : i32, i32
  }
  func.func @transform_1(%arg0: i32) -> (i32, i32, i32) {
    %c0_i32 = arith.constant 0 : i32
    %c0_i32_0 = arith.constant 0 : i32
    %c0_i32_1 = arith.constant 0 : i32
    return %c0_i32, %arg0, %c0_i32_0 : i32, i32, i32
  }
  func.func @transform_2(%arg0: i32) -> (i32, i32) {
    %c0_i32 = arith.constant 0 : i32
    %c0_i32_0 = arith.constant 0 : i32
    return %c0_i32, %arg0 : i32, i32
  }
  func.func @transform_3(%arg0: i32) -> (i32, i32) {
    %c0_i32 = arith.constant 0 : i32
    %c0_i32_0 = arith.constant 0 : i32
    %c0_i32_1 = arith.constant 0 : i32
    return %c0_i32, %c0_i32_0 : i32, i32
  }
  func.func @transform_4(%arg0: i32) -> (i32, i32) {
    %c0_i32 = arith.constant 0 : i32
    %c0_i32_0 = arith.constant 0 : i32
    %c0_i32_1 = arith.constant 0 : i32
    return %c0_i32, %c0_i32_0 : i32, i32
  }
  func.func @transform_5(%arg0: i32) -> (i32, i32) {
    %c0_i32 = arith.constant 0 : i32
    %c0_i32_0 = arith.constant 0 : i32
    %c0_i32_1 = arith.constant 0 : i32
    return %c0_i32, %c0_i32_0 : i32, i32
  }
  func.func @transform_6(%arg0: i32) -> (i32, i32) {
    %c0_i32 = arith.constant 0 : i32
    %c0_i32_0 = arith.constant 0 : i32
    return %arg0, %c0_i32 : i32, i32
  }
}

module attributes {stable_mosaic.version = 14 : i64} {
  func.func @body(%arg0: i32, %arg1: memref<1024x128xf32, #tpu.memory_space<vmem>>, %arg2: memref<2x1024x128xf32, #tpu.memory_space<vmem>>, %arg3: memref<32x1024xf32, #tpu.memory_space<vmem>>, %arg4: memref<128x128xf32, #tpu.memory_space<vmem>>, %arg5: memref<128x128xf32, #tpu.memory_space<vmem>>, %arg6: memref<1x128xf32, #tpu.memory_space<vmem>>, %arg7: memref<1024x128xf32, #tpu.memory_space<vmem>>) attributes {dimension_semantics = [#tpu.dimension_semantics<arbitrary>], iteration_bounds = array<i64: 10>, scalar_prefetch = 0 : i64, scratch_operands = 0 : i64, tpu.core_type = #tpu.core_type<tc>, window_params = [{transform_indices = @transform_0, window_bounds = array<i64: 1024, 128>}, {transform_indices = @transform_1, window_bounds = array<i64: 2, 1024, 128>}, {transform_indices = @transform_2, window_bounds = array<i64: 32, 1024>}, {pipeline_mode = #tpu.pipeline_mode<synchronous>, transform_indices = @transform_3, window_bounds = array<i64: 128, 128>}, {pipeline_mode = #tpu.pipeline_mode<synchronous>, transform_indices = @transform_4, window_bounds = array<i64: 128, 128>}, {pipeline_mode = #tpu.pipeline_mode<synchronous>, transform_indices = @transform_5, window_bounds = array<i64: 1, 128>}, {transform_indices = @transform_6, window_bounds = array<i64: 1024, 128>}]} {
    %get3A = arith.constant 0 : index
    %get3A_0 = arith.constant 0 : index
    %get3A_1 = arith.constant 0 : index
    %get3A_2 = vector.load %arg2[%get3A, %get3A_0, %get3A_1] : memref<2x1024x128xf32, #tpu.memory_space<vmem>>, vector<1x1024x128xf32>
    %get3A_3 = vector.shape_cast %get3A_2 : vector<1x1024x128xf32> to vector<1024x128xf32>
    %get3A_4 = arith.constant 1 : index
    %get3A_5 = arith.constant 0 : index
    %get3A_6 = arith.constant 0 : index
    %get3A_7 = vector.load %arg2[%get3A_4, %get3A_5, %get3A_6] : memref<2x1024x128xf32, #tpu.memory_space<vmem>>, vector<1x1024x128xf32>
    %get3A_8 = vector.shape_cast %get3A_7 : vector<1x1024x128xf32> to vector<1024x128xf32>
    %add3A = arith.addf %get3A_3, %get3A_8 : vector<1024x128xf32>
    %get3A_9 = arith.constant 0 : index
    %get3A_10 = arith.constant 0 : index
    %get3A_11 = vector.load %arg3[%get3A_9, %get3A_10] : memref<32x1024xf32, #tpu.memory_space<vmem>>, vector<32x1024xf32>
    %reduce_sum3A = arith.constant dense<0.000000e+00> : vector<1024xf32>
    %reduce_sum3A_12 = vector.multi_reduction <add>, %get3A_11, %reduce_sum3A [0] : vector<32x1024xf32> to vector<1024xf32>
    %broadcast_in_dim3A = vector.shape_cast %reduce_sum3A_12 : vector<1024xf32> to vector<1024x1xf32>
    %max3A = arith.constant 1.000000e+00 : f32
    %max3A_13 = vector.broadcast %max3A : f32 to vector<1024x1xf32>
    %max3A_14 = arith.maximumf %broadcast_in_dim3A, %max3A_13 : vector<1024x1xf32>
    %div3A = vector.broadcast %max3A_14 : vector<1024x1xf32> to vector<1024x128xf32>
    %div3A_15 = arith.divf %add3A, %div3A : vector<1024x128xf32>
    %get3A_16 = arith.constant 0 : index
    %get3A_17 = arith.constant 0 : index
    %get3A_18 = vector.load %arg1[%get3A_16, %get3A_17] : memref<1024x128xf32, #tpu.memory_space<vmem>>, vector<1024x128xf32>
    %get3A_19 = arith.constant 0 : index
    %get3A_20 = arith.constant 0 : index
    %get3A_21 = vector.load %arg4[%get3A_19, %get3A_20] : memref<128x128xf32, #tpu.memory_space<vmem>>, vector<128x128xf32>
    %dot_general3A = arith.constant dense<0.000000e+00> : vector<1024x128xf32>
    %dot_general3A_22 = tpu.matmul %get3A_18, %get3A_21, %dot_general3A {dimension_numbers = #tpu.dot_dimension_numbers<[1], [0], [0], [1], [0, 0, 1, 1], [], []>, transpose_lhs_hint = false} : vector<1024x128xf32>, vector<128x128xf32>, vector<1024x128xf32> -> vector<1024x128xf32>
    %get3A_23 = arith.constant 0 : index
    %get3A_24 = arith.constant 0 : index
    %get3A_25 = vector.load %arg5[%get3A_23, %get3A_24] : memref<128x128xf32, #tpu.memory_space<vmem>>, vector<128x128xf32>
    %dot_general3A_26 = arith.constant dense<0.000000e+00> : vector<1024x128xf32>
    %dot_general3A_27 = tpu.matmul %div3A_15, %get3A_25, %dot_general3A_26 {dimension_numbers = #tpu.dot_dimension_numbers<[1], [0], [0], [1], [0, 0, 1, 1], [], []>, transpose_lhs_hint = false} : vector<1024x128xf32>, vector<128x128xf32>, vector<1024x128xf32> -> vector<1024x128xf32>
    %add3A_28 = arith.addf %dot_general3A_22, %dot_general3A_27 : vector<1024x128xf32>
    %get3A_29 = arith.constant 0 : index
    %get3A_30 = arith.constant 0 : index
    %get3A_31 = vector.load %arg6[%get3A_29, %get3A_30] : memref<1x128xf32, #tpu.memory_space<vmem>>, vector<1x128xf32>
    %add3A_32 = vector.broadcast %get3A_31 : vector<1x128xf32> to vector<1024x128xf32>
    %add3A_33 = arith.addf %add3A_28, %add3A_32 : vector<1024x128xf32>
    %max3A_34 = arith.constant 0.000000e+00 : f32
    %max3A_35 = vector.broadcast %max3A_34 : f32 to vector<1024x128xf32>
    %max3A_36 = arith.maximumf %add3A_33, %max3A_35 : vector<1024x128xf32>
    %get3A_37 = arith.constant 0 : index
    %get3A_38 = arith.constant 0 : index
    %get3A_39 = vector.load %arg1[%get3A_37, %get3A_38] : memref<1024x128xf32, #tpu.memory_space<vmem>>, vector<1024x128xf32>
    %add3A_40 = arith.addf %max3A_36, %get3A_39 : vector<1024x128xf32>
    %swap3A = arith.constant 0 : index
    %swap3A_41 = arith.constant 0 : index
    %swap3A_42 = vector.load %arg7[%swap3A, %swap3A_41] : memref<1024x128xf32, #tpu.memory_space<vmem>>, vector<1024x128xf32>
    tpu.vector_store %arg7[%swap3A, %swap3A_41], %add3A_40 {strides = array<i32>} : memref<1024x128xf32, #tpu.memory_space<vmem>>, vector<1024x128xf32>,
    return
  }
  func.func @transform_0(%arg0: i32) -> (i32, i32) {
    %c0_i32 = arith.constant 0 : i32
    %c0_i32_0 = arith.constant 0 : i32
    return %arg0, %c0_i32 : i32, i32
  }
  func.func @transform_1(%arg0: i32) -> (i32, i32, i32) {
    %c0_i32 = arith.constant 0 : i32
    %c0_i32_0 = arith.constant 0 : i32
    %c0_i32_1 = arith.constant 0 : i32
    return %c0_i32, %arg0, %c0_i32_0 : i32, i32, i32
  }
  func.func @transform_2(%arg0: i32) -> (i32, i32) {
    %c0_i32 = arith.constant 0 : i32
    %c0_i32_0 = arith.constant 0 : i32
    return %c0_i32, %arg0 : i32, i32
  }
  func.func @transform_3(%arg0: i32) -> (i32, i32) {
    %c0_i32 = arith.constant 0 : i32
    %c0_i32_0 = arith.constant 0 : i32
    %c0_i32_1 = arith.constant 0 : i32
    return %c0_i32, %c0_i32_0 : i32, i32
  }
  func.func @transform_4(%arg0: i32) -> (i32, i32) {
    %c0_i32 = arith.constant 0 : i32
    %c0_i32_0 = arith.constant 0 : i32
    %c0_i32_1 = arith.constant 0 : i32
    return %c0_i32, %c0_i32_0 : i32, i32
  }
  func.func @transform_5(%arg0: i32) -> (i32, i32) {
    %c0_i32 = arith.constant 0 : i32
    %c0_i32_0 = arith.constant 0 : i32
    %c0_i32_1 = arith.constant 0 : i32
    return %c0_i32, %c0_i32_0 : i32, i32
  }
  func.func @transform_6(%arg0: i32) -> (i32, i32) {
    %c0_i32 = arith.constant 0 : i32
    %c0_i32_0 = arith.constant 0 : i32
    return %arg0, %c0_i32 : i32, i32
  }
}

module attributes {stable_mosaic.version = 14 : i64} {
  func.func @body(%arg0: i32, %arg1: memref<1024x64xf32, #tpu.memory_space<vmem>>, %arg2: memref<2x1024x64xf32, #tpu.memory_space<vmem>>, %arg3: memref<32x1024xf32, #tpu.memory_space<vmem>>, %arg4: memref<64x32xf32, #tpu.memory_space<vmem>>, %arg5: memref<64x32xf32, #tpu.memory_space<vmem>>, %arg6: memref<1x32xf32, #tpu.memory_space<vmem>>, %arg7: memref<1024x32xf32, #tpu.memory_space<vmem>>) attributes {dimension_semantics = [#tpu.dimension_semantics<arbitrary>], iteration_bounds = array<i64: 2>, scalar_prefetch = 0 : i64, scratch_operands = 0 : i64, tpu.core_type = #tpu.core_type<tc>, window_params = [{transform_indices = @transform_0, window_bounds = array<i64: 1024, 64>}, {transform_indices = @transform_1, window_bounds = array<i64: 2, 1024, 64>}, {transform_indices = @transform_2, window_bounds = array<i64: 32, 1024>}, {pipeline_mode = #tpu.pipeline_mode<synchronous>, transform_indices = @transform_3, window_bounds = array<i64: 64, 32>}, {pipeline_mode = #tpu.pipeline_mode<synchronous>, transform_indices = @transform_4, window_bounds = array<i64: 64, 32>}, {pipeline_mode = #tpu.pipeline_mode<synchronous>, transform_indices = @transform_5, window_bounds = array<i64: 1, 32>}, {transform_indices = @transform_6, window_bounds = array<i64: 1024, 32>}]} {
    %get3A = arith.constant 0 : index
    %get3A_0 = arith.constant 0 : index
    %get3A_1 = arith.constant 0 : index
    %get3A_2 = vector.load %arg2[%get3A, %get3A_0, %get3A_1] : memref<2x1024x64xf32, #tpu.memory_space<vmem>>, vector<1x1024x64xf32>
    %get3A_3 = vector.shape_cast %get3A_2 : vector<1x1024x64xf32> to vector<1024x64xf32>
    %get3A_4 = arith.constant 1 : index
    %get3A_5 = arith.constant 0 : index
    %get3A_6 = arith.constant 0 : index
    %get3A_7 = vector.load %arg2[%get3A_4, %get3A_5, %get3A_6] : memref<2x1024x64xf32, #tpu.memory_space<vmem>>, vector<1x1024x64xf32>
    %get3A_8 = vector.shape_cast %get3A_7 : vector<1x1024x64xf32> to vector<1024x64xf32>
    %add3A = arith.addf %get3A_3, %get3A_8 : vector<1024x64xf32>
    %get3A_9 = arith.constant 0 : index
    %get3A_10 = arith.constant 0 : index
    %get3A_11 = vector.load %arg3[%get3A_9, %get3A_10] : memref<32x1024xf32, #tpu.memory_space<vmem>>, vector<32x1024xf32>
    %reduce_sum3A = arith.constant dense<0.000000e+00> : vector<1024xf32>
    %reduce_sum3A_12 = vector.multi_reduction <add>, %get3A_11, %reduce_sum3A [0] : vector<32x1024xf32> to vector<1024xf32>
    %broadcast_in_dim3A = vector.shape_cast %reduce_sum3A_12 : vector<1024xf32> to vector<1024x1xf32>
    %max3A = arith.constant 1.000000e+00 : f32
    %max3A_13 = vector.broadcast %max3A : f32 to vector<1024x1xf32>
    %max3A_14 = arith.maximumf %broadcast_in_dim3A, %max3A_13 : vector<1024x1xf32>
    %div3A = vector.broadcast %max3A_14 : vector<1024x1xf32> to vector<1024x64xf32>
    %div3A_15 = arith.divf %add3A, %div3A : vector<1024x64xf32>
    %get3A_16 = arith.constant 0 : index
    %get3A_17 = arith.constant 0 : index
    %get3A_18 = vector.load %arg1[%get3A_16, %get3A_17] : memref<1024x64xf32, #tpu.memory_space<vmem>>, vector<1024x64xf32>
    %get3A_19 = arith.constant 0 : index
    %get3A_20 = arith.constant 0 : index
    %get3A_21 = vector.load %arg4[%get3A_19, %get3A_20] : memref<64x32xf32, #tpu.memory_space<vmem>>, vector<64x32xf32>
    %dot_general3A = arith.constant dense<0.000000e+00> : vector<1024x32xf32>
    %dot_general3A_22 = tpu.matmul %get3A_18, %get3A_21, %dot_general3A {dimension_numbers = #tpu.dot_dimension_numbers<[1], [0], [0], [1], [0, 0, 1, 1], [], []>, transpose_lhs_hint = false} : vector<1024x64xf32>, vector<64x32xf32>, vector<1024x32xf32> -> vector<1024x32xf32>
    %get3A_23 = arith.constant 0 : index
    %get3A_24 = arith.constant 0 : index
    %get3A_25 = vector.load %arg5[%get3A_23, %get3A_24] : memref<64x32xf32, #tpu.memory_space<vmem>>, vector<64x32xf32>
    %dot_general3A_26 = arith.constant dense<0.000000e+00> : vector<1024x32xf32>
    %dot_general3A_27 = tpu.matmul %div3A_15, %get3A_25, %dot_general3A_26 {dimension_numbers = #tpu.dot_dimension_numbers<[1], [0], [0], [1], [0, 0, 1, 1], [], []>, transpose_lhs_hint = false} : vector<1024x64xf32>, vector<64x32xf32>, vector<1024x32xf32> -> vector<1024x32xf32>
    %add3A_28 = arith.addf %dot_general3A_22, %dot_general3A_27 : vector<1024x32xf32>
    %get3A_29 = arith.constant 0 : index
    %get3A_30 = arith.constant 0 : index
    %get3A_31 = vector.load %arg6[%get3A_29, %get3A_30] : memref<1x32xf32, #tpu.memory_space<vmem>>, vector<1x32xf32>
    %add3A_32 = vector.broadcast %get3A_31 : vector<1x32xf32> to vector<1024x32xf32>
    %add3A_33 = arith.addf %add3A_28, %add3A_32 : vector<1024x32xf32>
    %max3A_34 = arith.constant 0.000000e+00 : f32
    %max3A_35 = vector.broadcast %max3A_34 : f32 to vector<1024x32xf32>
    %max3A_36 = arith.maximumf %add3A_33, %max3A_35 : vector<1024x32xf32>
    %swap3A = arith.constant 0 : index
    %swap3A_37 = arith.constant 0 : index
    %swap3A_38 = vector.load %arg7[%swap3A, %swap3A_37] : memref<1024x32xf32, #tpu.memory_space<vmem>>, vector<1024x32xf32>
    tpu.vector_store %arg7[%swap3A, %swap3A_37], %max3A_36 {strides = array<i32>} : memref<1024x32xf32, #tpu.memory_space<vmem>>, vector<1024x32xf32>,
    return
  }
  func.func @transform_0(%arg0: i32) -> (i32, i32) {
    %c0_i32 = arith.constant 0 : i32
    %c0_i32_0 = arith.constant 0 : i32
    return %arg0, %c0_i32 : i32, i32
  }
  func.func @transform_1(%arg0: i32) -> (i32, i32, i32) {
    %c0_i32 = arith.constant 0 : i32
    %c0_i32_0 = arith.constant 0 : i32
    %c0_i32_1 = arith.constant 0 : i32
    return %c0_i32, %arg0, %c0_i32_0 : i32, i32, i32
  }
  func.func @transform_2(%arg0: i32) -> (i32, i32) {
    %c0_i32 = arith.constant 0 : i32
    %c0_i32_0 = arith.constant 0 : i32
    return %c0_i32, %arg0 : i32, i32
  }
  func.func @transform_3(%arg0: i32) -> (i32, i32) {
    %c0_i32 = arith.constant 0 : i32
    %c0_i32_0 = arith.constant 0 : i32
    %c0_i32_1 = arith.constant 0 : i32
    return %c0_i32, %c0_i32_0 : i32, i32
  }
  func.func @transform_4(%arg0: i32) -> (i32, i32) {
    %c0_i32 = arith.constant 0 : i32
    %c0_i32_0 = arith.constant 0 : i32
    %c0_i32_1 = arith.constant 0 : i32
    return %c0_i32, %c0_i32_0 : i32, i32
  }
  func.func @transform_5(%arg0: i32) -> (i32, i32) {
    %c0_i32 = arith.constant 0 : i32
    %c0_i32_0 = arith.constant 0 : i32
    %c0_i32_1 = arith.constant 0 : i32
    return %c0_i32, %c0_i32_0 : i32, i32
  }
  func.func @transform_6(%arg0: i32) -> (i32, i32) {
    %c0_i32 = arith.constant 0 : i32
    %c0_i32_0 = arith.constant 0 : i32
    return %arg0, %c0_i32 : i32, i32
  }
}

module attributes {stable_mosaic.version = 14 : i64} {
  func.func @body(%arg0: i32, %arg1: memref<1024x128xf32, #tpu.memory_space<vmem>>, %arg2: memref<2x1024x128xf32, #tpu.memory_space<vmem>>, %arg3: memref<32x1024xf32, #tpu.memory_space<vmem>>, %arg4: memref<128x64xf32, #tpu.memory_space<vmem>>, %arg5: memref<128x64xf32, #tpu.memory_space<vmem>>, %arg6: memref<1x64xf32, #tpu.memory_space<vmem>>, %arg7: memref<1024x64xf32, #tpu.memory_space<vmem>>) attributes {dimension_semantics = [#tpu.dimension_semantics<arbitrary>], iteration_bounds = array<i64: 10>, scalar_prefetch = 0 : i64, scratch_operands = 0 : i64, tpu.core_type = #tpu.core_type<tc>, window_params = [{transform_indices = @transform_0, window_bounds = array<i64: 1024, 128>}, {transform_indices = @transform_1, window_bounds = array<i64: 2, 1024, 128>}, {transform_indices = @transform_2, window_bounds = array<i64: 32, 1024>}, {pipeline_mode = #tpu.pipeline_mode<synchronous>, transform_indices = @transform_3, window_bounds = array<i64: 128, 64>}, {pipeline_mode = #tpu.pipeline_mode<synchronous>, transform_indices = @transform_4, window_bounds = array<i64: 128, 64>}, {pipeline_mode = #tpu.pipeline_mode<synchronous>, transform_indices = @transform_5, window_bounds = array<i64: 1, 64>}, {transform_indices = @transform_6, window_bounds = array<i64: 1024, 64>}]} {
    %get3A = arith.constant 0 : index
    %get3A_0 = arith.constant 0 : index
    %get3A_1 = arith.constant 0 : index
    %get3A_2 = vector.load %arg2[%get3A, %get3A_0, %get3A_1] : memref<2x1024x128xf32, #tpu.memory_space<vmem>>, vector<1x1024x128xf32>
    %get3A_3 = vector.shape_cast %get3A_2 : vector<1x1024x128xf32> to vector<1024x128xf32>
    %get3A_4 = arith.constant 1 : index
    %get3A_5 = arith.constant 0 : index
    %get3A_6 = arith.constant 0 : index
    %get3A_7 = vector.load %arg2[%get3A_4, %get3A_5, %get3A_6] : memref<2x1024x128xf32, #tpu.memory_space<vmem>>, vector<1x1024x128xf32>
    %get3A_8 = vector.shape_cast %get3A_7 : vector<1x1024x128xf32> to vector<1024x128xf32>
    %add3A = arith.addf %get3A_3, %get3A_8 : vector<1024x128xf32>
    %get3A_9 = arith.constant 0 : index
    %get3A_10 = arith.constant 0 : index
    %get3A_11 = vector.load %arg3[%get3A_9, %get3A_10] : memref<32x1024xf32, #tpu.memory_space<vmem>>, vector<32x1024xf32>
    %reduce_sum3A = arith.constant dense<0.000000e+00> : vector<1024xf32>
    %reduce_sum3A_12 = vector.multi_reduction <add>, %get3A_11, %reduce_sum3A [0] : vector<32x1024xf32> to vector<1024xf32>
    %broadcast_in_dim3A = vector.shape_cast %reduce_sum3A_12 : vector<1024xf32> to vector<1024x1xf32>
    %max3A = arith.constant 1.000000e+00 : f32
    %max3A_13 = vector.broadcast %max3A : f32 to vector<1024x1xf32>
    %max3A_14 = arith.maximumf %broadcast_in_dim3A, %max3A_13 : vector<1024x1xf32>
    %div3A = vector.broadcast %max3A_14 : vector<1024x1xf32> to vector<1024x128xf32>
    %div3A_15 = arith.divf %add3A, %div3A : vector<1024x128xf32>
    %get3A_16 = arith.constant 0 : index
    %get3A_17 = arith.constant 0 : index
    %get3A_18 = vector.load %arg1[%get3A_16, %get3A_17] : memref<1024x128xf32, #tpu.memory_space<vmem>>, vector<1024x128xf32>
    %get3A_19 = arith.constant 0 : index
    %get3A_20 = arith.constant 0 : index
    %get3A_21 = vector.load %arg4[%get3A_19, %get3A_20] : memref<128x64xf32, #tpu.memory_space<vmem>>, vector<128x64xf32>
    %dot_general3A = arith.constant dense<0.000000e+00> : vector<1024x64xf32>
    %dot_general3A_22 = tpu.matmul %get3A_18, %get3A_21, %dot_general3A {dimension_numbers = #tpu.dot_dimension_numbers<[1], [0], [0], [1], [0, 0, 1, 1], [], []>, transpose_lhs_hint = false} : vector<1024x128xf32>, vector<128x64xf32>, vector<1024x64xf32> -> vector<1024x64xf32>
    %get3A_23 = arith.constant 0 : index
    %get3A_24 = arith.constant 0 : index
    %get3A_25 = vector.load %arg5[%get3A_23, %get3A_24] : memref<128x64xf32, #tpu.memory_space<vmem>>, vector<128x64xf32>
    %dot_general3A_26 = arith.constant dense<0.000000e+00> : vector<1024x64xf32>
    %dot_general3A_27 = tpu.matmul %div3A_15, %get3A_25, %dot_general3A_26 {dimension_numbers = #tpu.dot_dimension_numbers<[1], [0], [0], [1], [0, 0, 1, 1], [], []>, transpose_lhs_hint = false} : vector<1024x128xf32>, vector<128x64xf32>, vector<1024x64xf32> -> vector<1024x64xf32>
    %add3A_28 = arith.addf %dot_general3A_22, %dot_general3A_27 : vector<1024x64xf32>
    %get3A_29 = arith.constant 0 : index
    %get3A_30 = arith.constant 0 : index
    %get3A_31 = vector.load %arg6[%get3A_29, %get3A_30] : memref<1x64xf32, #tpu.memory_space<vmem>>, vector<1x64xf32>
    %add3A_32 = vector.broadcast %get3A_31 : vector<1x64xf32> to vector<1024x64xf32>
    %add3A_33 = arith.addf %add3A_28, %add3A_32 : vector<1024x64xf32>
    %max3A_34 = arith.constant 0.000000e+00 : f32
    %max3A_35 = vector.broadcast %max3A_34 : f32 to vector<1024x64xf32>
    %max3A_36 = arith.maximumf %add3A_33, %max3A_35 : vector<1024x64xf32>
    %swap3A = arith.constant 0 : index
    %swap3A_37 = arith.constant 0 : index
    %swap3A_38 = vector.load %arg7[%swap3A, %swap3A_37] : memref<1024x64xf32, #tpu.memory_space<vmem>>, vector<1024x64xf32>
    tpu.vector_store %arg7[%swap3A, %swap3A_37], %max3A_36 {strides = array<i32>} : memref<1024x64xf32, #tpu.memory_space<vmem>>, vector<1024x64xf32>,
    return
  }
  func.func @transform_0(%arg0: i32) -> (i32, i32) {
    %c0_i32 = arith.constant 0 : i32
    %c0_i32_0 = arith.constant 0 : i32
    return %arg0, %c0_i32 : i32, i32
  }
  func.func @transform_1(%arg0: i32) -> (i32, i32, i32) {
    %c0_i32 = arith.constant 0 : i32
    %c0_i32_0 = arith.constant 0 : i32
    %c0_i32_1 = arith.constant 0 : i32
    return %c0_i32, %arg0, %c0_i32_0 : i32, i32, i32
  }
  func.func @transform_2(%arg0: i32) -> (i32, i32) {
    %c0_i32 = arith.constant 0 : i32
    %c0_i32_0 = arith.constant 0 : i32
    return %c0_i32, %arg0 : i32, i32
  }
  func.func @transform_3(%arg0: i32) -> (i32, i32) {
    %c0_i32 = arith.constant 0 : i32
    %c0_i32_0 = arith.constant 0 : i32
    %c0_i32_1 = arith.constant 0 : i32
    return %c0_i32, %c0_i32_0 : i32, i32
  }
  func.func @transform_4(%arg0: i32) -> (i32, i32) {
    %c0_i32 = arith.constant 0 : i32
    %c0_i32_0 = arith.constant 0 : i32
    %c0_i32_1 = arith.constant 0 : i32
    return %c0_i32, %c0_i32_0 : i32, i32
  }
  func.func @transform_5(%arg0: i32) -> (i32, i32) {
    %c0_i32 = arith.constant 0 : i32
    %c0_i32_0 = arith.constant 0 : i32
    %c0_i32_1 = arith.constant 0 : i32
    return %c0_i32, %c0_i32_0 : i32, i32
  }
  func.func @transform_6(%arg0: i32) -> (i32, i32) {
    %c0_i32 = arith.constant 0 : i32
    %c0_i32_0 = arith.constant 0 : i32
    return %arg0, %c0_i32 : i32, i32
  }
}

module attributes {stable_mosaic.version = 14 : i64} {
  func.func @body(%arg0: i32, %arg1: memref<1024x64xf32, #tpu.memory_space<vmem>>, %arg2: memref<2000x32xf32, #tpu.memory_space<vmem>>, %arg3: memref<1024x2000xf32, #tpu.memory_space<vmem>>, %arg4: memref<64x32xf32, #tpu.memory_space<vmem>>, %arg5: memref<32x32xf32, #tpu.memory_space<vmem>>, %arg6: memref<1x1xf32, #tpu.memory_space<vmem>>, %arg7: memref<128x64xf32, #tpu.memory_space<vmem>>, %arg8: memref<1x64xf32, #tpu.memory_space<vmem>>, %arg9: memref<64x64xf32, #tpu.memory_space<vmem>>, %arg10: memref<1x64xf32, #tpu.memory_space<vmem>>, %arg11: memref<128x64xf32, #tpu.memory_space<vmem>>, %arg12: memref<1x64xf32, #tpu.memory_space<vmem>>, %arg13: memref<1x64xf32, #tpu.memory_space<vmem>>, %arg14: memref<1x64xf32, #tpu.memory_space<vmem>>, %arg15: memref<1024x64xf32, #tpu.memory_space<vmem>>) attributes {dimension_semantics = [#tpu.dimension_semantics<arbitrary>], iteration_bounds = array<i64: 10>, scalar_prefetch = 0 : i64, scratch_operands = 0 : i64, tpu.core_type = #tpu.core_type<tc>, window_params = [{transform_indices = @transform_0, window_bounds = array<i64: 1024, 64>}, {pipeline_mode = #tpu.pipeline_mode<synchronous>, transform_indices = @transform_1, window_bounds = array<i64: 2000, 32>}, {transform_indices = @transform_2, window_bounds = array<i64: 1024, 2000>}, {pipeline_mode = #tpu.pipeline_mode<synchronous>, transform_indices = @transform_3, window_bounds = array<i64: 64, 32>}, {pipeline_mode = #tpu.pipeline_mode<synchronous>, transform_indices = @transform_4, window_bounds = array<i64: 32, 32>}, {pipeline_mode = #tpu.pipeline_mode<synchronous>, transform_indices = @transform_5, window_bounds = array<i64: 1, 1>}, {pipeline_mode = #tpu.pipeline_mode<synchronous>, transform_indices = @transform_6, window_bounds = array<i64: 128, 64>}, {pipeline_mode = #tpu.pipeline_mode<synchronous>, transform_indices = @transform_7, window_bounds = array<i64: 1, 64>}, {pipeline_mode = #tpu.pipeline_mode<synchronous>, transform_indices = @transform_8, window_bounds = array<i64: 64, 64>}, {pipeline_mode = #tpu.pipeline_mode<synchronous>, transform_indices = @transform_9, window_bounds = array<i64: 1, 64>}, {pipeline_mode = #tpu.pipeline_mode<synchronous>, transform_indices = @transform_10, window_bounds = array<i64: 128, 64>}, {pipeline_mode = #tpu.pipeline_mode<synchronous>, transform_indices = @transform_11, window_bounds = array<i64: 1, 64>}, {pipeline_mode = #tpu.pipeline_mode<synchronous>, transform_indices = @transform_12, window_bounds = array<i64: 1, 64>}, {pipeline_mode = #tpu.pipeline_mode<synchronous>, transform_indices = @transform_13, window_bounds = array<i64: 1, 64>}, {transform_indices = @transform_14, window_bounds = array<i64: 1024, 64>}]} {
    %get3A = arith.constant 0 : index
    %get3A_0 = arith.constant 0 : index
    %get3A_1 = vector.load %arg1[%get3A, %get3A_0] : memref<1024x64xf32, #tpu.memory_space<vmem>>, vector<1024x64xf32>
    %get3A_2 = arith.constant 0 : index
    %get3A_3 = arith.constant 0 : index
    %get3A_4 = vector.load %arg2[%get3A_2, %get3A_3] : memref<2000x32xf32, #tpu.memory_space<vmem>>, vector<2000x32xf32>
    %get3A_5 = arith.constant 0 : index
    %get3A_6 = arith.constant 0 : index
    %get3A_7 = vector.load %arg4[%get3A_5, %get3A_6] : memref<64x32xf32, #tpu.memory_space<vmem>>, vector<64x32xf32>
    %dot_general3A = arith.constant dense<0.000000e+00> : vector<1024x32xf32>
    %dot_general3A_8 = tpu.matmul %get3A_1, %get3A_7, %dot_general3A {dimension_numbers = #tpu.dot_dimension_numbers<[1], [0], [0], [1], [0, 0, 1, 1], [], []>, transpose_lhs_hint = false} : vector<1024x64xf32>, vector<64x32xf32>, vector<1024x32xf32> -> vector<1024x32xf32>
    %get3A_9 = arith.constant 0 : index
    %get3A_10 = arith.constant 0 : index
    %get3A_11 = vector.load %arg5[%get3A_9, %get3A_10] : memref<32x32xf32, #tpu.memory_space<vmem>>, vector<32x32xf32>
    %dot_general3A_12 = arith.constant dense<0.000000e+00> : vector<2000x32xf32>
    %dot_general3A_13 = tpu.matmul %get3A_4, %get3A_11, %dot_general3A_12 {dimension_numbers = #tpu.dot_dimension_numbers<[1], [0], [0], [1], [0, 0, 1, 1], [], []>, transpose_lhs_hint = false} : vector<2000x32xf32>, vector<32x32xf32>, vector<2000x32xf32> -> vector<2000x32xf32>
    %dot_general3A_14 = arith.constant dense<0.000000e+00> : vector<1024x2000xf32>
    %dot_general3A_15 = tpu.matmul %dot_general3A_8, %dot_general3A_13, %dot_general3A_14 {dimension_numbers = #tpu.dot_dimension_numbers<[1], [1], [0], [0], [0, 0, 1, 0], [], []>, transpose_lhs_hint = false} : vector<1024x32xf32>, vector<2000x32xf32>, vector<1024x2000xf32> -> vector<1024x2000xf32>
    %reduce_max3A = arith.constant dense<0xFF800000> : vector<1024xf32>
    %reduce_max3A_16 = vector.multi_reduction <maximumf>, %dot_general3A_15, %reduce_max3A [1] : vector<1024x2000xf32> to vector<1024xf32>
    %broadcast_in_dim3A = vector.shape_cast %reduce_max3A_16 : vector<1024xf32> to vector<1024x1xf32>
    %sub3A = vector.broadcast %broadcast_in_dim3A : vector<1024x1xf32> to vector<1024x2000xf32>
    %sub3A_17 = arith.subf %dot_general3A_15, %sub3A : vector<1024x2000xf32>
    %exp3A = math.exp %sub3A_17 : vector<1024x2000xf32>
    %reduce_sum3A = arith.constant dense<0.000000e+00> : vector<1024xf32>
    %reduce_sum3A_18 = vector.multi_reduction <add>, %exp3A, %reduce_sum3A [1] : vector<1024x2000xf32> to vector<1024xf32>
    %broadcast_in_dim3A_19 = vector.shape_cast %reduce_sum3A_18 : vector<1024xf32> to vector<1024x1xf32>
    %div3A = vector.broadcast %broadcast_in_dim3A_19 : vector<1024x1xf32> to vector<1024x2000xf32>
    %div3A_20 = arith.divf %exp3A, %div3A : vector<1024x2000xf32>
    %get3A_21 = arith.constant 0 : index
    %get3A_22 = arith.constant 0 : index
    %get3A_23 = vector.load %arg3[%get3A_21, %get3A_22] : memref<1024x2000xf32, #tpu.memory_space<vmem>>, vector<1024x2000xf32>
    %reduce_sum3A_24 = arith.constant dense<0.000000e+00> : vector<1024xf32>
    %reduce_sum3A_25 = vector.multi_reduction <add>, %get3A_23, %reduce_sum3A_24 [1] : vector<1024x2000xf32> to vector<1024xf32>
    %broadcast_in_dim3A_26 = vector.shape_cast %reduce_sum3A_25 : vector<1024xf32> to vector<1024x1xf32>
    %max3A = arith.constant 9.99999993E-9 : f32
    %max3A_27 = vector.broadcast %max3A : f32 to vector<1024x1xf32>
    %max3A_28 = arith.maximumf %broadcast_in_dim3A_26, %max3A_27 : vector<1024x1xf32>
    %div3A_29 = vector.broadcast %max3A_28 : vector<1024x1xf32> to vector<1024x2000xf32>
    %div3A_30 = arith.divf %get3A_23, %div3A_29 : vector<1024x2000xf32>
    %get3A_31 = arith.constant 0 : index
    %get3A_32 = arith.constant 0 : index
    %get3A_33 = vector.load %arg6[%get3A_31, %get3A_32] : memref<1x1xf32, #tpu.memory_space<vmem>>, vector<1x1xf32>
    %get3A_34 = vector.extract %get3A_33[0, 0] : f32 from vector<1x1xf32>
    %neg3A = arith.constant 0.000000e+00 : f32
    %neg3A_35 = arith.subf %neg3A, %get3A_34 : f32
    %exp3A_36 = math.exp %neg3A_35 : f32
    %add3A = arith.constant 1.000000e+00 : f32
    %add3A_37 = arith.addf %add3A, %exp3A_36 : f32
    %div3A_38 = arith.constant 1.000000e+00 : f32
    %div3A_39 = arith.divf %div3A_38, %add3A_37 : f32
    %mul3A = vector.broadcast %div3A_39 : f32 to vector<1024x2000xf32>
    %mul3A_40 = arith.mulf %mul3A, %div3A_30 : vector<1024x2000xf32>
    %sub3A_41 = arith.constant 1.000000e+00 : f32
    %sub3A_42 = arith.subf %sub3A_41, %div3A_39 : f32
    %mul3A_43 = vector.broadcast %sub3A_42 : f32 to vector<1024x2000xf32>
    %mul3A_44 = arith.mulf %mul3A_43, %div3A_20 : vector<1024x2000xf32>
    %add3A_45 = arith.addf %mul3A_40, %mul3A_44 : vector<1024x2000xf32>
    %dot_general3A_46 = arith.constant dense<0.000000e+00> : vector<1024x32xf32>
    %dot_general3A_47 = tpu.matmul %add3A_45, %get3A_4, %dot_general3A_46 {dimension_numbers = #tpu.dot_dimension_numbers<[1], [0], [0], [1], [0, 0, 1, 1], [], []>, transpose_lhs_hint = false} : vector<1024x2000xf32>, vector<2000x32xf32>, vector<1024x32xf32> -> vector<1024x32xf32>
    %get3A_48 = arith.constant 0 : index
    %get3A_49 = arith.constant 0 : index
    %get3A_50 = vector.load %arg7[%get3A_48, %get3A_49] : memref<128x64xf32, #tpu.memory_space<vmem>>, vector<128x64xf32>
    %slice3A = vector.extract_strided_slice %get3A_50 {offsets = [0, 0], sizes = [64, 64], strides = [1, 1]} : vector<128x64xf32> to vector<64x64xf32>
    %dot_general3A_51 = arith.constant dense<0.000000e+00> : vector<1024x64xf32>
    %dot_general3A_52 = tpu.matmul %get3A_1, %slice3A, %dot_general3A_51 {dimension_numbers = #tpu.dot_dimension_numbers<[1], [0], [0], [1], [0, 0, 1, 1], [], []>, transpose_lhs_hint = false} : vector<1024x64xf32>, vector<64x64xf32>, vector<1024x64xf32> -> vector<1024x64xf32>
    %slice3A_53 = vector.extract_strided_slice %get3A_50 {offsets = [64, 0], sizes = [32, 64], strides = [1, 1]} : vector<128x64xf32> to vector<32x64xf32>
    %dot_general3A_54 = arith.constant dense<0.000000e+00> : vector<1024x64xf32>
    %dot_general3A_55 = tpu.matmul %dot_general3A_47, %slice3A_53, %dot_general3A_54 {dimension_numbers = #tpu.dot_dimension_numbers<[1], [0], [0], [1], [0, 0, 1, 1], [], []>, transpose_lhs_hint = false} : vector<1024x32xf32>, vector<32x64xf32>, vector<1024x64xf32> -> vector<1024x64xf32>
    %add3A_56 = arith.addf %dot_general3A_52, %dot_general3A_55 : vector<1024x64xf32>
    %get3A_57 = arith.constant 0 : index
    %get3A_58 = arith.constant 0 : index
    %get3A_59 = vector.load %arg8[%get3A_57, %get3A_58] : memref<1x64xf32, #tpu.memory_space<vmem>>, vector<1x64xf32>
    %add3A_60 = vector.broadcast %get3A_59 : vector<1x64xf32> to vector<1024x64xf32>
    %add3A_61 = arith.addf %add3A_56, %add3A_60 : vector<1024x64xf32>
    %max3A_62 = arith.constant 0.000000e+00 : f32
    %max3A_63 = vector.broadcast %max3A_62 : f32 to vector<1024x64xf32>
    %max3A_64 = arith.maximumf %add3A_61, %max3A_63 : vector<1024x64xf32>
    %get3A_65 = arith.constant 0 : index
    %get3A_66 = arith.constant 0 : index
    %get3A_67 = vector.load %arg9[%get3A_65, %get3A_66] : memref<64x64xf32, #tpu.memory_space<vmem>>, vector<64x64xf32>
    %dot_general3A_68 = arith.constant dense<0.000000e+00> : vector<1024x64xf32>
    %dot_general3A_69 = tpu.matmul %max3A_64, %get3A_67, %dot_general3A_68 {dimension_numbers = #tpu.dot_dimension_numbers<[1], [0], [0], [1], [0, 0, 1, 1], [], []>, transpose_lhs_hint = false} : vector<1024x64xf32>, vector<64x64xf32>, vector<1024x64xf32> -> vector<1024x64xf32>
    %get3A_70 = arith.constant 0 : index
    %get3A_71 = arith.constant 0 : index
    %get3A_72 = vector.load %arg10[%get3A_70, %get3A_71] : memref<1x64xf32, #tpu.memory_space<vmem>>, vector<1x64xf32>
    %add3A_73 = vector.broadcast %get3A_72 : vector<1x64xf32> to vector<1024x64xf32>
    %add3A_74 = arith.addf %dot_general3A_69, %add3A_73 : vector<1024x64xf32>
    %get3A_75 = arith.constant 0 : index
    %get3A_76 = arith.constant 0 : index
    %get3A_77 = vector.load %arg11[%get3A_75, %get3A_76] : memref<128x64xf32, #tpu.memory_space<vmem>>, vector<128x64xf32>
    %slice3A_78 = vector.extract_strided_slice %get3A_77 {offsets = [0, 0], sizes = [64, 64], strides = [1, 1]} : vector<128x64xf32> to vector<64x64xf32>
    %dot_general3A_79 = arith.constant dense<0.000000e+00> : vector<1024x64xf32>
    %dot_general3A_80 = tpu.matmul %get3A_1, %slice3A_78, %dot_general3A_79 {dimension_numbers = #tpu.dot_dimension_numbers<[1], [0], [0], [1], [0, 0, 1, 1], [], []>, transpose_lhs_hint = false} : vector<1024x64xf32>, vector<64x64xf32>, vector<1024x64xf32> -> vector<1024x64xf32>
    %slice3A_81 = vector.extract_strided_slice %get3A_77 {offsets = [64, 0], sizes = [32, 64], strides = [1, 1]} : vector<128x64xf32> to vector<32x64xf32>
    %dot_general3A_82 = arith.constant dense<0.000000e+00> : vector<1024x64xf32>
    %dot_general3A_83 = tpu.matmul %dot_general3A_47, %slice3A_81, %dot_general3A_82 {dimension_numbers = #tpu.dot_dimension_numbers<[1], [0], [0], [1], [0, 0, 1, 1], [], []>, transpose_lhs_hint = false} : vector<1024x32xf32>, vector<32x64xf32>, vector<1024x64xf32> -> vector<1024x64xf32>
    %add3A_84 = arith.addf %dot_general3A_80, %dot_general3A_83 : vector<1024x64xf32>
    %get3A_85 = arith.constant 0 : index
    %get3A_86 = arith.constant 0 : index
    %get3A_87 = vector.load %arg12[%get3A_85, %get3A_86] : memref<1x64xf32, #tpu.memory_space<vmem>>, vector<1x64xf32>
    %add3A_88 = vector.broadcast %get3A_87 : vector<1x64xf32> to vector<1024x64xf32>
    %add3A_89 = arith.addf %add3A_84, %add3A_88 : vector<1024x64xf32>
    %neg3A_90 = arith.constant 0.000000e+00 : f32
    %neg3A_91 = vector.broadcast %neg3A_90 : f32 to vector<1024x64xf32>
    %neg3A_92 = arith.subf %neg3A_91, %add3A_89 : vector<1024x64xf32>
    %exp3A_93 = math.exp %neg3A_92 : vector<1024x64xf32>
    %add3A_94 = arith.constant 1.000000e+00 : f32
    %add3A_95 = vector.broadcast %add3A_94 : f32 to vector<1024x64xf32>
    %add3A_96 = arith.addf %add3A_95, %exp3A_93 : vector<1024x64xf32>
    %div3A_97 = arith.constant 1.000000e+00 : f32
    %div3A_98 = vector.broadcast %div3A_97 : f32 to vector<1024x64xf32>
    %div3A_99 = arith.divf %div3A_98, %add3A_96 : vector<1024x64xf32>
    %mul3A_100 = arith.mulf %div3A_99, %add3A_74 : vector<1024x64xf32>
    %sub3A_101 = arith.constant 1.000000e+00 : f32
    %sub3A_102 = vector.broadcast %sub3A_101 : f32 to vector<1024x64xf32>
    %sub3A_103 = arith.subf %sub3A_102, %div3A_99 : vector<1024x64xf32>
    %mul3A_104 = arith.mulf %sub3A_103, %get3A_1 : vector<1024x64xf32>
    %add3A_105 = arith.addf %mul3A_100, %mul3A_104 : vector<1024x64xf32>
    %reduce_sum3A_106 = arith.constant dense<0.000000e+00> : vector<1024xf32>
    %reduce_sum3A_107 = vector.multi_reduction <add>, %add3A_105, %reduce_sum3A_106 [1] : vector<1024x64xf32> to vector<1024xf32>
    %broadcast_in_dim3A_108 = vector.shape_cast %reduce_sum3A_107 : vector<1024xf32> to vector<1024x1xf32>
    %div3A_109 = arith.constant 6.400000e+01 : f32
    %div3A_110 = vector.broadcast %div3A_109 : f32 to vector<1024x1xf32>
    %div3A_111 = arith.divf %broadcast_in_dim3A_108, %div3A_110 : vector<1024x1xf32>
    %sub3A_112 = vector.broadcast %div3A_111 : vector<1024x1xf32> to vector<1024x64xf32>
    %sub3A_113 = arith.subf %add3A_105, %sub3A_112 : vector<1024x64xf32>
    %integer_pow3A = arith.mulf %sub3A_113, %sub3A_113 : vector<1024x64xf32>
    %reduce_sum3A_114 = arith.constant dense<0.000000e+00> : vector<1024xf32>
    %reduce_sum3A_115 = vector.multi_reduction <add>, %integer_pow3A, %reduce_sum3A_114 [1] : vector<1024x64xf32> to vector<1024xf32>
    %broadcast_in_dim3A_116 = vector.shape_cast %reduce_sum3A_115 : vector<1024xf32> to vector<1024x1xf32>
    %div3A_117 = arith.constant 6.400000e+01 : f32
    %div3A_118 = vector.broadcast %div3A_117 : f32 to vector<1024x1xf32>
    %div3A_119 = arith.divf %broadcast_in_dim3A_116, %div3A_118 : vector<1024x1xf32>
    %sub3A_120 = vector.broadcast %div3A_111 : vector<1024x1xf32> to vector<1024x64xf32>
    %sub3A_121 = arith.subf %add3A_105, %sub3A_120 : vector<1024x64xf32>
    %add3A_122 = arith.constant 9.99999974E-6 : f32
    %add3A_123 = vector.broadcast %add3A_122 : f32 to vector<1024x1xf32>
    %add3A_124 = arith.addf %div3A_119, %add3A_123 : vector<1024x1xf32>
    %sqrt3A = math.sqrt %add3A_124 : vector<1024x1xf32>
    %div3A_125 = vector.broadcast %sqrt3A : vector<1024x1xf32> to vector<1024x64xf32>
    %div3A_126 = arith.divf %sub3A_121, %div3A_125 : vector<1024x64xf32>
    %get3A_127 = arith.constant 0 : index
    %get3A_128 = arith.constant 0 : index
    %get3A_129 = vector.load %arg13[%get3A_127, %get3A_128] : memref<1x64xf32, #tpu.memory_space<vmem>>, vector<1x64xf32>
    %mul3A_130 = vector.broadcast %get3A_129 : vector<1x64xf32> to vector<1024x64xf32>
    %mul3A_131 = arith.mulf %div3A_126, %mul3A_130 : vector<1024x64xf32>
    %get3A_132 = arith.constant 0 : index
    %get3A_133 = arith.constant 0 : index
    %get3A_134 = vector.load %arg14[%get3A_132, %get3A_133] : memref<1x64xf32, #tpu.memory_space<vmem>>, vector<1x64xf32>
    %add3A_135 = vector.broadcast %get3A_134 : vector<1x64xf32> to vector<1024x64xf32>
    %add3A_136 = arith.addf %mul3A_131, %add3A_135 : vector<1024x64xf32>
    %mul3A_137 = arith.mulf %add3A_136, %add3A_136 : vector<1024x64xf32>
    %reduce_sum3A_138 = arith.constant dense<0.000000e+00> : vector<1024xf32>
    %reduce_sum3A_139 = vector.multi_reduction <add>, %mul3A_137, %reduce_sum3A_138 [1] : vector<1024x64xf32> to vector<1024xf32>
    %broadcast_in_dim3A_140 = vector.shape_cast %reduce_sum3A_139 : vector<1024xf32> to vector<1024x1xf32>
    %sqrt3A_141 = math.sqrt %broadcast_in_dim3A_140 : vector<1024x1xf32>
    %max3A_142 = arith.constant 9.99999996E-13 : f32
    %max3A_143 = vector.broadcast %max3A_142 : f32 to vector<1024x1xf32>
    %max3A_144 = arith.maximumf %sqrt3A_141, %max3A_143 : vector<1024x1xf32>
    %div3A_145 = vector.broadcast %max3A_144 : vector<1024x1xf32> to vector<1024x64xf32>
    %div3A_146 = arith.divf %add3A_136, %div3A_145 : vector<1024x64xf32>
    %swap3A = arith.constant 0 : index
    %swap3A_147 = arith.constant 0 : index
    %swap3A_148 = vector.load %arg15[%swap3A, %swap3A_147] : memref<1024x64xf32, #tpu.memory_space<vmem>>, vector<1024x64xf32>
    tpu.vector_store %arg15[%swap3A, %swap3A_147], %div3A_146 {strides = array<i32>} : memref<1024x64xf32, #tpu.memory_space<vmem>>, vector<1024x64xf32>,
    return
  }
  func.func @transform_0(%arg0: i32) -> (i32, i32) {
    %c0_i32 = arith.constant 0 : i32
    %c0_i32_0 = arith.constant 0 : i32
    return %arg0, %c0_i32 : i32, i32
  }
  func.func @transform_1(%arg0: i32) -> (i32, i32) {
    %c0_i32 = arith.constant 0 : i32
    %c0_i32_0 = arith.constant 0 : i32
    %c0_i32_1 = arith.constant 0 : i32
    return %c0_i32, %c0_i32_0 : i32, i32
  }
  func.func @transform_2(%arg0: i32) -> (i32, i32) {
    %c0_i32 = arith.constant 0 : i32
    %c0_i32_0 = arith.constant 0 : i32
    return %arg0, %c0_i32 : i32, i32
  }
  func.func @transform_3(%arg0: i32) -> (i32, i32) {
    %c0_i32 = arith.constant 0 : i32
    %c0_i32_0 = arith.constant 0 : i32
    %c0_i32_1 = arith.constant 0 : i32
    return %c0_i32, %c0_i32_0 : i32, i32
  }
  func.func @transform_4(%arg0: i32) -> (i32, i32) {
    %c0_i32 = arith.constant 0 : i32
    %c0_i32_0 = arith.constant 0 : i32
    %c0_i32_1 = arith.constant 0 : i32
    return %c0_i32, %c0_i32_0 : i32, i32
  }
  func.func @transform_5(%arg0: i32) -> (i32, i32) {
    %c0_i32 = arith.constant 0 : i32
    %c0_i32_0 = arith.constant 0 : i32
    %c0_i32_1 = arith.constant 0 : i32
    return %c0_i32, %c0_i32_0 : i32, i32
  }
  func.func @transform_6(%arg0: i32) -> (i32, i32) {
    %c0_i32 = arith.constant 0 : i32
    %c0_i32_0 = arith.constant 0 : i32
    %c0_i32_1 = arith.constant 0 : i32
    return %c0_i32, %c0_i32_0 : i32, i32
  }
  func.func @transform_7(%arg0: i32) -> (i32, i32) {
    %c0_i32 = arith.constant 0 : i32
    %c0_i32_0 = arith.constant 0 : i32
    %c0_i32_1 = arith.constant 0 : i32
    return %c0_i32, %c0_i32_0 : i32, i32
  }
  func.func @transform_8(%arg0: i32) -> (i32, i32) {
    %c0_i32 = arith.constant 0 : i32
    %c0_i32_0 = arith.constant 0 : i32
    %c0_i32_1 = arith.constant 0 : i32
    return %c0_i32, %c0_i32_0 : i32, i32
  }
  func.func @transform_9(%arg0: i32) -> (i32, i32) {
    %c0_i32 = arith.constant 0 : i32
    %c0_i32_0 = arith.constant 0 : i32
    %c0_i32_1 = arith.constant 0 : i32
    return %c0_i32, %c0_i32_0 : i32, i32
  }
  func.func @transform_10(%arg0: i32) -> (i32, i32) {
    %c0_i32 = arith.constant 0 : i32
    %c0_i32_0 = arith.constant 0 : i32
    %c0_i32_1 = arith.constant 0 : i32
    return %c0_i32, %c0_i32_0 : i32, i32
  }
  func.func @transform_11(%arg0: i32) -> (i32, i32) {
    %c0_i32 = arith.constant 0 : i32
    %c0_i32_0 = arith.constant 0 : i32
    %c0_i32_1 = arith.constant 0 : i32
    return %c0_i32, %c0_i32_0 : i32, i32
  }
  func.func @transform_12(%arg0: i32) -> (i32, i32) {
    %c0_i32 = arith.constant 0 : i32
    %c0_i32_0 = arith.constant 0 : i32
    %c0_i32_1 = arith.constant 0 : i32
    return %c0_i32, %c0_i32_0 : i32, i32
  }
  func.func @transform_13(%arg0: i32) -> (i32, i32) {
    %c0_i32 = arith.constant 0 : i32
    %c0_i32_0 = arith.constant 0 : i32
    %c0_i32_1 = arith.constant 0 : i32
    return %c0_i32, %c0_i32_0 : i32, i32
  }
  func.func @transform_14(%arg0: i32) -> (i32, i32) {
    %c0_i32 = arith.constant 0 : i32
    %c0_i32_0 = arith.constant 0 : i32
    return %arg0, %c0_i32 : i32, i32
  }
}

</mosaic_0001>

<sc_bundles>
// kernel: kernel.11.cloned.1.call-start
scs
__scs_entry_jumppad:
0x0: {  	(pc) =	sbr.rel $0x88, $3  }
0x1: {  	(tag) =	ssettag $0x0;
	lr =	simm.s32 $0x1  }
0x2: {  	[smem:$0x3F85] =	sst lr;
	_ =	strace $0xD0000000  }
0x3: {  	_ = 	snop  }
0x4: {  	_ = 	snop  }
0x5: {  	_ = 	snop  }
0x6: {  	_ = 	snop  }
0x7: {  	_ = 	snop  }
__scs_overlays_trampoline_lowered:
0x8: {  	[smem:$0x3F94] =	sst s0  }
0x9: {  	[smem:$0x3F95] =	sst s1  }
0xa: {  	[smem:$0x3F96] =	sst s2  }
0xb: {  	[smem:$0x3F97] =	sst s3  }
0xc: {  	[smem:$0x3F98] =	sst s4  }
0xd: {  	[smem:$0x3F99] =	sst s5  }
0xe: {  	[smem:$0x3F9A] =	sst s6  }
0xf: {  	[smem:$0x3F9B] =	sst s7  }
0x10: {  	[smem:$0x3F9C] =	sst s8  }
0x11: {  	[smem:$0x3F9D] =	sst s9;
	s0 =	simm.s32 @!p0 $0x0  }
0x12: {  	s1 =	sld [smem:$0x3F83];
	s0 =	simm.s32 @p0 $0x1  }
0x13: {  	[smem:$0x3F9E] =	sst s0;
	s0 =	simm.s32 @!p1 $0x0  }
0x14: {  	s2 =	sld [smem:$0x3F82];
	s0 =	simm.s32 @p1 $0x1  }
0x15: {  	[smem:$0x3F9F] =	sst s0;
	s0 =	simm.s32 @!p2 $0x0  }
0x16: {  	s3 =	sld [smem:$0x3FDB];
	s0 =	simm.s32 @p2 $0x1  }
0x17: {  	s4 =	simm.s32 $0x1BF5;
	[smem:$0x3FA1] =	sst s0  }
0x18: {  	s0 =	sld [smem:$0x3F84];
	_ =	swait.ge [sflag:s4], $0x0  }
0x19: {  	s7 =	sld [smem:$0x3F85]  }
0x1a: {  	s8 =	sadd.s32 $0xFFFFE003, lr  }
0x1b: {  	s9 =	sadd.s32 $0xFFFFFEF7, lr;
	s5 =	simm.s32 $0xFFFFFFFF;
	p2 =	slt.u32 s8, $0xFFFFF086  }
0x1c: {  	p1 =	slt.u32 s9, $0xF7A;
	s5 =	simm.s32 @!p2 $0x0  }
0x1d: {  	s5 =	simm.s32 @p1 $0x1;
	p0 =	seq.s32 s7, s2  }
0x1e: {  	s7 =	smul.u32 @!p0 $0xF7A, s2;
	p2 =	seq.s32 @!p0 s5, $0x0  }
0x1f: {  	s9 =	smul.u32 $0xF7A, s1;
	s8 =	simm.s32 @!p0 $0x1BF5;
	p2 =	por !p2, p0  }
0x20: {  	[sflag:s8] =	ssyncset.s32 @!p0 $0xFFFFF086;
	s6 =	sadd.s32 @!p0 s3, s7;
	s7 =	simm.s32 @!p0 $0x108  }
0x21: {  	s3 =	sadd.s32 s3, s9;
	s6 =	sadd.s32 @!p0 $0x88, s6;
	s7 =	simm.s32 @p2 $0x1082  }
0x22: {  	[simem:s7], [sflag:s8] =	dma.local @!p0 [hbm:s6], $0xF7A  }
0x23: {  	s9 =	sor.u32 $0xD0000000, s2;
	s6 =	simm.s32 $0x108;
	_ =	swait.ge @!p0 [sflag:s8], $0x0  }
0x24: {  	s3 =	sadd.s32 $0x88, s3;
	s6 =	simm.s32 @!p1 $0x1082;
	[sflag:s4] =	ssyncset.s32 $0xFFFFF086  }
0x25: {  	[simem:s6], [sflag:s4] =	dma.local [hbm:s3], $0xF7A  }
0x26: {  	[smem:$0x3F85] =	sst s1;
	(tag) =	ssettag s2;
	_ =	strace s9  }
0x27: {  	s1 =	sld [smem:$0x3F95]  }
0x28: {  	s2 =	sld [smem:$0x3F96]  }
0x29: {  	s4 =	sld [smem:$0x3F98]  }
0x2a: {  	p0 =	seq.s32 s5, $0x0;
	s5 =	sld [smem:$0x3F99]  }
0x2b: {  	s6 =	sld [smem:$0x3F9A]  }
0x2c: {  	s7 =	sld [smem:$0x3F9B]  }
0x2d: {  	s3 =	simm.s32 $0x108;
	s8 =	sld [smem:$0x3F9C]  }
0x2e: {  	s3 =	simm.s32 @!p0 $0x1082;
	s9 =	sld [smem:$0x3F9D]  }
0x2f: {  	lr =	sadd.s32 s0, s3;
	s0 =	sld [smem:$0x3F94]  }
0x30: {  	s3 =	sld [smem:$0x3F97]  }
0x31: {  	[smem:$0x3FA0] =	sst s10  }
0x32: {  	s10 =	sld [smem:$0x3F9E];
	_ =	sdelay $0x3  }
0x33: {  	p0 =	seq.s32 s10, $0x1;
	s10 =	sld [smem:$0x3FA0];
	_ =	sdelay $0x3  }
0x34: {  	[smem:$0x3FA0] =	sst s10  }
0x35: {  	s10 =	sld [smem:$0x3F9F];
	_ =	sdelay $0x3  }
0x36: {  	p1 =	seq.s32 s10, $0x1;
	s10 =	sld [smem:$0x3FA0];
	_ =	sdelay $0x3  }
0x37: {  	[smem:$0x3FA0] =	sst s10  }
0x38: {  	s10 =	sld [smem:$0x3FA1]  }
0x39: {  	_ = 	snop;
	(pc) =	sbr.ind lr, $3  }
0x3a: {  	_ = 	snop  }
0x3b: {  	_ = 	snop  }
0x3c: {  	p2 =	seq.s32 s10, $0x1;
	s10 =	sld [smem:$0x3FA0]  }
0x3d: {  	_ =	shalt  }
0x3e: {  	_ =	shalt  }
0x3f: {  	_ =	shalt  }
0x40: {  	_ =	shalt  }
0x41: {  	_ =	shalt  }
0x42: {  	_ =	shalt  }
0x43: {  	_ =	shalt  }
0x44: {  	_ =	shalt  }
0x45: {  	_ =	shalt  }
0x46: {  	_ =	shalt  }
0x47: {  	_ =	shalt  }
0x48: {  	_ =	shalt  }
0x49: {  	_ =	shalt  }
0x4a: {  	_ =	shalt  }
0x4b: {  	_ =	shalt  }
0x4c: {  	_ =	shalt  }
0x4d: {  	_ =	shalt  }
0x4e: {  	_ =	shalt  }
0x4f: {  	_ =	shalt  }
0x50: {  	_ =	shalt  }
0x51: {  	_ =	shalt  }
0x52: {  	_ =	shalt  }
0x53: {  	_ =	shalt  }
0x54: {  	_ =	shalt  }
0x55: {  	_ =	shalt  }
0x56: {  	_ =	shalt  }
0x57: {  	_ =	shalt  }
0x58: {  	_ =	shalt  }
0x59: {  	_ =	shalt  }
0x5a: {  	_ =	shalt  }
0x5b: {  	_ =	shalt  }
0x5c: {  	_ =	shalt  }
0x5d: {  	_ =	shalt  }
0x5e: {  	_ =	shalt  }
0x5f: {  	_ =	shalt  }
0x60: {  	_ =	shalt  }
0x61: {  	_ =	shalt  }
0x62: {  	_ =	shalt  }
0x63: {  	_ =	shalt  }
0x64: {  	_ =	shalt  }
0x65: {  	_ =	shalt  }
0x66: {  	_ =	shalt  }
0x67: {  	_ =	shalt  }
0x68: {  	_ =	shalt  }
0x69: {  	_ =	shalt  }
0x6a: {  	_ =	shalt  }
0x6b: {  	_ =	shalt  }
0x6c: {  	_ =	shalt  }
0x6d: {  	_ =	shalt  }
0x6e: {  	_ =	shalt  }
0x6f: {  	_ =	shalt  }
0x70: {  	_ =	shalt  }
0x71: {  	_ =	shalt  }
0x72: {  	_ =	shalt  }
0x73: {  	_ =	shalt  }
0x74: {  	_ =	shalt  }
0x75: {  	_ =	shalt  }
0x76: {  	_ =	shalt  }
0x77: {  	_ =	shalt  }
0x78: {  	_ =	shalt  }
0x79: {  	_ =	shalt  }
0x7a: {  	_ =	shalt  }
0x7b: {  	_ =	shalt  }
0x7c: {  	_ =	shalt  }
0x7d: {  	_ =	shalt  }
0x7e: {  	_ =	shalt  }
0x7f: {  	_ =	shalt  }
0x80: {  	_ =	shalt  }
0x81: {  	_ =	shalt  }
0x82: {  	_ =	shalt  }
0x83: {  	_ =	shalt  }
0x84: {  	_ =	shalt  }
0x85: {  	_ =	shalt  }
0x86: {  	_ =	shalt  }
0x87: {  	_ =	shalt  }
.Lfunc_end0:
.L_simem_size_0:
called_computation_lowered:
.L_overlay_start_0:
0x88: {  	s2 =	sld [smem:$0x3FD9]  }
0x89: {  	s3 =	sld [smem:$0x3FFE];
	_ =	sdelay $0x1  }
0x8a: {  	s1 =	srdreg.scid  }
0x8b: {  	s0 =	sand.u32 $0x1, s1  }
0x8c: {  	s17 =	sshll.u32 s0, $0xA;
	s2 =	sadd.s32 s3, s2  }
0x8d: {  	s2 =	sadd.s32 s2, s17  }
0x8e: {  	[smem:$0x3FAC] =	sst s2  }
0x8f: {  	_ = 	snop  }
0x90: {  	s18 =	sld [smem:$0x3FC9]  }
0x91: {  	s4 =	sld [smem:$0x3FC8];
	(tm) =	ssettm $0x1  }
0x92: {  	s19 =	sld [smem:$0x3FFB];
	_ =	sdelay $0x3  }
0x93: {  	_ =	strace s19  }
0x94: {  	s2 =	sld [smem:$0x3FFC];
	_ =	sdelay $0x3  }
0x95: {  	_ =	strace s2  }
0x96: {  	s2 =	sld [smem:$0x3FFD];
	_ =	sdelay $0x3  }
0x97: {  	_ =	strace s2  }
0x98: {  	_ =	strace $0x8FFFFFFF  }
0x99: {  	s20 =	sld [smem:$0x3FDB];
	_ =	sdelay $0x1  }
0x9a: {  	s5 =	simm.s32 $_scs_section_size  }
0x9b: {  	s6 =	simm.s32 $_size__tile_overlayer_lowered;
	s7 =	simm.s32 $_tile_overlayer_lowered  }
0x9c: {  	s8 =	simm.s32 $0x1BFF;
	s21 =	sshll.u32 s7, $0x1;
	s5 =	sadd.s32 s5, s20  }
0x9d: {  	s22 =	simm.s32 $0x0;
	s6 =	sshll.u32 s6, $0x1;
	s7 =	sadd.s32 s21, s5  }
0x9e: {  	[timem:s22], [sflag:s8] =	dma.local [hbm:s7], s6  }
0x9f: {  	_ =	swait.ge [sflag:s8], s6  }
0xa0: {  	s6 =	ssub.s32 $0x0, s6;
	[sflag:s8] =	ssyncset.done $0x0  }
0xa1: {  	[sflag:s8] =	ssyncadd.s32 s6;
	_ =	sdelay $0x1  }
0xa2: {  	s23 =	simm.s32 $0x1B8B  }
0xa3: {  	_ =	swait.ge [sflag:s23], $0x1  }
0xa4: {  	[sflag:s23] =	ssyncset.done $0x0  }
0xa5: {  	[sflag:s23] =	ssyncadd.s32 $0xFFFFFFFF  }
0xa6: {  	s6 =	sld [smem:$0x0]  }
0xa7: {  	s7 =	sand.u32 $0xFFFFFFFE, s1  }
0xa8: {  	p0 =	sne.s32 s1, s7  }
0xa9: {  	s7 =	sshll.u32 @p0 s7, $0xE  }
0xaa: {  	s7 =	sadd.s32 @p0 $0x11B8D, s7;
	s8 =	sshll.u32 @p0 s6, $0x11  }
0xab: {  	s7 =	sor.u32 @p0 s8, s7  }
0xac: {  	[sflag:s7] =	ssyncadd.remote.s32 @p0 $0x1;
	_ =	sdelay $0x1  }
0xad: {  	s7 =	simm.s32 @p0 $0x1B8D  }
0xae: {  	_ =	swait.eq @p0 [sflag:s7], $0x1  }
0xaf: {  	[sflag:s7] =	ssyncadd.s32 @p0 $0xFFFFFFFF  }
0xb0: {  	s8 =	sshll.u32 @!p0 s1, $0xE  }
0xb1: {  	s8 =	sor.u32 @!p0 $0x4000, s8;
	s7 =	simm.s32 @!p0 $0x1B8D  }
0xb2: {  	s6 =	sshll.u32 @!p0 s6, $0x11;
	s8 =	sadd.s32 @!p0 $0x11B8D, s8;
	_ =	swait.eq @!p0 [sflag:s7], $0x1  }
0xb3: {  	s6 =	sor.u32 @!p0 s6, s8;
	[sflag:s7] =	ssyncadd.s32 @!p0 $0xFFFFFFFF  }
0xb4: {  	s25 =	simm.s32 $0x1B8E;
	s24 =	sld [smem:$0x3FFE];
	[sflag:s6] =	ssyncadd.remote.s32 @!p0 $0x1  }
0xb5: {  	s26 =	simm.s32 $execute0_lowered;
	[smem:$0x3FD2] =	sst s25  }
0xb6: {  	s7 =	sshll.u32 s26, $0x1;
	_ =	strace $0x80000049;
	[dreg:$0x1] =	wrdreg $0xFFFFFFFF  }
0xb7: {  	s28 =	simm.s32 $_size_execute0_lowered;
	s5 =	sadd.s32 s5, s7;
	[dreg:$0x0] =	wrdreg $0x0  }
0xb8: {  	s7 =	sshll.u32 s28, $0x1;
	[dreg:$0x2] =	wrdreg s5  }
0xb9: {  	[dreg:$0x3] =	wrdreg s7  }
0xba: {  	[dreg:$0x4] =	wrdreg $0xC0  }
0xbb: {  	_ =	task [dreg:s22], $0x5FFFF  }
0xbc: {  	[dreg:$0x1] =	wrdreg $0xFFFFFFFF  }
0xbd: {  	[dreg:$0x0] =	wrdreg $0x60  }
0xbe: {  	[dreg:$0x2] =	wrdreg s18  }
0xbf: {  	[dreg:$0x3] =	wrdreg s4  }
0xc0: {  	[dreg:$0x4] =	wrdreg s24  }
0xc1: {  	[dreg:$0x5] =	wrdreg $0x84000  }
0xc2: {  	[dreg:$0x6] =	wrdreg $0x9  }
0xc3: {  	_ =	task.clear_ibuf [dreg:s22], $0x7FFFF;
	_ =	strace $0x90000049  }
0xc4: {  	s29 =	simm.s32 $0x9;
	_ =	strace $0x8000004B  }
0xc5: {  	_ =	swait.ge [sflag:s29], $0x1  }
0xc6: {  	[sflag:s29] =	ssyncadd.s32 $0xFFFFFFFF  }
0xc7: {  	_ =	strace $0x9000004B  }
0xc8: {  	_ =	sfence  }
0xc9: {  	s30 =	sld [smem:$0x0];
	_ =	sdelay $0x2  }
0xca: {  	s31 =	sshll.u32 s1, $0xD;
	s1 =	sshrl.u32 s1, $0x2  }
0xcb: {  	s4 =	sand.u32 $0x4000, s31;
	s1 =	sadd.s32 s1, s30  }
0xcc: {  	s0 =	sor.u32 s4, s0;
	s1 =	sshll.u32 s1, $0x11  }
0xcd: {  	s0 =	sor.u32 s1, s0  }
0xce: {  	s0 =	sadd.s32 $0x8F2B, s0  }
0xcf: {  	[sflag:s0] =	ssyncadd.remote.s32 $0x1  }
0xd0: {  	_ =	sfence.sel $0xFFFF  }
0xd1: {  	[dreg:$0x0] =	wrdreg $0xFFFFFFFF;
	(pc) =	sbr.abs _section_cstart, $3  }
0xd2: {  	[dreg:$0x1] =	wrdreg $0xFFFFFFFF  }
0xd3: {  	_ =	task.clear_ibuf [dreg:s22], $0x2FFFF;
	_ =	strace $0x9FFFFFFF  }
0xd4: {  	(tm) =	ssettm $0x7FFFFFFF  }
0xd5: {  	_ =	shalt  }
tec
execute0_lowered:
.L_overlay_start_1:
0x0: {  	(tag) =	ssettag $0x1  }
0x1: {  	s1 =	rddreg [dreg:$0x0]  }
0x2: {  	s0 =	rddreg [dreg:$0x1]  }
0x3: {  	s2 =	rddreg [dreg:$0x2]  }
0x4: {  	s3 =	rddreg [dreg:$0x3];
	s4 =	simm.s32 $0x0;
	s17 =	stileid.u32  }
0x5: {  	s5 =	srdreg.scid;
	s15 =	simm.s32 $0x1;
	s28 =	simm.s32 $0x400  }
0x6: {  	s30 =	simm.s32 $0x5;
	s31 =	simm.s32 $0x2;
	[smem:$0x7FF] =	sst s4  }
0x7: {  	s6 =	smul.u32 $0x2780, s17;
	s5 =	sand.u32 $0x1, s5;
	s7 =	sshll.u32 s17, $0x1  }
0x8: {  	s10 =	sadd.s32 $0x10000, s2;
	s29 =	sadd.s32 $0x41600, s2;
	s13 =	smul.u32 $0x4F000, s17  }
0x9: {  	p1 =	sgt.u32 s17, $0x1;
	s20 =	sadd.s32 $0x128400, s3;
	s16 =	smul.u32 $0x13C00, s17  }
0xa: {  	p0 =	slt.u32 s17, $0x2;
	s23 =	smul.u32 $0x9C, s17;
	_ =	strace $0x8000004A  }
0xb: {  	s7 =	sor.u32 s5, s7;
	[dreg:$0x5] =	wrdreg s10;
	s22 =	smul.u32 $0x138800, s5  }
0xc: {  	s9 =	ssub.s32 $0x2, s5;
	[dreg:$0x9] =	wrdreg s20;
	s5 =	smul.u32 $0x4E, s5  }
0xd: {  	s15 =	simm.s32 @!p0 $0x0;
	s8 =	sadd.s32 s6, s2;
	s26 =	smul.u32 $0x4E2, s7  }
0xe: {  	s11 =	sshrl.u32 s9, $0x1;
	s18 =	smul.u32 $0x4E, s7;
	s7 =	smin.u32 s7, $0x4  }
0xf: {  	s6 =	simm.s32 $0x4F;
	s13 =	sshrl.u32 s13, $0x2;
	s15 =	sadd.s32 $0x7, s15  }
0x10: {  	s9 =	ssub.s32 s9, s11;
	s6 =	simm.s32 @!p0 $0x4E;
	s13 =	sadd.s32 s13, s3  }
0x11: {  	s8 =	sadd.s32 $0x10600, s8;
	s16 =	sadd.s32 s16, s22;
	p0 =	seq.s32 s17, $0xF  }
0x12: {  	s12 =	sadd.s32 s26, s2;
	s11 =	sadd.s32 s7, s18;
	[dreg:$0x6] =	wrdreg s13  }
0x13: {  	[dreg:$0x7] =	wrdreg s8;
	s2 =	sadd.s32 $0x35680, s2;
	s13 =	simm.s32 $0x1  }
0x14: {  	s24 =	sshrl.u32 s16, $0x3;
	s8 =	sshrl.u32 s22, $0x3;
	s11 =	sshll.u32 s11, $0x5  }
0x15: {  	[dreg:$0xa] =	wrdreg s2;
	s2 =	simm.s32 $0x1;
	s12 =	sadd.s32 $0x37800, s12  }
0x16: {  	s8 =	sadd.s32 s29, s8;
	s19 =	sadd.s32 s0, s11;
	s2 =	simm.s32 @!p1 $0x0  }
0x17: {  	[dreg:$0xc] =	wrdreg s12;
	s12 =	sadd.s32 s29, s24;
	s25 =	sadd.s32 $0x25080, s8  }
0x18: {  	s26 =	sadd.s32 $0x40, s11;
	s29 =	smax.u32 s9, $0x1;
	[dreg:$0x8] =	wrdreg s19  }
0x19: {  	s24 =	simm.s32 $0x1BC80;
	s21 =	sadd.s32 $0x20, s19;
	[dreg:$0xd] =	wrdreg s12  }
0x1a: {  	s14 =	sadd.s32 $0x7, s2;
	s2 =	sadd.s32 s5, s23;
	[dreg:$0xe] =	wrdreg s25  }
0x1b: {  	[dreg:$0xf] =	wrdreg s29;
	s5 =	sand.u32 $0x1FFFFFE0, s26;
	s2 =	sadd.s32 s7, s2  }
0x1c: {  	s25 =	simm.s32 $0x9;
	s26 =	simm.s32 $0x80;
	s2 =	sshll.u32 s2, $0x5  }
0x1d: {  	[dreg:$0xb] =	wrdreg s21;
	s5 =	sadd.s32 s0, s5;
	s0 =	sadd.s32 s0, s2  }
0x1e: {  	s21 =	sadd.s32 $0xFFFFFFFE, s6;
	[dreg:$0x10] =	wrdreg s5;
	s2 =	ssub.s32 $0xFFFFFFA0, s0  }
0x1f: {  	v0 =	vimm.f32 $1.000000000e+00;
	s16 =	sadd.s32 $0x60, s0;
	[dreg:$0x11] =	wrdreg s2;
	s2 =	simm.s32 $0x0  }
.LBB2_1:
0x20: {  	s0 =	rddreg [dreg:$0x5]  }
0x21: {  	[tilespmem:s24], [sflag:$0x9] =	stream.linear.gather [hbm4b:s0+s4], $0x2780, $0x38;
	[tilespmem:$0x1E400] =	vst v63  }
0x22: {  	_ =	swait.ge [sflag:s25], $0x2780  }
0x23: {  	s0 =	rddreg [dreg:$0x9]  }
0x24: {  	[sflag:s25] =	ssyncset.done $0x0;
	s5 =	rddreg [dreg:$0xa]  }
0x25: {  	[sflag:s25] =	ssyncadd.s32 $0xFFFFD880;
	s29 =	sshrl.u32 @p0 s0, $0x3;
	s0 =	simm.s32 @p0 $0x1FC9  }
0x26: {  	[spmem:s29], [sflag:s0] =	dma.local @p0 [hbm:s5], $0x2080  }
0x27: {  	s0 =	simm.s32 @p0 $0x9  }
0x28: {  	s5 =	stileid.u32;
	_ =	swait.ge @p0 [sflag:s0], $0x2080  }
0x29: {  	s5 =	sshll.u32 @!p0 s5, $0x6;
	[sflag:s0] =	ssyncset.done @p0 $0x0  }
0x2a: {  	[sflag:s0] =	ssyncadd.s32 @p0 $0xFFFFDF80;
	s0 =	sor.u32 @!p0 $0x1C09, s5;
	s5 =	rddreg [dreg:$0x6]  }
0x2b: {  	s7 =	rddreg [dreg:$0x7];
	s5 =	sshrl.u32 @!p0 s5, $0x3  }
0x2c: {  	[spmem:s5], [sflag:s0] =	dma.local @!p0 [hbm:s7], $0x2780  }
0x2d: {  	s7 =	simm.s32 @!p0 $0x9  }
0x2e: {  	_ =	swait.ge @!p0 [sflag:s7], $0x2780  }
0x2f: {  	[sflag:s7] =	ssyncset.done @!p0 $0x0  }
0x30: {  	[sflag:s7] =	ssyncadd.s32 @!p0 $0xFFFFD880  }
0x31: {  	[bflag:$0x0] =	sbarrier.arrive $0xFFFF  }
0x32: {  	s20 =	rddreg [dreg:$0x8]  }
0x33: {  	[tilespmem:s4], [sflag:$0x1] =	stream.linear.gather [hbm4b:s20+s4], $0x100, $0x38;
	[tilespmem:$0x1E400] =	vst v63  }
0x34: {  	s7 =	simm.s32 $0x100;
	s8 =	rddreg [dreg:$0xb]  }
0x35: {  	[tilespmem:s7], [sflag:$0x2] =	stream.linear.gather [hbm4b:s8+s4], $0x100, $0x38;
	[tilespmem:$0x1E400] =	vst v63  }
0x36: {  	_ =	swait.ge [sflag:s13], $0x100  }
0x37: {  	[sflag:s13] =	ssyncset.done $0x0  }
0x38: {  	[sflag:s13] =	ssyncadd.s32 $0xFFFFFF00  }
0x39: {  	[tilespmem:s28], [sflag:$0x5] =	stream.indirect.gather [hbm4b:s1+s26], $0x80, s4, s26, $0xb8;
	[tilespmem:$0x1E400] =	vst v63  }
0x3a: {  	s9 =	simm.s32 $0x200;
	s22 =	rddreg [dreg:$0x10]  }
0x3b: {  	[tilespmem:s9], [sflag:$0x3] =	stream.linear.gather [hbm4b:s22+s4], $0x100, $0x38;
	[tilespmem:$0x1E400] =	vst v63  }
0x3c: {  	_ =	swait.ge [sflag:s30], $0x4000  }
0x3d: {  	[sflag:s30] =	ssyncset.done $0x0  }
0x3e: {  	[sflag:s30] =	ssyncadd.s32 $0xFFFFC000  }
0x3f: {  	[spmem:s3] =	stream.indirect.scatter.add.f32 [tilespmem:s28], [sflag:$0x7], $0x80, s26, s26, $0xb8;
	[tilespmem:$0x1E400] =	vst v63  }
0x40: {  	v1 =	vld [tilespmem:$0x80];
	_ =	sdelay $0x7  }
0x41: {  	[tilespmem:v1+s24+$0x0] =	vst.idx.add.f32.msk $0xffff, v0  }
0x42: {  	v1 =	vld [tilespmem:$0x90];
	_ =	sdelay $0x7  }
0x43: {  	[tilespmem:v1+s24+$0x0] =	vst.idx.add.f32.msk $0xffff, v0  }
0x44: {  	v1 =	vld [tilespmem:$0xA0];
	_ =	sdelay $0x7  }
0x45: {  	[tilespmem:v1+s24+$0x0] =	vst.idx.add.f32.msk $0xffff, v0  }
0x46: {  	v1 =	vld [tilespmem:$0xB0];
	_ =	sdelay $0x7  }
0x47: {  	[tilespmem:v1+s24+$0x0] =	vst.idx.add.f32.msk $0xffff, v0  }
0x48: {  	v1 =	vld [tilespmem:$0xC0];
	_ =	sdelay $0x7  }
0x49: {  	[tilespmem:v1+s24+$0x0] =	vst.idx.add.f32.msk $0xffff, v0  }
0x4a: {  	v1 =	vld [tilespmem:$0xD0];
	_ =	sdelay $0x7  }
0x4b: {  	[tilespmem:v1+s24+$0x0] =	vst.idx.add.f32.msk $0xffff, v0  }
0x4c: {  	v1 =	vld [tilespmem:$0xE0];
	_ =	sdelay $0x7  }
0x4d: {  	[tilespmem:v1+s24+$0x0] =	vst.idx.add.f32.msk $0xffff, v0  }
0x4e: {  	v1 =	vld [tilespmem:$0xF0];
	_ =	sdelay $0x7  }
0x4f: {  	[tilespmem:v1+s24+$0x0] =	vst.idx.add.f32.msk $0xffff, v0  }
0x50: {  	_ =	swait.ge [sflag:s31], $0x100  }
0x51: {  	[sflag:s31] =	ssyncset.done $0x0  }
0x52: {  	s23 =	simm.s32 $0x4400;
	[sflag:s31] =	ssyncadd.s32 $0xFFFFFF00  }
0x53: {  	[tilespmem:s23], [sflag:$0x6] =	stream.indirect.gather [hbm4b:s1+s26], $0x80, s7, s26, $0xb8;
	[tilespmem:$0x1E400] =	vst v63  }
0x54: {  	s10 =	simm.s32 $0x0;
	s22 =	rddreg [dreg:$0x11];
	s23 =	smov.u32 s16  }
.LBB2_2:
0x55: {  	s8 =	sadd.s32 $0x3, s10  }
0x56: {  	s17 =	smov.u32 s10;
	s10 =	sadd.s32 $0x1, s10;
	p1 =	sge.u32 s8, s6  }
0x57: {  	s9 =	sand.u32 $0x1, s10;
	s8 =	sand.u32 @!p1 $0x3, s8  }
0x58: {  	s12 =	simm.s32 @!p1 $0x0;
	s11 =	sshll.u32 @!p1 s8, $0x8;
	s8 =	sadd.s32 @!p1 $0x1, s8  }
0x59: {  	[tilespmem:s11], [sflag:s8] =	stream.linear.gather @!p1 [hbm4b:s23+s12], $0x100, $0x38;
	[tilespmem:$0x1E400] =	vst v63  }
0x5a: {  	s8 =	sadd.s32 $0x5, s9  }
0x5b: {  	s18 =	sand.u32 $0x300, s7;
	_ =	swait.ge [sflag:s8], $0x4000  }
0x5c: {  	s19 =	sor.u32 $0x80, s18;
	s20 =	sshll.u32 s9, $0xE;
	[sflag:s8] =	ssyncset.done $0x0  }
0x5d: {  	s11 =	sor.u32 $0x400, s20;
	s12 =	sadd.s32 $0x7, s9;
	[sflag:s8] =	ssyncadd.s32 $0xFFFFC000  }
0x5e: {  	[spmem:s3] =	stream.indirect.scatter.add.f32 [tilespmem:s11], [sflag:s12], $0x80, s19, s26, $0xb8;
	[tilespmem:$0x1E400] =	vst v63  }
0x5f: {  	v1 =	vld [tilespmem:s18+$0x80];
	_ =	sdelay $0x7  }
0x60: {  	[tilespmem:v1+s24+$0x0] =	vst.idx.add.f32.msk $0xffff, v0  }
0x61: {  	v1 =	vld [tilespmem:s18+$0x90];
	_ =	sdelay $0x7  }
0x62: {  	[tilespmem:v1+s24+$0x0] =	vst.idx.add.f32.msk $0xffff, v0  }
0x63: {  	v1 =	vld [tilespmem:s18+$0xA0];
	_ =	sdelay $0x7  }
0x64: {  	[tilespmem:v1+s24+$0x0] =	vst.idx.add.f32.msk $0xffff, v0  }
0x65: {  	v1 =	vld [tilespmem:s18+$0xB0];
	_ =	sdelay $0x7  }
0x66: {  	[tilespmem:v1+s24+$0x0] =	vst.idx.add.f32.msk $0xffff, v0  }
0x67: {  	v1 =	vld [tilespmem:s18+$0xC0];
	_ =	sdelay $0x7  }
0x68: {  	[tilespmem:v1+s24+$0x0] =	vst.idx.add.f32.msk $0xffff, v0  }
0x69: {  	v1 =	vld [tilespmem:s18+$0xD0];
	_ =	sdelay $0x7  }
0x6a: {  	[tilespmem:v1+s24+$0x0] =	vst.idx.add.f32.msk $0xffff, v0  }
0x6b: {  	v1 =	vld [tilespmem:s18+$0xE0];
	_ =	sdelay $0x7  }
0x6c: {  	[tilespmem:v1+s24+$0x0] =	vst.idx.add.f32.msk $0xffff, v0  }
0x6d: {  	v1 =	vld [tilespmem:s18+$0xF0];
	_ =	sdelay $0x5  }
0x6e: {  	s17 =	sadd.s32 $0x2, s17  }
0x6f: {  	s19 =	sand.u32 $0x3, s17  }
0x70: {  	s9 =	sadd.s32 $0x1, s19;
	[tilespmem:v1+s24+$0x0] =	vst.idx.add.f32.msk $0xffff, v0  }
0x71: {  	s22 =	sadd.s32 $0xFFFFFFE0, s22;
	_ =	swait.ge [sflag:s9], $0x100  }
0x72: {  	p2 =	sne.s32 s21, s10;
	s20 =	sand.u32 $0x1, s17;
	[sflag:s9] =	ssyncset.done $0x0  }
.Ltmp0:
0x73: {  	s17 =	sadd.s32 $0x7, s20;
	[sflag:s9] =	ssyncadd.s32 $0xFFFFFF00;
	(pc) =	sbr.rel @p2 .LBB2_2-.Ltmp0, $4  }
0x74: {  	s7 =	sadd.s32 $0x100, s7;
	s9 =	sshll.u32 s20, $0xE;
	_ =	swait.ge [sflag:s17], $0x4000  }
0x75: {  	s23 =	sadd.s32 $0x20, s23;
	s18 =	sor.u32 $0x400, s9;
	[sflag:s17] =	ssyncset.done $0x0  }
0x76: {  	s9 =	sshll.u32 s19, $0x8;
	s19 =	sadd.s32 $0x5, s20;
	[sflag:s17] =	ssyncadd.s32 $0xFFFFC000  }
0x77: {  	[tilespmem:s18], [sflag:s19] =	stream.indirect.gather [hbm4b:s1+s26], $0x80, s9, s26, $0xb8;
	[tilespmem:$0x1E400] =	vst v63  }
0x78: {  	s9 =	sadd.s32 $0x3, s10  }
0x79: {  	p2 =	sge.u32 s9, s6  }
0x7a: {  	s9 =	sand.u32 @!p2 $0x3, s9;
	s22 =	ssub.s32 @!p2 $0x0, s22  }
0x7b: {  	s23 =	simm.s32 @!p2 $0x0;
	s20 =	sshll.u32 @!p2 s9, $0x8;
	s9 =	sadd.s32 @!p2 $0x1, s9  }
0x7c: {  	[tilespmem:s20], [sflag:s9] =	stream.linear.gather @!p2 [hbm4b:s22+s23], $0x100, $0x38;
	[tilespmem:$0x1E400] =	vst v63  }
0x7d: {  	_ =	swait.ge [sflag:s19], $0x4000  }
0x7e: {  	s7 =	sand.u32 $0x300, s7;
	[sflag:s19] =	ssyncset.done $0x0  }
0x7f: {  	s22 =	sor.u32 $0x80, s7;
	[sflag:s19] =	ssyncadd.s32 $0xFFFFC000  }
0x80: {  	[spmem:s3] =	stream.indirect.scatter.add.f32 [tilespmem:s18], [sflag:s17], $0x80, s22, s26, $0xb8;
	[tilespmem:$0x1E400] =	vst v63  }
0x81: {  	v1 =	vld [tilespmem:s7+$0x80];
	_ =	sdelay $0x7  }
0x82: {  	[tilespmem:v1+s24+$0x0] =	vst.idx.add.f32.msk $0xffff, v0  }
0x83: {  	v1 =	vld [tilespmem:s7+$0x90];
	_ =	sdelay $0x7  }
0x84: {  	[tilespmem:v1+s24+$0x0] =	vst.idx.add.f32.msk $0xffff, v0  }
0x85: {  	v1 =	vld [tilespmem:s7+$0xA0];
	_ =	sdelay $0x7  }
0x86: {  	[tilespmem:v1+s24+$0x0] =	vst.idx.add.f32.msk $0xffff, v0  }
0x87: {  	v1 =	vld [tilespmem:s7+$0xB0];
	_ =	sdelay $0x7  }
0x88: {  	[tilespmem:v1+s24+$0x0] =	vst.idx.add.f32.msk $0xffff, v0  }
0x89: {  	v1 =	vld [tilespmem:s7+$0xC0];
	_ =	sdelay $0x7  }
0x8a: {  	[tilespmem:v1+s24+$0x0] =	vst.idx.add.f32.msk $0xffff, v0  }
0x8b: {  	v1 =	vld [tilespmem:s7+$0xD0];
	_ =	sdelay $0x7  }
0x8c: {  	[tilespmem:v1+s24+$0x0] =	vst.idx.add.f32.msk $0xffff, v0  }
0x8d: {  	v1 =	vld [tilespmem:s7+$0xE0];
	_ =	sdelay $0x7  }
0x8e: {  	[tilespmem:v1+s24+$0x0] =	vst.idx.add.f32.msk $0xffff, v0  }
0x8f: {  	v1 =	vld [tilespmem:s7+$0xF0];
	_ =	sdelay $0x5  }
0x90: {  	s7 =	sadd.s32 $0x2, s10  }
0x91: {  	s7 =	sand.u32 @!p1 $0x3, s7  }
0x92: {  	s9 =	sadd.s32 @!p1 $0x1, s7;
	[tilespmem:v1+s24+$0x0] =	vst.idx.add.f32.msk $0xffff, v0  }
0x93: {  	_ =	swait.ge @!p1 [sflag:s9], $0x100  }
0x94: {  	[sflag:s9] =	ssyncset.done @!p1 $0x0  }
0x95: {  	[sflag:s9] =	ssyncadd.s32 @!p1 $0xFFFFFF00  }
0x96: {  	_ =	swait.ge @!p1 [sflag:s12], $0x4000  }
0x97: {  	[sflag:s12] =	ssyncset.done @!p1 $0x0  }
0x98: {  	s7 =	sshll.u32 @!p1 s7, $0x8;
	s9 =	simm.s32 @!p1 $0x80;
	[sflag:s12] =	ssyncadd.s32 @!p1 $0xFFFFC000  }
0x99: {  	[tilespmem:s11], [sflag:s8] =	stream.indirect.gather @!p1 [hbm4b:s1+s9], $0x80, s7, s9, $0xb8;
	[tilespmem:$0x1E400] =	vst v63  }
0x9a: {  	_ =	swait.ge [sflag:s14], $0x4000  }
0x9b: {  	[sflag:s14] =	ssyncset.done $0x0  }
0x9c: {  	[sflag:s14] =	ssyncadd.s32 $0xFFFFC000  }
0x9d: {  	_ =	swait.ge [sflag:s15], $0x4000  }
0x9e: {  	[sflag:s15] =	ssyncset.done $0x0  }
0x9f: {  	s23 =	rddreg [dreg:$0xc];
	[sflag:s15] =	ssyncadd.s32 $0xFFFFC000  }
0xa0: {  	[hbm4b:s23+s4] =	stream.linear.scatter [tilespmem:s24], [sflag:$0x9], $0x2710, $0x38;
	[tilespmem:$0x1E400] =	vst v63  }
0xa1: {  	_ =	swait.ge [sflag:s25], $0x2710  }
0xa2: {  	[sflag:s25] =	ssyncset.done $0x0  }
0xa3: {  	[sflag:s25] =	ssyncadd.s32 $0xFFFFD8F0  }
0xa4: {  	[bflag:$0x0] =	sbarrier.arrive $0xFFFF  }
0xa5: {  	s7 =	simm.s32 @p0 $0x1FC9;
	s8 =	rddreg [dreg:$0xe]  }
0xa6: {  	[hbm:s8], [sflag:s7] =	dma.local @p0 [spmem:s29], $0x2080  }
0xa7: {  	s7 =	simm.s32 @p0 $0x9  }
0xa8: {  	_ =	swait.ge @p0 [sflag:s7], $0x2080  }
0xa9: {  	[sflag:s7] =	ssyncset.done @p0 $0x0  }
0xaa: {  	[sflag:s7] =	ssyncadd.s32 @p0 $0xFFFFDF80;
	s7 =	rddreg [dreg:$0xd]  }
0xab: {  	[hbm:s7], [sflag:s0] =	dma.local @!p0 [spmem:s5], $0x2780  }
0xac: {  	s0 =	simm.s32 @!p0 $0x9  }
0xad: {  	_ =	swait.ge @!p0 [sflag:s0], $0x2780  }
0xae: {  	s2 =	sadd.s32 $0x1, s2;
	s29 =	rddreg [dreg:$0xf]  }
0xaf: {  	p1 =	sne.s32 s2, s29  }
.Ltmp1:
0xb0: {  	_ = 	snop;
	(pc) =	sbr.rel @p1 .LBB2_1-.Ltmp1, $3  }
0xb1: {  	_ =	sdelay $0x1  }
0xb2: {  	[sflag:s0] =	ssyncset.done @!p0 $0x0  }
0xb3: {  	[sflag:s0] =	ssyncadd.s32 @!p0 $0xFFFFD880  }
0xb4: {  	_ =	sfence.sel $0x180000  }
0xb5: {  	[bflag:$0x0] =	sbarrier.arrive $0xFFFF  }
0xb6: {  	_ =	strace $0x9000004A  }
0xb7: {  	s0 =	stileid.u32;
	[bflag:$0x2] =	sbarrier.arrive $0xFFFF  }
0xb8: {  	p0 =	sne.s32 s0, $0x0;
	s0 =	rddreg [dreg:$0x4]  }
0xb9: {  	s0 =	sadd.s32 @!p0 $0x100000, s0  }
0xba: {  	[sflag:s0] =	ssyncadd.tile.s32 @!p0 $0x1;
	_ =	shalt  }
.Lfunc_end2:
_tile_overlayer_lowered:
.L_overlay_start_2:
0xbb: {  	(tag) =	ssettag $0x2  }
0xbc: {  	s0 =	rddreg [dreg:$0x0];
	s2 =	stileid.u32  }
0xbd: {  	s1 =	rddreg [dreg:$0x1];
	p0 =	sne.s32 s2, $0x0  }
0xbe: {  	s3 =	rddreg [dreg:$0x2];
	[bflag:$0x3] =	sbarrier.arrive $0xFFFF;
	s2 =	simm.s32 @!p0 $0x1C09  }
0xbf: {  	[timem:s3], [sflag:s2] =	dma.local @!p0 [hbm:s0], s1  }
0xc0: {  	s0 =	simm.s32 @!p0 $0x9  }
0xc1: {  	_ =	swait.ge @!p0 [sflag:s0], s1  }
0xc2: {  	s1 =	ssub.s32 @!p0 $0x0, s1;
	[sflag:s0] =	ssyncset.done @!p0 $0x0  }
0xc3: {  	[sflag:s0] =	ssyncadd.s32 @!p0 s1  }
0xc4: {  	[bflag:$0x3] =	sbarrier.arrive $0xFFFF  }
0xc5: {  	_ =	shalt  }

// kernel: kernel.14.cloned.1.call-start
scs
__scs_entry_jumppad:
0x0: {  	(pc) =	sbr.rel $0x88, $3  }
0x1: {  	(tag) =	ssettag $0x0;
	lr =	simm.s32 $0x1  }
0x2: {  	[smem:$0x3F85] =	sst lr;
	_ =	strace $0xD0000000  }
0x3: {  	_ = 	snop  }
0x4: {  	_ = 	snop  }
0x5: {  	_ = 	snop  }
0x6: {  	_ = 	snop  }
0x7: {  	_ = 	snop  }
__scs_overlays_trampoline_lowered:
0x8: {  	[smem:$0x3F94] =	sst s0  }
0x9: {  	[smem:$0x3F95] =	sst s1  }
0xa: {  	[smem:$0x3F96] =	sst s2  }
0xb: {  	[smem:$0x3F97] =	sst s3  }
0xc: {  	[smem:$0x3F98] =	sst s4  }
0xd: {  	[smem:$0x3F99] =	sst s5  }
0xe: {  	[smem:$0x3F9A] =	sst s6  }
0xf: {  	[smem:$0x3F9B] =	sst s7  }
0x10: {  	[smem:$0x3F9C] =	sst s8  }
0x11: {  	[smem:$0x3F9D] =	sst s9;
	s0 =	simm.s32 @!p0 $0x0  }
0x12: {  	s1 =	sld [smem:$0x3F83];
	s0 =	simm.s32 @p0 $0x1  }
0x13: {  	[smem:$0x3F9E] =	sst s0;
	s0 =	simm.s32 @!p1 $0x0  }
0x14: {  	s2 =	sld [smem:$0x3F82];
	s0 =	simm.s32 @p1 $0x1  }
0x15: {  	[smem:$0x3F9F] =	sst s0;
	s0 =	simm.s32 @!p2 $0x0  }
0x16: {  	s3 =	sld [smem:$0x3FDB];
	s0 =	simm.s32 @p2 $0x1  }
0x17: {  	s4 =	simm.s32 $0x1BF5;
	[smem:$0x3FA1] =	sst s0  }
0x18: {  	s0 =	sld [smem:$0x3F84];
	_ =	swait.ge [sflag:s4], $0x0  }
0x19: {  	s7 =	sld [smem:$0x3F85]  }
0x1a: {  	s8 =	sadd.s32 $0xFFFFE003, lr  }
0x1b: {  	s9 =	sadd.s32 $0xFFFFFEF7, lr;
	s5 =	simm.s32 $0xFFFFFFFF;
	p2 =	slt.u32 s8, $0xFFFFF086  }
0x1c: {  	p1 =	slt.u32 s9, $0xF7A;
	s5 =	simm.s32 @!p2 $0x0  }
0x1d: {  	s5 =	simm.s32 @p1 $0x1;
	p0 =	seq.s32 s7, s2  }
0x1e: {  	s7 =	smul.u32 @!p0 $0xF7A, s2;
	p2 =	seq.s32 @!p0 s5, $0x0  }
0x1f: {  	s9 =	smul.u32 $0xF7A, s1;
	s8 =	simm.s32 @!p0 $0x1BF5;
	p2 =	por !p2, p0  }
0x20: {  	[sflag:s8] =	ssyncset.s32 @!p0 $0xFFFFF086;
	s6 =	sadd.s32 @!p0 s3, s7;
	s7 =	simm.s32 @!p0 $0x108  }
0x21: {  	s3 =	sadd.s32 s3, s9;
	s6 =	sadd.s32 @!p0 $0x88, s6;
	s7 =	simm.s32 @p2 $0x1082  }
0x22: {  	[simem:s7], [sflag:s8] =	dma.local @!p0 [hbm:s6], $0xF7A  }
0x23: {  	s9 =	sor.u32 $0xD0000000, s2;
	s6 =	simm.s32 $0x108;
	_ =	swait.ge @!p0 [sflag:s8], $0x0  }
0x24: {  	s3 =	sadd.s32 $0x88, s3;
	s6 =	simm.s32 @!p1 $0x1082;
	[sflag:s4] =	ssyncset.s32 $0xFFFFF086  }
0x25: {  	[simem:s6], [sflag:s4] =	dma.local [hbm:s3], $0xF7A  }
0x26: {  	[smem:$0x3F85] =	sst s1;
	(tag) =	ssettag s2;
	_ =	strace s9  }
0x27: {  	s1 =	sld [smem:$0x3F95]  }
0x28: {  	s2 =	sld [smem:$0x3F96]  }
0x29: {  	s4 =	sld [smem:$0x3F98]  }
0x2a: {  	p0 =	seq.s32 s5, $0x0;
	s5 =	sld [smem:$0x3F99]  }
0x2b: {  	s6 =	sld [smem:$0x3F9A]  }
0x2c: {  	s7 =	sld [smem:$0x3F9B]  }
0x2d: {  	s3 =	simm.s32 $0x108;
	s8 =	sld [smem:$0x3F9C]  }
0x2e: {  	s3 =	simm.s32 @!p0 $0x1082;
	s9 =	sld [smem:$0x3F9D]  }
0x2f: {  	lr =	sadd.s32 s0, s3;
	s0 =	sld [smem:$0x3F94]  }
0x30: {  	s3 =	sld [smem:$0x3F97]  }
0x31: {  	[smem:$0x3FA0] =	sst s10  }
0x32: {  	s10 =	sld [smem:$0x3F9E];
	_ =	sdelay $0x3  }
0x33: {  	p0 =	seq.s32 s10, $0x1;
	s10 =	sld [smem:$0x3FA0];
	_ =	sdelay $0x3  }
0x34: {  	[smem:$0x3FA0] =	sst s10  }
0x35: {  	s10 =	sld [smem:$0x3F9F];
	_ =	sdelay $0x3  }
0x36: {  	p1 =	seq.s32 s10, $0x1;
	s10 =	sld [smem:$0x3FA0];
	_ =	sdelay $0x3  }
0x37: {  	[smem:$0x3FA0] =	sst s10  }
0x38: {  	s10 =	sld [smem:$0x3FA1]  }
0x39: {  	_ = 	snop;
	(pc) =	sbr.ind lr, $3  }
0x3a: {  	_ = 	snop  }
0x3b: {  	_ = 	snop  }
0x3c: {  	p2 =	seq.s32 s10, $0x1;
	s10 =	sld [smem:$0x3FA0]  }
0x3d: {  	_ =	shalt  }
0x3e: {  	_ =	shalt  }
0x3f: {  	_ =	shalt  }
0x40: {  	_ =	shalt  }
0x41: {  	_ =	shalt  }
0x42: {  	_ =	shalt  }
0x43: {  	_ =	shalt  }
0x44: {  	_ =	shalt  }
0x45: {  	_ =	shalt  }
0x46: {  	_ =	shalt  }
0x47: {  	_ =	shalt  }
0x48: {  	_ =	shalt  }
0x49: {  	_ =	shalt  }
0x4a: {  	_ =	shalt  }
0x4b: {  	_ =	shalt  }
0x4c: {  	_ =	shalt  }
0x4d: {  	_ =	shalt  }
0x4e: {  	_ =	shalt  }
0x4f: {  	_ =	shalt  }
0x50: {  	_ =	shalt  }
0x51: {  	_ =	shalt  }
0x52: {  	_ =	shalt  }
0x53: {  	_ =	shalt  }
0x54: {  	_ =	shalt  }
0x55: {  	_ =	shalt  }
0x56: {  	_ =	shalt  }
0x57: {  	_ =	shalt  }
0x58: {  	_ =	shalt  }
0x59: {  	_ =	shalt  }
0x5a: {  	_ =	shalt  }
0x5b: {  	_ =	shalt  }
0x5c: {  	_ =	shalt  }
0x5d: {  	_ =	shalt  }
0x5e: {  	_ =	shalt  }
0x5f: {  	_ =	shalt  }
0x60: {  	_ =	shalt  }
0x61: {  	_ =	shalt  }
0x62: {  	_ =	shalt  }
0x63: {  	_ =	shalt  }
0x64: {  	_ =	shalt  }
0x65: {  	_ =	shalt  }
0x66: {  	_ =	shalt  }
0x67: {  	_ =	shalt  }
0x68: {  	_ =	shalt  }
0x69: {  	_ =	shalt  }
0x6a: {  	_ =	shalt  }
0x6b: {  	_ =	shalt  }
0x6c: {  	_ =	shalt  }
0x6d: {  	_ =	shalt  }
0x6e: {  	_ =	shalt  }
0x6f: {  	_ =	shalt  }
0x70: {  	_ =	shalt  }
0x71: {  	_ =	shalt  }
0x72: {  	_ =	shalt  }
0x73: {  	_ =	shalt  }
0x74: {  	_ =	shalt  }
0x75: {  	_ =	shalt  }
0x76: {  	_ =	shalt  }
0x77: {  	_ =	shalt  }
0x78: {  	_ =	shalt  }
0x79: {  	_ =	shalt  }
0x7a: {  	_ =	shalt  }
0x7b: {  	_ =	shalt  }
0x7c: {  	_ =	shalt  }
0x7d: {  	_ =	shalt  }
0x7e: {  	_ =	shalt  }
0x7f: {  	_ =	shalt  }
0x80: {  	_ =	shalt  }
0x81: {  	_ =	shalt  }
0x82: {  	_ =	shalt  }
0x83: {  	_ =	shalt  }
0x84: {  	_ =	shalt  }
0x85: {  	_ =	shalt  }
0x86: {  	_ =	shalt  }
0x87: {  	_ =	shalt  }
.Lfunc_end0:
.L_simem_size_0:
called_computation.1_lowered:
.L_overlay_start_0:
0x88: {  	s2 =	sld [smem:$0x3FD9]  }
0x89: {  	s3 =	sld [smem:$0x3FFE];
	_ =	sdelay $0x1  }
0x8a: {  	s1 =	srdreg.scid  }
0x8b: {  	s0 =	sand.u32 $0x1, s1  }
0x8c: {  	s17 =	sshll.u32 s0, $0xA;
	s2 =	sadd.s32 s3, s2  }
0x8d: {  	s2 =	sadd.s32 s2, s17  }
0x8e: {  	[smem:$0x3FAC] =	sst s2  }
0x8f: {  	_ = 	snop  }
0x90: {  	s18 =	sld [smem:$0x3FC8];
	(tm) =	ssettm $0x1  }
0x91: {  	s19 =	sld [smem:$0x3FFB];
	_ =	sdelay $0x3  }
0x92: {  	_ =	strace s19  }
0x93: {  	s2 =	sld [smem:$0x3FFC];
	_ =	sdelay $0x3  }
0x94: {  	_ =	strace s2  }
0x95: {  	s2 =	sld [smem:$0x3FFD];
	_ =	sdelay $0x3  }
0x96: {  	_ =	strace s2  }
0x97: {  	_ =	strace $0x8FFFFFFF  }
0x98: {  	s20 =	sld [smem:$0x3FDB];
	_ =	sdelay $0x1  }
0x99: {  	s4 =	simm.s32 $_scs_section_size  }
0x9a: {  	s5 =	simm.s32 $_size__tile_overlayer_lowered;
	s6 =	simm.s32 $_tile_overlayer_lowered  }
0x9b: {  	s7 =	simm.s32 $0x1BFF;
	s21 =	sshll.u32 s6, $0x1;
	s4 =	sadd.s32 s4, s20  }
0x9c: {  	s22 =	simm.s32 $0x0;
	s5 =	sshll.u32 s5, $0x1;
	s6 =	sadd.s32 s21, s4  }
0x9d: {  	[timem:s22], [sflag:s7] =	dma.local [hbm:s6], s5  }
0x9e: {  	_ =	swait.ge [sflag:s7], s5  }
0x9f: {  	s5 =	ssub.s32 $0x0, s5;
	[sflag:s7] =	ssyncset.done $0x0  }
0xa0: {  	[sflag:s7] =	ssyncadd.s32 s5;
	_ =	sdelay $0x1  }
0xa1: {  	s23 =	simm.s32 $0x1B8B  }
0xa2: {  	_ =	swait.ge [sflag:s23], $0x1  }
0xa3: {  	[sflag:s23] =	ssyncset.done $0x0  }
0xa4: {  	[sflag:s23] =	ssyncadd.s32 $0xFFFFFFFF  }
0xa5: {  	s5 =	sld [smem:$0x0]  }
0xa6: {  	s6 =	sand.u32 $0xFFFFFFFE, s1  }
0xa7: {  	p0 =	sne.s32 s1, s6  }
0xa8: {  	s6 =	sshll.u32 @p0 s6, $0xE  }
0xa9: {  	s6 =	sadd.s32 @p0 $0x11B8D, s6;
	s7 =	sshll.u32 @p0 s5, $0x11  }
0xaa: {  	s6 =	sor.u32 @p0 s7, s6  }
0xab: {  	[sflag:s6] =	ssyncadd.remote.s32 @p0 $0x1;
	_ =	sdelay $0x1  }
0xac: {  	s6 =	simm.s32 @p0 $0x1B8D  }
0xad: {  	_ =	swait.eq @p0 [sflag:s6], $0x1  }
0xae: {  	[sflag:s6] =	ssyncadd.s32 @p0 $0xFFFFFFFF  }
0xaf: {  	s7 =	sshll.u32 @!p0 s1, $0xE  }
0xb0: {  	s7 =	sor.u32 @!p0 $0x4000, s7;
	s6 =	simm.s32 @!p0 $0x1B8D  }
0xb1: {  	s5 =	sshll.u32 @!p0 s5, $0x11;
	s7 =	sadd.s32 @!p0 $0x11B8D, s7;
	_ =	swait.eq @!p0 [sflag:s6], $0x1  }
0xb2: {  	s5 =	sor.u32 @!p0 s5, s7;
	[sflag:s6] =	ssyncadd.s32 @!p0 $0xFFFFFFFF  }
0xb3: {  	s25 =	simm.s32 $0x1B8E;
	s24 =	sld [smem:$0x3FFE];
	[sflag:s5] =	ssyncadd.remote.s32 @!p0 $0x1  }
0xb4: {  	s26 =	simm.s32 $execute0_lowered;
	[smem:$0x3FD2] =	sst s25  }
0xb5: {  	s6 =	sshll.u32 s26, $0x1;
	_ =	strace $0x8000004F;
	[dreg:$0x1] =	wrdreg $0xFFFFFFFF  }
0xb6: {  	s28 =	simm.s32 $_size_execute0_lowered;
	s4 =	sadd.s32 s4, s6;
	[dreg:$0x0] =	wrdreg $0x0  }
0xb7: {  	s6 =	sshll.u32 s28, $0x1;
	[dreg:$0x2] =	wrdreg s4  }
0xb8: {  	[dreg:$0x3] =	wrdreg s6  }
0xb9: {  	[dreg:$0x4] =	wrdreg $0xC0  }
0xba: {  	_ =	task [dreg:s22], $0x5FFFF  }
0xbb: {  	[dreg:$0x1] =	wrdreg $0xFFFFFFFF  }
0xbc: {  	[dreg:$0x0] =	wrdreg $0x60  }
0xbd: {  	[dreg:$0x2] =	wrdreg s24  }
0xbe: {  	[dreg:$0x3] =	wrdreg s18  }
0xbf: {  	[dreg:$0x4] =	wrdreg $0x84000  }
0xc0: {  	[dreg:$0x5] =	wrdreg $0x9  }
0xc1: {  	_ =	task.clear_ibuf [dreg:s22], $0x6FFFF;
	_ =	strace $0x9000004F  }
0xc2: {  	s29 =	simm.s32 $0x9;
	_ =	strace $0x80000051  }
0xc3: {  	_ =	swait.ge [sflag:s29], $0x1  }
0xc4: {  	[sflag:s29] =	ssyncadd.s32 $0xFFFFFFFF  }
0xc5: {  	_ =	strace $0x90000051  }
0xc6: {  	_ =	sfence  }
0xc7: {  	s30 =	sld [smem:$0x0];
	_ =	sdelay $0x2  }
0xc8: {  	s31 =	sshll.u32 s1, $0xD;
	s1 =	sshrl.u32 s1, $0x2  }
0xc9: {  	s4 =	sand.u32 $0x4000, s31;
	s1 =	sadd.s32 s1, s30  }
0xca: {  	s0 =	sor.u32 s4, s0;
	s1 =	sshll.u32 s1, $0x11  }
0xcb: {  	s0 =	sor.u32 s1, s0  }
0xcc: {  	s0 =	sadd.s32 $0x8F2B, s0  }
0xcd: {  	[sflag:s0] =	ssyncadd.remote.s32 $0x1  }
0xce: {  	_ =	sfence.sel $0xFFFF  }
0xcf: {  	[dreg:$0x0] =	wrdreg $0xFFFFFFFF;
	(pc) =	sbr.abs _section_cstart, $3  }
0xd0: {  	[dreg:$0x1] =	wrdreg $0xFFFFFFFF  }
0xd1: {  	_ =	task.clear_ibuf [dreg:s22], $0x2FFFF;
	_ =	strace $0x9FFFFFFF  }
0xd2: {  	(tm) =	ssettm $0x7FFFFFFF  }
0xd3: {  	_ =	shalt  }
tec
execute0_lowered:
.L_overlay_start_1:
0x0: {  	(tag) =	ssettag $0x1  }
0x1: {  	s0 =	rddreg [dreg:$0x0]  }
0x2: {  	s1 =	rddreg [dreg:$0x1]  }
0x3: {  	s2 =	rddreg [dreg:$0x2];
	s3 =	simm.s32 $0x0;
	s17 =	stileid.u32  }
0x4: {  	s4 =	srdreg.scid;
	s14 =	simm.s32 $0x1;
	s29 =	simm.s32 $0x0  }
0x5: {  	[smem:$0x7FF] =	sst s3;
	s5 =	smul.u32 $0x2780, s17;
	s6 =	sand.u32 $0x1, s4  }
0x6: {  	s4 =	sadd.s32 $0x37800, s0;
	s8 =	sadd.s32 $0x97600, s0;
	s11 =	smul.u32 $0x4F000, s17  }
0x7: {  	s10 =	sshll.u32 s17, $0x1;
	p1 =	sgt.u32 s17, $0x1;
	s15 =	smul.u32 $0x13C00, s17  }
0x8: {  	p0 =	slt.u32 s17, $0x2;
	s22 =	sadd.s32 $0x128400, s2;
	s16 =	smul.u32 $0x9C, s17  }
0x9: {  	_ =	strace $0x80000050;
	s21 =	ssub.s32 $0x2, s6;
	s10 =	sor.u32 s6, s10  }
0xa: {  	[dreg:$0x6] =	wrdreg s22;
	s25 =	smul.u32 $0x138800, s6;
	s14 =	simm.s32 @!p0 $0x0  }
0xb: {  	s6 =	smul.u32 $0x4E, s6;
	s7 =	sadd.s32 s5, s0;
	s9 =	sshrl.u32 s21, $0x1  }
0xc: {  	s12 =	smul.u32 $0x4E, s10;
	s5 =	simm.s32 $0x4F;
	s10 =	smin.u32 s10, $0x4  }
0xd: {  	s11 =	sshrl.u32 s11, $0x2;
	s0 =	sadd.s32 $0x35680, s0;
	s14 =	sadd.s32 $0x7, s14  }
0xe: {  	s9 =	ssub.s32 s21, s9;
	s5 =	simm.s32 @!p0 $0x4E;
	s11 =	sadd.s32 s11, s2  }
0xf: {  	s7 =	sadd.s32 $0x10600, s7;
	[dreg:$0x7] =	wrdreg s0;
	s26 =	sadd.s32 s15, s25  }
0x10: {  	s0 =	sshrl.u32 s25, $0x3;
	s6 =	sadd.s32 s6, s16;
	p0 =	seq.s32 s17, $0xF  }
0x11: {  	s25 =	simm.s32 $0x5;
	s12 =	sadd.s32 s10, s12;
	[dreg:$0x4] =	wrdreg s11  }
0x12: {  	[dreg:$0x5] =	wrdreg s7;
	s0 =	sadd.s32 s8, s0;
	s6 =	sadd.s32 s10, s6  }
0x13: {  	s30 =	smax.u32 s9, $0x1;
	s19 =	sadd.s32 $0xFFFFFFFE, s5;
	s23 =	sshll.u32 s12, $0x5  }
0x14: {  	s0 =	sadd.s32 $0x25080, s0;
	s6 =	sshll.u32 s6, $0x5;
	[dreg:$0xc] =	wrdreg s30  }
0x15: {  	s24 =	sadd.s32 s1, s23;
	[dreg:$0xb] =	wrdreg s0;
	s28 =	sadd.s32 $0x40, s23  }
0x16: {  	s6 =	sadd.s32 s1, s6;
	[dreg:$0x8] =	wrdreg s24;
	s11 =	sadd.s32 $0x20, s24  }
0x17: {  	s0 =	sand.u32 $0x1FFFFFE0, s28;
	[dreg:$0x9] =	wrdreg s11;
	s11 =	simm.s32 $0x1  }
0x18: {  	s31 =	ssub.s32 $0xFFFFFFA0, s6;
	s0 =	sadd.s32 s1, s0;
	s11 =	simm.s32 @!p1 $0x0  }
0x19: {  	[dreg:$0xe] =	wrdreg s31;
	s13 =	sadd.s32 $0x7, s11;
	s11 =	sshrl.u32 s26, $0x3  }
0x1a: {  	s23 =	simm.s32 $0x80;
	[dreg:$0xd] =	wrdreg s0;
	s11 =	sadd.s32 s8, s11  }
0x1b: {  	s21 =	sadd.s32 $0x60, s6;
	s26 =	simm.s32 $0x2;
	[dreg:$0xa] =	wrdreg s11  }
.LBB2_1:
0x1c: {  	s0 =	rddreg [dreg:$0x6]  }
0x1d: {  	s1 =	rddreg [dreg:$0x7];
	s30 =	sshrl.u32 @p0 s0, $0x3;
	s0 =	simm.s32 @p0 $0x1FC9  }
0x1e: {  	[spmem:s30], [sflag:s0] =	dma.local @p0 [hbm:s1], $0x2080  }
0x1f: {  	s31 =	simm.s32 @p0 $0x9;
	s1 =	stileid.u32  }
0x20: {  	_ =	swait.ge @p0 [sflag:s31], $0x2080;
	s1 =	sshll.u32 @!p0 s1, $0x6  }
0x21: {  	[sflag:s31] =	ssyncset.done @p0 $0x0;
	s24 =	sor.u32 @!p0 $0x1C09, s1;
	s1 =	rddreg [dreg:$0x4]  }
0x22: {  	[sflag:s31] =	ssyncadd.s32 @p0 $0xFFFFDF80;
	s28 =	sshrl.u32 @!p0 s1, $0x3;
	s1 =	rddreg [dreg:$0x5]  }
0x23: {  	[spmem:s28], [sflag:s24] =	dma.local @!p0 [hbm:s1], $0x2780  }
0x24: {  	s1 =	simm.s32 @!p0 $0x9  }
0x25: {  	_ =	swait.ge @!p0 [sflag:s1], $0x2780  }
0x26: {  	[sflag:s1] =	ssyncset.done @!p0 $0x0  }
0x27: {  	[sflag:s1] =	ssyncadd.s32 @!p0 $0xFFFFD880  }
0x28: {  	[bflag:$0x0] =	sbarrier.arrive $0xFFFF  }
0x29: {  	s6 =	rddreg [dreg:$0x8]  }
0x2a: {  	[tilespmem:s3], [sflag:$0x1] =	stream.linear.gather [hbm4b:s6+s3], $0x100, $0x38;
	[tilespmem:$0x1BC80] =	vst v63  }
0x2b: {  	s7 =	simm.s32 $0x100;
	s10 =	simm.s32 $0x1;
	s9 =	rddreg [dreg:$0x9]  }
0x2c: {  	[tilespmem:s7], [sflag:$0x2] =	stream.linear.gather [hbm4b:s9+s3], $0x100, $0x38;
	[tilespmem:$0x1BC80] =	vst v63  }
0x2d: {  	_ =	swait.ge [sflag:s10], $0x100  }
0x2e: {  	[sflag:s10] =	ssyncset.done $0x0  }
0x2f: {  	s8 =	simm.s32 $0x400;
	[sflag:s10] =	ssyncadd.s32 $0xFFFFFF00  }
0x30: {  	[tilespmem:s8], [sflag:$0x5] =	stream.indirect.gather [hbm4b:s4+s23], $0x80, s3, s23, $0xb8;
	[tilespmem:$0x1BC80] =	vst v63  }
0x31: {  	s9 =	simm.s32 $0x200;
	s11 =	rddreg [dreg:$0xd]  }
0x32: {  	[tilespmem:s9], [sflag:$0x3] =	stream.linear.gather [hbm4b:s11+s3], $0x100, $0x38;
	[tilespmem:$0x1BC80] =	vst v63  }
0x33: {  	_ =	swait.ge [sflag:s25], $0x4000  }
0x34: {  	[sflag:s25] =	ssyncset.done $0x0  }
0x35: {  	[sflag:s25] =	ssyncadd.s32 $0xFFFFC000  }
0x36: {  	[spmem:s2] =	stream.indirect.scatter.add.f32 [tilespmem:s8], [sflag:$0x7], $0x80, s23, s23, $0xb8;
	[tilespmem:$0x1BC80] =	vst v63  }
0x37: {  	_ =	swait.ge [sflag:s26], $0x100  }
0x38: {  	s12 =	simm.s32 $0x4400;
	p1 =	sle.u32 s5, $0x3;
	[sflag:s26] =	ssyncset.done $0x0  }
0x39: {  	s16 =	simm.s32 $0x2;
	s15 =	simm.s32 @!p1 $0x0;
	[sflag:s26] =	ssyncadd.s32 $0xFFFFFF00  }
0x3a: {  	[tilespmem:s12], [sflag:$0x6] =	stream.indirect.gather [hbm4b:s4+s23], $0x80, s7, s23, $0xb8;
	[tilespmem:$0x1BC80] =	vst v63  }
0x3b: {  	s17 =	sand.u32 $0x3, s16;
	s6 =	simm.s32 $0x1;
	s7 =	simm.s32 $0x3  }
0x3c: {  	s10 =	sand.u32 $0x1, s6;
	s8 =	sand.u32 $0xC00, s8;
	s9 =	sand.u32 @!p1 $0x3, s7  }
0x3d: {  	s7 =	sadd.s32 $0x5, s10;
	s11 =	sshll.u32 @!p1 s9, $0x8;
	s9 =	sadd.s32 @!p1 $0x1, s9  }
0x3e: {  	[tilespmem:s11], [sflag:s9] =	stream.linear.gather @!p1 [hbm4b:s21+s15], $0x100, $0x38;
	[tilespmem:$0x1BC80] =	vst v63  }
0x3f: {  	s18 =	sadd.s32 $0x1, s17;
	s8 =	sshrl.u32 s8, $0x2;
	_ =	swait.ge [sflag:s7], $0x4000  }
0x40: {  	s8 =	sor.u32 $0x80, s8;
	s15 =	sshll.u32 s10, $0xE;
	[sflag:s7] =	ssyncset.done $0x0  }
0x41: {  	s9 =	sor.u32 $0x400, s15;
	s15 =	sadd.s32 $0x7, s10;
	[sflag:s7] =	ssyncadd.s32 $0xFFFFC000  }
0x42: {  	[spmem:s2] =	stream.indirect.scatter.add.f32 [tilespmem:s9], [sflag:s15], $0x80, s8, s23, $0xb8;
	[tilespmem:$0x1BC80] =	vst v63  }
0x43: {  	p2 =	sne.s32 s19, $0x1;
	_ =	swait.ge [sflag:s18], $0x100  }
.Ltmp0:
0x44: {  	s20 =	sand.u32 $0x1, s16;
	[sflag:s18] =	ssyncset.done $0x0;
	(pc) =	sbr.rel @!p2 .LBB2_3-.Ltmp0, $4  }
0x45: {  	s16 =	sadd.s32 $0x7, s20;
	s12 =	sshll.u32 s20, $0xE;
	[sflag:s18] =	ssyncadd.s32 $0xFFFFFF00  }
0x46: {  	s22 =	sshll.u32 s17, $0x8;
	s17 =	sor.u32 $0x400, s12;
	_ =	swait.ge [sflag:s16], $0x4000  }
0x47: {  	s10 =	sadd.s32 $0x20, s21;
	s8 =	simm.s32 $0x800;
	s18 =	rddreg [dreg:$0xe]  }
0x48: {  	[sflag:s16] =	ssyncset.done $0x0;
	s11 =	sadd.s32 $0xFFFFFFE0, s18;
	s18 =	sadd.s32 $0x5, s20  }
.LBB2_2:
0x49: {  	s7 =	sadd.s32 $0x3, s6  }
0x4a: {  	[sflag:s16] =	ssyncadd.s32 $0xFFFFC000;
	s9 =	smov.u32 s6;
	s6 =	sadd.s32 $0x1, s6  }
0x4b: {  	[tilespmem:s17], [sflag:s18] =	stream.indirect.gather [hbm4b:s4+s23], $0x80, s22, s23, $0xb8;
	[tilespmem:$0x1BC80] =	vst v63  }
0x4c: {  	p1 =	sge.u32 s7, s5;
	s12 =	sand.u32 $0x1, s6;
	p2 =	sne.s32 s19, s6  }
0x4d: {  	s15 =	sand.u32 @!p1 $0x3, s7;
	s7 =	sadd.s32 $0x5, s12;
	s16 =	sshll.u32 s12, $0xE  }
0x4e: {  	s18 =	simm.s32 @!p1 $0x0;
	s17 =	sshll.u32 @!p1 s15, $0x8;
	s15 =	sadd.s32 @!p1 $0x1, s15  }
0x4f: {  	[tilespmem:s17], [sflag:s15] =	stream.linear.gather @!p1 [hbm4b:s10+s18], $0x100, $0x38;
	[tilespmem:$0x1BC80] =	vst v63  }
0x50: {  	s15 =	sand.u32 $0xC00, s8;
	s17 =	sadd.s32 $0x2, s9;
	_ =	swait.ge [sflag:s7], $0x4000  }
0x51: {  	s15 =	sshrl.u32 s15, $0x2;
	s18 =	sand.u32 $0x3, s17;
	[sflag:s7] =	ssyncset.done $0x0  }
0x52: {  	s9 =	sor.u32 $0x400, s16;
	s20 =	sadd.s32 $0x1, s18;
	[sflag:s7] =	ssyncadd.s32 $0xFFFFC000  }
0x53: {  	s16 =	sor.u32 $0x80, s15;
	s15 =	sadd.s32 $0x7, s12;
	s12 =	sand.u32 $0x1, s17  }
0x54: {  	[spmem:s2] =	stream.indirect.scatter.add.f32 [tilespmem:s9], [sflag:s15], $0x80, s16, s23, $0xb8;
	[tilespmem:$0x1BC80] =	vst v63  }
.Ltmp1:
0x55: {  	s17 =	sshll.u32 s12, $0xE;
	_ =	swait.ge [sflag:s20], $0x100;
	(pc) =	sbr.rel @p2 .LBB2_2-.Ltmp1, $4  }
0x56: {  	s16 =	sadd.s32 $0x7, s12;
	[sflag:s20] =	ssyncset.done $0x0  }
0x57: {  	s8 =	sadd.s32 $0x400, s8;
	s10 =	sadd.s32 $0x20, s10;
	[sflag:s20] =	ssyncadd.s32 $0xFFFFFF00  }
0x58: {  	s11 =	sadd.s32 $0xFFFFFFE0, s11;
	s22 =	sshll.u32 s18, $0x8;
	_ =	swait.ge [sflag:s16], $0x4000  }
0x59: {  	s18 =	sadd.s32 $0x5, s12;
	s17 =	sor.u32 $0x400, s17;
	[sflag:s16] =	ssyncset.done $0x0  }
.LBB2_3:
0x5a: {  	[sflag:s16] =	ssyncadd.s32 $0xFFFFC000;
	s10 =	sadd.s32 $0x3, s6  }
0x5b: {  	[tilespmem:s17], [sflag:s18] =	stream.indirect.gather [hbm4b:s4+s23], $0x80, s22, s23, $0xb8;
	[tilespmem:$0x1BC80] =	vst v63  }
0x5c: {  	p2 =	sge.u32 s10, s5  }
0x5d: {  	s10 =	sand.u32 @!p2 $0x3, s10;
	s11 =	ssub.s32 @!p2 $0x0, s11  }
0x5e: {  	s20 =	simm.s32 @!p2 $0x0;
	s12 =	sshll.u32 @!p2 s10, $0x8;
	s10 =	sadd.s32 @!p2 $0x1, s10  }
0x5f: {  	[tilespmem:s12], [sflag:s10] =	stream.linear.gather @!p2 [hbm4b:s11+s20], $0x100, $0x38;
	[tilespmem:$0x1BC80] =	vst v63  }
0x60: {  	s8 =	sand.u32 $0xC00, s8;
	_ =	swait.ge [sflag:s18], $0x4000  }
0x61: {  	s6 =	sadd.s32 $0x2, s6;
	s8 =	sshrl.u32 s8, $0x2;
	[sflag:s18] =	ssyncset.done $0x0  }
0x62: {  	s6 =	sand.u32 @!p1 $0x3, s6;
	s8 =	sor.u32 $0x80, s8;
	[sflag:s18] =	ssyncadd.s32 $0xFFFFC000  }
0x63: {  	[spmem:s2] =	stream.indirect.scatter.add.f32 [tilespmem:s17], [sflag:s16], $0x80, s8, s23, $0xb8;
	[tilespmem:$0x1BC80] =	vst v63  }
0x64: {  	s8 =	sadd.s32 @!p1 $0x1, s6  }
0x65: {  	_ =	swait.ge @!p1 [sflag:s8], $0x100  }
0x66: {  	[sflag:s8] =	ssyncset.done @!p1 $0x0  }
0x67: {  	[sflag:s8] =	ssyncadd.s32 @!p1 $0xFFFFFF00  }
0x68: {  	_ =	swait.ge @!p1 [sflag:s15], $0x4000  }
0x69: {  	[sflag:s15] =	ssyncset.done @!p1 $0x0  }
0x6a: {  	s6 =	sshll.u32 @!p1 s6, $0x8;
	s8 =	simm.s32 @!p1 $0x80;
	[sflag:s15] =	ssyncadd.s32 @!p1 $0xFFFFC000  }
0x6b: {  	[tilespmem:s9], [sflag:s7] =	stream.indirect.gather @!p1 [hbm4b:s4+s8], $0x80, s6, s8, $0xb8;
	[tilespmem:$0x1BC80] =	vst v63  }
0x6c: {  	_ =	swait.ge [sflag:s13], $0x4000  }
0x6d: {  	[sflag:s13] =	ssyncset.done $0x0  }
0x6e: {  	[sflag:s13] =	ssyncadd.s32 $0xFFFFC000  }
0x6f: {  	_ =	swait.ge [sflag:s14], $0x4000  }
0x70: {  	[sflag:s14] =	ssyncset.done $0x0  }
0x71: {  	[sflag:s14] =	ssyncadd.s32 $0xFFFFC000  }
0x72: {  	[bflag:$0x0] =	sbarrier.arrive $0xFFFF  }
0x73: {  	s6 =	rddreg [dreg:$0xb]  }
0x74: {  	[hbm:s6], [sflag:s0] =	dma.local @p0 [spmem:s30], $0x2080  }
0x75: {  	_ =	swait.ge @p0 [sflag:s31], $0x2080  }
0x76: {  	[sflag:s31] =	ssyncset.done @p0 $0x0  }
0x77: {  	s0 =	rddreg [dreg:$0xa];
	[sflag:s31] =	ssyncadd.s32 @p0 $0xFFFFDF80  }
0x78: {  	[hbm:s0], [sflag:s24] =	dma.local @!p0 [spmem:s28], $0x2780  }
0x79: {  	_ =	swait.ge @!p0 [sflag:s1], $0x2780  }
0x7a: {  	s29 =	sadd.s32 $0x1, s29;
	s31 =	rddreg [dreg:$0xc]  }
0x7b: {  	p1 =	sne.s32 s29, s31  }
.Ltmp2:
0x7c: {  	_ = 	snop;
	(pc) =	sbr.rel @p1 .LBB2_1-.Ltmp2, $3  }
0x7d: {  	_ =	sdelay $0x1  }
0x7e: {  	[sflag:s1] =	ssyncset.done @!p0 $0x0  }
0x7f: {  	[sflag:s1] =	ssyncadd.s32 @!p0 $0xFFFFD880  }
0x80: {  	_ =	sfence.sel $0x180000  }
0x81: {  	[bflag:$0x0] =	sbarrier.arrive $0xFFFF  }
0x82: {  	_ =	strace $0x90000050  }
0x83: {  	s0 =	stileid.u32;
	[bflag:$0x2] =	sbarrier.arrive $0xFFFF  }
0x84: {  	p0 =	sne.s32 s0, $0x0;
	s0 =	rddreg [dreg:$0x3]  }
0x85: {  	s0 =	sadd.s32 @!p0 $0x100000, s0  }
0x86: {  	[sflag:s0] =	ssyncadd.tile.s32 @!p0 $0x1;
	_ =	shalt  }
.Lfunc_end2:
_tile_overlayer_lowered:
.L_overlay_start_2:
0x87: {  	(tag) =	ssettag $0x2  }
0x88: {  	s0 =	rddreg [dreg:$0x0];
	s2 =	stileid.u32  }
0x89: {  	s1 =	rddreg [dreg:$0x1];
	p0 =	sne.s32 s2, $0x0  }
0x8a: {  	s3 =	rddreg [dreg:$0x2];
	[bflag:$0x3] =	sbarrier.arrive $0xFFFF;
	s2 =	simm.s32 @!p0 $0x1C09  }
0x8b: {  	[timem:s3], [sflag:s2] =	dma.local @!p0 [hbm:s0], s1  }
0x8c: {  	s0 =	simm.s32 @!p0 $0x9  }
0x8d: {  	_ =	swait.ge @!p0 [sflag:s0], s1  }
0x8e: {  	s1 =	ssub.s32 @!p0 $0x0, s1;
	[sflag:s0] =	ssyncset.done @!p0 $0x0  }
0x8f: {  	[sflag:s0] =	ssyncadd.s32 @!p0 s1  }
0x90: {  	[bflag:$0x3] =	sbarrier.arrive $0xFFFF  }
0x91: {  	_ =	shalt  }

// kernel: kernel.17.cloned.1.call-start
scs
__scs_entry_jumppad:
0x0: {  	(pc) =	sbr.rel $0x88, $3  }
0x1: {  	(tag) =	ssettag $0x0;
	lr =	simm.s32 $0x1  }
0x2: {  	[smem:$0x3F85] =	sst lr;
	_ =	strace $0xD0000000  }
0x3: {  	_ = 	snop  }
0x4: {  	_ = 	snop  }
0x5: {  	_ = 	snop  }
0x6: {  	_ = 	snop  }
0x7: {  	_ = 	snop  }
__scs_overlays_trampoline_lowered:
0x8: {  	[smem:$0x3F94] =	sst s0  }
0x9: {  	[smem:$0x3F95] =	sst s1  }
0xa: {  	[smem:$0x3F96] =	sst s2  }
0xb: {  	[smem:$0x3F97] =	sst s3  }
0xc: {  	[smem:$0x3F98] =	sst s4  }
0xd: {  	[smem:$0x3F99] =	sst s5  }
0xe: {  	[smem:$0x3F9A] =	sst s6  }
0xf: {  	[smem:$0x3F9B] =	sst s7  }
0x10: {  	[smem:$0x3F9C] =	sst s8  }
0x11: {  	[smem:$0x3F9D] =	sst s9;
	s0 =	simm.s32 @!p0 $0x0  }
0x12: {  	s1 =	sld [smem:$0x3F83];
	s0 =	simm.s32 @p0 $0x1  }
0x13: {  	[smem:$0x3F9E] =	sst s0;
	s0 =	simm.s32 @!p1 $0x0  }
0x14: {  	s2 =	sld [smem:$0x3F82];
	s0 =	simm.s32 @p1 $0x1  }
0x15: {  	[smem:$0x3F9F] =	sst s0;
	s0 =	simm.s32 @!p2 $0x0  }
0x16: {  	s3 =	sld [smem:$0x3FDB];
	s0 =	simm.s32 @p2 $0x1  }
0x17: {  	s4 =	simm.s32 $0x1BF5;
	[smem:$0x3FA1] =	sst s0  }
0x18: {  	s0 =	sld [smem:$0x3F84];
	_ =	swait.ge [sflag:s4], $0x0  }
0x19: {  	s7 =	sld [smem:$0x3F85]  }
0x1a: {  	s8 =	sadd.s32 $0xFFFFE003, lr  }
0x1b: {  	s9 =	sadd.s32 $0xFFFFFEF7, lr;
	s5 =	simm.s32 $0xFFFFFFFF;
	p2 =	slt.u32 s8, $0xFFFFF086  }
0x1c: {  	p1 =	slt.u32 s9, $0xF7A;
	s5 =	simm.s32 @!p2 $0x0  }
0x1d: {  	s5 =	simm.s32 @p1 $0x1;
	p0 =	seq.s32 s7, s2  }
0x1e: {  	s7 =	smul.u32 @!p0 $0xF7A, s2;
	p2 =	seq.s32 @!p0 s5, $0x0  }
0x1f: {  	s9 =	smul.u32 $0xF7A, s1;
	s8 =	simm.s32 @!p0 $0x1BF5;
	p2 =	por !p2, p0  }
0x20: {  	[sflag:s8] =	ssyncset.s32 @!p0 $0xFFFFF086;
	s6 =	sadd.s32 @!p0 s3, s7;
	s7 =	simm.s32 @!p0 $0x108  }
0x21: {  	s3 =	sadd.s32 s3, s9;
	s6 =	sadd.s32 @!p0 $0x88, s6;
	s7 =	simm.s32 @p2 $0x1082  }
0x22: {  	[simem:s7], [sflag:s8] =	dma.local @!p0 [hbm:s6], $0xF7A  }
0x23: {  	s9 =	sor.u32 $0xD0000000, s2;
	s6 =	simm.s32 $0x108;
	_ =	swait.ge @!p0 [sflag:s8], $0x0  }
0x24: {  	s3 =	sadd.s32 $0x88, s3;
	s6 =	simm.s32 @!p1 $0x1082;
	[sflag:s4] =	ssyncset.s32 $0xFFFFF086  }
0x25: {  	[simem:s6], [sflag:s4] =	dma.local [hbm:s3], $0xF7A  }
0x26: {  	[smem:$0x3F85] =	sst s1;
	(tag) =	ssettag s2;
	_ =	strace s9  }
0x27: {  	s1 =	sld [smem:$0x3F95]  }
0x28: {  	s2 =	sld [smem:$0x3F96]  }
0x29: {  	s4 =	sld [smem:$0x3F98]  }
0x2a: {  	p0 =	seq.s32 s5, $0x0;
	s5 =	sld [smem:$0x3F99]  }
0x2b: {  	s6 =	sld [smem:$0x3F9A]  }
0x2c: {  	s7 =	sld [smem:$0x3F9B]  }
0x2d: {  	s3 =	simm.s32 $0x108;
	s8 =	sld [smem:$0x3F9C]  }
0x2e: {  	s3 =	simm.s32 @!p0 $0x1082;
	s9 =	sld [smem:$0x3F9D]  }
0x2f: {  	lr =	sadd.s32 s0, s3;
	s0 =	sld [smem:$0x3F94]  }
0x30: {  	s3 =	sld [smem:$0x3F97]  }
0x31: {  	[smem:$0x3FA0] =	sst s10  }
0x32: {  	s10 =	sld [smem:$0x3F9E];
	_ =	sdelay $0x3  }
0x33: {  	p0 =	seq.s32 s10, $0x1;
	s10 =	sld [smem:$0x3FA0];
	_ =	sdelay $0x3  }
0x34: {  	[smem:$0x3FA0] =	sst s10  }
0x35: {  	s10 =	sld [smem:$0x3F9F];
	_ =	sdelay $0x3  }
0x36: {  	p1 =	seq.s32 s10, $0x1;
	s10 =	sld [smem:$0x3FA0];
	_ =	sdelay $0x3  }
0x37: {  	[smem:$0x3FA0] =	sst s10  }
0x38: {  	s10 =	sld [smem:$0x3FA1]  }
0x39: {  	_ = 	snop;
	(pc) =	sbr.ind lr, $3  }
0x3a: {  	_ = 	snop  }
0x3b: {  	_ = 	snop  }
0x3c: {  	p2 =	seq.s32 s10, $0x1;
	s10 =	sld [smem:$0x3FA0]  }
0x3d: {  	_ =	shalt  }
0x3e: {  	_ =	shalt  }
0x3f: {  	_ =	shalt  }
0x40: {  	_ =	shalt  }
0x41: {  	_ =	shalt  }
0x42: {  	_ =	shalt  }
0x43: {  	_ =	shalt  }
0x44: {  	_ =	shalt  }
0x45: {  	_ =	shalt  }
0x46: {  	_ =	shalt  }
0x47: {  	_ =	shalt  }
0x48: {  	_ =	shalt  }
0x49: {  	_ =	shalt  }
0x4a: {  	_ =	shalt  }
0x4b: {  	_ =	shalt  }
0x4c: {  	_ =	shalt  }
0x4d: {  	_ =	shalt  }
0x4e: {  	_ =	shalt  }
0x4f: {  	_ =	shalt  }
0x50: {  	_ =	shalt  }
0x51: {  	_ =	shalt  }
0x52: {  	_ =	shalt  }
0x53: {  	_ =	shalt  }
0x54: {  	_ =	shalt  }
0x55: {  	_ =	shalt  }
0x56: {  	_ =	shalt  }
0x57: {  	_ =	shalt  }
0x58: {  	_ =	shalt  }
0x59: {  	_ =	shalt  }
0x5a: {  	_ =	shalt  }
0x5b: {  	_ =	shalt  }
0x5c: {  	_ =	shalt  }
0x5d: {  	_ =	shalt  }
0x5e: {  	_ =	shalt  }
0x5f: {  	_ =	shalt  }
0x60: {  	_ =	shalt  }
0x61: {  	_ =	shalt  }
0x62: {  	_ =	shalt  }
0x63: {  	_ =	shalt  }
0x64: {  	_ =	shalt  }
0x65: {  	_ =	shalt  }
0x66: {  	_ =	shalt  }
0x67: {  	_ =	shalt  }
0x68: {  	_ =	shalt  }
0x69: {  	_ =	shalt  }
0x6a: {  	_ =	shalt  }
0x6b: {  	_ =	shalt  }
0x6c: {  	_ =	shalt  }
0x6d: {  	_ =	shalt  }
0x6e: {  	_ =	shalt  }
0x6f: {  	_ =	shalt  }
0x70: {  	_ =	shalt  }
0x71: {  	_ =	shalt  }
0x72: {  	_ =	shalt  }
0x73: {  	_ =	shalt  }
0x74: {  	_ =	shalt  }
0x75: {  	_ =	shalt  }
0x76: {  	_ =	shalt  }
0x77: {  	_ =	shalt  }
0x78: {  	_ =	shalt  }
0x79: {  	_ =	shalt  }
0x7a: {  	_ =	shalt  }
0x7b: {  	_ =	shalt  }
0x7c: {  	_ =	shalt  }
0x7d: {  	_ =	shalt  }
0x7e: {  	_ =	shalt  }
0x7f: {  	_ =	shalt  }
0x80: {  	_ =	shalt  }
0x81: {  	_ =	shalt  }
0x82: {  	_ =	shalt  }
0x83: {  	_ =	shalt  }
0x84: {  	_ =	shalt  }
0x85: {  	_ =	shalt  }
0x86: {  	_ =	shalt  }
0x87: {  	_ =	shalt  }
.Lfunc_end0:
.L_simem_size_0:
called_computation.2_lowered:
.L_overlay_start_0:
0x88: {  	s2 =	sld [smem:$0x3FD9]  }
0x89: {  	s3 =	sld [smem:$0x3FFE];
	_ =	sdelay $0x1  }
0x8a: {  	s1 =	srdreg.scid  }
0x8b: {  	s0 =	sand.u32 $0x1, s1  }
0x8c: {  	s17 =	sshll.u32 s0, $0xA;
	s2 =	sadd.s32 s3, s2  }
0x8d: {  	s2 =	sadd.s32 s2, s17  }
0x8e: {  	[smem:$0x3FAC] =	sst s2  }
0x8f: {  	_ = 	snop  }
0x90: {  	s2 =	sld [smem:$0x3FC7]  }
0x91: {  	s18 =	sld [smem:$0x3FC6]  }
0x92: {  	s4 =	sld [smem:$0x3FD0];
	(tm) =	ssettm $0x1  }
0x93: {  	s5 =	sld [smem:$0x3FFB];
	_ =	sdelay $0x3  }
0x94: {  	_ =	strace s5  }
0x95: {  	s5 =	sld [smem:$0x3FFC];
	_ =	sdelay $0x3  }
0x96: {  	_ =	strace s5  }
0x97: {  	s5 =	sld [smem:$0x3FFD];
	_ =	sdelay $0x3  }
0x98: {  	_ =	strace s5  }
0x99: {  	_ =	strace $0x8FFFFFFF  }
0x9a: {  	s19 =	sld [smem:$0x3FDB];
	_ =	sdelay $0x1  }
0x9b: {  	s6 =	simm.s32 $_scs_section_size  }
0x9c: {  	s7 =	simm.s32 $_size__tile_overlayer_lowered;
	s8 =	simm.s32 $_tile_overlayer_lowered  }
0x9d: {  	s22 =	simm.s32 $0x1BFF;
	s21 =	sshll.u32 s8, $0x1;
	s5 =	sadd.s32 s6, s19  }
0x9e: {  	s9 =	simm.s32 $0x0;
	s20 =	sshll.u32 s7, $0x1;
	s7 =	sadd.s32 s21, s5  }
0x9f: {  	[timem:s9], [sflag:s22] =	dma.local [hbm:s7], s20  }
0xa0: {  	_ =	swait.ge [sflag:s22], s20  }
0xa1: {  	s6 =	ssub.s32 $0x0, s20;
	[sflag:s22] =	ssyncset.done $0x0  }
0xa2: {  	[sflag:s22] =	ssyncadd.s32 s6;
	_ =	sdelay $0x1  }
0xa3: {  	s23 =	simm.s32 $0x1B8B  }
0xa4: {  	_ =	swait.ge [sflag:s23], $0x1  }
0xa5: {  	[sflag:s23] =	ssyncset.done $0x0  }
0xa6: {  	s25 =	simm.s32 $0x1B8E;
	s24 =	sld [smem:$0x3FFE];
	[sflag:s23] =	ssyncadd.s32 $0xFFFFFFFF  }
0xa7: {  	s26 =	simm.s32 $execute0_lowered;
	[smem:$0x3FD2] =	sst s25  }
0xa8: {  	s7 =	sshll.u32 s26, $0x1;
	_ =	strace $0x80000046;
	[dreg:$0x1] =	wrdreg $0xFFFFFFFF  }
0xa9: {  	s28 =	simm.s32 $_size_execute0_lowered;
	s5 =	sadd.s32 s5, s7;
	[dreg:$0x0] =	wrdreg $0x0  }
0xaa: {  	s7 =	sshll.u32 s28, $0x1;
	[dreg:$0x2] =	wrdreg s5  }
0xab: {  	[dreg:$0x3] =	wrdreg s7  }
0xac: {  	[dreg:$0x4] =	wrdreg $0xC0  }
0xad: {  	_ =	task [dreg:s9], $0x5FFFF  }
0xae: {  	[dreg:$0x1] =	wrdreg $0xFFFFFFFF  }
0xaf: {  	[dreg:$0x0] =	wrdreg $0x60  }
0xb0: {  	[dreg:$0x2] =	wrdreg s2  }
0xb1: {  	[dreg:$0x3] =	wrdreg s18  }
0xb2: {  	[dreg:$0x4] =	wrdreg s24  }
0xb3: {  	[dreg:$0x5] =	wrdreg s4  }
0xb4: {  	[dreg:$0x6] =	wrdreg $0x84000  }
0xb5: {  	[dreg:$0x7] =	wrdreg $0xA  }
0xb6: {  	_ =	task.clear_ibuf [dreg:s9], $0x8FFFF;
	_ =	strace $0x90000046  }
0xb7: {  	s29 =	simm.s32 $0xA;
	_ =	strace $0x80000048  }
0xb8: {  	_ =	swait.ge [sflag:s29], $0x1  }
0xb9: {  	[sflag:s29] =	ssyncadd.s32 $0xFFFFFFFF  }
0xba: {  	_ =	strace $0x90000048  }
0xbb: {  	_ =	sfence  }
0xbc: {  	s30 =	sld [smem:$0x0];
	_ =	sdelay $0x2  }
0xbd: {  	s31 =	sshll.u32 s1, $0xD;
	s1 =	sshrl.u32 s1, $0x2  }
0xbe: {  	s3 =	sand.u32 $0x4000, s31;
	s1 =	sadd.s32 s1, s30  }
0xbf: {  	s0 =	sor.u32 s3, s0;
	s1 =	sshll.u32 s1, $0x11  }
0xc0: {  	s0 =	sor.u32 s1, s0  }
0xc1: {  	s0 =	sadd.s32 $0x8F2B, s0  }
0xc2: {  	[sflag:s0] =	ssyncadd.remote.s32 $0x1  }
0xc3: {  	_ =	sfence.sel $0xFFFF  }
0xc4: {  	[dreg:$0x0] =	wrdreg $0xFFFFFFFF;
	(pc) =	sbr.abs _section_cstart, $3  }
0xc5: {  	[dreg:$0x1] =	wrdreg $0xFFFFFFFF  }
0xc6: {  	_ =	task.clear_ibuf [dreg:s9], $0x2FFFF;
	_ =	strace $0x9FFFFFFF  }
0xc7: {  	(tm) =	ssettm $0x7FFFFFFF  }
tec
execute0_lowered:
.L_overlay_start_1:
0x0: {  	(tag) =	ssettag $0x1  }
0x1: {  	s1 =	rddreg [dreg:$0x0]  }
0x2: {  	s2 =	rddreg [dreg:$0x1]  }
0x3: {  	s0 =	rddreg [dreg:$0x2]  }
0x4: {  	s3 =	rddreg [dreg:$0x3];
	s13 =	stileid.u32  }
0x5: {  	s5 =	srdreg.scid;
	s4 =	rddreg [dreg:$0x4]  }
0x6: {  	s15 =	simm.s32 $0x1;
	s16 =	simm.s32 $0x1;
	s14 =	simm.s32 $0x1  }
0x7: {  	s29 =	simm.s32 $0x5;
	s30 =	simm.s32 $0x2;
	s6 =	sand.u32 $0x1, s5  }
0x8: {  	s7 =	sshll.u32 s13, $0x1;
	s5 =	simm.s32 $0x0;
	s19 =	sshll.u32 s13, $0xB  }
0x9: {  	s11 =	sadd.s32 $0x6000, s0;
	p0 =	sgt.u32 s13, $0xC;
	p1 =	slt.u32 s13, $0xD  }
0xa: {  	s18 =	sshll.u32 s13, $0xE;
	s24 =	sadd.s32 $0x3C000, s4;
	s8 =	sor.u32 s6, s7  }
0xb: {  	[smem:$0x7FF] =	sst s5;
	s10 =	sadd.s32 s19, s0;
	s20 =	ssub.s32 $0x2, s6  }
0xc: {  	s7 =	simm.s32 $0x8;
	s23 =	sadd.s32 s18, s4;
	s19 =	smul.u32 $0x3E800, s6  }
0xd: {  	s15 =	simm.s32 @!p1 $0x0;
	s16 =	simm.s32 @!p0 $0x0;
	s6 =	smul.u32 $0x7, s6  }
0xe: {  	p0 =	seq.s32 s13, $0xF;
	s9 =	smul.u32 $0xFA, s8;
	_ =	strace $0x80000047  }
0xf: {  	[dreg:$0x6] =	wrdreg s11;
	s21 =	sshrl.u32 s20, $0x1;
	s22 =	smul.u32 $0x7, s8  }
0x10: {  	s8 =	smin.u32 s8, $0x1A;
	s7 =	simm.s32 @!p1 $0x7;
	[dreg:$0x7] =	wrdreg s23  }
0x11: {  	s10 =	sadd.s32 $0x6200, s10;
	[dreg:$0x9] =	wrdreg s24;
	s15 =	sadd.s32 $0x7, s15  }
0x12: {  	s16 =	sadd.s32 $0x7, s16;
	s23 =	simm.s32 $0xC280;
	s24 =	simm.s32 $0x9  }
0x13: {  	s20 =	ssub.s32 s20, s21;
	[dreg:$0x8] =	wrdreg s10;
	s28 =	sadd.s32 s18, s19  }
0x14: {  	s21 =	smul.u32 $0xE, s13;
	s19 =	sshrl.u32 s19, $0x3;
	s9 =	sadd.s32 s9, s0  }
0x15: {  	s12 =	sadd.s32 s8, s22;
	s0 =	sadd.s32 $0xDA00, s0;
	s20 =	smax.u32 s20, $0x1  }
0x16: {  	[dreg:$0xa] =	wrdreg s0;
	s25 =	sshll.u32 s12, $0x5;
	s17 =	sadd.s32 $0xE000, s9  }
0x17: {  	s9 =	sshrl.u32 s28, $0x3;
	s8 =	sadd.s32 s21, s8;
	s26 =	sadd.s32 s2, s25  }
0x18: {  	s18 =	sadd.s32 s3, s9;
	s3 =	sadd.s32 s3, s19;
	s0 =	sadd.s32 $0x40, s25  }
0x19: {  	s31 =	sadd.s32 s6, s8;
	s25 =	simm.s32 $0x80;
	[dreg:$0xb] =	wrdreg s26  }
0x1a: {  	s10 =	sadd.s32 $0x20, s26;
	s19 =	sadd.s32 $0x7800, s3;
	s0 =	sand.u32 $0x1FFFFFE0, s0  }
0x1b: {  	s3 =	sshll.u32 s31, $0x5;
	s26 =	simm.s32 $0x400;
	[dreg:$0xc] =	wrdreg s10  }
0x1c: {  	v0 =	vimm.f32 $1.000000000e+00;
	s21 =	sadd.s32 s2, s0;
	s8 =	sadd.s32 $0x60, s3;
	s3 =	simm.s32 $0x0  }
.LBB2_1:
0x1d: {  	s0 =	rddreg [dreg:$0x6]  }
0x1e: {  	[tilespmem:s23], [sflag:$0x9] =	stream.linear.gather [hbm4b:s0+s5], $0x800, $0x38;
	[tilespmem:$0xCA80] =	vst v63  }
0x1f: {  	_ =	swait.ge [sflag:s24], $0x800  }
0x20: {  	s6 =	simm.s32 @p0 $0x1FC9;
	[sflag:s24] =	ssyncset.done $0x0;
	s0 =	rddreg [dreg:$0x9]  }
0x21: {  	s9 =	rddreg [dreg:$0xa];
	[sflag:s24] =	ssyncadd.s32 $0xFFFFF800;
	s0 =	sshrl.u32 @p0 s0, $0x3  }
0x22: {  	[spmem:s0], [sflag:s6] =	dma.local @p0 [hbm:s9], $0x500  }
0x23: {  	s6 =	simm.s32 @p0 $0x9  }
0x24: {  	_ =	swait.ge @p0 [sflag:s6], $0x500  }
0x25: {  	s9 =	stileid.u32;
	[sflag:s6] =	ssyncset.done @p0 $0x0  }
0x26: {  	s9 =	sshll.u32 @!p0 s9, $0x6;
	[sflag:s6] =	ssyncadd.s32 @p0 $0xFFFFFB00;
	s6 =	rddreg [dreg:$0x7]  }
0x27: {  	s28 =	sor.u32 @!p0 $0x1C09, s9;
	s31 =	sshrl.u32 @!p0 s6, $0x3;
	s6 =	rddreg [dreg:$0x8]  }
0x28: {  	[spmem:s31], [sflag:s28] =	dma.local @!p0 [hbm:s6], $0x800  }
0x29: {  	s6 =	simm.s32 @!p0 $0x9  }
0x2a: {  	_ =	swait.ge @!p0 [sflag:s6], $0x800  }
0x2b: {  	[sflag:s6] =	ssyncset.done @!p0 $0x0  }
0x2c: {  	[sflag:s6] =	ssyncadd.s32 @!p0 $0xFFFFF800  }
0x2d: {  	[bflag:$0x0] =	sbarrier.arrive $0xFFFF  }
0x2e: {  	s11 =	rddreg [dreg:$0xb]  }
0x2f: {  	[tilespmem:s5], [sflag:$0x1] =	stream.linear.gather [hbm4b:s11+s5], $0x100, $0x38;
	[tilespmem:$0xCA80] =	vst v63  }
0x30: {  	s6 =	simm.s32 $0x100;
	s12 =	rddreg [dreg:$0xc]  }
0x31: {  	[tilespmem:s6], [sflag:$0x2] =	stream.linear.gather [hbm4b:s12+s5], $0x100, $0x38;
	[tilespmem:$0xCA80] =	vst v63  }
0x32: {  	_ =	swait.ge [sflag:s14], $0x100  }
0x33: {  	[sflag:s14] =	ssyncset.done $0x0  }
0x34: {  	[sflag:s14] =	ssyncadd.s32 $0xFFFFFF00  }
0x35: {  	[tilespmem:s26], [sflag:$0x5] =	stream.indirect.gather [hbm4b:s1+s25], $0x80, s5, s25, $0xb8;
	[tilespmem:$0xCA80] =	vst v63  }
0x36: {  	s13 =	simm.s32 $0x200  }
0x37: {  	[tilespmem:s13], [sflag:$0x3] =	stream.linear.gather [hbm4b:s21+s5], $0x100, $0x38;
	[tilespmem:$0xCA80] =	vst v63  }
0x38: {  	_ =	swait.ge [sflag:s29], $0x4000  }
0x39: {  	[sflag:s29] =	ssyncset.done $0x0  }
0x3a: {  	[sflag:s29] =	ssyncadd.s32 $0xFFFFC000  }
0x3b: {  	[spmem:s4] =	stream.indirect.scatter.add.f32 [tilespmem:s26], [sflag:$0x7], $0x80, s25, s25, $0xb8;
	[tilespmem:$0xCA80] =	vst v63  }
0x3c: {  	v1 =	vld [tilespmem:$0x80];
	_ =	sdelay $0x7  }
0x3d: {  	[tilespmem:v1+s23+$0x0] =	vst.idx.add.f32.msk $0xffff, v0  }
0x3e: {  	v1 =	vld [tilespmem:$0x90];
	_ =	sdelay $0x7  }
0x3f: {  	[tilespmem:v1+s23+$0x0] =	vst.idx.add.f32.msk $0xffff, v0  }
0x40: {  	v1 =	vld [tilespmem:$0xA0];
	_ =	sdelay $0x7  }
0x41: {  	[tilespmem:v1+s23+$0x0] =	vst.idx.add.f32.msk $0xffff, v0  }
0x42: {  	v1 =	vld [tilespmem:$0xB0];
	_ =	sdelay $0x7  }
0x43: {  	[tilespmem:v1+s23+$0x0] =	vst.idx.add.f32.msk $0xffff, v0  }
0x44: {  	v1 =	vld [tilespmem:$0xC0];
	_ =	sdelay $0x7  }
0x45: {  	[tilespmem:v1+s23+$0x0] =	vst.idx.add.f32.msk $0xffff, v0  }
0x46: {  	v1 =	vld [tilespmem:$0xD0];
	_ =	sdelay $0x7  }
0x47: {  	[tilespmem:v1+s23+$0x0] =	vst.idx.add.f32.msk $0xffff, v0  }
0x48: {  	v1 =	vld [tilespmem:$0xE0];
	_ =	sdelay $0x7  }
0x49: {  	[tilespmem:v1+s23+$0x0] =	vst.idx.add.f32.msk $0xffff, v0  }
0x4a: {  	v1 =	vld [tilespmem:$0xF0];
	_ =	sdelay $0x7  }
0x4b: {  	[tilespmem:v1+s23+$0x0] =	vst.idx.add.f32.msk $0xffff, v0  }
0x4c: {  	_ =	swait.ge [sflag:s30], $0x100  }
0x4d: {  	[sflag:s30] =	ssyncset.done $0x0  }
0x4e: {  	s22 =	simm.s32 $0x4400;
	[sflag:s30] =	ssyncadd.s32 $0xFFFFFF00  }
0x4f: {  	[tilespmem:s22], [sflag:$0x6] =	stream.indirect.gather [hbm4b:s1+s25], $0x80, s6, s25, $0xb8;
	[tilespmem:$0xCA80] =	vst v63  }
0x50: {  	s9 =	simm.s32 $0x1;
	s22 =	smov.u32 s8  }
.LBB2_2:
0x51: {  	s10 =	sadd.s32 $0x2, s9  }
0x52: {  	p1 =	sge.u32 s10, s7  }
0x53: {  	s10 =	sand.u32 @!p1 $0x3, s10;
	s13 =	sand.u32 @!p1 $0x1FFFFFE0, s22;
	s12 =	simm.s32 @!p1 $0x0  }
0x54: {  	s11 =	sshll.u32 @!p1 s10, $0x8;
	s10 =	sadd.s32 @!p1 $0x1, s10;
	s13 =	sadd.s32 @!p1 s2, s13  }
0x55: {  	[tilespmem:s11], [sflag:s10] =	stream.linear.gather @!p1 [hbm4b:s13+s12], $0x100, $0x38;
	[tilespmem:$0xCA80] =	vst v63  }
0x56: {  	s10 =	sand.u32 $0x1, s9  }
0x57: {  	s12 =	sadd.s32 $0x5, s10  }
0x58: {  	_ =	swait.ge [sflag:s12], $0x4000  }
0x59: {  	[sflag:s12] =	ssyncset.done $0x0  }
0x5a: {  	s13 =	sshll.u32 s10, $0xE;
	[sflag:s12] =	ssyncadd.s32 $0xFFFFC000;
	s12 =	sand.u32 $0x300, s6  }
0x5b: {  	s10 =	sadd.s32 $0x7, s10;
	s11 =	sor.u32 $0x400, s13;
	s13 =	sor.u32 $0x80, s12  }
0x5c: {  	[spmem:s4] =	stream.indirect.scatter.add.f32 [tilespmem:s11], [sflag:s10], $0x80, s13, s25, $0xb8;
	[tilespmem:$0xCA80] =	vst v63  }
0x5d: {  	v1 =	vld [tilespmem:s12+$0x80];
	_ =	sdelay $0x7  }
0x5e: {  	[tilespmem:v1+s23+$0x0] =	vst.idx.add.f32.msk $0xffff, v0  }
0x5f: {  	v1 =	vld [tilespmem:s12+$0x90];
	_ =	sdelay $0x7  }
0x60: {  	[tilespmem:v1+s23+$0x0] =	vst.idx.add.f32.msk $0xffff, v0  }
0x61: {  	v1 =	vld [tilespmem:s12+$0xA0];
	_ =	sdelay $0x7  }
0x62: {  	[tilespmem:v1+s23+$0x0] =	vst.idx.add.f32.msk $0xffff, v0  }
0x63: {  	v1 =	vld [tilespmem:s12+$0xB0];
	_ =	sdelay $0x7  }
0x64: {  	[tilespmem:v1+s23+$0x0] =	vst.idx.add.f32.msk $0xffff, v0  }
0x65: {  	v1 =	vld [tilespmem:s12+$0xC0];
	_ =	sdelay $0x7  }
0x66: {  	[tilespmem:v1+s23+$0x0] =	vst.idx.add.f32.msk $0xffff, v0  }
0x67: {  	v1 =	vld [tilespmem:s12+$0xD0];
	_ =	sdelay $0x7  }
0x68: {  	[tilespmem:v1+s23+$0x0] =	vst.idx.add.f32.msk $0xffff, v0  }
0x69: {  	v1 =	vld [tilespmem:s12+$0xE0];
	_ =	sdelay $0x7  }
0x6a: {  	[tilespmem:v1+s23+$0x0] =	vst.idx.add.f32.msk $0xffff, v0  }
0x6b: {  	v1 =	vld [tilespmem:s12+$0xF0];
	_ =	sdelay $0x4  }
0x6c: {  	s9 =	sadd.s32 $0x1, s9  }
0x6d: {  	p1 =	sge.u32 s9, s7  }
0x6e: {  	s10 =	sand.u32 @!p1 $0x3, s9  }
0x6f: {  	s11 =	sadd.s32 @!p1 $0x1, s10;
	[tilespmem:v1+s23+$0x0] =	vst.idx.add.f32.msk $0xffff, v0  }
0x70: {  	_ =	swait.ge @!p1 [sflag:s11], $0x100  }
0x71: {  	s12 =	sand.u32 @!p1 $0x1, s9;
	[sflag:s11] =	ssyncset.done @!p1 $0x0  }
0x72: {  	[sflag:s11] =	ssyncadd.s32 @!p1 $0xFFFFFF00;
	s11 =	sadd.s32 @!p1 $0x7, s12  }
0x73: {  	s10 =	sshll.u32 @!p1 s10, $0x8;
	_ =	swait.ge @!p1 [sflag:s11], $0x4000  }
0x74: {  	s13 =	sshll.u32 @!p1 s12, $0xE;
	s12 =	sadd.s32 @!p1 $0x5, s12;
	[sflag:s11] =	ssyncset.done @!p1 $0x0  }
0x75: {  	[sflag:s11] =	ssyncadd.s32 @!p1 $0xFFFFC000;
	s11 =	sor.u32 @!p1 $0x400, s13;
	s13 =	simm.s32 @!p1 $0x80  }
0x76: {  	[tilespmem:s11], [sflag:s12] =	stream.indirect.gather @!p1 [hbm4b:s1+s13], $0x80, s10, s13, $0xb8;
	[tilespmem:$0xCA80] =	vst v63  }
0x77: {  	p1 =	sne.s32 s7, s9  }
.Ltmp0:
0x78: {  	_ = 	snop;
	(pc) =	sbr.rel @p1 .LBB2_2-.Ltmp0, $2  }
0x79: {  	_ =	sdelay $0x2  }
0x7a: {  	s22 =	sadd.s32 $0x20, s22;
	s6 =	sadd.s32 $0x100, s6  }
0x7b: {  	_ =	swait.ge [sflag:s15], $0x4000  }
0x7c: {  	[sflag:s15] =	ssyncset.done $0x0  }
0x7d: {  	[sflag:s15] =	ssyncadd.s32 $0xFFFFC000  }
0x7e: {  	_ =	swait.ge [sflag:s16], $0x4000  }
0x7f: {  	[sflag:s16] =	ssyncset.done $0x0  }
0x80: {  	[sflag:s16] =	ssyncadd.s32 $0xFFFFC000  }
0x81: {  	[hbm4b:s17+s5] =	stream.linear.scatter [tilespmem:s23], [sflag:$0x9], $0x7D0, $0x38;
	[tilespmem:$0xCA80] =	vst v63  }
0x82: {  	_ =	swait.ge [sflag:s24], $0x7D0  }
0x83: {  	[sflag:s24] =	ssyncset.done $0x0  }
0x84: {  	[sflag:s24] =	ssyncadd.s32 $0xFFFFF830  }
0x85: {  	s6 =	simm.s32 @p0 $0x1FC9;
	[bflag:$0x0] =	sbarrier.arrive $0xFFFF  }
0x86: {  	[hbm:s19], [sflag:s6] =	dma.local @p0 [spmem:s0], $0x500  }
0x87: {  	s0 =	simm.s32 @p0 $0x9  }
0x88: {  	s3 =	sadd.s32 $0x1, s3;
	_ =	swait.ge @p0 [sflag:s0], $0x500  }
0x89: {  	p1 =	sne.s32 s3, s20;
	[sflag:s0] =	ssyncset.done @p0 $0x0  }
.Ltmp1:
0x8a: {  	[sflag:s0] =	ssyncadd.s32 @p0 $0xFFFFFB00;
	s0 =	simm.s32 @!p0 $0x9;
	(pc) =	sbr.rel @p1 .LBB2_1-.Ltmp1, $4  }
0x8b: {  	[hbm:s18], [sflag:s28] =	dma.local @!p0 [spmem:s31], $0x800  }
0x8c: {  	_ =	swait.ge @!p0 [sflag:s0], $0x800  }
0x8d: {  	[sflag:s0] =	ssyncset.done @!p0 $0x0  }
0x8e: {  	[sflag:s0] =	ssyncadd.s32 @!p0 $0xFFFFF800  }
0x8f: {  	_ =	sfence.sel $0x180000  }
0x90: {  	[bflag:$0x0] =	sbarrier.arrive $0xFFFF  }
0x91: {  	_ =	strace $0x90000047  }
0x92: {  	s0 =	stileid.u32;
	[bflag:$0x2] =	sbarrier.arrive $0xFFFF  }
0x93: {  	p0 =	sne.s32 s0, $0x0;
	s0 =	rddreg [dreg:$0x5]  }
0x94: {  	s0 =	sadd.s32 @!p0 $0x100000, s0  }
0x95: {  	[sflag:s0] =	ssyncadd.tile.s32 @!p0 $0x1;
	_ =	shalt  }
.Lfunc_end2:
_tile_overlayer_lowered:
.L_overlay_start_2:
0x96: {  	(tag) =	ssettag $0x2  }
0x97: {  	s0 =	rddreg [dreg:$0x0];
	s2 =	stileid.u32  }
0x98: {  	s1 =	rddreg [dreg:$0x1];
	p0 =	sne.s32 s2, $0x0  }
0x99: {  	s3 =	rddreg [dreg:$0x2];
	[bflag:$0x3] =	sbarrier.arrive $0xFFFF;
	s2 =	simm.s32 @!p0 $0x1C09  }
0x9a: {  	[timem:s3], [sflag:s2] =	dma.local @!p0 [hbm:s0], s1  }
0x9b: {  	s0 =	simm.s32 @!p0 $0x9  }
0x9c: {  	_ =	swait.ge @!p0 [sflag:s0], s1  }
0x9d: {  	s1 =	ssub.s32 @!p0 $0x0, s1;
	[sflag:s0] =	ssyncset.done @!p0 $0x0  }
0x9e: {  	[sflag:s0] =	ssyncadd.s32 @!p0 s1  }
0x9f: {  	[bflag:$0x3] =	sbarrier.arrive $0xFFFF  }
0xa0: {  	_ =	shalt  }

// kernel: kernel.20.cloned.1.call-start
scs
__scs_entry_jumppad:
0x0: {  	(pc) =	sbr.rel $0x88, $3  }
0x1: {  	(tag) =	ssettag $0x0;
	lr =	simm.s32 $0x1  }
0x2: {  	[smem:$0x3F85] =	sst lr;
	_ =	strace $0xD0000000  }
0x3: {  	_ = 	snop  }
0x4: {  	_ = 	snop  }
0x5: {  	_ = 	snop  }
0x6: {  	_ = 	snop  }
0x7: {  	_ = 	snop  }
__scs_overlays_trampoline_lowered:
0x8: {  	[smem:$0x3F94] =	sst s0  }
0x9: {  	[smem:$0x3F95] =	sst s1  }
0xa: {  	[smem:$0x3F96] =	sst s2  }
0xb: {  	[smem:$0x3F97] =	sst s3  }
0xc: {  	[smem:$0x3F98] =	sst s4  }
0xd: {  	[smem:$0x3F99] =	sst s5  }
0xe: {  	[smem:$0x3F9A] =	sst s6  }
0xf: {  	[smem:$0x3F9B] =	sst s7  }
0x10: {  	[smem:$0x3F9C] =	sst s8  }
0x11: {  	[smem:$0x3F9D] =	sst s9;
	s0 =	simm.s32 @!p0 $0x0  }
0x12: {  	s1 =	sld [smem:$0x3F83];
	s0 =	simm.s32 @p0 $0x1  }
0x13: {  	[smem:$0x3F9E] =	sst s0;
	s0 =	simm.s32 @!p1 $0x0  }
0x14: {  	s2 =	sld [smem:$0x3F82];
	s0 =	simm.s32 @p1 $0x1  }
0x15: {  	[smem:$0x3F9F] =	sst s0;
	s0 =	simm.s32 @!p2 $0x0  }
0x16: {  	s3 =	sld [smem:$0x3FDB];
	s0 =	simm.s32 @p2 $0x1  }
0x17: {  	s4 =	simm.s32 $0x1BF5;
	[smem:$0x3FA1] =	sst s0  }
0x18: {  	s0 =	sld [smem:$0x3F84];
	_ =	swait.ge [sflag:s4], $0x0  }
0x19: {  	s7 =	sld [smem:$0x3F85]  }
0x1a: {  	s8 =	sadd.s32 $0xFFFFE003, lr  }
0x1b: {  	s9 =	sadd.s32 $0xFFFFFEF7, lr;
	s5 =	simm.s32 $0xFFFFFFFF;
	p2 =	slt.u32 s8, $0xFFFFF086  }
0x1c: {  	p1 =	slt.u32 s9, $0xF7A;
	s5 =	simm.s32 @!p2 $0x0  }
0x1d: {  	s5 =	simm.s32 @p1 $0x1;
	p0 =	seq.s32 s7, s2  }
0x1e: {  	s7 =	smul.u32 @!p0 $0xF7A, s2;
	p2 =	seq.s32 @!p0 s5, $0x0  }
0x1f: {  	s9 =	smul.u32 $0xF7A, s1;
	s8 =	simm.s32 @!p0 $0x1BF5;
	p2 =	por !p2, p0  }
0x20: {  	[sflag:s8] =	ssyncset.s32 @!p0 $0xFFFFF086;
	s6 =	sadd.s32 @!p0 s3, s7;
	s7 =	simm.s32 @!p0 $0x108  }
0x21: {  	s3 =	sadd.s32 s3, s9;
	s6 =	sadd.s32 @!p0 $0x88, s6;
	s7 =	simm.s32 @p2 $0x1082  }
0x22: {  	[simem:s7], [sflag:s8] =	dma.local @!p0 [hbm:s6], $0xF7A  }
0x23: {  	s9 =	sor.u32 $0xD0000000, s2;
	s6 =	simm.s32 $0x108;
	_ =	swait.ge @!p0 [sflag:s8], $0x0  }
0x24: {  	s3 =	sadd.s32 $0x88, s3;
	s6 =	simm.s32 @!p1 $0x1082;
	[sflag:s4] =	ssyncset.s32 $0xFFFFF086  }
0x25: {  	[simem:s6], [sflag:s4] =	dma.local [hbm:s3], $0xF7A  }
0x26: {  	[smem:$0x3F85] =	sst s1;
	(tag) =	ssettag s2;
	_ =	strace s9  }
0x27: {  	s1 =	sld [smem:$0x3F95]  }
0x28: {  	s2 =	sld [smem:$0x3F96]  }
0x29: {  	s4 =	sld [smem:$0x3F98]  }
0x2a: {  	p0 =	seq.s32 s5, $0x0;
	s5 =	sld [smem:$0x3F99]  }
0x2b: {  	s6 =	sld [smem:$0x3F9A]  }
0x2c: {  	s7 =	sld [smem:$0x3F9B]  }
0x2d: {  	s3 =	simm.s32 $0x108;
	s8 =	sld [smem:$0x3F9C]  }
0x2e: {  	s3 =	simm.s32 @!p0 $0x1082;
	s9 =	sld [smem:$0x3F9D]  }
0x2f: {  	lr =	sadd.s32 s0, s3;
	s0 =	sld [smem:$0x3F94]  }
0x30: {  	s3 =	sld [smem:$0x3F97]  }
0x31: {  	[smem:$0x3FA0] =	sst s10  }
0x32: {  	s10 =	sld [smem:$0x3F9E];
	_ =	sdelay $0x3  }
0x33: {  	p0 =	seq.s32 s10, $0x1;
	s10 =	sld [smem:$0x3FA0];
	_ =	sdelay $0x3  }
0x34: {  	[smem:$0x3FA0] =	sst s10  }
0x35: {  	s10 =	sld [smem:$0x3F9F];
	_ =	sdelay $0x3  }
0x36: {  	p1 =	seq.s32 s10, $0x1;
	s10 =	sld [smem:$0x3FA0];
	_ =	sdelay $0x3  }
0x37: {  	[smem:$0x3FA0] =	sst s10  }
0x38: {  	s10 =	sld [smem:$0x3FA1]  }
0x39: {  	_ = 	snop;
	(pc) =	sbr.ind lr, $3  }
0x3a: {  	_ = 	snop  }
0x3b: {  	_ = 	snop  }
0x3c: {  	p2 =	seq.s32 s10, $0x1;
	s10 =	sld [smem:$0x3FA0]  }
0x3d: {  	_ =	shalt  }
0x3e: {  	_ =	shalt  }
0x3f: {  	_ =	shalt  }
0x40: {  	_ =	shalt  }
0x41: {  	_ =	shalt  }
0x42: {  	_ =	shalt  }
0x43: {  	_ =	shalt  }
0x44: {  	_ =	shalt  }
0x45: {  	_ =	shalt  }
0x46: {  	_ =	shalt  }
0x47: {  	_ =	shalt  }
0x48: {  	_ =	shalt  }
0x49: {  	_ =	shalt  }
0x4a: {  	_ =	shalt  }
0x4b: {  	_ =	shalt  }
0x4c: {  	_ =	shalt  }
0x4d: {  	_ =	shalt  }
0x4e: {  	_ =	shalt  }
0x4f: {  	_ =	shalt  }
0x50: {  	_ =	shalt  }
0x51: {  	_ =	shalt  }
0x52: {  	_ =	shalt  }
0x53: {  	_ =	shalt  }
0x54: {  	_ =	shalt  }
0x55: {  	_ =	shalt  }
0x56: {  	_ =	shalt  }
0x57: {  	_ =	shalt  }
0x58: {  	_ =	shalt  }
0x59: {  	_ =	shalt  }
0x5a: {  	_ =	shalt  }
0x5b: {  	_ =	shalt  }
0x5c: {  	_ =	shalt  }
0x5d: {  	_ =	shalt  }
0x5e: {  	_ =	shalt  }
0x5f: {  	_ =	shalt  }
0x60: {  	_ =	shalt  }
0x61: {  	_ =	shalt  }
0x62: {  	_ =	shalt  }
0x63: {  	_ =	shalt  }
0x64: {  	_ =	shalt  }
0x65: {  	_ =	shalt  }
0x66: {  	_ =	shalt  }
0x67: {  	_ =	shalt  }
0x68: {  	_ =	shalt  }
0x69: {  	_ =	shalt  }
0x6a: {  	_ =	shalt  }
0x6b: {  	_ =	shalt  }
0x6c: {  	_ =	shalt  }
0x6d: {  	_ =	shalt  }
0x6e: {  	_ =	shalt  }
0x6f: {  	_ =	shalt  }
0x70: {  	_ =	shalt  }
0x71: {  	_ =	shalt  }
0x72: {  	_ =	shalt  }
0x73: {  	_ =	shalt  }
0x74: {  	_ =	shalt  }
0x75: {  	_ =	shalt  }
0x76: {  	_ =	shalt  }
0x77: {  	_ =	shalt  }
0x78: {  	_ =	shalt  }
0x79: {  	_ =	shalt  }
0x7a: {  	_ =	shalt  }
0x7b: {  	_ =	shalt  }
0x7c: {  	_ =	shalt  }
0x7d: {  	_ =	shalt  }
0x7e: {  	_ =	shalt  }
0x7f: {  	_ =	shalt  }
0x80: {  	_ =	shalt  }
0x81: {  	_ =	shalt  }
0x82: {  	_ =	shalt  }
0x83: {  	_ =	shalt  }
0x84: {  	_ =	shalt  }
0x85: {  	_ =	shalt  }
0x86: {  	_ =	shalt  }
0x87: {  	_ =	shalt  }
.Lfunc_end0:
.L_simem_size_0:
called_computation.3_lowered:
.L_overlay_start_0:
0x88: {  	s2 =	sld [smem:$0x3FD9]  }
0x89: {  	s3 =	sld [smem:$0x3FFE];
	_ =	sdelay $0x1  }
0x8a: {  	s1 =	srdreg.scid  }
0x8b: {  	s0 =	sand.u32 $0x1, s1  }
0x8c: {  	s17 =	sshll.u32 s0, $0xA;
	s2 =	sadd.s32 s3, s2  }
0x8d: {  	s2 =	sadd.s32 s2, s17  }
0x8e: {  	[smem:$0x3FAC] =	sst s2  }
0x8f: {  	_ = 	snop  }
0x90: {  	s18 =	sld [smem:$0x3FC6]  }
0x91: {  	s4 =	sld [smem:$0x3FD0];
	(tm) =	ssettm $0x1  }
0x92: {  	s19 =	sld [smem:$0x3FFB];
	_ =	sdelay $0x3  }
0x93: {  	_ =	strace s19  }
0x94: {  	s2 =	sld [smem:$0x3FFC];
	_ =	sdelay $0x3  }
0x95: {  	_ =	strace s2  }
0x96: {  	s2 =	sld [smem:$0x3FFD];
	_ =	sdelay $0x3  }
0x97: {  	_ =	strace s2  }
0x98: {  	_ =	strace $0x8FFFFFFF  }
0x99: {  	s20 =	sld [smem:$0x3FDB];
	_ =	sdelay $0x1  }
0x9a: {  	s5 =	simm.s32 $_scs_section_size  }
0x9b: {  	s6 =	simm.s32 $_size__tile_overlayer_lowered;
	s7 =	simm.s32 $_tile_overlayer_lowered  }
0x9c: {  	s8 =	simm.s32 $0x1BFF;
	s21 =	sshll.u32 s7, $0x1;
	s5 =	sadd.s32 s5, s20  }
0x9d: {  	s22 =	simm.s32 $0x0;
	s6 =	sshll.u32 s6, $0x1;
	s7 =	sadd.s32 s21, s5  }
0x9e: {  	[timem:s22], [sflag:s8] =	dma.local [hbm:s7], s6  }
0x9f: {  	_ =	swait.ge [sflag:s8], s6  }
0xa0: {  	s6 =	ssub.s32 $0x0, s6;
	[sflag:s8] =	ssyncset.done $0x0  }
0xa1: {  	[sflag:s8] =	ssyncadd.s32 s6;
	_ =	sdelay $0x1  }
0xa2: {  	s23 =	simm.s32 $0x1B8B  }
0xa3: {  	_ =	swait.ge [sflag:s23], $0x1  }
0xa4: {  	[sflag:s23] =	ssyncset.done $0x0  }
0xa5: {  	[sflag:s23] =	ssyncadd.s32 $0xFFFFFFFF  }
0xa6: {  	s6 =	sld [smem:$0x0]  }
0xa7: {  	s7 =	sand.u32 $0xFFFFFFFE, s1  }
0xa8: {  	p0 =	sne.s32 s1, s7  }
0xa9: {  	s7 =	sshll.u32 @p0 s7, $0xE  }
0xaa: {  	s7 =	sadd.s32 @p0 $0x11B8D, s7;
	s8 =	sshll.u32 @p0 s6, $0x11  }
0xab: {  	s7 =	sor.u32 @p0 s8, s7  }
0xac: {  	[sflag:s7] =	ssyncadd.remote.s32 @p0 $0x1;
	_ =	sdelay $0x1  }
0xad: {  	s7 =	simm.s32 @p0 $0x1B8D  }
0xae: {  	_ =	swait.eq @p0 [sflag:s7], $0x1  }
0xaf: {  	[sflag:s7] =	ssyncadd.s32 @p0 $0xFFFFFFFF  }
0xb0: {  	s8 =	sshll.u32 @!p0 s1, $0xE  }
0xb1: {  	s8 =	sor.u32 @!p0 $0x4000, s8;
	s7 =	simm.s32 @!p0 $0x1B8D  }
0xb2: {  	s6 =	sshll.u32 @!p0 s6, $0x11;
	s8 =	sadd.s32 @!p0 $0x11B8D, s8;
	_ =	swait.eq @!p0 [sflag:s7], $0x1  }
0xb3: {  	s6 =	sor.u32 @!p0 s6, s8;
	[sflag:s7] =	ssyncadd.s32 @!p0 $0xFFFFFFFF  }
0xb4: {  	s25 =	simm.s32 $0x1B8E;
	s24 =	sld [smem:$0x3FFE];
	[sflag:s6] =	ssyncadd.remote.s32 @!p0 $0x1  }
0xb5: {  	s26 =	simm.s32 $execute0_lowered;
	[smem:$0x3FD2] =	sst s25  }
0xb6: {  	s7 =	sshll.u32 s26, $0x1;
	_ =	strace $0x8000004C;
	[dreg:$0x1] =	wrdreg $0xFFFFFFFF  }
0xb7: {  	s28 =	simm.s32 $_size_execute0_lowered;
	s5 =	sadd.s32 s5, s7;
	[dreg:$0x0] =	wrdreg $0x0  }
0xb8: {  	s7 =	sshll.u32 s28, $0x1;
	[dreg:$0x2] =	wrdreg s5  }
0xb9: {  	[dreg:$0x3] =	wrdreg s7  }
0xba: {  	[dreg:$0x4] =	wrdreg $0xC0  }
0xbb: {  	_ =	task [dreg:s22], $0x5FFFF  }
0xbc: {  	[dreg:$0x1] =	wrdreg $0xFFFFFFFF  }
0xbd: {  	[dreg:$0x0] =	wrdreg $0x60  }
0xbe: {  	[dreg:$0x2] =	wrdreg s24  }
0xbf: {  	[dreg:$0x3] =	wrdreg s18  }
0xc0: {  	[dreg:$0x4] =	wrdreg s4  }
0xc1: {  	[dreg:$0x5] =	wrdreg $0x84000  }
0xc2: {  	[dreg:$0x6] =	wrdreg $0xA  }
0xc3: {  	_ =	task.clear_ibuf [dreg:s22], $0x7FFFF;
	_ =	strace $0x9000004C  }
0xc4: {  	s29 =	simm.s32 $0xA;
	_ =	strace $0x8000004E  }
0xc5: {  	_ =	swait.ge [sflag:s29], $0x1  }
0xc6: {  	[sflag:s29] =	ssyncadd.s32 $0xFFFFFFFF  }
0xc7: {  	_ =	strace $0x9000004E  }
0xc8: {  	_ =	sfence  }
0xc9: {  	s30 =	sld [smem:$0x0];
	_ =	sdelay $0x2  }
0xca: {  	s31 =	sshll.u32 s1, $0xD;
	s1 =	sshrl.u32 s1, $0x2  }
0xcb: {  	s4 =	sand.u32 $0x4000, s31;
	s1 =	sadd.s32 s1, s30  }
0xcc: {  	s0 =	sor.u32 s4, s0;
	s1 =	sshll.u32 s1, $0x11  }
0xcd: {  	s0 =	sor.u32 s1, s0  }
0xce: {  	s0 =	sadd.s32 $0x8F2B, s0  }
0xcf: {  	[sflag:s0] =	ssyncadd.remote.s32 $0x1  }
0xd0: {  	_ =	sfence.sel $0xFFFF  }
0xd1: {  	[dreg:$0x0] =	wrdreg $0xFFFFFFFF;
	(pc) =	sbr.abs _section_cstart, $3  }
0xd2: {  	[dreg:$0x1] =	wrdreg $0xFFFFFFFF  }
0xd3: {  	_ =	task.clear_ibuf [dreg:s22], $0x2FFFF;
	_ =	strace $0x9FFFFFFF  }
0xd4: {  	(tm) =	ssettm $0x7FFFFFFF  }
0xd5: {  	_ =	shalt  }
tec
execute0_lowered:
.L_overlay_start_1:
0x0: {  	(tag) =	ssettag $0x1  }
0x1: {  	s0 =	rddreg [dreg:$0x0]  }
0x2: {  	s1 =	rddreg [dreg:$0x1]  }
0x3: {  	s3 =	rddreg [dreg:$0x2]  }
0x4: {  	s2 =	rddreg [dreg:$0x3]  }
0x5: {  	s4 =	simm.s32 $0x0;
	s18 =	stileid.u32;
	s6 =	srdreg.scid  }
0x6: {  	s14 =	simm.s32 $0x1;
	s28 =	simm.s32 $0x0;
	[smem:$0x7FF] =	sst s4  }
0x7: {  	s5 =	sadd.s32 $0x8F800, s0;
	s7 =	sand.u32 $0x1, s6;
	s19 =	sshll.u32 s18, $0x1  }
0x8: {  	s8 =	sshll.u32 s18, $0xB;
	p0 =	sgt.u32 s18, $0xC;
	p1 =	slt.u32 s18, $0xD  }
0x9: {  	s15 =	sshll.u32 s18, $0xE;
	s17 =	smul.u32 $0xE, s18;
	_ =	strace $0x8000004D  }
0xa: {  	s9 =	ssub.s32 $0x2, s7;
	s6 =	sor.u32 s7, s19;
	s8 =	sadd.s32 s8, s0  }
0xb: {  	s12 =	sadd.s32 s15, s2;
	s0 =	sadd.s32 $0xDA00, s0;
	s16 =	smul.u32 $0x3E800, s7  }
0xc: {  	s14 =	simm.s32 @!p0 $0x0;
	s26 =	smul.u32 $0x7, s7;
	p0 =	seq.s32 s18, $0xF  }
0xd: {  	s10 =	sshrl.u32 s9, $0x1;
	s11 =	smul.u32 $0x7, s6;
	s20 =	smin.u32 s6, $0x1A  }
0xe: {  	s6 =	simm.s32 $0x8;
	[dreg:$0x5] =	wrdreg s12;
	s8 =	sadd.s32 $0x6200, s8  }
0xf: {  	[dreg:$0x8] =	wrdreg s0;
	s0 =	simm.s32 $0x1;
	s12 =	simm.s32 $0x1  }
0x10: {  	s14 =	sadd.s32 $0x7, s14;
	s9 =	ssub.s32 s9, s10;
	s6 =	simm.s32 @!p1 $0x7  }
0x11: {  	[dreg:$0x6] =	wrdreg s8;
	s8 =	sadd.s32 $0x3C000, s2;
	s0 =	simm.s32 @!p1 $0x0  }
0x12: {  	s23 =	sadd.s32 s15, s16;
	s24 =	sshrl.u32 s16, $0x3;
	s30 =	sadd.s32 s17, s20  }
0x13: {  	s11 =	sadd.s32 s20, s11;
	s13 =	sadd.s32 $0x7, s0;
	s0 =	sshrl.u32 s23, $0x3  }
0x14: {  	s25 =	sadd.s32 s3, s24;
	s9 =	smax.u32 s9, $0x1;
	s20 =	sshrl.u32 @p0 s8, $0x3  }
0x15: {  	s24 =	simm.s32 $0x5;
	s11 =	sshll.u32 s11, $0x5;
	s0 =	sadd.s32 s3, s0  }
0x16: {  	[dreg:$0xc] =	wrdreg s9;
	s3 =	sadd.s32 s26, s30;
	s21 =	sadd.s32 s1, s11  }
0x17: {  	[dreg:$0xa] =	wrdreg s0;
	s0 =	sadd.s32 $0x7800, s25;
	s29 =	sadd.s32 $0x40, s11  }
0x18: {  	s31 =	sshll.u32 s3, $0x5;
	s25 =	simm.s32 $0x2;
	[dreg:$0x7] =	wrdreg s21  }
0x19: {  	s22 =	sadd.s32 $0x20, s21;
	[dreg:$0xb] =	wrdreg s0;
	s0 =	sand.u32 $0x1FFFFFE0, s29  }
0x1a: {  	s7 =	sadd.s32 $0x60, s31;
	[dreg:$0x9] =	wrdreg s22;
	s0 =	sadd.s32 s1, s0  }
0x1b: {  	s21 =	simm.s32 $0x100;
	s22 =	simm.s32 $0x80;
	[dreg:$0xd] =	wrdreg s0  }
.LBB2_1:
0x1c: {  	s30 =	simm.s32 @p0 $0x1FC9;
	s0 =	rddreg [dreg:$0x8]  }
0x1d: {  	[spmem:s20], [sflag:s30] =	dma.local @p0 [hbm:s0], $0x500  }
0x1e: {  	s29 =	simm.s32 @p0 $0x9;
	s0 =	stileid.u32  }
0x1f: {  	s31 =	simm.s32 @!p0 $0x9;
	_ =	swait.ge @p0 [sflag:s29], $0x500;
	s0 =	sshll.u32 @!p0 s0, $0x6  }
0x20: {  	[sflag:s29] =	ssyncset.done @p0 $0x0;
	s0 =	sor.u32 @!p0 $0x1C09, s0;
	s3 =	rddreg [dreg:$0x5]  }
0x21: {  	s8 =	rddreg [dreg:$0x6];
	[sflag:s29] =	ssyncadd.s32 @p0 $0xFFFFFB00;
	s3 =	sshrl.u32 @!p0 s3, $0x3  }
0x22: {  	[spmem:s3], [sflag:s0] =	dma.local @!p0 [hbm:s8], $0x800  }
0x23: {  	_ =	swait.ge @!p0 [sflag:s31], $0x800  }
0x24: {  	[sflag:s31] =	ssyncset.done @!p0 $0x0  }
0x25: {  	[sflag:s31] =	ssyncadd.s32 @!p0 $0xFFFFF800  }
0x26: {  	[bflag:$0x0] =	sbarrier.arrive $0xFFFF  }
0x27: {  	s11 =	rddreg [dreg:$0x7]  }
0x28: {  	[tilespmem:s4], [sflag:$0x1] =	stream.linear.gather [hbm4b:s11+s4], $0x100, $0x38;
	[tilespmem:$0xC280] =	vst v63  }
0x29: {  	s15 =	rddreg [dreg:$0x9]  }
0x2a: {  	[tilespmem:s21], [sflag:$0x2] =	stream.linear.gather [hbm4b:s15+s4], $0x100, $0x38;
	[tilespmem:$0xC280] =	vst v63  }
0x2b: {  	_ =	swait.ge [sflag:s12], $0x100  }
0x2c: {  	[sflag:s12] =	ssyncset.done $0x0  }
0x2d: {  	s16 =	simm.s32 $0x400;
	[sflag:s12] =	ssyncadd.s32 $0xFFFFFF00  }
0x2e: {  	[tilespmem:s16], [sflag:$0x5] =	stream.indirect.gather [hbm4b:s5+s22], $0x80, s4, s22, $0xb8;
	[tilespmem:$0xC280] =	vst v63  }
0x2f: {  	s10 =	simm.s32 $0x200;
	s17 =	simm.s32 $0x4400;
	s9 =	rddreg [dreg:$0xd]  }
0x30: {  	[tilespmem:s10], [sflag:$0x3] =	stream.linear.gather [hbm4b:s9+s4], $0x100, $0x38;
	[tilespmem:$0xC280] =	vst v63  }
0x31: {  	p1 =	sle.u32 s6, $0x3;
	s23 =	simm.s32 $0x2;
	_ =	swait.ge [sflag:s24], $0x4000  }
0x32: {  	s18 =	sand.u32 $0x1, s12;
	p2 =	sne.s32 s6, $0x2;
	[sflag:s24] =	ssyncset.done $0x0  }
0x33: {  	s19 =	simm.s32 @!p1 $0x0;
	s8 =	sand.u32 $0xC00, s16;
	[sflag:s24] =	ssyncadd.s32 $0xFFFFC000  }
0x34: {  	[spmem:s2] =	stream.indirect.scatter.add.f32 [tilespmem:s16], [sflag:$0x7], $0x80, s22, s22, $0xb8;
	[tilespmem:$0xC280] =	vst v63  }
0x35: {  	s26 =	sadd.s32 $0x5, s18;
	s8 =	sshrl.u32 s8, $0x2;
	_ =	swait.ge [sflag:s25], $0x100  }
0x36: {  	s8 =	sor.u32 $0x80, s8;
	s9 =	simm.s32 $0x3;
	[sflag:s25] =	ssyncset.done $0x0  }
0x37: {  	s11 =	sand.u32 @!p1 $0x1FFFFFE0, s7;
	s9 =	sand.u32 @!p1 $0x3, s9;
	[sflag:s25] =	ssyncadd.s32 $0xFFFFFF00  }
0x38: {  	[tilespmem:s17], [sflag:$0x6] =	stream.indirect.gather [hbm4b:s5+s22], $0x80, s21, s22, $0xb8;
	[tilespmem:$0xC280] =	vst v63  }
0x39: {  	s11 =	sadd.s32 @!p1 s1, s11;
	s15 =	sshll.u32 @!p1 s9, $0x8;
	s9 =	sadd.s32 @!p1 $0x1, s9  }
0x3a: {  	[tilespmem:s15], [sflag:s9] =	stream.linear.gather @!p1 [hbm4b:s11+s19], $0x100, $0x38;
	[tilespmem:$0xC280] =	vst v63  }
0x3b: {  	s10 =	sshll.u32 s18, $0xE;
	p1 =	sle.u32 s6, $0x2;
	_ =	swait.ge [sflag:s26], $0x4000  }
0x3c: {  	s10 =	sor.u32 $0x400, s10;
	s15 =	sand.u32 @!p1 $0x3, s23;
	[sflag:s26] =	ssyncset.done $0x0  }
0x3d: {  	s19 =	sadd.s32 $0x7, s18;
	s11 =	sadd.s32 @!p1 $0x1, s15;
	[sflag:s26] =	ssyncadd.s32 $0xFFFFC000  }
0x3e: {  	[spmem:s2] =	stream.indirect.scatter.add.f32 [tilespmem:s10], [sflag:s19], $0x80, s8, s22, $0xb8;
	[tilespmem:$0xC280] =	vst v63  }
.Ltmp0:
0x3f: {  	s9 =	sand.u32 @!p1 $0x1, s23;
	_ =	swait.ge @!p1 [sflag:s11], $0x100;
	(pc) =	sbr.rel @!p2 .LBB2_3-.Ltmp0, $4  }
0x40: {  	s26 =	simm.s32 $0x800;
	s10 =	sshll.u32 @!p1 s9, $0xE;
	[sflag:s11] =	ssyncset.done @!p1 $0x0  }
0x41: {  	s8 =	sadd.s32 @!p1 $0x7, s9;
	s19 =	smov.u32 s7;
	[sflag:s11] =	ssyncadd.s32 @!p1 $0xFFFFFF00  }
0x42: {  	s10 =	sor.u32 @!p1 $0x400, s10;
	s11 =	sadd.s32 @!p1 $0x5, s9;
	_ =	swait.ge @!p1 [sflag:s8], $0x4000  }
0x43: {  	s9 =	sshll.u32 @!p1 s15, $0x8;
	s15 =	simm.s32 @!p1 $0x80;
	[sflag:s8] =	ssyncset.done @!p1 $0x0  }
.LBB2_2:
0x44: {  	[sflag:s8] =	ssyncadd.s32 @!p1 $0xFFFFC000  }
0x45: {  	s19 =	sadd.s32 $0x20, s19;
	s8 =	smov.u32 s23;
	s23 =	sadd.s32 $0x1, s23  }
0x46: {  	[tilespmem:s10], [sflag:s11] =	stream.indirect.gather @!p1 [hbm4b:s5+s15], $0x80, s9, s15, $0xb8;
	[tilespmem:$0xC280] =	vst v63  }
0x47: {  	s9 =	sadd.s32 $0x2, s8;
	p2 =	sne.s32 s6, s23  }
0x48: {  	s8 =	sand.u32 $0x1, s8;
	s10 =	sand.u32 $0xC00, s26;
	p1 =	sge.u32 s9, s6  }
0x49: {  	s15 =	sadd.s32 $0x7, s8;
	s9 =	sand.u32 @!p1 $0x3, s9;
	s11 =	sand.u32 @!p1 $0x1FFFFFE0, s19  }
0x4a: {  	s17 =	simm.s32 @!p1 $0x0;
	s16 =	sshll.u32 @!p1 s9, $0x8;
	s9 =	sadd.s32 @!p1 $0x1, s9  }
0x4b: {  	s18 =	sadd.s32 $0x5, s8;
	s8 =	sshll.u32 s8, $0xE;
	s11 =	sadd.s32 @!p1 s1, s11  }
0x4c: {  	[tilespmem:s16], [sflag:s9] =	stream.linear.gather @!p1 [hbm4b:s11+s17], $0x100, $0x38;
	[tilespmem:$0xC280] =	vst v63  }
0x4d: {  	s9 =	sshrl.u32 s10, $0x2;
	p1 =	sge.u32 s23, s6;
	_ =	swait.ge [sflag:s18], $0x4000  }
0x4e: {  	s8 =	sor.u32 $0x400, s8;
	s16 =	sand.u32 @!p1 $0x3, s23;
	[sflag:s18] =	ssyncset.done $0x0  }
0x4f: {  	s9 =	sor.u32 $0x80, s9;
	s10 =	sadd.s32 @!p1 $0x1, s16;
	[sflag:s18] =	ssyncadd.s32 $0xFFFFC000  }
0x50: {  	[spmem:s2] =	stream.indirect.scatter.add.f32 [tilespmem:s8], [sflag:s15], $0x80, s9, s22, $0xb8;
	[tilespmem:$0xC280] =	vst v63  }
.Ltmp1:
0x51: {  	s9 =	sand.u32 @!p1 $0x1, s23;
	_ =	swait.ge @!p1 [sflag:s10], $0x100;
	(pc) =	sbr.rel @p2 .LBB2_2-.Ltmp1, $4  }
0x52: {  	s8 =	sadd.s32 @!p1 $0x7, s9;
	s11 =	sshll.u32 @!p1 s9, $0xE;
	[sflag:s10] =	ssyncset.done @!p1 $0x0  }
0x53: {  	[sflag:s10] =	ssyncadd.s32 @!p1 $0xFFFFFF00;
	s10 =	sor.u32 @!p1 $0x400, s11;
	s11 =	sadd.s32 @!p1 $0x5, s9  }
0x54: {  	s15 =	simm.s32 @!p1 $0x80;
	s9 =	sshll.u32 @!p1 s16, $0x8;
	_ =	swait.ge @!p1 [sflag:s8], $0x4000  }
0x55: {  	s26 =	sadd.s32 $0x400, s26;
	[sflag:s8] =	ssyncset.done @!p1 $0x0  }
.LBB2_3:
0x56: {  	[sflag:s8] =	ssyncadd.s32 @!p1 $0xFFFFC000  }
0x57: {  	[tilespmem:s10], [sflag:s11] =	stream.indirect.gather @!p1 [hbm4b:s5+s15], $0x80, s9, s15, $0xb8;
	[tilespmem:$0xC280] =	vst v63  }
0x58: {  	_ =	swait.ge [sflag:s13], $0x4000  }
0x59: {  	[sflag:s13] =	ssyncset.done $0x0  }
0x5a: {  	[sflag:s13] =	ssyncadd.s32 $0xFFFFC000  }
0x5b: {  	_ =	swait.ge [sflag:s14], $0x4000  }
0x5c: {  	[sflag:s14] =	ssyncset.done $0x0  }
0x5d: {  	[sflag:s14] =	ssyncadd.s32 $0xFFFFC000  }
0x5e: {  	[bflag:$0x0] =	sbarrier.arrive $0xFFFF  }
0x5f: {  	s8 =	rddreg [dreg:$0xb]  }
0x60: {  	[hbm:s8], [sflag:s30] =	dma.local @p0 [spmem:s20], $0x500  }
0x61: {  	_ =	swait.ge @p0 [sflag:s29], $0x500  }
0x62: {  	[sflag:s29] =	ssyncset.done @p0 $0x0  }
0x63: {  	s8 =	rddreg [dreg:$0xa];
	[sflag:s29] =	ssyncadd.s32 @p0 $0xFFFFFB00  }
0x64: {  	[hbm:s8], [sflag:s0] =	dma.local @!p0 [spmem:s3], $0x800  }
0x65: {  	_ =	swait.ge @!p0 [sflag:s31], $0x800  }
0x66: {  	s28 =	sadd.s32 $0x1, s28;
	s30 =	rddreg [dreg:$0xc]  }
0x67: {  	p1 =	sne.s32 s28, s30  }
.Ltmp2:
0x68: {  	_ = 	snop;
	(pc) =	sbr.rel @p1 .LBB2_1-.Ltmp2, $3  }
0x69: {  	_ =	sdelay $0x1  }
0x6a: {  	[sflag:s31] =	ssyncset.done @!p0 $0x0  }
0x6b: {  	[sflag:s31] =	ssyncadd.s32 @!p0 $0xFFFFF800  }
0x6c: {  	_ =	sfence.sel $0x180000  }
0x6d: {  	[bflag:$0x0] =	sbarrier.arrive $0xFFFF  }
0x6e: {  	_ =	strace $0x9000004D  }
0x6f: {  	s0 =	stileid.u32;
	[bflag:$0x2] =	sbarrier.arrive $0xFFFF  }
0x70: {  	p0 =	sne.s32 s0, $0x0;
	s0 =	rddreg [dreg:$0x4]  }
0x71: {  	s0 =	sadd.s32 @!p0 $0x100000, s0  }
0x72: {  	[sflag:s0] =	ssyncadd.tile.s32 @!p0 $0x1;
	_ =	shalt  }
.Lfunc_end2:
_tile_overlayer_lowered:
.L_overlay_start_2:
0x73: {  	(tag) =	ssettag $0x2  }
0x74: {  	s0 =	rddreg [dreg:$0x0];
	s2 =	stileid.u32  }
0x75: {  	s1 =	rddreg [dreg:$0x1];
	p0 =	sne.s32 s2, $0x0  }
0x76: {  	s3 =	rddreg [dreg:$0x2];
	[bflag:$0x3] =	sbarrier.arrive $0xFFFF;
	s2 =	simm.s32 @!p0 $0x1C09  }
0x77: {  	[timem:s3], [sflag:s2] =	dma.local @!p0 [hbm:s0], s1  }
0x78: {  	s0 =	simm.s32 @!p0 $0x9  }
0x79: {  	_ =	swait.ge @!p0 [sflag:s0], s1  }
0x7a: {  	s1 =	ssub.s32 @!p0 $0x0, s1;
	[sflag:s0] =	ssyncset.done @!p0 $0x0  }
0x7b: {  	[sflag:s0] =	ssyncadd.s32 @!p0 s1  }
0x7c: {  	[bflag:$0x3] =	sbarrier.arrive $0xFFFF  }
0x7d: {  	_ =	shalt  }

</sc_bundles>
